<compile_context>
chip_gen: v7x
topology: tpu7x:2x2x1
jax: 0.10.2.dev20260603
libtpu: 0.0.44.dev20260713+nightly
codegen_flags: <defaults>
</compile_context>

<pallas_src>
import functools

import numpy as np
import jax
import jax.numpy as jnp
from jax import lax
from jax.experimental import pallas as pl
from jax.experimental.pallas import tpu as pltpu
from jax.experimental.pallas import tpu_sc as plsc

_B = 16384
_F = 26
_D = 16
_TOTAL = 2600000

_NCORES = 2
_NSUB = 16
_NW = _NCORES * _NSUB
_BPW = _B // _NW
_NC = 128
_CHUNKS = _BPW // _NC
_CF = _NC * _F
_NVR = _CF // 16
_PATV = 13
_GRP = _CF // 128

_CONST_NP = np.tile(np.arange(_F, dtype=np.int32) * 100000, 8)

_ROW_NP, _COL_NP = np.triu_indices(_F, k=1)


def _sc_body(x_hbm, offs_hbm, emb_hbm, lin_hbm, a_out, l_out,
             offs_v, xv, idxv, emb_v, lin_v, sem_e, sem_l):
    wid = lax.axis_index("s") * _NCORES + lax.axis_index("c")
    pltpu.sync_copy(offs_hbm, offs_v)

    def chunk(ci, carry):
        f0 = (wid * _BPW + ci * _NC) * _F
        pltpu.sync_copy(x_hbm.at[pl.ds(f0, _CF)], xv)
        for j in range(_NVR):
            idxv[pl.ds(j * 16, 16)] = (
                xv[pl.ds(j * 16, 16)] + offs_v[pl.ds((j % _PATV) * 16, 16)]
            )
        cps = []
        for g in range(_GRP):
            cps.append(pltpu.async_copy(
                emb_hbm.at[idxv.at[pl.ds(g * 128, 128)]],
                emb_v.at[pl.ds(g * 128, 128)], sem_e))
            cps.append(pltpu.async_copy(
                lin_hbm.at[idxv.at[pl.ds(g * 128, 128)]],
                lin_v.at[pl.ds(g * 128, 128)], sem_l))
        for cp in cps:
            cp.wait()
        pltpu.sync_copy(emb_v, a_out.at[pl.ds(f0, _CF)])
        pltpu.sync_copy(lin_v, l_out.at[pl.ds(f0, _CF)])
        return carry

    lax.fori_loop(0, _CHUNKS, chunk, 0)


def _sc_gather(x_flat, offs_pat, embed_table, lin_flat):
    mesh = plsc.VectorSubcoreMesh(
        core_axis_name="c", subcore_axis_name="s",
        num_cores=_NCORES, num_subcores=_NSUB)
    f = functools.partial(
        pl.kernel,
        out_type=[
            jax.ShapeDtypeStruct((_B * _F, _D), jnp.float32),
            jax.ShapeDtypeStruct((_B * _F,), jnp.float32),
        ],
        mesh=mesh,
        scratch_types=[
            pltpu.VMEM((_CONST_NP.size,), jnp.int32),
            pltpu.VMEM((_CF,), jnp.int32),
            pltpu.VMEM((_CF,), jnp.int32),
            pltpu.VMEM((_CF, _D), jnp.float32),
            pltpu.VMEM((_CF,), jnp.float32),
            pltpu.SemaphoreType.DMA,
            pltpu.SemaphoreType.DMA,
        ],
        compiler_params=pltpu.CompilerParams(use_tc_tiling_on_sc=False),
    )(_sc_body)
    return f(x_flat, offs_pat, embed_table, lin_flat)


_BLK = 512
_NBLK = _B // _BLK


def _tc_body(a_ref, l_ref, w_ref, b_ref, o_ref):
    a = a_ref[...]
    y = jnp.dot(a, w_ref[...], preferred_element_type=jnp.float32)
    s = jnp.sum(a * y, axis=1, keepdims=True)
    s = s + jnp.sum(l_ref[...], axis=1, keepdims=True)
    o_ref[...] = s + b_ref[0, 0]


def _tc_interact(a2d, lg2d, wk, bias2):
    return pl.pallas_call(
        _tc_body,
        grid=(_NBLK,),
        in_specs=[
            pl.BlockSpec((_BLK, _F * _D), lambda i: (i, 0)),
            pl.BlockSpec((_BLK, _F), lambda i: (i, 0)),
            pl.BlockSpec((_F * _D, _F * _D), lambda i: (0, 0)),
            pl.BlockSpec(memory_space=pltpu.SMEM),
        ],
        out_specs=pl.BlockSpec((_BLK, 1), lambda i: (i, 0)),
        out_shape=jax.ShapeDtypeStruct((_B, 1), jnp.float32),
    )(a2d, lg2d, wk, bias2)


def kernel(x, embed_table, linear_table, linear_bias, fwfm_W, fwfm_b):
    x_flat = x.reshape(-1).astype(jnp.int32)
    offs_pat = jnp.asarray(_CONST_NP)
    lin_flat = lax.squeeze(linear_table, (1,))
    a_flat, l_flat = _sc_gather(x_flat, offs_pat, embed_table, lin_flat)
    a2d = a_flat.reshape(_B, _F * _D)
    lg2d = l_flat.reshape(_B, _F)
    w = fwfm_W[:, 0]
    wm = jnp.zeros((_F, _F), jnp.float32).at[_ROW_NP, _COL_NP].set(w)
    wsym = wm + wm.T
    wk = 0.5 * jnp.kron(wsym, jnp.eye(_D, dtype=jnp.float32))
    bias2 = (linear_bias[0] + fwfm_b[0]).reshape(1, 1)
    return _tc_interact(a2d, lg2d, wk, bias2)

# --- scband reference (transcript-rebuilt; emitter-appended) ---
"""Pipeline reference for scband-fw-fm-21371757265151 (READ-ONLY COPY).

The authoritative reference and input builder live on the scoring server;
editing this copy changes nothing except your own understanding.
"""

import jax, jax.numpy as jnp
import numpy as np

FIELD_DIMS = [100000] * 26
EMBED_DIM = 16
NUM_FIELDS = len(FIELD_DIMS)
TOTAL = int(np.sum(FIELD_DIMS))
NUM_INTER = NUM_FIELDS * (NUM_FIELDS - 1) // 2
OFFSETS = jnp.asarray(np.concatenate(([0], np.cumsum(FIELD_DIMS)[:-1])).astype(np.int64))
_row_np, _col_np = np.triu_indices(NUM_FIELDS, k=1)
ROW = jnp.asarray(_row_np.astype(np.int64))
COL = jnp.asarray(_col_np.astype(np.int64))


def setup_inputs(seed: int = 0) -> dict:
    key = jax.random.key(seed)
    k1, k2, k3, k4, k5, k6 = jax.random.split(key, 6)
    B = 16384
    x = jax.random.randint(k1, (B, NUM_FIELDS), 0, 100000, dtype=jnp.int64)
    embed_table = jax.random.normal(k2, (TOTAL, EMBED_DIM), dtype=jnp.float32) * 0.01
    linear_table = jax.random.normal(k3, (TOTAL, 1), dtype=jnp.float32) * 0.01
    linear_bias = jnp.zeros((1,), dtype=jnp.float32)
    fwfm_W = jax.random.normal(k4, (NUM_INTER, 1), dtype=jnp.float32) * (1.0 / np.sqrt(NUM_INTER))
    fwfm_b = jnp.zeros((1,), dtype=jnp.float32)
    return {
        "x": x,
        "embed_table": embed_table,
        "linear_table": linear_table,
        "linear_bias": linear_bias,
        "fwfm_W": fwfm_W,
        "fwfm_b": fwfm_b,
    }


def reference(x, embed_table, linear_table, linear_bias, fwfm_W, fwfm_b):
    # FeaturesEmbedding: add per-field offsets, then gather
    xo = x + OFFSETS[None, :]
    x_emb = jnp.take(embed_table, xo, axis=0)  # [B, F, D]
    # FeaturesLinear: gather 1-dim weights, sum over fields, add bias
    lr = jnp.sum(jnp.take(linear_table, xo, axis=0), axis=1) + linear_bias  # [B, 1]
    # FwFMInterLayer: pairwise inner products, then linear to scalar
    x_inter = jnp.sum(x_emb[:, ROW, :] * x_emb[:, COL, :], axis=2)  # [B, NUM_INTER]
    inter_sum = x_inter @ fwfm_W + fwfm_b  # [B, 1]
    return lr + inter_sum

if __name__ == "__main__":
    import jax
    _d = setup_inputs()
    print(jax.jit(kernel)(*tuple(_d.values())))

</pallas_src>

<mosaic_0001>
#map = affine_map<(d0, d1) -> (0)>
#map1 = affine_map<(d0, d1) -> (0, 0)>
module attributes {stable_mosaic.version = 14 : i64} {
  func.func @_sc_body(%arg0: i32, %arg1: i32, %arg2: memref<425984xi32, #tpu.memory_space<hbm>>, %arg3: memref<208xi32, #tpu.memory_space<hbm>>, %arg4: memref<2600000x16xf32, #tpu.memory_space<hbm>>, %arg5: memref<2600000xf32, #tpu.memory_space<hbm>>, %arg6: memref<425984x16xf32, #tpu.memory_space<hbm>>, %arg7: memref<425984xf32, #tpu.memory_space<hbm>>, %arg8: memref<208xi32, #tpu.memory_space<vmem>>, %arg9: memref<3328xi32, #tpu.memory_space<vmem>>, %arg10: memref<3328xi32, #tpu.memory_space<vmem>>, %arg11: memref<3328x16xf32, #tpu.memory_space<vmem>>, %arg12: memref<3328xf32, #tpu.memory_space<vmem>>, %arg13: memref<!tpu.dma_semaphore, #tpu.memory_space<semaphore_mem>>, %arg14: memref<!tpu.dma_semaphore, #tpu.memory_space<semaphore_mem>>) attributes {dimension_semantics = [#tpu.dimension_semantics<core_parallel>, #tpu.dimension_semantics<subcore_parallel>], iteration_bounds = array<i64: 2, 16>, scalar_prefetch = 0 : i64, scratch_operands = 7 : i64, tpu.core_type = #tpu.core_type<sc_vector_subcore>, window_params = [{transform_indices = #map}, {transform_indices = #map}, {transform_indices = #map1}, {transform_indices = #map}, {transform_indices = #map1}, {transform_indices = #map}]} {
    %mul3A = arith.constant 2 : i32
    %mul3A_0 = arith.muli %arg1, %mul3A : i32
    %add3A = arith.addi %mul3A_0, %arg0 : i32
    "tpu.region"() ({
      %run_scoped3A = tpu.sem_alloc : memref<!tpu.dma_semaphore, #tpu.memory_space<semaphore_mem>>
      tpu.enqueue_dma source(%arg3 : memref<208xi32, #tpu.memory_space<hbm>>) target(%arg8 : memref<208xi32, #tpu.memory_space<vmem>>) target_semaphore(%run_scoped3A : memref<!tpu.dma_semaphore, #tpu.memory_space<semaphore_mem>>)
      tpu.wait_dma2 semaphore(%run_scoped3A : memref<!tpu.dma_semaphore, #tpu.memory_space<semaphore_mem>>) src(%arg3 : memref<208xi32, #tpu.memory_space<hbm>>) dst(%arg8 : memref<208xi32, #tpu.memory_space<vmem>>)
      tpu.yield
    }) : () -> ()
    %scan3A = arith.constant 0 : i32
    %scan3A_1 = arith.constant 0 : i32
    %scan3A_2 = arith.constant 4 : i32
    %scan3A_3 = arith.addi %scan3A_1, %scan3A_2 : i32
    %scan3A_4 = arith.constant 1 : i32
    scf.for %scan3A_6 = %scan3A_1 to %scan3A_3 step %scan3A_4  : i32 {
      %mul3A_7 = arith.constant 512 : i32
      %mul3A_8 = arith.muli %add3A, %mul3A_7 : i32
      %mul3A_9 = arith.constant 128 : i32
      %mul3A_10 = arith.muli %scan3A_6, %mul3A_9 : i32
      %add3A_11 = arith.addi %mul3A_8, %mul3A_10 : i32
      %mul3A_12 = arith.constant 26 : i32
      %mul3A_13 = arith.muli %add3A_11, %mul3A_12 : i32
      "tpu.region"() ({
        %run_scoped3A = tpu.sem_alloc : memref<!tpu.dma_semaphore, #tpu.memory_space<semaphore_mem>>
        %dma_start3A_3026 = tpu.memref_slice %arg2[%mul3A_13] : memref<425984xi32, #tpu.memory_space<hbm>> -> memref<3328xi32, #tpu.memory_space<hbm>>
        %dma_start3A_3027 = tpu.memref_slice %arg2[%mul3A_13] : memref<425984xi32, #tpu.memory_space<hbm>> -> memref<3328xi32, #tpu.memory_space<hbm>>
        tpu.enqueue_dma source(%dma_start3A_3027 : memref<3328xi32, #tpu.memory_space<hbm>>) target(%arg9 : memref<3328xi32, #tpu.memory_space<vmem>>) target_semaphore(%run_scoped3A : memref<!tpu.dma_semaphore, #tpu.memory_space<semaphore_mem>>)
        %dma_wait3A_3028 = tpu.memref_slice %arg2[%mul3A_13] : memref<425984xi32, #tpu.memory_space<hbm>> -> memref<3328xi32, #tpu.memory_space<hbm>>
        %dma_wait3A_3029 = tpu.memref_slice %arg2[%mul3A_13] : memref<425984xi32, #tpu.memory_space<hbm>> -> memref<3328xi32, #tpu.memory_space<hbm>>
        tpu.wait_dma2 semaphore(%run_scoped3A : memref<!tpu.dma_semaphore, #tpu.memory_space<semaphore_mem>>) src(%dma_wait3A_3029 : memref<3328xi32, #tpu.memory_space<hbm>>) dst(%arg9 : memref<3328xi32, #tpu.memory_space<vmem>>)
        tpu.yield
      }) : () -> ()
      %get3A = arith.constant 0 : index
      %get3A_14 = tpu.vector_load %arg9[%get3A] {strides = array<i32>} : memref<3328xi32, #tpu.memory_space<vmem>>, vector<16xi32>,
      %get3A_15 = vector.shape_cast %get3A_14 : vector<16xi32> to vector<16xi32>
      %get3A_16 = arith.constant 0 : index
      %get3A_17 = tpu.vector_load %arg8[%get3A_16] {strides = array<i32>} : memref<208xi32, #tpu.memory_space<vmem>>, vector<16xi32>,
      %get3A_18 = vector.shape_cast %get3A_17 : vector<16xi32> to vector<16xi32>
      %add3A_19 = arith.addi %get3A_15, %get3A_18 : vector<16xi32>
      %swap3A = arith.constant 0 : index
      %swap3A_20 = tpu.vector_load %arg10[%swap3A] {strides = array<i32>} : memref<3328xi32, #tpu.memory_space<vmem>>, vector<16xi32>,
      %swap3A_21 = vector.shape_cast %swap3A_20 : vector<16xi32> to vector<16xi32>
      %swap3A_22 = vector.shape_cast %add3A_19 : vector<16xi32> to vector<16xi32>
      tpu.vector_store %arg10[%swap3A], %swap3A_22 {strides = array<i32>} : memref<3328xi32, #tpu.memory_space<vmem>>, vector<16xi32>,
      %get3A_23 = arith.constant 16 : index
      %get3A_24 = tpu.vector_load %arg9[%get3A_23] {strides = array<i32>} : memref<3328xi32, #tpu.memory_space<vmem>>, vector<16xi32>,
      %get3A_25 = vector.shape_cast %get3A_24 : vector<16xi32> to vector<16xi32>
      %get3A_26 = arith.constant 16 : index
      %get3A_27 = tpu.vector_load %arg8[%get3A_26] {strides = array<i32>} : memref<208xi32, #tpu.memory_space<vmem>>, vector<16xi32>,
      %get3A_28 = vector.shape_cast %get3A_27 : vector<16xi32> to vector<16xi32>
      %add3A_29 = arith.addi %get3A_25, %get3A_28 : vector<16xi32>
      %swap3A_30 = arith.constant 16 : index
      %swap3A_31 = tpu.vector_load %arg10[%swap3A_30] {strides = array<i32>} : memref<3328xi32, #tpu.memory_space<vmem>>, vector<16xi32>,
      %swap3A_32 = vector.shape_cast %swap3A_31 : vector<16xi32> to vector<16xi32>
      %swap3A_33 = vector.shape_cast %add3A_29 : vector<16xi32> to vector<16xi32>
      tpu.vector_store %arg10[%swap3A_30], %swap3A_33 {strides = array<i32>} : memref<3328xi32, #tpu.memory_space<vmem>>, vector<16xi32>,
      %get3A_34 = arith.constant 32 : index
      %get3A_35 = tpu.vector_load %arg9[%get3A_34] {strides = array<i32>} : memref<3328xi32, #tpu.memory_space<vmem>>, vector<16xi32>,
      %get3A_36 = vector.shape_cast %get3A_35 : vector<16xi32> to vector<16xi32>
      %get3A_37 = arith.constant 32 : index
      %get3A_38 = tpu.vector_load %arg8[%get3A_37] {strides = array<i32>} : memref<208xi32, #tpu.memory_space<vmem>>, vector<16xi32>,
      %get3A_39 = vector.shape_cast %get3A_38 : vector<16xi32> to vector<16xi32>
      %add3A_40 = arith.addi %get3A_36, %get3A_39 : vector<16xi32>
      %swap3A_41 = arith.constant 32 : index
      %swap3A_42 = tpu.vector_load %arg10[%swap3A_41] {strides = array<i32>} : memref<3328xi32, #tpu.memory_space<vmem>>, vector<16xi32>,
      %swap3A_43 = vector.shape_cast %swap3A_42 : vector<16xi32> to vector<16xi32>
      %swap3A_44 = vector.shape_cast %add3A_40 : vector<16xi32> to vector<16xi32>
      tpu.vector_store %arg10[%swap3A_41], %swap3A_44 {strides = array<i32>} : memref<3328xi32, #tpu.memory_space<vmem>>, vector<16xi32>,
      %get3A_45 = arith.constant 48 : index
      %get3A_46 = tpu.vector_load %arg9[%get3A_45] {strides = array<i32>} : memref<3328xi32, #tpu.memory_space<vmem>>, vector<16xi32>,
      %get3A_47 = vector.shape_cast %get3A_46 : vector<16xi32> to vector<16xi32>
      %get3A_48 = arith.constant 48 : index
      %get3A_49 = tpu.vector_load %arg8[%get3A_48] {strides = array<i32>} : memref<208xi32, #tpu.memory_space<vmem>>, vector<16xi32>,
      %get3A_50 = vector.shape_cast %get3A_49 : vector<16xi32> to vector<16xi32>
      %add3A_51 = arith.addi %get3A_47, %get3A_50 : vector<16xi32>
      %swap3A_52 = arith.constant 48 : index
      %swap3A_53 = tpu.vector_load %arg10[%swap3A_52] {strides = array<i32>} : memref<3328xi32, #tpu.memory_space<vmem>>, vector<16xi32>,
      %swap3A_54 = vector.shape_cast %swap3A_53 : vector<16xi32> to vector<16xi32>
      %swap3A_55 = vector.shape_cast %add3A_51 : vector<16xi32> to vector<16xi32>
      tpu.vector_store %arg10[%swap3A_52], %swap3A_55 {strides = array<i32>} : memref<3328xi32, #tpu.memory_space<vmem>>, vector<16xi32>,
      %get3A_56 = arith.constant 64 : index
      %get3A_57 = tpu.vector_load %arg9[%get3A_56] {strides = array<i32>} : memref<3328xi32, #tpu.memory_space<vmem>>, vector<16xi32>,
      %get3A_58 = vector.shape_cast %get3A_57 : vector<16xi32> to vector<16xi32>
      %get3A_59 = arith.constant 64 : index
      %get3A_60 = tpu.vector_load %arg8[%get3A_59] {strides = array<i32>} : memref<208xi32, #tpu.memory_space<vmem>>, vector<16xi32>,
      %get3A_61 = vector.shape_cast %get3A_60 : vector<16xi32> to vector<16xi32>
      %add3A_62 = arith.addi %get3A_58, %get3A_61 : vector<16xi32>
      %swap3A_63 = arith.constant 64 : index
      %swap3A_64 = tpu.vector_load %arg10[%swap3A_63] {strides = array<i32>} : memref<3328xi32, #tpu.memory_space<vmem>>, vector<16xi32>,
      %swap3A_65 = vector.shape_cast %swap3A_64 : vector<16xi32> to vector<16xi32>
      %swap3A_66 = vector.shape_cast %add3A_62 : vector<16xi32> to vector<16xi32>
      tpu.vector_store %arg10[%swap3A_63], %swap3A_66 {strides = array<i32>} : memref<3328xi32, #tpu.memory_space<vmem>>, vector<16xi32>,
      %get3A_67 = arith.constant 80 : index
      %get3A_68 = tpu.vector_load %arg9[%get3A_67] {strides = array<i32>} : memref<3328xi32, #tpu.memory_space<vmem>>, vector<16xi32>,
      %get3A_69 = vector.shape_cast %get3A_68 : vector<16xi32> to vector<16xi32>
      %get3A_70 = arith.constant 80 : index
      %get3A_71 = tpu.vector_load %arg8[%get3A_70] {strides = array<i32>} : memref<208xi32, #tpu.memory_space<vmem>>, vector<16xi32>,
      %get3A_72 = vector.shape_cast %get3A_71 : vector<16xi32> to vector<16xi32>
      %add3A_73 = arith.addi %get3A_69, %get3A_72 : vector<16xi32>
      %swap3A_74 = arith.constant 80 : index
      %swap3A_75 = tpu.vector_load %arg10[%swap3A_74] {strides = array<i32>} : memref<3328xi32, #tpu.memory_space<vmem>>, vector<16xi32>,
      %swap3A_76 = vector.shape_cast %swap3A_75 : vector<16xi32> to vector<16xi32>
      %swap3A_77 = vector.shape_cast %add3A_73 : vector<16xi32> to vector<16xi32>
      tpu.vector_store %arg10[%swap3A_74], %swap3A_77 {strides = array<i32>} : memref<3328xi32, #tpu.memory_space<vmem>>, vector<16xi32>,
      %get3A_78 = arith.constant 96 : index
      %get3A_79 = tpu.vector_load %arg9[%get3A_78] {strides = array<i32>} : memref<3328xi32, #tpu.memory_space<vmem>>, vector<16xi32>,
      %get3A_80 = vector.shape_cast %get3A_79 : vector<16xi32> to vector<16xi32>
      %get3A_81 = arith.constant 96 : index
      %get3A_82 = tpu.vector_load %arg8[%get3A_81] {strides = array<i32>} : memref<208xi32, #tpu.memory_space<vmem>>, vector<16xi32>,
      %get3A_83 = vector.shape_cast %get3A_82 : vector<16xi32> to vector<16xi32>
      %add3A_84 = arith.addi %get3A_80, %get3A_83 : vector<16xi32>
      %swap3A_85 = arith.constant 96 : index
      %swap3A_86 = tpu.vector_load %arg10[%swap3A_85] {strides = array<i32>} : memref<3328xi32, #tpu.memory_space<vmem>>, vector<16xi32>,
      %swap3A_87 = vector.shape_cast %swap3A_86 : vector<16xi32> to vector<16xi32>
      %swap3A_88 = vector.shape_cast %add3A_84 : vector<16xi32> to vector<16xi32>
      tpu.vector_store %arg10[%swap3A_85], %swap3A_88 {strides = array<i32>} : memref<3328xi32, #tpu.memory_space<vmem>>, vector<16xi32>,
      %get3A_89 = arith.constant 112 : index
      %get3A_90 = tpu.vector_load %arg9[%get3A_89] {strides = array<i32>} : memref<3328xi32, #tpu.memory_space<vmem>>, vector<16xi32>,
      %get3A_91 = vector.shape_cast %get3A_90 : vector<16xi32> to vector<16xi32>
      %get3A_92 = arith.constant 112 : index
      %get3A_93 = tpu.vector_load %arg8[%get3A_92] {strides = array<i32>} : memref<208xi32, #tpu.memory_space<vmem>>, vector<16xi32>,
      %get3A_94 = vector.shape_cast %get3A_93 : vector<16xi32> to vector<16xi32>
      %add3A_95 = arith.addi %get3A_91, %get3A_94 : vector<16xi32>
      %swap3A_96 = arith.constant 112 : index
      %swap3A_97 = tpu.vector_load %arg10[%swap3A_96] {strides = array<i32>} : memref<3328xi32, #tpu.memory_space<vmem>>, vector<16xi32>,
      %swap3A_98 = vector.shape_cast %swap3A_97 : vector<16xi32> to vector<16xi32>
      %swap3A_99 = vector.shape_cast %add3A_95 : vector<16xi32> to vector<16xi32>
      tpu.vector_store %arg10[%swap3A_96], %swap3A_99 {strides = array<i32>} : memref<3328xi32, #tpu.memory_space<vmem>>, vector<16xi32>,
      %get3A_100 = arith.constant 128 : index
      %get3A_101 = tpu.vector_load %arg9[%get3A_100] {strides = array<i32>} : memref<3328xi32, #tpu.memory_space<vmem>>, vector<16xi32>,
      %get3A_102 = vector.shape_cast %get3A_101 : vector<16xi32> to vector<16xi32>
      %get3A_103 = arith.constant 128 : index
      %get3A_104 = tpu.vector_load %arg8[%get3A_103] {strides = array<i32>} : memref<208xi32, #tpu.memory_space<vmem>>, vector<16xi32>,
      %get3A_105 = vector.shape_cast %get3A_104 : vector<16xi32> to vector<16xi32>
      %add3A_106 = arith.addi %get3A_102, %get3A_105 : vector<16xi32>
      %swap3A_107 = arith.constant 128 : index
      %swap3A_108 = tpu.vector_load %arg10[%swap3A_107] {strides = array<i32>} : memref<3328xi32, #tpu.memory_space<vmem>>, vector<16xi32>,
      %swap3A_109 = vector.shape_cast %swap3A_108 : vector<16xi32> to vector<16xi32>
      %swap3A_110 = vector.shape_cast %add3A_106 : vector<16xi32> to vector<16xi32>
      tpu.vector_store %arg10[%swap3A_107], %swap3A_110 {strides = array<i32>} : memref<3328xi32, #tpu.memory_space<vmem>>, vector<16xi32>,
      %get3A_111 = arith.constant 144 : index
      %get3A_112 = tpu.vector_load %arg9[%get3A_111] {strides = array<i32>} : memref<3328xi32, #tpu.memory_space<vmem>>, vector<16xi32>,
      %get3A_113 = vector.shape_cast %get3A_112 : vector<16xi32> to vector<16xi32>
      %get3A_114 = arith.constant 144 : index
      %get3A_115 = tpu.vector_load %arg8[%get3A_114] {strides = array<i32>} : memref<208xi32, #tpu.memory_space<vmem>>, vector<16xi32>,
      %get3A_116 = vector.shape_cast %get3A_115 : vector<16xi32> to vector<16xi32>
      %add3A_117 = arith.addi %get3A_113, %get3A_116 : vector<16xi32>
      %swap3A_118 = arith.constant 144 : index
      %swap3A_119 = tpu.vector_load %arg10[%swap3A_118] {strides = array<i32>} : memref<3328xi32, #tpu.memory_space<vmem>>, vector<16xi32>,
      %swap3A_120 = vector.shape_cast %swap3A_119 : vector<16xi32> to vector<16xi32>
      %swap3A_121 = vector.shape_cast %add3A_117 : vector<16xi32> to vector<16xi32>
      tpu.vector_store %arg10[%swap3A_118], %swap3A_121 {strides = array<i32>} : memref<3328xi32, #tpu.memory_space<vmem>>, vector<16xi32>,
      %get3A_122 = arith.constant 160 : index
      %get3A_123 = tpu.vector_load %arg9[%get3A_122] {strides = array<i32>} : memref<3328xi32, #tpu.memory_space<vmem>>, vector<16xi32>,
      %get3A_124 = vector.shape_cast %get3A_123 : vector<16xi32> to vector<16xi32>
      %get3A_125 = arith.constant 160 : index
      %get3A_126 = tpu.vector_load %arg8[%get3A_125] {strides = array<i32>} : memref<208xi32, #tpu.memory_space<vmem>>, vector<16xi32>,
      %get3A_127 = vector.shape_cast %get3A_126 : vector<16xi32> to vector<16xi32>
      %add3A_128 = arith.addi %get3A_124, %get3A_127 : vector<16xi32>
      %swap3A_129 = arith.constant 160 : index
      %swap3A_130 = tpu.vector_load %arg10[%swap3A_129] {strides = array<i32>} : memref<3328xi32, #tpu.memory_space<vmem>>, vector<16xi32>,
      %swap3A_131 = vector.shape_cast %swap3A_130 : vector<16xi32> to vector<16xi32>
      %swap3A_132 = vector.shape_cast %add3A_128 : vector<16xi32> to vector<16xi32>
      tpu.vector_store %arg10[%swap3A_129], %swap3A_132 {strides = array<i32>} : memref<3328xi32, #tpu.memory_space<vmem>>, vector<16xi32>,
      %get3A_133 = arith.constant 176 : index
      %get3A_134 = tpu.vector_load %arg9[%get3A_133] {strides = array<i32>} : memref<3328xi32, #tpu.memory_space<vmem>>, vector<16xi32>,
      %get3A_135 = vector.shape_cast %get3A_134 : vector<16xi32> to vector<16xi32>
      %get3A_136 = arith.constant 176 : index
      %get3A_137 = tpu.vector_load %arg8[%get3A_136] {strides = array<i32>} : memref<208xi32, #tpu.memory_space<vmem>>, vector<16xi32>,
      %get3A_138 = vector.shape_cast %get3A_137 : vector<16xi32> to vector<16xi32>
      %add3A_139 = arith.addi %get3A_135, %get3A_138 : vector<16xi32>
      %swap3A_140 = arith.constant 176 : index
      %swap3A_141 = tpu.vector_load %arg10[%swap3A_140] {strides = array<i32>} : memref<3328xi32, #tpu.memory_space<vmem>>, vector<16xi32>,
      %swap3A_142 = vector.shape_cast %swap3A_141 : vector<16xi32> to vector<16xi32>
      %swap3A_143 = vector.shape_cast %add3A_139 : vector<16xi32> to vector<16xi32>
      tpu.vector_store %arg10[%swap3A_140], %swap3A_143 {strides = array<i32>} : memref<3328xi32, #tpu.memory_space<vmem>>, vector<16xi32>,
      %get3A_144 = arith.constant 192 : index
      %get3A_145 = tpu.vector_load %arg9[%get3A_144] {strides = array<i32>} : memref<3328xi32, #tpu.memory_space<vmem>>, vector<16xi32>,
      %get3A_146 = vector.shape_cast %get3A_145 : vector<16xi32> to vector<16xi32>
      %get3A_147 = arith.constant 192 : index
      %get3A_148 = tpu.vector_load %arg8[%get3A_147] {strides = array<i32>} : memref<208xi32, #tpu.memory_space<vmem>>, vector<16xi32>,
      %get3A_149 = vector.shape_cast %get3A_148 : vector<16xi32> to vector<16xi32>
      %add3A_150 = arith.addi %get3A_146, %get3A_149 : vector<16xi32>
      %swap3A_151 = arith.constant 192 : index
      %swap3A_152 = tpu.vector_load %arg10[%swap3A_151] {strides = array<i32>} : memref<3328xi32, #tpu.memory_space<vmem>>, vector<16xi32>,
      %swap3A_153 = vector.shape_cast %swap3A_152 : vector<16xi32> to vector<16xi32>
      %swap3A_154 = vector.shape_cast %add3A_150 : vector<16xi32> to vector<16xi32>
      tpu.vector_store %arg10[%swap3A_151], %swap3A_154 {strides = array<i32>} : memref<3328xi32, #tpu.memory_space<vmem>>, vector<16xi32>,
      %get3A_155 = arith.constant 208 : index
      %get3A_156 = tpu.vector_load %arg9[%get3A_155] {strides = array<i32>} : memref<3328xi32, #tpu.memory_space<vmem>>, vector<16xi32>,
      %get3A_157 = vector.shape_cast %get3A_156 : vector<16xi32> to vector<16xi32>
      %get3A_158 = arith.constant 0 : index
      %get3A_159 = tpu.vector_load %arg8[%get3A_158] {strides = array<i32>} : memref<208xi32, #tpu.memory_space<vmem>>, vector<16xi32>,
      %get3A_160 = vector.shape_cast %get3A_159 : vector<16xi32> to vector<16xi32>
      %add3A_161 = arith.addi %get3A_157, %get3A_160 : vector<16xi32>
      %swap3A_162 = arith.constant 208 : index
      %swap3A_163 = tpu.vector_load %arg10[%swap3A_162] {strides = array<i32>} : memref<3328xi32, #tpu.memory_space<vmem>>, vector<16xi32>,
      %swap3A_164 = vector.shape_cast %swap3A_163 : vector<16xi32> to vector<16xi32>
      %swap3A_165 = vector.shape_cast %add3A_161 : vector<16xi32> to vector<16xi32>
      tpu.vector_store %arg10[%swap3A_162], %swap3A_165 {strides = array<i32>} : memref<3328xi32, #tpu.memory_space<vmem>>, vector<16xi32>,
      %get3A_166 = arith.constant 224 : index
      %get3A_167 = tpu.vector_load %arg9[%get3A_166] {strides = array<i32>} : memref<3328xi32, #tpu.memory_space<vmem>>, vector<16xi32>,
      %get3A_168 = vector.shape_cast %get3A_167 : vector<16xi32> to vector<16xi32>
      %get3A_169 = arith.constant 16 : index
      %get3A_170 = tpu.vector_load %arg8[%get3A_169] {strides = array<i32>} : memref<208xi32, #tpu.memory_space<vmem>>, vector<16xi32>,
      %get3A_171 = vector.shape_cast %get3A_170 : vector<16xi32> to vector<16xi32>
      %add3A_172 = arith.addi %get3A_168, %get3A_171 : vector<16xi32>
      %swap3A_173 = arith.constant 224 : index
      %swap3A_174 = tpu.vector_load %arg10[%swap3A_173] {strides = array<i32>} : memref<3328xi32, #tpu.memory_space<vmem>>, vector<16xi32>,
      %swap3A_175 = vector.shape_cast %swap3A_174 : vector<16xi32> to vector<16xi32>
      %swap3A_176 = vector.shape_cast %add3A_172 : vector<16xi32> to vector<16xi32>
      tpu.vector_store %arg10[%swap3A_173], %swap3A_176 {strides = array<i32>} : memref<3328xi32, #tpu.memory_space<vmem>>, vector<16xi32>,
      %get3A_177 = arith.constant 240 : index
      %get3A_178 = tpu.vector_load %arg9[%get3A_177] {strides = array<i32>} : memref<3328xi32, #tpu.memory_space<vmem>>, vector<16xi32>,
      %get3A_179 = vector.shape_cast %get3A_178 : vector<16xi32> to vector<16xi32>
      %get3A_180 = arith.constant 32 : index
      %get3A_181 = tpu.vector_load %arg8[%get3A_180] {strides = array<i32>} : memref<208xi32, #tpu.memory_space<vmem>>, vector<16xi32>,
      %get3A_182 = vector.shape_cast %get3A_181 : vector<16xi32> to vector<16xi32>
      %add3A_183 = arith.addi %get3A_179, %get3A_182 : vector<16xi32>
      %swap3A_184 = arith.constant 240 : index
      %swap3A_185 = tpu.vector_load %arg10[%swap3A_184] {strides = array<i32>} : memref<3328xi32, #tpu.memory_space<vmem>>, vector<16xi32>,
      %swap3A_186 = vector.shape_cast %swap3A_185 : vector<16xi32> to vector<16xi32>
      %swap3A_187 = vector.shape_cast %add3A_183 : vector<16xi32> to vector<16xi32>
      tpu.vector_store %arg10[%swap3A_184], %swap3A_187 {strides = array<i32>} : memref<3328xi32, #tpu.memory_space<vmem>>, vector<16xi32>,
      %get3A_188 = arith.constant 256 : index
      %get3A_189 = tpu.vector_load %arg9[%get3A_188] {strides = array<i32>} : memref<3328xi32, #tpu.memory_space<vmem>>, vector<16xi32>,
      %get3A_190 = vector.shape_cast %get3A_189 : vector<16xi32> to vector<16xi32>
      %get3A_191 = arith.constant 48 : index
      %get3A_192 = tpu.vector_load %arg8[%get3A_191] {strides = array<i32>} : memref<208xi32, #tpu.memory_space<vmem>>, vector<16xi32>,
      %get3A_193 = vector.shape_cast %get3A_192 : vector<16xi32> to vector<16xi32>
      %add3A_194 = arith.addi %get3A_190, %get3A_193 : vector<16xi32>
      %swap3A_195 = arith.constant 256 : index
      %swap3A_196 = tpu.vector_load %arg10[%swap3A_195] {strides = array<i32>} : memref<3328xi32, #tpu.memory_space<vmem>>, vector<16xi32>,
      %swap3A_197 = vector.shape_cast %swap3A_196 : vector<16xi32> to vector<16xi32>
      %swap3A_198 = vector.shape_cast %add3A_194 : vector<16xi32> to vector<16xi32>
      tpu.vector_store %arg10[%swap3A_195], %swap3A_198 {strides = array<i32>} : memref<3328xi32, #tpu.memory_space<vmem>>, vector<16xi32>,
      %get3A_199 = arith.constant 272 : index
      %get3A_200 = tpu.vector_load %arg9[%get3A_199] {strides = array<i32>} : memref<3328xi32, #tpu.memory_space<vmem>>, vector<16xi32>,
      %get3A_201 = vector.shape_cast %get3A_200 : vector<16xi32> to vector<16xi32>
      %get3A_202 = arith.constant 64 : index
      %get3A_203 = tpu.vector_load %arg8[%get3A_202] {strides = array<i32>} : memref<208xi32, #tpu.memory_space<vmem>>, vector<16xi32>,
      %get3A_204 = vector.shape_cast %get3A_203 : vector<16xi32> to vector<16xi32>
      %add3A_205 = arith.addi %get3A_201, %get3A_204 : vector<16xi32>
      %swap3A_206 = arith.constant 272 : index
      %swap3A_207 = tpu.vector_load %arg10[%swap3A_206] {strides = array<i32>} : memref<3328xi32, #tpu.memory_space<vmem>>, vector<16xi32>,
      %swap3A_208 = vector.shape_cast %swap3A_207 : vector<16xi32> to vector<16xi32>
      %swap3A_209 = vector.shape_cast %add3A_205 : vector<16xi32> to vector<16xi32>
      tpu.vector_store %arg10[%swap3A_206], %swap3A_209 {strides = array<i32>} : memref<3328xi32, #tpu.memory_space<vmem>>, vector<16xi32>,
      %get3A_210 = arith.constant 288 : index
      %get3A_211 = tpu.vector_load %arg9[%get3A_210] {strides = array<i32>} : memref<3328xi32, #tpu.memory_space<vmem>>, vector<16xi32>,
      %get3A_212 = vector.shape_cast %get3A_211 : vector<16xi32> to vector<16xi32>
      %get3A_213 = arith.constant 80 : index
      %get3A_214 = tpu.vector_load %arg8[%get3A_213] {strides = array<i32>} : memref<208xi32, #tpu.memory_space<vmem>>, vector<16xi32>,
      %get3A_215 = vector.shape_cast %get3A_214 : vector<16xi32> to vector<16xi32>
      %add3A_216 = arith.addi %get3A_212, %get3A_215 : vector<16xi32>
      %swap3A_217 = arith.constant 288 : index
      %swap3A_218 = tpu.vector_load %arg10[%swap3A_217] {strides = array<i32>} : memref<3328xi32, #tpu.memory_space<vmem>>, vector<16xi32>,
      %swap3A_219 = vector.shape_cast %swap3A_218 : vector<16xi32> to vector<16xi32>
      %swap3A_220 = vector.shape_cast %add3A_216 : vector<16xi32> to vector<16xi32>
      tpu.vector_store %arg10[%swap3A_217], %swap3A_220 {strides = array<i32>} : memref<3328xi32, #tpu.memory_space<vmem>>, vector<16xi32>,
      %get3A_221 = arith.constant 304 : index
      %get3A_222 = tpu.vector_load %arg9[%get3A_221] {strides = array<i32>} : memref<3328xi32, #tpu.memory_space<vmem>>, vector<16xi32>,
      %get3A_223 = vector.shape_cast %get3A_222 : vector<16xi32> to vector<16xi32>
      %get3A_224 = arith.constant 96 : index
      %get3A_225 = tpu.vector_load %arg8[%get3A_224] {strides = array<i32>} : memref<208xi32, #tpu.memory_space<vmem>>, vector<16xi32>,
      %get3A_226 = vector.shape_cast %get3A_225 : vector<16xi32> to vector<16xi32>
      %add3A_227 = arith.addi %get3A_223, %get3A_226 : vector<16xi32>
      %swap3A_228 = arith.constant 304 : index
      %swap3A_229 = tpu.vector_load %arg10[%swap3A_228] {strides = array<i32>} : memref<3328xi32, #tpu.memory_space<vmem>>, vector<16xi32>,
      %swap3A_230 = vector.shape_cast %swap3A_229 : vector<16xi32> to vector<16xi32>
      %swap3A_231 = vector.shape_cast %add3A_227 : vector<16xi32> to vector<16xi32>
      tpu.vector_store %arg10[%swap3A_228], %swap3A_231 {strides = array<i32>} : memref<3328xi32, #tpu.memory_space<vmem>>, vector<16xi32>,
      %get3A_232 = arith.constant 320 : index
      %get3A_233 = tpu.vector_load %arg9[%get3A_232] {strides = array<i32>} : memref<3328xi32, #tpu.memory_space<vmem>>, vector<16xi32>,
      %get3A_234 = vector.shape_cast %get3A_233 : vector<16xi32> to vector<16xi32>
      %get3A_235 = arith.constant 112 : index
      %get3A_236 = tpu.vector_load %arg8[%get3A_235] {strides = array<i32>} : memref<208xi32, #tpu.memory_space<vmem>>, vector<16xi32>,
      %get3A_237 = vector.shape_cast %get3A_236 : vector<16xi32> to vector<16xi32>
      %add3A_238 = arith.addi %get3A_234, %get3A_237 : vector<16xi32>
      %swap3A_239 = arith.constant 320 : index
      %swap3A_240 = tpu.vector_load %arg10[%swap3A_239] {strides = array<i32>} : memref<3328xi32, #tpu.memory_space<vmem>>, vector<16xi32>,
      %swap3A_241 = vector.shape_cast %swap3A_240 : vector<16xi32> to vector<16xi32>
      %swap3A_242 = vector.shape_cast %add3A_238 : vector<16xi32> to vector<16xi32>
      tpu.vector_store %arg10[%swap3A_239], %swap3A_242 {strides = array<i32>} : memref<3328xi32, #tpu.memory_space<vmem>>, vector<16xi32>,
      %get3A_243 = arith.constant 336 : index
      %get3A_244 = tpu.vector_load %arg9[%get3A_243] {strides = array<i32>} : memref<3328xi32, #tpu.memory_space<vmem>>, vector<16xi32>,
      %get3A_245 = vector.shape_cast %get3A_244 : vector<16xi32> to vector<16xi32>
      %get3A_246 = arith.constant 128 : index
      %get3A_247 = tpu.vector_load %arg8[%get3A_246] {strides = array<i32>} : memref<208xi32, #tpu.memory_space<vmem>>, vector<16xi32>,
      %get3A_248 = vector.shape_cast %get3A_247 : vector<16xi32> to vector<16xi32>
      %add3A_249 = arith.addi %get3A_245, %get3A_248 : vector<16xi32>
      %swap3A_250 = arith.constant 336 : index
      %swap3A_251 = tpu.vector_load %arg10[%swap3A_250] {strides = array<i32>} : memref<3328xi32, #tpu.memory_space<vmem>>, vector<16xi32>,
      %swap3A_252 = vector.shape_cast %swap3A_251 : vector<16xi32> to vector<16xi32>
      %swap3A_253 = vector.shape_cast %add3A_249 : vector<16xi32> to vector<16xi32>
      tpu.vector_store %arg10[%swap3A_250], %swap3A_253 {strides = array<i32>} : memref<3328xi32, #tpu.memory_space<vmem>>, vector<16xi32>,
      %get3A_254 = arith.constant 352 : index
      %get3A_255 = tpu.vector_load %arg9[%get3A_254] {strides = array<i32>} : memref<3328xi32, #tpu.memory_space<vmem>>, vector<16xi32>,
      %get3A_256 = vector.shape_cast %get3A_255 : vector<16xi32> to vector<16xi32>
      %get3A_257 = arith.constant 144 : index
      %get3A_258 = tpu.vector_load %arg8[%get3A_257] {strides = array<i32>} : memref<208xi32, #tpu.memory_space<vmem>>, vector<16xi32>,
      %get3A_259 = vector.shape_cast %get3A_258 : vector<16xi32> to vector<16xi32>
      %add3A_260 = arith.addi %get3A_256, %get3A_259 : vector<16xi32>
      %swap3A_261 = arith.constant 352 : index
      %swap3A_262 = tpu.vector_load %arg10[%swap3A_261] {strides = array<i32>} : memref<3328xi32, #tpu.memory_space<vmem>>, vector<16xi32>,
      %swap3A_263 = vector.shape_cast %swap3A_262 : vector<16xi32> to vector<16xi32>
      %swap3A_264 = vector.shape_cast %add3A_260 : vector<16xi32> to vector<16xi32>
      tpu.vector_store %arg10[%swap3A_261], %swap3A_264 {strides = array<i32>} : memref<3328xi32, #tpu.memory_space<vmem>>, vector<16xi32>,
      %get3A_265 = arith.constant 368 : index
      %get3A_266 = tpu.vector_load %arg9[%get3A_265] {strides = array<i32>} : memref<3328xi32, #tpu.memory_space<vmem>>, vector<16xi32>,
      %get3A_267 = vector.shape_cast %get3A_266 : vector<16xi32> to vector<16xi32>
      %get3A_268 = arith.constant 160 : index
      %get3A_269 = tpu.vector_load %arg8[%get3A_268] {strides = array<i32>} : memref<208xi32, #tpu.memory_space<vmem>>, vector<16xi32>,
      %get3A_270 = vector.shape_cast %get3A_269 : vector<16xi32> to vector<16xi32>
      %add3A_271 = arith.addi %get3A_267, %get3A_270 : vector<16xi32>
      %swap3A_272 = arith.constant 368 : index
      %swap3A_273 = tpu.vector_load %arg10[%swap3A_272] {strides = array<i32>} : memref<3328xi32, #tpu.memory_space<vmem>>, vector<16xi32>,
      %swap3A_274 = vector.shape_cast %swap3A_273 : vector<16xi32> to vector<16xi32>
      %swap3A_275 = vector.shape_cast %add3A_271 : vector<16xi32> to vector<16xi32>
      tpu.vector_store %arg10[%swap3A_272], %swap3A_275 {strides = array<i32>} : memref<3328xi32, #tpu.memory_space<vmem>>, vector<16xi32>,
      %get3A_276 = arith.constant 384 : index
      %get3A_277 = tpu.vector_load %arg9[%get3A_276] {strides = array<i32>} : memref<3328xi32, #tpu.memory_space<vmem>>, vector<16xi32>,
      %get3A_278 = vector.shape_cast %get3A_277 : vector<16xi32> to vector<16xi32>
      %get3A_279 = arith.constant 176 : index
      %get3A_280 = tpu.vector_load %arg8[%get3A_279] {strides = array<i32>} : memref<208xi32, #tpu.memory_space<vmem>>, vector<16xi32>,
      %get3A_281 = vector.shape_cast %get3A_280 : vector<16xi32> to vector<16xi32>
      %add3A_282 = arith.addi %get3A_278, %get3A_281 : vector<16xi32>
      %swap3A_283 = arith.constant 384 : index
      %swap3A_284 = tpu.vector_load %arg10[%swap3A_283] {strides = array<i32>} : memref<3328xi32, #tpu.memory_space<vmem>>, vector<16xi32>,
      %swap3A_285 = vector.shape_cast %swap3A_284 : vector<16xi32> to vector<16xi32>
      %swap3A_286 = vector.shape_cast %add3A_282 : vector<16xi32> to vector<16xi32>
      tpu.vector_store %arg10[%swap3A_283], %swap3A_286 {strides = array<i32>} : memref<3328xi32, #tpu.memory_space<vmem>>, vector<16xi32>,
      %get3A_287 = arith.constant 400 : index
      %get3A_288 = tpu.vector_load %arg9[%get3A_287] {strides = array<i32>} : memref<3328xi32, #tpu.memory_space<vmem>>, vector<16xi32>,
      %get3A_289 = vector.shape_cast %get3A_288 : vector<16xi32> to vector<16xi32>
      %get3A_290 = arith.constant 192 : index
      %get3A_291 = tpu.vector_load %arg8[%get3A_290] {strides = array<i32>} : memref<208xi32, #tpu.memory_space<vmem>>, vector<16xi32>,
      %get3A_292 = vector.shape_cast %get3A_291 : vector<16xi32> to vector<16xi32>
      %add3A_293 = arith.addi %get3A_289, %get3A_292 : vector<16xi32>
      %swap3A_294 = arith.constant 400 : index
      %swap3A_295 = tpu.vector_load %arg10[%swap3A_294] {strides = array<i32>} : memref<3328xi32, #tpu.memory_space<vmem>>, vector<16xi32>,
      %swap3A_296 = vector.shape_cast %swap3A_295 : vector<16xi32> to vector<16xi32>
      %swap3A_297 = vector.shape_cast %add3A_293 : vector<16xi32> to vector<16xi32>
      tpu.vector_store %arg10[%swap3A_294], %swap3A_297 {strides = array<i32>} : memref<3328xi32, #tpu.memory_space<vmem>>, vector<16xi32>,
      %get3A_298 = arith.constant 416 : index
      %get3A_299 = tpu.vector_load %arg9[%get3A_298] {strides = array<i32>} : memref<3328xi32, #tpu.memory_space<vmem>>, vector<16xi32>,
      %get3A_300 = vector.shape_cast %get3A_299 : vector<16xi32> to vector<16xi32>
      %get3A_301 = arith.constant 0 : index
      %get3A_302 = tpu.vector_load %arg8[%get3A_301] {strides = array<i32>} : memref<208xi32, #tpu.memory_space<vmem>>, vector<16xi32>,
      %get3A_303 = vector.shape_cast %get3A_302 : vector<16xi32> to vector<16xi32>
      %add3A_304 = arith.addi %get3A_300, %get3A_303 : vector<16xi32>
      %swap3A_305 = arith.constant 416 : index
      %swap3A_306 = tpu.vector_load %arg10[%swap3A_305] {strides = array<i32>} : memref<3328xi32, #tpu.memory_space<vmem>>, vector<16xi32>,
      %swap3A_307 = vector.shape_cast %swap3A_306 : vector<16xi32> to vector<16xi32>
      %swap3A_308 = vector.shape_cast %add3A_304 : vector<16xi32> to vector<16xi32>
      tpu.vector_store %arg10[%swap3A_305], %swap3A_308 {strides = array<i32>} : memref<3328xi32, #tpu.memory_space<vmem>>, vector<16xi32>,
      %get3A_309 = arith.constant 432 : index
      %get3A_310 = tpu.vector_load %arg9[%get3A_309] {strides = array<i32>} : memref<3328xi32, #tpu.memory_space<vmem>>, vector<16xi32>,
      %get3A_311 = vector.shape_cast %get3A_310 : vector<16xi32> to vector<16xi32>
      %get3A_312 = arith.constant 16 : index
      %get3A_313 = tpu.vector_load %arg8[%get3A_312] {strides = array<i32>} : memref<208xi32, #tpu.memory_space<vmem>>, vector<16xi32>,
      %get3A_314 = vector.shape_cast %get3A_313 : vector<16xi32> to vector<16xi32>
      %add3A_315 = arith.addi %get3A_311, %get3A_314 : vector<16xi32>
      %swap3A_316 = arith.constant 432 : index
      %swap3A_317 = tpu.vector_load %arg10[%swap3A_316] {strides = array<i32>} : memref<3328xi32, #tpu.memory_space<vmem>>, vector<16xi32>,
      %swap3A_318 = vector.shape_cast %swap3A_317 : vector<16xi32> to vector<16xi32>
      %swap3A_319 = vector.shape_cast %add3A_315 : vector<16xi32> to vector<16xi32>
      tpu.vector_store %arg10[%swap3A_316], %swap3A_319 {strides = array<i32>} : memref<3328xi32, #tpu.memory_space<vmem>>, vector<16xi32>,
      %get3A_320 = arith.constant 448 : index
      %get3A_321 = tpu.vector_load %arg9[%get3A_320] {strides = array<i32>} : memref<3328xi32, #tpu.memory_space<vmem>>, vector<16xi32>,
      %get3A_322 = vector.shape_cast %get3A_321 : vector<16xi32> to vector<16xi32>
      %get3A_323 = arith.constant 32 : index
      %get3A_324 = tpu.vector_load %arg8[%get3A_323] {strides = array<i32>} : memref<208xi32, #tpu.memory_space<vmem>>, vector<16xi32>,
      %get3A_325 = vector.shape_cast %get3A_324 : vector<16xi32> to vector<16xi32>
      %add3A_326 = arith.addi %get3A_322, %get3A_325 : vector<16xi32>
      %swap3A_327 = arith.constant 448 : index
      %swap3A_328 = tpu.vector_load %arg10[%swap3A_327] {strides = array<i32>} : memref<3328xi32, #tpu.memory_space<vmem>>, vector<16xi32>,
      %swap3A_329 = vector.shape_cast %swap3A_328 : vector<16xi32> to vector<16xi32>
      %swap3A_330 = vector.shape_cast %add3A_326 : vector<16xi32> to vector<16xi32>
      tpu.vector_store %arg10[%swap3A_327], %swap3A_330 {strides = array<i32>} : memref<3328xi32, #tpu.memory_space<vmem>>, vector<16xi32>,
      %get3A_331 = arith.constant 464 : index
      %get3A_332 = tpu.vector_load %arg9[%get3A_331] {strides = array<i32>} : memref<3328xi32, #tpu.memory_space<vmem>>, vector<16xi32>,
      %get3A_333 = vector.shape_cast %get3A_332 : vector<16xi32> to vector<16xi32>
      %get3A_334 = arith.constant 48 : index
      %get3A_335 = tpu.vector_load %arg8[%get3A_334] {strides = array<i32>} : memref<208xi32, #tpu.memory_space<vmem>>, vector<16xi32>,
      %get3A_336 = vector.shape_cast %get3A_335 : vector<16xi32> to vector<16xi32>
      %add3A_337 = arith.addi %get3A_333, %get3A_336 : vector<16xi32>
      %swap3A_338 = arith.constant 464 : index
      %swap3A_339 = tpu.vector_load %arg10[%swap3A_338] {strides = array<i32>} : memref<3328xi32, #tpu.memory_space<vmem>>, vector<16xi32>,
      %swap3A_340 = vector.shape_cast %swap3A_339 : vector<16xi32> to vector<16xi32>
      %swap3A_341 = vector.shape_cast %add3A_337 : vector<16xi32> to vector<16xi32>
      tpu.vector_store %arg10[%swap3A_338], %swap3A_341 {strides = array<i32>} : memref<3328xi32, #tpu.memory_space<vmem>>, vector<16xi32>,
      %get3A_342 = arith.constant 480 : index
      %get3A_343 = tpu.vector_load %arg9[%get3A_342] {strides = array<i32>} : memref<3328xi32, #tpu.memory_space<vmem>>, vector<16xi32>,
      %get3A_344 = vector.shape_cast %get3A_343 : vector<16xi32> to vector<16xi32>
      %get3A_345 = arith.constant 64 : index
      %get3A_346 = tpu.vector_load %arg8[%get3A_345] {strides = array<i32>} : memref<208xi32, #tpu.memory_space<vmem>>, vector<16xi32>,
      %get3A_347 = vector.shape_cast %get3A_346 : vector<16xi32> to vector<16xi32>
      %add3A_348 = arith.addi %get3A_344, %get3A_347 : vector<16xi32>
      %swap3A_349 = arith.constant 480 : index
      %swap3A_350 = tpu.vector_load %arg10[%swap3A_349] {strides = array<i32>} : memref<3328xi32, #tpu.memory_space<vmem>>, vector<16xi32>,
      %swap3A_351 = vector.shape_cast %swap3A_350 : vector<16xi32> to vector<16xi32>
      %swap3A_352 = vector.shape_cast %add3A_348 : vector<16xi32> to vector<16xi32>
      tpu.vector_store %arg10[%swap3A_349], %swap3A_352 {strides = array<i32>} : memref<3328xi32, #tpu.memory_space<vmem>>, vector<16xi32>,
      %get3A_353 = arith.constant 496 : index
      %get3A_354 = tpu.vector_load %arg9[%get3A_353] {strides = array<i32>} : memref<3328xi32, #tpu.memory_space<vmem>>, vector<16xi32>,
      %get3A_355 = vector.shape_cast %get3A_354 : vector<16xi32> to vector<16xi32>
      %get3A_356 = arith.constant 80 : index
      %get3A_357 = tpu.vector_load %arg8[%get3A_356] {strides = array<i32>} : memref<208xi32, #tpu.memory_space<vmem>>, vector<16xi32>,
      %get3A_358 = vector.shape_cast %get3A_357 : vector<16xi32> to vector<16xi32>
      %add3A_359 = arith.addi %get3A_355, %get3A_358 : vector<16xi32>
      %swap3A_360 = arith.constant 496 : index
      %swap3A_361 = tpu.vector_load %arg10[%swap3A_360] {strides = array<i32>} : memref<3328xi32, #tpu.memory_space<vmem>>, vector<16xi32>,
      %swap3A_362 = vector.shape_cast %swap3A_361 : vector<16xi32> to vector<16xi32>
      %swap3A_363 = vector.shape_cast %add3A_359 : vector<16xi32> to vector<16xi32>
      tpu.vector_store %arg10[%swap3A_360], %swap3A_363 {strides = array<i32>} : memref<3328xi32, #tpu.memory_space<vmem>>, vector<16xi32>,
      %get3A_364 = arith.constant 512 : index
      %get3A_365 = tpu.vector_load %arg9[%get3A_364] {strides = array<i32>} : memref<3328xi32, #tpu.memory_space<vmem>>, vector<16xi32>,
      %get3A_366 = vector.shape_cast %get3A_365 : vector<16xi32> to vector<16xi32>
      %get3A_367 = arith.constant 96 : index
      %get3A_368 = tpu.vector_load %arg8[%get3A_367] {strides = array<i32>} : memref<208xi32, #tpu.memory_space<vmem>>, vector<16xi32>,
      %get3A_369 = vector.shape_cast %get3A_368 : vector<16xi32> to vector<16xi32>
      %add3A_370 = arith.addi %get3A_366, %get3A_369 : vector<16xi32>
      %swap3A_371 = arith.constant 512 : index
      %swap3A_372 = tpu.vector_load %arg10[%swap3A_371] {strides = array<i32>} : memref<3328xi32, #tpu.memory_space<vmem>>, vector<16xi32>,
      %swap3A_373 = vector.shape_cast %swap3A_372 : vector<16xi32> to vector<16xi32>
      %swap3A_374 = vector.shape_cast %add3A_370 : vector<16xi32> to vector<16xi32>
      tpu.vector_store %arg10[%swap3A_371], %swap3A_374 {strides = array<i32>} : memref<3328xi32, #tpu.memory_space<vmem>>, vector<16xi32>,
      %get3A_375 = arith.constant 528 : index
      %get3A_376 = tpu.vector_load %arg9[%get3A_375] {strides = array<i32>} : memref<3328xi32, #tpu.memory_space<vmem>>, vector<16xi32>,
      %get3A_377 = vector.shape_cast %get3A_376 : vector<16xi32> to vector<16xi32>
      %get3A_378 = arith.constant 112 : index
      %get3A_379 = tpu.vector_load %arg8[%get3A_378] {strides = array<i32>} : memref<208xi32, #tpu.memory_space<vmem>>, vector<16xi32>,
      %get3A_380 = vector.shape_cast %get3A_379 : vector<16xi32> to vector<16xi32>
      %add3A_381 = arith.addi %get3A_377, %get3A_380 : vector<16xi32>
      %swap3A_382 = arith.constant 528 : index
      %swap3A_383 = tpu.vector_load %arg10[%swap3A_382] {strides = array<i32>} : memref<3328xi32, #tpu.memory_space<vmem>>, vector<16xi32>,
      %swap3A_384 = vector.shape_cast %swap3A_383 : vector<16xi32> to vector<16xi32>
      %swap3A_385 = vector.shape_cast %add3A_381 : vector<16xi32> to vector<16xi32>
      tpu.vector_store %arg10[%swap3A_382], %swap3A_385 {strides = array<i32>} : memref<3328xi32, #tpu.memory_space<vmem>>, vector<16xi32>,
      %get3A_386 = arith.constant 544 : index
      %get3A_387 = tpu.vector_load %arg9[%get3A_386] {strides = array<i32>} : memref<3328xi32, #tpu.memory_space<vmem>>, vector<16xi32>,
      %get3A_388 = vector.shape_cast %get3A_387 : vector<16xi32> to vector<16xi32>
      %get3A_389 = arith.constant 128 : index
      %get3A_390 = tpu.vector_load %arg8[%get3A_389] {strides = array<i32>} : memref<208xi32, #tpu.memory_space<vmem>>, vector<16xi32>,
      %get3A_391 = vector.shape_cast %get3A_390 : vector<16xi32> to vector<16xi32>
      %add3A_392 = arith.addi %get3A_388, %get3A_391 : vector<16xi32>
      %swap3A_393 = arith.constant 544 : index
      %swap3A_394 = tpu.vector_load %arg10[%swap3A_393] {strides = array<i32>} : memref<3328xi32, #tpu.memory_space<vmem>>, vector<16xi32>,
      %swap3A_395 = vector.shape_cast %swap3A_394 : vector<16xi32> to vector<16xi32>
      %swap3A_396 = vector.shape_cast %add3A_392 : vector<16xi32> to vector<16xi32>
      tpu.vector_store %arg10[%swap3A_393], %swap3A_396 {strides = array<i32>} : memref<3328xi32, #tpu.memory_space<vmem>>, vector<16xi32>,
      %get3A_397 = arith.constant 560 : index
      %get3A_398 = tpu.vector_load %arg9[%get3A_397] {strides = array<i32>} : memref<3328xi32, #tpu.memory_space<vmem>>, vector<16xi32>,
      %get3A_399 = vector.shape_cast %get3A_398 : vector<16xi32> to vector<16xi32>
      %get3A_400 = arith.constant 144 : index
      %get3A_401 = tpu.vector_load %arg8[%get3A_400] {strides = array<i32>} : memref<208xi32, #tpu.memory_space<vmem>>, vector<16xi32>,
      %get3A_402 = vector.shape_cast %get3A_401 : vector<16xi32> to vector<16xi32>
      %add3A_403 = arith.addi %get3A_399, %get3A_402 : vector<16xi32>
      %swap3A_404 = arith.constant 560 : index
      %swap3A_405 = tpu.vector_load %arg10[%swap3A_404] {strides = array<i32>} : memref<3328xi32, #tpu.memory_space<vmem>>, vector<16xi32>,
      %swap3A_406 = vector.shape_cast %swap3A_405 : vector<16xi32> to vector<16xi32>
      %swap3A_407 = vector.shape_cast %add3A_403 : vector<16xi32> to vector<16xi32>
      tpu.vector_store %arg10[%swap3A_404], %swap3A_407 {strides = array<i32>} : memref<3328xi32, #tpu.memory_space<vmem>>, vector<16xi32>,
      %get3A_408 = arith.constant 576 : index
      %get3A_409 = tpu.vector_load %arg9[%get3A_408] {strides = array<i32>} : memref<3328xi32, #tpu.memory_space<vmem>>, vector<16xi32>,
      %get3A_410 = vector.shape_cast %get3A_409 : vector<16xi32> to vector<16xi32>
      %get3A_411 = arith.constant 160 : index
      %get3A_412 = tpu.vector_load %arg8[%get3A_411] {strides = array<i32>} : memref<208xi32, #tpu.memory_space<vmem>>, vector<16xi32>,
      %get3A_413 = vector.shape_cast %get3A_412 : vector<16xi32> to vector<16xi32>
      %add3A_414 = arith.addi %get3A_410, %get3A_413 : vector<16xi32>
      %swap3A_415 = arith.constant 576 : index
      %swap3A_416 = tpu.vector_load %arg10[%swap3A_415] {strides = array<i32>} : memref<3328xi32, #tpu.memory_space<vmem>>, vector<16xi32>,
      %swap3A_417 = vector.shape_cast %swap3A_416 : vector<16xi32> to vector<16xi32>
      %swap3A_418 = vector.shape_cast %add3A_414 : vector<16xi32> to vector<16xi32>
      tpu.vector_store %arg10[%swap3A_415], %swap3A_418 {strides = array<i32>} : memref<3328xi32, #tpu.memory_space<vmem>>, vector<16xi32>,
      %get3A_419 = arith.constant 592 : index
      %get3A_420 = tpu.vector_load %arg9[%get3A_419] {strides = array<i32>} : memref<3328xi32, #tpu.memory_space<vmem>>, vector<16xi32>,
      %get3A_421 = vector.shape_cast %get3A_420 : vector<16xi32> to vector<16xi32>
      %get3A_422 = arith.constant 176 : index
      %get3A_423 = tpu.vector_load %arg8[%get3A_422] {strides = array<i32>} : memref<208xi32, #tpu.memory_space<vmem>>, vector<16xi32>,
      %get3A_424 = vector.shape_cast %get3A_423 : vector<16xi32> to vector<16xi32>
      %add3A_425 = arith.addi %get3A_421, %get3A_424 : vector<16xi32>
      %swap3A_426 = arith.constant 592 : index
      %swap3A_427 = tpu.vector_load %arg10[%swap3A_426] {strides = array<i32>} : memref<3328xi32, #tpu.memory_space<vmem>>, vector<16xi32>,
      %swap3A_428 = vector.shape_cast %swap3A_427 : vector<16xi32> to vector<16xi32>
      %swap3A_429 = vector.shape_cast %add3A_425 : vector<16xi32> to vector<16xi32>
      tpu.vector_store %arg10[%swap3A_426], %swap3A_429 {strides = array<i32>} : memref<3328xi32, #tpu.memory_space<vmem>>, vector<16xi32>,
      %get3A_430 = arith.constant 608 : index
      %get3A_431 = tpu.vector_load %arg9[%get3A_430] {strides = array<i32>} : memref<3328xi32, #tpu.memory_space<vmem>>, vector<16xi32>,
      %get3A_432 = vector.shape_cast %get3A_431 : vector<16xi32> to vector<16xi32>
      %get3A_433 = arith.constant 192 : index
      %get3A_434 = tpu.vector_load %arg8[%get3A_433] {strides = array<i32>} : memref<208xi32, #tpu.memory_space<vmem>>, vector<16xi32>,
      %get3A_435 = vector.shape_cast %get3A_434 : vector<16xi32> to vector<16xi32>
      %add3A_436 = arith.addi %get3A_432, %get3A_435 : vector<16xi32>
      %swap3A_437 = arith.constant 608 : index
      %swap3A_438 = tpu.vector_load %arg10[%swap3A_437] {strides = array<i32>} : memref<3328xi32, #tpu.memory_space<vmem>>, vector<16xi32>,
      %swap3A_439 = vector.shape_cast %swap3A_438 : vector<16xi32> to vector<16xi32>
      %swap3A_440 = vector.shape_cast %add3A_436 : vector<16xi32> to vector<16xi32>
      tpu.vector_store %arg10[%swap3A_437], %swap3A_440 {strides = array<i32>} : memref<3328xi32, #tpu.memory_space<vmem>>, vector<16xi32>,
      %get3A_441 = arith.constant 624 : index
      %get3A_442 = tpu.vector_load %arg9[%get3A_441] {strides = array<i32>} : memref<3328xi32, #tpu.memory_space<vmem>>, vector<16xi32>,
      %get3A_443 = vector.shape_cast %get3A_442 : vector<16xi32> to vector<16xi32>
      %get3A_444 = arith.constant 0 : index
      %get3A_445 = tpu.vector_load %arg8[%get3A_444] {strides = array<i32>} : memref<208xi32, #tpu.memory_space<vmem>>, vector<16xi32>,
      %get3A_446 = vector.shape_cast %get3A_445 : vector<16xi32> to vector<16xi32>
      %add3A_447 = arith.addi %get3A_443, %get3A_446 : vector<16xi32>
      %swap3A_448 = arith.constant 624 : index
      %swap3A_449 = tpu.vector_load %arg10[%swap3A_448] {strides = array<i32>} : memref<3328xi32, #tpu.memory_space<vmem>>, vector<16xi32>,
      %swap3A_450 = vector.shape_cast %swap3A_449 : vector<16xi32> to vector<16xi32>
      %swap3A_451 = vector.shape_cast %add3A_447 : vector<16xi32> to vector<16xi32>
      tpu.vector_store %arg10[%swap3A_448], %swap3A_451 {strides = array<i32>} : memref<3328xi32, #tpu.memory_space<vmem>>, vector<16xi32>,
      %get3A_452 = arith.constant 640 : index
      %get3A_453 = tpu.vector_load %arg9[%get3A_452] {strides = array<i32>} : memref<3328xi32, #tpu.memory_space<vmem>>, vector<16xi32>,
      %get3A_454 = vector.shape_cast %get3A_453 : vector<16xi32> to vector<16xi32>
      %get3A_455 = arith.constant 16 : index
      %get3A_456 = tpu.vector_load %arg8[%get3A_455] {strides = array<i32>} : memref<208xi32, #tpu.memory_space<vmem>>, vector<16xi32>,
      %get3A_457 = vector.shape_cast %get3A_456 : vector<16xi32> to vector<16xi32>
      %add3A_458 = arith.addi %get3A_454, %get3A_457 : vector<16xi32>
      %swap3A_459 = arith.constant 640 : index
      %swap3A_460 = tpu.vector_load %arg10[%swap3A_459] {strides = array<i32>} : memref<3328xi32, #tpu.memory_space<vmem>>, vector<16xi32>,
      %swap3A_461 = vector.shape_cast %swap3A_460 : vector<16xi32> to vector<16xi32>
      %swap3A_462 = vector.shape_cast %add3A_458 : vector<16xi32> to vector<16xi32>
      tpu.vector_store %arg10[%swap3A_459], %swap3A_462 {strides = array<i32>} : memref<3328xi32, #tpu.memory_space<vmem>>, vector<16xi32>,
      %get3A_463 = arith.constant 656 : index
      %get3A_464 = tpu.vector_load %arg9[%get3A_463] {strides = array<i32>} : memref<3328xi32, #tpu.memory_space<vmem>>, vector<16xi32>,
      %get3A_465 = vector.shape_cast %get3A_464 : vector<16xi32> to vector<16xi32>
      %get3A_466 = arith.constant 32 : index
      %get3A_467 = tpu.vector_load %arg8[%get3A_466] {strides = array<i32>} : memref<208xi32, #tpu.memory_space<vmem>>, vector<16xi32>,
      %get3A_468 = vector.shape_cast %get3A_467 : vector<16xi32> to vector<16xi32>
      %add3A_469 = arith.addi %get3A_465, %get3A_468 : vector<16xi32>
      %swap3A_470 = arith.constant 656 : index
      %swap3A_471 = tpu.vector_load %arg10[%swap3A_470] {strides = array<i32>} : memref<3328xi32, #tpu.memory_space<vmem>>, vector<16xi32>,
      %swap3A_472 = vector.shape_cast %swap3A_471 : vector<16xi32> to vector<16xi32>
      %swap3A_473 = vector.shape_cast %add3A_469 : vector<16xi32> to vector<16xi32>
      tpu.vector_store %arg10[%swap3A_470], %swap3A_473 {strides = array<i32>} : memref<3328xi32, #tpu.memory_space<vmem>>, vector<16xi32>,
      %get3A_474 = arith.constant 672 : index
      %get3A_475 = tpu.vector_load %arg9[%get3A_474] {strides = array<i32>} : memref<3328xi32, #tpu.memory_space<vmem>>, vector<16xi32>,
      %get3A_476 = vector.shape_cast %get3A_475 : vector<16xi32> to vector<16xi32>
      %get3A_477 = arith.constant 48 : index
      %get3A_478 = tpu.vector_load %arg8[%get3A_477] {strides = array<i32>} : memref<208xi32, #tpu.memory_space<vmem>>, vector<16xi32>,
      %get3A_479 = vector.shape_cast %get3A_478 : vector<16xi32> to vector<16xi32>
      %add3A_480 = arith.addi %get3A_476, %get3A_479 : vector<16xi32>
      %swap3A_481 = arith.constant 672 : index
      %swap3A_482 = tpu.vector_load %arg10[%swap3A_481] {strides = array<i32>} : memref<3328xi32, #tpu.memory_space<vmem>>, vector<16xi32>,
      %swap3A_483 = vector.shape_cast %swap3A_482 : vector<16xi32> to vector<16xi32>
      %swap3A_484 = vector.shape_cast %add3A_480 : vector<16xi32> to vector<16xi32>
      tpu.vector_store %arg10[%swap3A_481], %swap3A_484 {strides = array<i32>} : memref<3328xi32, #tpu.memory_space<vmem>>, vector<16xi32>,
      %get3A_485 = arith.constant 688 : index
      %get3A_486 = tpu.vector_load %arg9[%get3A_485] {strides = array<i32>} : memref<3328xi32, #tpu.memory_space<vmem>>, vector<16xi32>,
      %get3A_487 = vector.shape_cast %get3A_486 : vector<16xi32> to vector<16xi32>
      %get3A_488 = arith.constant 64 : index
      %get3A_489 = tpu.vector_load %arg8[%get3A_488] {strides = array<i32>} : memref<208xi32, #tpu.memory_space<vmem>>, vector<16xi32>,
      %get3A_490 = vector.shape_cast %get3A_489 : vector<16xi32> to vector<16xi32>
      %add3A_491 = arith.addi %get3A_487, %get3A_490 : vector<16xi32>
      %swap3A_492 = arith.constant 688 : index
      %swap3A_493 = tpu.vector_load %arg10[%swap3A_492] {strides = array<i32>} : memref<3328xi32, #tpu.memory_space<vmem>>, vector<16xi32>,
      %swap3A_494 = vector.shape_cast %swap3A_493 : vector<16xi32> to vector<16xi32>
      %swap3A_495 = vector.shape_cast %add3A_491 : vector<16xi32> to vector<16xi32>
      tpu.vector_store %arg10[%swap3A_492], %swap3A_495 {strides = array<i32>} : memref<3328xi32, #tpu.memory_space<vmem>>, vector<16xi32>,
      %get3A_496 = arith.constant 704 : index
      %get3A_497 = tpu.vector_load %arg9[%get3A_496] {strides = array<i32>} : memref<3328xi32, #tpu.memory_space<vmem>>, vector<16xi32>,
      %get3A_498 = vector.shape_cast %get3A_497 : vector<16xi32> to vector<16xi32>
      %get3A_499 = arith.constant 80 : index
      %get3A_500 = tpu.vector_load %arg8[%get3A_499] {strides = array<i32>} : memref<208xi32, #tpu.memory_space<vmem>>, vector<16xi32>,
      %get3A_501 = vector.shape_cast %get3A_500 : vector<16xi32> to vector<16xi32>
      %add3A_502 = arith.addi %get3A_498, %get3A_501 : vector<16xi32>
      %swap3A_503 = arith.constant 704 : index
      %swap3A_504 = tpu.vector_load %arg10[%swap3A_503] {strides = array<i32>} : memref<3328xi32, #tpu.memory_space<vmem>>, vector<16xi32>,
      %swap3A_505 = vector.shape_cast %swap3A_504 : vector<16xi32> to vector<16xi32>
      %swap3A_506 = vector.shape_cast %add3A_502 : vector<16xi32> to vector<16xi32>
      tpu.vector_store %arg10[%swap3A_503], %swap3A_506 {strides = array<i32>} : memref<3328xi32, #tpu.memory_space<vmem>>, vector<16xi32>,
      %get3A_507 = arith.constant 720 : index
      %get3A_508 = tpu.vector_load %arg9[%get3A_507] {strides = array<i32>} : memref<3328xi32, #tpu.memory_space<vmem>>, vector<16xi32>,
      %get3A_509 = vector.shape_cast %get3A_508 : vector<16xi32> to vector<16xi32>
      %get3A_510 = arith.constant 96 : index
      %get3A_511 = tpu.vector_load %arg8[%get3A_510] {strides = array<i32>} : memref<208xi32, #tpu.memory_space<vmem>>, vector<16xi32>,
      %get3A_512 = vector.shape_cast %get3A_511 : vector<16xi32> to vector<16xi32>
      %add3A_513 = arith.addi %get3A_509, %get3A_512 : vector<16xi32>
      %swap3A_514 = arith.constant 720 : index
      %swap3A_515 = tpu.vector_load %arg10[%swap3A_514] {strides = array<i32>} : memref<3328xi32, #tpu.memory_space<vmem>>, vector<16xi32>,
      %swap3A_516 = vector.shape_cast %swap3A_515 : vector<16xi32> to vector<16xi32>
      %swap3A_517 = vector.shape_cast %add3A_513 : vector<16xi32> to vector<16xi32>
      tpu.vector_store %arg10[%swap3A_514], %swap3A_517 {strides = array<i32>} : memref<3328xi32, #tpu.memory_space<vmem>>, vector<16xi32>,
      %get3A_518 = arith.constant 736 : index
      %get3A_519 = tpu.vector_load %arg9[%get3A_518] {strides = array<i32>} : memref<3328xi32, #tpu.memory_space<vmem>>, vector<16xi32>,
      %get3A_520 = vector.shape_cast %get3A_519 : vector<16xi32> to vector<16xi32>
      %get3A_521 = arith.constant 112 : index
      %get3A_522 = tpu.vector_load %arg8[%get3A_521] {strides = array<i32>} : memref<208xi32, #tpu.memory_space<vmem>>, vector<16xi32>,
      %get3A_523 = vector.shape_cast %get3A_522 : vector<16xi32> to vector<16xi32>
      %add3A_524 = arith.addi %get3A_520, %get3A_523 : vector<16xi32>
      %swap3A_525 = arith.constant 736 : index
      %swap3A_526 = tpu.vector_load %arg10[%swap3A_525] {strides = array<i32>} : memref<3328xi32, #tpu.memory_space<vmem>>, vector<16xi32>,
      %swap3A_527 = vector.shape_cast %swap3A_526 : vector<16xi32> to vector<16xi32>
      %swap3A_528 = vector.shape_cast %add3A_524 : vector<16xi32> to vector<16xi32>
      tpu.vector_store %arg10[%swap3A_525], %swap3A_528 {strides = array<i32>} : memref<3328xi32, #tpu.memory_space<vmem>>, vector<16xi32>,
      %get3A_529 = arith.constant 752 : index
      %get3A_530 = tpu.vector_load %arg9[%get3A_529] {strides = array<i32>} : memref<3328xi32, #tpu.memory_space<vmem>>, vector<16xi32>,
      %get3A_531 = vector.shape_cast %get3A_530 : vector<16xi32> to vector<16xi32>
      %get3A_532 = arith.constant 128 : index
      %get3A_533 = tpu.vector_load %arg8[%get3A_532] {strides = array<i32>} : memref<208xi32, #tpu.memory_space<vmem>>, vector<16xi32>,
      %get3A_534 = vector.shape_cast %get3A_533 : vector<16xi32> to vector<16xi32>
      %add3A_535 = arith.addi %get3A_531, %get3A_534 : vector<16xi32>
      %swap3A_536 = arith.constant 752 : index
      %swap3A_537 = tpu.vector_load %arg10[%swap3A_536] {strides = array<i32>} : memref<3328xi32, #tpu.memory_space<vmem>>, vector<16xi32>,
      %swap3A_538 = vector.shape_cast %swap3A_537 : vector<16xi32> to vector<16xi32>
      %swap3A_539 = vector.shape_cast %add3A_535 : vector<16xi32> to vector<16xi32>
      tpu.vector_store %arg10[%swap3A_536], %swap3A_539 {strides = array<i32>} : memref<3328xi32, #tpu.memory_space<vmem>>, vector<16xi32>,
      %get3A_540 = arith.constant 768 : index
      %get3A_541 = tpu.vector_load %arg9[%get3A_540] {strides = array<i32>} : memref<3328xi32, #tpu.memory_space<vmem>>, vector<16xi32>,
      %get3A_542 = vector.shape_cast %get3A_541 : vector<16xi32> to vector<16xi32>
      %get3A_543 = arith.constant 144 : index
      %get3A_544 = tpu.vector_load %arg8[%get3A_543] {strides = array<i32>} : memref<208xi32, #tpu.memory_space<vmem>>, vector<16xi32>,
      %get3A_545 = vector.shape_cast %get3A_544 : vector<16xi32> to vector<16xi32>
      %add3A_546 = arith.addi %get3A_542, %get3A_545 : vector<16xi32>
      %swap3A_547 = arith.constant 768 : index
      %swap3A_548 = tpu.vector_load %arg10[%swap3A_547] {strides = array<i32>} : memref<3328xi32, #tpu.memory_space<vmem>>, vector<16xi32>,
      %swap3A_549 = vector.shape_cast %swap3A_548 : vector<16xi32> to vector<16xi32>
      %swap3A_550 = vector.shape_cast %add3A_546 : vector<16xi32> to vector<16xi32>
      tpu.vector_store %arg10[%swap3A_547], %swap3A_550 {strides = array<i32>} : memref<3328xi32, #tpu.memory_space<vmem>>, vector<16xi32>,
      %get3A_551 = arith.constant 784 : index
      %get3A_552 = tpu.vector_load %arg9[%get3A_551] {strides = array<i32>} : memref<3328xi32, #tpu.memory_space<vmem>>, vector<16xi32>,
      %get3A_553 = vector.shape_cast %get3A_552 : vector<16xi32> to vector<16xi32>
      %get3A_554 = arith.constant 160 : index
      %get3A_555 = tpu.vector_load %arg8[%get3A_554] {strides = array<i32>} : memref<208xi32, #tpu.memory_space<vmem>>, vector<16xi32>,
      %get3A_556 = vector.shape_cast %get3A_555 : vector<16xi32> to vector<16xi32>
      %add3A_557 = arith.addi %get3A_553, %get3A_556 : vector<16xi32>
      %swap3A_558 = arith.constant 784 : index
      %swap3A_559 = tpu.vector_load %arg10[%swap3A_558] {strides = array<i32>} : memref<3328xi32, #tpu.memory_space<vmem>>, vector<16xi32>,
      %swap3A_560 = vector.shape_cast %swap3A_559 : vector<16xi32> to vector<16xi32>
      %swap3A_561 = vector.shape_cast %add3A_557 : vector<16xi32> to vector<16xi32>
      tpu.vector_store %arg10[%swap3A_558], %swap3A_561 {strides = array<i32>} : memref<3328xi32, #tpu.memory_space<vmem>>, vector<16xi32>,
      %get3A_562 = arith.constant 800 : index
      %get3A_563 = tpu.vector_load %arg9[%get3A_562] {strides = array<i32>} : memref<3328xi32, #tpu.memory_space<vmem>>, vector<16xi32>,
      %get3A_564 = vector.shape_cast %get3A_563 : vector<16xi32> to vector<16xi32>
      %get3A_565 = arith.constant 176 : index
      %get3A_566 = tpu.vector_load %arg8[%get3A_565] {strides = array<i32>} : memref<208xi32, #tpu.memory_space<vmem>>, vector<16xi32>,
      %get3A_567 = vector.shape_cast %get3A_566 : vector<16xi32> to vector<16xi32>
      %add3A_568 = arith.addi %get3A_564, %get3A_567 : vector<16xi32>
      %swap3A_569 = arith.constant 800 : index
      %swap3A_570 = tpu.vector_load %arg10[%swap3A_569] {strides = array<i32>} : memref<3328xi32, #tpu.memory_space<vmem>>, vector<16xi32>,
      %swap3A_571 = vector.shape_cast %swap3A_570 : vector<16xi32> to vector<16xi32>
      %swap3A_572 = vector.shape_cast %add3A_568 : vector<16xi32> to vector<16xi32>
      tpu.vector_store %arg10[%swap3A_569], %swap3A_572 {strides = array<i32>} : memref<3328xi32, #tpu.memory_space<vmem>>, vector<16xi32>,
      %get3A_573 = arith.constant 816 : index
      %get3A_574 = tpu.vector_load %arg9[%get3A_573] {strides = array<i32>} : memref<3328xi32, #tpu.memory_space<vmem>>, vector<16xi32>,
      %get3A_575 = vector.shape_cast %get3A_574 : vector<16xi32> to vector<16xi32>
      %get3A_576 = arith.constant 192 : index
      %get3A_577 = tpu.vector_load %arg8[%get3A_576] {strides = array<i32>} : memref<208xi32, #tpu.memory_space<vmem>>, vector<16xi32>,
      %get3A_578 = vector.shape_cast %get3A_577 : vector<16xi32> to vector<16xi32>
      %add3A_579 = arith.addi %get3A_575, %get3A_578 : vector<16xi32>
      %swap3A_580 = arith.constant 816 : index
      %swap3A_581 = tpu.vector_load %arg10[%swap3A_580] {strides = array<i32>} : memref<3328xi32, #tpu.memory_space<vmem>>, vector<16xi32>,
      %swap3A_582 = vector.shape_cast %swap3A_581 : vector<16xi32> to vector<16xi32>
      %swap3A_583 = vector.shape_cast %add3A_579 : vector<16xi32> to vector<16xi32>
      tpu.vector_store %arg10[%swap3A_580], %swap3A_583 {strides = array<i32>} : memref<3328xi32, #tpu.memory_space<vmem>>, vector<16xi32>,
      %get3A_584 = arith.constant 832 : index
      %get3A_585 = tpu.vector_load %arg9[%get3A_584] {strides = array<i32>} : memref<3328xi32, #tpu.memory_space<vmem>>, vector<16xi32>,
      %get3A_586 = vector.shape_cast %get3A_585 : vector<16xi32> to vector<16xi32>
      %get3A_587 = arith.constant 0 : index
      %get3A_588 = tpu.vector_load %arg8[%get3A_587] {strides = array<i32>} : memref<208xi32, #tpu.memory_space<vmem>>, vector<16xi32>,
      %get3A_589 = vector.shape_cast %get3A_588 : vector<16xi32> to vector<16xi32>
      %add3A_590 = arith.addi %get3A_586, %get3A_589 : vector<16xi32>
      %swap3A_591 = arith.constant 832 : index
      %swap3A_592 = tpu.vector_load %arg10[%swap3A_591] {strides = array<i32>} : memref<3328xi32, #tpu.memory_space<vmem>>, vector<16xi32>,
      %swap3A_593 = vector.shape_cast %swap3A_592 : vector<16xi32> to vector<16xi32>
      %swap3A_594 = vector.shape_cast %add3A_590 : vector<16xi32> to vector<16xi32>
      tpu.vector_store %arg10[%swap3A_591], %swap3A_594 {strides = array<i32>} : memref<3328xi32, #tpu.memory_space<vmem>>, vector<16xi32>,
      %get3A_595 = arith.constant 848 : index
      %get3A_596 = tpu.vector_load %arg9[%get3A_595] {strides = array<i32>} : memref<3328xi32, #tpu.memory_space<vmem>>, vector<16xi32>,
      %get3A_597 = vector.shape_cast %get3A_596 : vector<16xi32> to vector<16xi32>
      %get3A_598 = arith.constant 16 : index
      %get3A_599 = tpu.vector_load %arg8[%get3A_598] {strides = array<i32>} : memref<208xi32, #tpu.memory_space<vmem>>, vector<16xi32>,
      %get3A_600 = vector.shape_cast %get3A_599 : vector<16xi32> to vector<16xi32>
      %add3A_601 = arith.addi %get3A_597, %get3A_600 : vector<16xi32>
      %swap3A_602 = arith.constant 848 : index
      %swap3A_603 = tpu.vector_load %arg10[%swap3A_602] {strides = array<i32>} : memref<3328xi32, #tpu.memory_space<vmem>>, vector<16xi32>,
      %swap3A_604 = vector.shape_cast %swap3A_603 : vector<16xi32> to vector<16xi32>
      %swap3A_605 = vector.shape_cast %add3A_601 : vector<16xi32> to vector<16xi32>
      tpu.vector_store %arg10[%swap3A_602], %swap3A_605 {strides = array<i32>} : memref<3328xi32, #tpu.memory_space<vmem>>, vector<16xi32>,
      %get3A_606 = arith.constant 864 : index
      %get3A_607 = tpu.vector_load %arg9[%get3A_606] {strides = array<i32>} : memref<3328xi32, #tpu.memory_space<vmem>>, vector<16xi32>,
      %get3A_608 = vector.shape_cast %get3A_607 : vector<16xi32> to vector<16xi32>
      %get3A_609 = arith.constant 32 : index
      %get3A_610 = tpu.vector_load %arg8[%get3A_609] {strides = array<i32>} : memref<208xi32, #tpu.memory_space<vmem>>, vector<16xi32>,
      %get3A_611 = vector.shape_cast %get3A_610 : vector<16xi32> to vector<16xi32>
      %add3A_612 = arith.addi %get3A_608, %get3A_611 : vector<16xi32>
      %swap3A_613 = arith.constant 864 : index
      %swap3A_614 = tpu.vector_load %arg10[%swap3A_613] {strides = array<i32>} : memref<3328xi32, #tpu.memory_space<vmem>>, vector<16xi32>,
      %swap3A_615 = vector.shape_cast %swap3A_614 : vector<16xi32> to vector<16xi32>
      %swap3A_616 = vector.shape_cast %add3A_612 : vector<16xi32> to vector<16xi32>
      tpu.vector_store %arg10[%swap3A_613], %swap3A_616 {strides = array<i32>} : memref<3328xi32, #tpu.memory_space<vmem>>, vector<16xi32>,
      %get3A_617 = arith.constant 880 : index
      %get3A_618 = tpu.vector_load %arg9[%get3A_617] {strides = array<i32>} : memref<3328xi32, #tpu.memory_space<vmem>>, vector<16xi32>,
      %get3A_619 = vector.shape_cast %get3A_618 : vector<16xi32> to vector<16xi32>
      %get3A_620 = arith.constant 48 : index
      %get3A_621 = tpu.vector_load %arg8[%get3A_620] {strides = array<i32>} : memref<208xi32, #tpu.memory_space<vmem>>, vector<16xi32>,
      %get3A_622 = vector.shape_cast %get3A_621 : vector<16xi32> to vector<16xi32>
      %add3A_623 = arith.addi %get3A_619, %get3A_622 : vector<16xi32>
      %swap3A_624 = arith.constant 880 : index
      %swap3A_625 = tpu.vector_load %arg10[%swap3A_624] {strides = array<i32>} : memref<3328xi32, #tpu.memory_space<vmem>>, vector<16xi32>,
      %swap3A_626 = vector.shape_cast %swap3A_625 : vector<16xi32> to vector<16xi32>
      %swap3A_627 = vector.shape_cast %add3A_623 : vector<16xi32> to vector<16xi32>
      tpu.vector_store %arg10[%swap3A_624], %swap3A_627 {strides = array<i32>} : memref<3328xi32, #tpu.memory_space<vmem>>, vector<16xi32>,
      %get3A_628 = arith.constant 896 : index
      %get3A_629 = tpu.vector_load %arg9[%get3A_628] {strides = array<i32>} : memref<3328xi32, #tpu.memory_space<vmem>>, vector<16xi32>,
      %get3A_630 = vector.shape_cast %get3A_629 : vector<16xi32> to vector<16xi32>
      %get3A_631 = arith.constant 64 : index
      %get3A_632 = tpu.vector_load %arg8[%get3A_631] {strides = array<i32>} : memref<208xi32, #tpu.memory_space<vmem>>, vector<16xi32>,
      %get3A_633 = vector.shape_cast %get3A_632 : vector<16xi32> to vector<16xi32>
      %add3A_634 = arith.addi %get3A_630, %get3A_633 : vector<16xi32>
      %swap3A_635 = arith.constant 896 : index
      %swap3A_636 = tpu.vector_load %arg10[%swap3A_635] {strides = array<i32>} : memref<3328xi32, #tpu.memory_space<vmem>>, vector<16xi32>,
      %swap3A_637 = vector.shape_cast %swap3A_636 : vector<16xi32> to vector<16xi32>
      %swap3A_638 = vector.shape_cast %add3A_634 : vector<16xi32> to vector<16xi32>
      tpu.vector_store %arg10[%swap3A_635], %swap3A_638 {strides = array<i32>} : memref<3328xi32, #tpu.memory_space<vmem>>, vector<16xi32>,
      %get3A_639 = arith.constant 912 : index
      %get3A_640 = tpu.vector_load %arg9[%get3A_639] {strides = array<i32>} : memref<3328xi32, #tpu.memory_space<vmem>>, vector<16xi32>,
      %get3A_641 = vector.shape_cast %get3A_640 : vector<16xi32> to vector<16xi32>
      %get3A_642 = arith.constant 80 : index
      %get3A_643 = tpu.vector_load %arg8[%get3A_642] {strides = array<i32>} : memref<208xi32, #tpu.memory_space<vmem>>, vector<16xi32>,
      %get3A_644 = vector.shape_cast %get3A_643 : vector<16xi32> to vector<16xi32>
      %add3A_645 = arith.addi %get3A_641, %get3A_644 : vector<16xi32>
      %swap3A_646 = arith.constant 912 : index
      %swap3A_647 = tpu.vector_load %arg10[%swap3A_646] {strides = array<i32>} : memref<3328xi32, #tpu.memory_space<vmem>>, vector<16xi32>,
      %swap3A_648 = vector.shape_cast %swap3A_647 : vector<16xi32> to vector<16xi32>
      %swap3A_649 = vector.shape_cast %add3A_645 : vector<16xi32> to vector<16xi32>
      tpu.vector_store %arg10[%swap3A_646], %swap3A_649 {strides = array<i32>} : memref<3328xi32, #tpu.memory_space<vmem>>, vector<16xi32>,
      %get3A_650 = arith.constant 928 : index
      %get3A_651 = tpu.vector_load %arg9[%get3A_650] {strides = array<i32>} : memref<3328xi32, #tpu.memory_space<vmem>>, vector<16xi32>,
      %get3A_652 = vector.shape_cast %get3A_651 : vector<16xi32> to vector<16xi32>
      %get3A_653 = arith.constant 96 : index
      %get3A_654 = tpu.vector_load %arg8[%get3A_653] {strides = array<i32>} : memref<208xi32, #tpu.memory_space<vmem>>, vector<16xi32>,
      %get3A_655 = vector.shape_cast %get3A_654 : vector<16xi32> to vector<16xi32>
      %add3A_656 = arith.addi %get3A_652, %get3A_655 : vector<16xi32>
      %swap3A_657 = arith.constant 928 : index
      %swap3A_658 = tpu.vector_load %arg10[%swap3A_657] {strides = array<i32>} : memref<3328xi32, #tpu.memory_space<vmem>>, vector<16xi32>,
      %swap3A_659 = vector.shape_cast %swap3A_658 : vector<16xi32> to vector<16xi32>
      %swap3A_660 = vector.shape_cast %add3A_656 : vector<16xi32> to vector<16xi32>
      tpu.vector_store %arg10[%swap3A_657], %swap3A_660 {strides = array<i32>} : memref<3328xi32, #tpu.memory_space<vmem>>, vector<16xi32>,
      %get3A_661 = arith.constant 944 : index
      %get3A_662 = tpu.vector_load %arg9[%get3A_661] {strides = array<i32>} : memref<3328xi32, #tpu.memory_space<vmem>>, vector<16xi32>,
      %get3A_663 = vector.shape_cast %get3A_662 : vector<16xi32> to vector<16xi32>
      %get3A_664 = arith.constant 112 : index
      %get3A_665 = tpu.vector_load %arg8[%get3A_664] {strides = array<i32>} : memref<208xi32, #tpu.memory_space<vmem>>, vector<16xi32>,
      %get3A_666 = vector.shape_cast %get3A_665 : vector<16xi32> to vector<16xi32>
      %add3A_667 = arith.addi %get3A_663, %get3A_666 : vector<16xi32>
      %swap3A_668 = arith.constant 944 : index
      %swap3A_669 = tpu.vector_load %arg10[%swap3A_668] {strides = array<i32>} : memref<3328xi32, #tpu.memory_space<vmem>>, vector<16xi32>,
      %swap3A_670 = vector.shape_cast %swap3A_669 : vector<16xi32> to vector<16xi32>
      %swap3A_671 = vector.shape_cast %add3A_667 : vector<16xi32> to vector<16xi32>
      tpu.vector_store %arg10[%swap3A_668], %swap3A_671 {strides = array<i32>} : memref<3328xi32, #tpu.memory_space<vmem>>, vector<16xi32>,
      %get3A_672 = arith.constant 960 : index
      %get3A_673 = tpu.vector_load %arg9[%get3A_672] {strides = array<i32>} : memref<3328xi32, #tpu.memory_space<vmem>>, vector<16xi32>,
      %get3A_674 = vector.shape_cast %get3A_673 : vector<16xi32> to vector<16xi32>
      %get3A_675 = arith.constant 128 : index
      %get3A_676 = tpu.vector_load %arg8[%get3A_675] {strides = array<i32>} : memref<208xi32, #tpu.memory_space<vmem>>, vector<16xi32>,
      %get3A_677 = vector.shape_cast %get3A_676 : vector<16xi32> to vector<16xi32>
      %add3A_678 = arith.addi %get3A_674, %get3A_677 : vector<16xi32>
      %swap3A_679 = arith.constant 960 : index
      %swap3A_680 = tpu.vector_load %arg10[%swap3A_679] {strides = array<i32>} : memref<3328xi32, #tpu.memory_space<vmem>>, vector<16xi32>,
      %swap3A_681 = vector.shape_cast %swap3A_680 : vector<16xi32> to vector<16xi32>
      %swap3A_682 = vector.shape_cast %add3A_678 : vector<16xi32> to vector<16xi32>
      tpu.vector_store %arg10[%swap3A_679], %swap3A_682 {strides = array<i32>} : memref<3328xi32, #tpu.memory_space<vmem>>, vector<16xi32>,
      %get3A_683 = arith.constant 976 : index
      %get3A_684 = tpu.vector_load %arg9[%get3A_683] {strides = array<i32>} : memref<3328xi32, #tpu.memory_space<vmem>>, vector<16xi32>,
      %get3A_685 = vector.shape_cast %get3A_684 : vector<16xi32> to vector<16xi32>
      %get3A_686 = arith.constant 144 : index
      %get3A_687 = tpu.vector_load %arg8[%get3A_686] {strides = array<i32>} : memref<208xi32, #tpu.memory_space<vmem>>, vector<16xi32>,
      %get3A_688 = vector.shape_cast %get3A_687 : vector<16xi32> to vector<16xi32>
      %add3A_689 = arith.addi %get3A_685, %get3A_688 : vector<16xi32>
      %swap3A_690 = arith.constant 976 : index
      %swap3A_691 = tpu.vector_load %arg10[%swap3A_690] {strides = array<i32>} : memref<3328xi32, #tpu.memory_space<vmem>>, vector<16xi32>,
      %swap3A_692 = vector.shape_cast %swap3A_691 : vector<16xi32> to vector<16xi32>
      %swap3A_693 = vector.shape_cast %add3A_689 : vector<16xi32> to vector<16xi32>
      tpu.vector_store %arg10[%swap3A_690], %swap3A_693 {strides = array<i32>} : memref<3328xi32, #tpu.memory_space<vmem>>, vector<16xi32>,
      %get3A_694 = arith.constant 992 : index
      %get3A_695 = tpu.vector_load %arg9[%get3A_694] {strides = array<i32>} : memref<3328xi32, #tpu.memory_space<vmem>>, vector<16xi32>,
      %get3A_696 = vector.shape_cast %get3A_695 : vector<16xi32> to vector<16xi32>
      %get3A_697 = arith.constant 160 : index
      %get3A_698 = tpu.vector_load %arg8[%get3A_697] {strides = array<i32>} : memref<208xi32, #tpu.memory_space<vmem>>, vector<16xi32>,
      %get3A_699 = vector.shape_cast %get3A_698 : vector<16xi32> to vector<16xi32>
      %add3A_700 = arith.addi %get3A_696, %get3A_699 : vector<16xi32>
      %swap3A_701 = arith.constant 992 : index
      %swap3A_702 = tpu.vector_load %arg10[%swap3A_701] {strides = array<i32>} : memref<3328xi32, #tpu.memory_space<vmem>>, vector<16xi32>,
      %swap3A_703 = vector.shape_cast %swap3A_702 : vector<16xi32> to vector<16xi32>
      %swap3A_704 = vector.shape_cast %add3A_700 : vector<16xi32> to vector<16xi32>
      tpu.vector_store %arg10[%swap3A_701], %swap3A_704 {strides = array<i32>} : memref<3328xi32, #tpu.memory_space<vmem>>, vector<16xi32>,
      %get3A_705 = arith.constant 1008 : index
      %get3A_706 = tpu.vector_load %arg9[%get3A_705] {strides = array<i32>} : memref<3328xi32, #tpu.memory_space<vmem>>, vector<16xi32>,
      %get3A_707 = vector.shape_cast %get3A_706 : vector<16xi32> to vector<16xi32>
      %get3A_708 = arith.constant 176 : index
      %get3A_709 = tpu.vector_load %arg8[%get3A_708] {strides = array<i32>} : memref<208xi32, #tpu.memory_space<vmem>>, vector<16xi32>,
      %get3A_710 = vector.shape_cast %get3A_709 : vector<16xi32> to vector<16xi32>
      %add3A_711 = arith.addi %get3A_707, %get3A_710 : vector<16xi32>
      %swap3A_712 = arith.constant 1008 : index
      %swap3A_713 = tpu.vector_load %arg10[%swap3A_712] {strides = array<i32>} : memref<3328xi32, #tpu.memory_space<vmem>>, vector<16xi32>,
      %swap3A_714 = vector.shape_cast %swap3A_713 : vector<16xi32> to vector<16xi32>
      %swap3A_715 = vector.shape_cast %add3A_711 : vector<16xi32> to vector<16xi32>
      tpu.vector_store %arg10[%swap3A_712], %swap3A_715 {strides = array<i32>} : memref<3328xi32, #tpu.memory_space<vmem>>, vector<16xi32>,
      %get3A_716 = arith.constant 1024 : index
      %get3A_717 = tpu.vector_load %arg9[%get3A_716] {strides = array<i32>} : memref<3328xi32, #tpu.memory_space<vmem>>, vector<16xi32>,
      %get3A_718 = vector.shape_cast %get3A_717 : vector<16xi32> to vector<16xi32>
      %get3A_719 = arith.constant 192 : index
      %get3A_720 = tpu.vector_load %arg8[%get3A_719] {strides = array<i32>} : memref<208xi32, #tpu.memory_space<vmem>>, vector<16xi32>,
      %get3A_721 = vector.shape_cast %get3A_720 : vector<16xi32> to vector<16xi32>
      %add3A_722 = arith.addi %get3A_718, %get3A_721 : vector<16xi32>
      %swap3A_723 = arith.constant 1024 : index
      %swap3A_724 = tpu.vector_load %arg10[%swap3A_723] {strides = array<i32>} : memref<3328xi32, #tpu.memory_space<vmem>>, vector<16xi32>,
      %swap3A_725 = vector.shape_cast %swap3A_724 : vector<16xi32> to vector<16xi32>
      %swap3A_726 = vector.shape_cast %add3A_722 : vector<16xi32> to vector<16xi32>
      tpu.vector_store %arg10[%swap3A_723], %swap3A_726 {strides = array<i32>} : memref<3328xi32, #tpu.memory_space<vmem>>, vector<16xi32>,
      %get3A_727 = arith.constant 1040 : index
      %get3A_728 = tpu.vector_load %arg9[%get3A_727] {strides = array<i32>} : memref<3328xi32, #tpu.memory_space<vmem>>, vector<16xi32>,
      %get3A_729 = vector.shape_cast %get3A_728 : vector<16xi32> to vector<16xi32>
      %get3A_730 = arith.constant 0 : index
      %get3A_731 = tpu.vector_load %arg8[%get3A_730] {strides = array<i32>} : memref<208xi32, #tpu.memory_space<vmem>>, vector<16xi32>,
      %get3A_732 = vector.shape_cast %get3A_731 : vector<16xi32> to vector<16xi32>
      %add3A_733 = arith.addi %get3A_729, %get3A_732 : vector<16xi32>
      %swap3A_734 = arith.constant 1040 : index
      %swap3A_735 = tpu.vector_load %arg10[%swap3A_734] {strides = array<i32>} : memref<3328xi32, #tpu.memory_space<vmem>>, vector<16xi32>,
      %swap3A_736 = vector.shape_cast %swap3A_735 : vector<16xi32> to vector<16xi32>
      %swap3A_737 = vector.shape_cast %add3A_733 : vector<16xi32> to vector<16xi32>
      tpu.vector_store %arg10[%swap3A_734], %swap3A_737 {strides = array<i32>} : memref<3328xi32, #tpu.memory_space<vmem>>, vector<16xi32>,
      %get3A_738 = arith.constant 1056 : index
      %get3A_739 = tpu.vector_load %arg9[%get3A_738] {strides = array<i32>} : memref<3328xi32, #tpu.memory_space<vmem>>, vector<16xi32>,
      %get3A_740 = vector.shape_cast %get3A_739 : vector<16xi32> to vector<16xi32>
      %get3A_741 = arith.constant 16 : index
      %get3A_742 = tpu.vector_load %arg8[%get3A_741] {strides = array<i32>} : memref<208xi32, #tpu.memory_space<vmem>>, vector<16xi32>,
      %get3A_743 = vector.shape_cast %get3A_742 : vector<16xi32> to vector<16xi32>
      %add3A_744 = arith.addi %get3A_740, %get3A_743 : vector<16xi32>
      %swap3A_745 = arith.constant 1056 : index
      %swap3A_746 = tpu.vector_load %arg10[%swap3A_745] {strides = array<i32>} : memref<3328xi32, #tpu.memory_space<vmem>>, vector<16xi32>,
      %swap3A_747 = vector.shape_cast %swap3A_746 : vector<16xi32> to vector<16xi32>
      %swap3A_748 = vector.shape_cast %add3A_744 : vector<16xi32> to vector<16xi32>
      tpu.vector_store %arg10[%swap3A_745], %swap3A_748 {strides = array<i32>} : memref<3328xi32, #tpu.memory_space<vmem>>, vector<16xi32>,
      %get3A_749 = arith.constant 1072 : index
      %get3A_750 = tpu.vector_load %arg9[%get3A_749] {strides = array<i32>} : memref<3328xi32, #tpu.memory_space<vmem>>, vector<16xi32>,
      %get3A_751 = vector.shape_cast %get3A_750 : vector<16xi32> to vector<16xi32>
      %get3A_752 = arith.constant 32 : index
      %get3A_753 = tpu.vector_load %arg8[%get3A_752] {strides = array<i32>} : memref<208xi32, #tpu.memory_space<vmem>>, vector<16xi32>,
      %get3A_754 = vector.shape_cast %get3A_753 : vector<16xi32> to vector<16xi32>
      %add3A_755 = arith.addi %get3A_751, %get3A_754 : vector<16xi32>
      %swap3A_756 = arith.constant 1072 : index
      %swap3A_757 = tpu.vector_load %arg10[%swap3A_756] {strides = array<i32>} : memref<3328xi32, #tpu.memory_space<vmem>>, vector<16xi32>,
      %swap3A_758 = vector.shape_cast %swap3A_757 : vector<16xi32> to vector<16xi32>
      %swap3A_759 = vector.shape_cast %add3A_755 : vector<16xi32> to vector<16xi32>
      tpu.vector_store %arg10[%swap3A_756], %swap3A_759 {strides = array<i32>} : memref<3328xi32, #tpu.memory_space<vmem>>, vector<16xi32>,
      %get3A_760 = arith.constant 1088 : index
      %get3A_761 = tpu.vector_load %arg9[%get3A_760] {strides = array<i32>} : memref<3328xi32, #tpu.memory_space<vmem>>, vector<16xi32>,
      %get3A_762 = vector.shape_cast %get3A_761 : vector<16xi32> to vector<16xi32>
      %get3A_763 = arith.constant 48 : index
      %get3A_764 = tpu.vector_load %arg8[%get3A_763] {strides = array<i32>} : memref<208xi32, #tpu.memory_space<vmem>>, vector<16xi32>,
      %get3A_765 = vector.shape_cast %get3A_764 : vector<16xi32> to vector<16xi32>
      %add3A_766 = arith.addi %get3A_762, %get3A_765 : vector<16xi32>
      %swap3A_767 = arith.constant 1088 : index
      %swap3A_768 = tpu.vector_load %arg10[%swap3A_767] {strides = array<i32>} : memref<3328xi32, #tpu.memory_space<vmem>>, vector<16xi32>,
      %swap3A_769 = vector.shape_cast %swap3A_768 : vector<16xi32> to vector<16xi32>
      %swap3A_770 = vector.shape_cast %add3A_766 : vector<16xi32> to vector<16xi32>
      tpu.vector_store %arg10[%swap3A_767], %swap3A_770 {strides = array<i32>} : memref<3328xi32, #tpu.memory_space<vmem>>, vector<16xi32>,
      %get3A_771 = arith.constant 1104 : index
      %get3A_772 = tpu.vector_load %arg9[%get3A_771] {strides = array<i32>} : memref<3328xi32, #tpu.memory_space<vmem>>, vector<16xi32>,
      %get3A_773 = vector.shape_cast %get3A_772 : vector<16xi32> to vector<16xi32>
      %get3A_774 = arith.constant 64 : index
      %get3A_775 = tpu.vector_load %arg8[%get3A_774] {strides = array<i32>} : memref<208xi32, #tpu.memory_space<vmem>>, vector<16xi32>,
      %get3A_776 = vector.shape_cast %get3A_775 : vector<16xi32> to vector<16xi32>
      %add3A_777 = arith.addi %get3A_773, %get3A_776 : vector<16xi32>
      %swap3A_778 = arith.constant 1104 : index
      %swap3A_779 = tpu.vector_load %arg10[%swap3A_778] {strides = array<i32>} : memref<3328xi32, #tpu.memory_space<vmem>>, vector<16xi32>,
      %swap3A_780 = vector.shape_cast %swap3A_779 : vector<16xi32> to vector<16xi32>
      %swap3A_781 = vector.shape_cast %add3A_777 : vector<16xi32> to vector<16xi32>
      tpu.vector_store %arg10[%swap3A_778], %swap3A_781 {strides = array<i32>} : memref<3328xi32, #tpu.memory_space<vmem>>, vector<16xi32>,
      %get3A_782 = arith.constant 1120 : index
      %get3A_783 = tpu.vector_load %arg9[%get3A_782] {strides = array<i32>} : memref<3328xi32, #tpu.memory_space<vmem>>, vector<16xi32>,
      %get3A_784 = vector.shape_cast %get3A_783 : vector<16xi32> to vector<16xi32>
      %get3A_785 = arith.constant 80 : index
      %get3A_786 = tpu.vector_load %arg8[%get3A_785] {strides = array<i32>} : memref<208xi32, #tpu.memory_space<vmem>>, vector<16xi32>,
      %get3A_787 = vector.shape_cast %get3A_786 : vector<16xi32> to vector<16xi32>
      %add3A_788 = arith.addi %get3A_784, %get3A_787 : vector<16xi32>
      %swap3A_789 = arith.constant 1120 : index
      %swap3A_790 = tpu.vector_load %arg10[%swap3A_789] {strides = array<i32>} : memref<3328xi32, #tpu.memory_space<vmem>>, vector<16xi32>,
      %swap3A_791 = vector.shape_cast %swap3A_790 : vector<16xi32> to vector<16xi32>
      %swap3A_792 = vector.shape_cast %add3A_788 : vector<16xi32> to vector<16xi32>
      tpu.vector_store %arg10[%swap3A_789], %swap3A_792 {strides = array<i32>} : memref<3328xi32, #tpu.memory_space<vmem>>, vector<16xi32>,
      %get3A_793 = arith.constant 1136 : index
      %get3A_794 = tpu.vector_load %arg9[%get3A_793] {strides = array<i32>} : memref<3328xi32, #tpu.memory_space<vmem>>, vector<16xi32>,
      %get3A_795 = vector.shape_cast %get3A_794 : vector<16xi32> to vector<16xi32>
      %get3A_796 = arith.constant 96 : index
      %get3A_797 = tpu.vector_load %arg8[%get3A_796] {strides = array<i32>} : memref<208xi32, #tpu.memory_space<vmem>>, vector<16xi32>,
      %get3A_798 = vector.shape_cast %get3A_797 : vector<16xi32> to vector<16xi32>
      %add3A_799 = arith.addi %get3A_795, %get3A_798 : vector<16xi32>
      %swap3A_800 = arith.constant 1136 : index
      %swap3A_801 = tpu.vector_load %arg10[%swap3A_800] {strides = array<i32>} : memref<3328xi32, #tpu.memory_space<vmem>>, vector<16xi32>,
      %swap3A_802 = vector.shape_cast %swap3A_801 : vector<16xi32> to vector<16xi32>
      %swap3A_803 = vector.shape_cast %add3A_799 : vector<16xi32> to vector<16xi32>
      tpu.vector_store %arg10[%swap3A_800], %swap3A_803 {strides = array<i32>} : memref<3328xi32, #tpu.memory_space<vmem>>, vector<16xi32>,
      %get3A_804 = arith.constant 1152 : index
      %get3A_805 = tpu.vector_load %arg9[%get3A_804] {strides = array<i32>} : memref<3328xi32, #tpu.memory_space<vmem>>, vector<16xi32>,
      %get3A_806 = vector.shape_cast %get3A_805 : vector<16xi32> to vector<16xi32>
      %get3A_807 = arith.constant 112 : index
      %get3A_808 = tpu.vector_load %arg8[%get3A_807] {strides = array<i32>} : memref<208xi32, #tpu.memory_space<vmem>>, vector<16xi32>,
      %get3A_809 = vector.shape_cast %get3A_808 : vector<16xi32> to vector<16xi32>
      %add3A_810 = arith.addi %get3A_806, %get3A_809 : vector<16xi32>
      %swap3A_811 = arith.constant 1152 : index
      %swap3A_812 = tpu.vector_load %arg10[%swap3A_811] {strides = array<i32>} : memref<3328xi32, #tpu.memory_space<vmem>>, vector<16xi32>,
      %swap3A_813 = vector.shape_cast %swap3A_812 : vector<16xi32> to vector<16xi32>
      %swap3A_814 = vector.shape_cast %add3A_810 : vector<16xi32> to vector<16xi32>
      tpu.vector_store %arg10[%swap3A_811], %swap3A_814 {strides = array<i32>} : memref<3328xi32, #tpu.memory_space<vmem>>, vector<16xi32>,
      %get3A_815 = arith.constant 1168 : index
      %get3A_816 = tpu.vector_load %arg9[%get3A_815] {strides = array<i32>} : memref<3328xi32, #tpu.memory_space<vmem>>, vector<16xi32>,
      %get3A_817 = vector.shape_cast %get3A_816 : vector<16xi32> to vector<16xi32>
      %get3A_818 = arith.constant 128 : index
      %get3A_819 = tpu.vector_load %arg8[%get3A_818] {strides = array<i32>} : memref<208xi32, #tpu.memory_space<vmem>>, vector<16xi32>,
      %get3A_820 = vector.shape_cast %get3A_819 : vector<16xi32> to vector<16xi32>
      %add3A_821 = arith.addi %get3A_817, %get3A_820 : vector<16xi32>
      %swap3A_822 = arith.constant 1168 : index
      %swap3A_823 = tpu.vector_load %arg10[%swap3A_822] {strides = array<i32>} : memref<3328xi32, #tpu.memory_space<vmem>>, vector<16xi32>,
      %swap3A_824 = vector.shape_cast %swap3A_823 : vector<16xi32> to vector<16xi32>
      %swap3A_825 = vector.shape_cast %add3A_821 : vector<16xi32> to vector<16xi32>
      tpu.vector_store %arg10[%swap3A_822], %swap3A_825 {strides = array<i32>} : memref<3328xi32, #tpu.memory_space<vmem>>, vector<16xi32>,
      %get3A_826 = arith.constant 1184 : index
      %get3A_827 = tpu.vector_load %arg9[%get3A_826] {strides = array<i32>} : memref<3328xi32, #tpu.memory_space<vmem>>, vector<16xi32>,
      %get3A_828 = vector.shape_cast %get3A_827 : vector<16xi32> to vector<16xi32>
      %get3A_829 = arith.constant 144 : index
      %get3A_830 = tpu.vector_load %arg8[%get3A_829] {strides = array<i32>} : memref<208xi32, #tpu.memory_space<vmem>>, vector<16xi32>,
      %get3A_831 = vector.shape_cast %get3A_830 : vector<16xi32> to vector<16xi32>
      %add3A_832 = arith.addi %get3A_828, %get3A_831 : vector<16xi32>
      %swap3A_833 = arith.constant 1184 : index
      %swap3A_834 = tpu.vector_load %arg10[%swap3A_833] {strides = array<i32>} : memref<3328xi32, #tpu.memory_space<vmem>>, vector<16xi32>,
      %swap3A_835 = vector.shape_cast %swap3A_834 : vector<16xi32> to vector<16xi32>
      %swap3A_836 = vector.shape_cast %add3A_832 : vector<16xi32> to vector<16xi32>
      tpu.vector_store %arg10[%swap3A_833], %swap3A_836 {strides = array<i32>} : memref<3328xi32, #tpu.memory_space<vmem>>, vector<16xi32>,
      %get3A_837 = arith.constant 1200 : index
      %get3A_838 = tpu.vector_load %arg9[%get3A_837] {strides = array<i32>} : memref<3328xi32, #tpu.memory_space<vmem>>, vector<16xi32>,
      %get3A_839 = vector.shape_cast %get3A_838 : vector<16xi32> to vector<16xi32>
      %get3A_840 = arith.constant 160 : index
      %get3A_841 = tpu.vector_load %arg8[%get3A_840] {strides = array<i32>} : memref<208xi32, #tpu.memory_space<vmem>>, vector<16xi32>,
      %get3A_842 = vector.shape_cast %get3A_841 : vector<16xi32> to vector<16xi32>
      %add3A_843 = arith.addi %get3A_839, %get3A_842 : vector<16xi32>
      %swap3A_844 = arith.constant 1200 : index
      %swap3A_845 = tpu.vector_load %arg10[%swap3A_844] {strides = array<i32>} : memref<3328xi32, #tpu.memory_space<vmem>>, vector<16xi32>,
      %swap3A_846 = vector.shape_cast %swap3A_845 : vector<16xi32> to vector<16xi32>
      %swap3A_847 = vector.shape_cast %add3A_843 : vector<16xi32> to vector<16xi32>
      tpu.vector_store %arg10[%swap3A_844], %swap3A_847 {strides = array<i32>} : memref<3328xi32, #tpu.memory_space<vmem>>, vector<16xi32>,
      %get3A_848 = arith.constant 1216 : index
      %get3A_849 = tpu.vector_load %arg9[%get3A_848] {strides = array<i32>} : memref<3328xi32, #tpu.memory_space<vmem>>, vector<16xi32>,
      %get3A_850 = vector.shape_cast %get3A_849 : vector<16xi32> to vector<16xi32>
      %get3A_851 = arith.constant 176 : index
      %get3A_852 = tpu.vector_load %arg8[%get3A_851] {strides = array<i32>} : memref<208xi32, #tpu.memory_space<vmem>>, vector<16xi32>,
      %get3A_853 = vector.shape_cast %get3A_852 : vector<16xi32> to vector<16xi32>
      %add3A_854 = arith.addi %get3A_850, %get3A_853 : vector<16xi32>
      %swap3A_855 = arith.constant 1216 : index
      %swap3A_856 = tpu.vector_load %arg10[%swap3A_855] {strides = array<i32>} : memref<3328xi32, #tpu.memory_space<vmem>>, vector<16xi32>,
      %swap3A_857 = vector.shape_cast %swap3A_856 : vector<16xi32> to vector<16xi32>
      %swap3A_858 = vector.shape_cast %add3A_854 : vector<16xi32> to vector<16xi32>
      tpu.vector_store %arg10[%swap3A_855], %swap3A_858 {strides = array<i32>} : memref<3328xi32, #tpu.memory_space<vmem>>, vector<16xi32>,
      %get3A_859 = arith.constant 1232 : index
      %get3A_860 = tpu.vector_load %arg9[%get3A_859] {strides = array<i32>} : memref<3328xi32, #tpu.memory_space<vmem>>, vector<16xi32>,
      %get3A_861 = vector.shape_cast %get3A_860 : vector<16xi32> to vector<16xi32>
      %get3A_862 = arith.constant 192 : index
      %get3A_863 = tpu.vector_load %arg8[%get3A_862] {strides = array<i32>} : memref<208xi32, #tpu.memory_space<vmem>>, vector<16xi32>,
      %get3A_864 = vector.shape_cast %get3A_863 : vector<16xi32> to vector<16xi32>
      %add3A_865 = arith.addi %get3A_861, %get3A_864 : vector<16xi32>
      %swap3A_866 = arith.constant 1232 : index
      %swap3A_867 = tpu.vector_load %arg10[%swap3A_866] {strides = array<i32>} : memref<3328xi32, #tpu.memory_space<vmem>>, vector<16xi32>,
      %swap3A_868 = vector.shape_cast %swap3A_867 : vector<16xi32> to vector<16xi32>
      %swap3A_869 = vector.shape_cast %add3A_865 : vector<16xi32> to vector<16xi32>
      tpu.vector_store %arg10[%swap3A_866], %swap3A_869 {strides = array<i32>} : memref<3328xi32, #tpu.memory_space<vmem>>, vector<16xi32>,
      %get3A_870 = arith.constant 1248 : index
      %get3A_871 = tpu.vector_load %arg9[%get3A_870] {strides = array<i32>} : memref<3328xi32, #tpu.memory_space<vmem>>, vector<16xi32>,
      %get3A_872 = vector.shape_cast %get3A_871 : vector<16xi32> to vector<16xi32>
      %get3A_873 = arith.constant 0 : index
      %get3A_874 = tpu.vector_load %arg8[%get3A_873] {strides = array<i32>} : memref<208xi32, #tpu.memory_space<vmem>>, vector<16xi32>,
      %get3A_875 = vector.shape_cast %get3A_874 : vector<16xi32> to vector<16xi32>
      %add3A_876 = arith.addi %get3A_872, %get3A_875 : vector<16xi32>
      %swap3A_877 = arith.constant 1248 : index
      %swap3A_878 = tpu.vector_load %arg10[%swap3A_877] {strides = array<i32>} : memref<3328xi32, #tpu.memory_space<vmem>>, vector<16xi32>,
      %swap3A_879 = vector.shape_cast %swap3A_878 : vector<16xi32> to vector<16xi32>
      %swap3A_880 = vector.shape_cast %add3A_876 : vector<16xi32> to vector<16xi32>
      tpu.vector_store %arg10[%swap3A_877], %swap3A_880 {strides = array<i32>} : memref<3328xi32, #tpu.memory_space<vmem>>, vector<16xi32>,
      %get3A_881 = arith.constant 1264 : index
      %get3A_882 = tpu.vector_load %arg9[%get3A_881] {strides = array<i32>} : memref<3328xi32, #tpu.memory_space<vmem>>, vector<16xi32>,
      %get3A_883 = vector.shape_cast %get3A_882 : vector<16xi32> to vector<16xi32>
      %get3A_884 = arith.constant 16 : index
      %get3A_885 = tpu.vector_load %arg8[%get3A_884] {strides = array<i32>} : memref<208xi32, #tpu.memory_space<vmem>>, vector<16xi32>,
      %get3A_886 = vector.shape_cast %get3A_885 : vector<16xi32> to vector<16xi32>
      %add3A_887 = arith.addi %get3A_883, %get3A_886 : vector<16xi32>
      %swap3A_888 = arith.constant 1264 : index
      %swap3A_889 = tpu.vector_load %arg10[%swap3A_888] {strides = array<i32>} : memref<3328xi32, #tpu.memory_space<vmem>>, vector<16xi32>,
      %swap3A_890 = vector.shape_cast %swap3A_889 : vector<16xi32> to vector<16xi32>
      %swap3A_891 = vector.shape_cast %add3A_887 : vector<16xi32> to vector<16xi32>
      tpu.vector_store %arg10[%swap3A_888], %swap3A_891 {strides = array<i32>} : memref<3328xi32, #tpu.memory_space<vmem>>, vector<16xi32>,
      %get3A_892 = arith.constant 1280 : index
      %get3A_893 = tpu.vector_load %arg9[%get3A_892] {strides = array<i32>} : memref<3328xi32, #tpu.memory_space<vmem>>, vector<16xi32>,
      %get3A_894 = vector.shape_cast %get3A_893 : vector<16xi32> to vector<16xi32>
      %get3A_895 = arith.constant 32 : index
      %get3A_896 = tpu.vector_load %arg8[%get3A_895] {strides = array<i32>} : memref<208xi32, #tpu.memory_space<vmem>>, vector<16xi32>,
      %get3A_897 = vector.shape_cast %get3A_896 : vector<16xi32> to vector<16xi32>
      %add3A_898 = arith.addi %get3A_894, %get3A_897 : vector<16xi32>
      %swap3A_899 = arith.constant 1280 : index
      %swap3A_900 = tpu.vector_load %arg10[%swap3A_899] {strides = array<i32>} : memref<3328xi32, #tpu.memory_space<vmem>>, vector<16xi32>,
      %swap3A_901 = vector.shape_cast %swap3A_900 : vector<16xi32> to vector<16xi32>
      %swap3A_902 = vector.shape_cast %add3A_898 : vector<16xi32> to vector<16xi32>
      tpu.vector_store %arg10[%swap3A_899], %swap3A_902 {strides = array<i32>} : memref<3328xi32, #tpu.memory_space<vmem>>, vector<16xi32>,
      %get3A_903 = arith.constant 1296 : index
      %get3A_904 = tpu.vector_load %arg9[%get3A_903] {strides = array<i32>} : memref<3328xi32, #tpu.memory_space<vmem>>, vector<16xi32>,
      %get3A_905 = vector.shape_cast %get3A_904 : vector<16xi32> to vector<16xi32>
      %get3A_906 = arith.constant 48 : index
      %get3A_907 = tpu.vector_load %arg8[%get3A_906] {strides = array<i32>} : memref<208xi32, #tpu.memory_space<vmem>>, vector<16xi32>,
      %get3A_908 = vector.shape_cast %get3A_907 : vector<16xi32> to vector<16xi32>
      %add3A_909 = arith.addi %get3A_905, %get3A_908 : vector<16xi32>
      %swap3A_910 = arith.constant 1296 : index
      %swap3A_911 = tpu.vector_load %arg10[%swap3A_910] {strides = array<i32>} : memref<3328xi32, #tpu.memory_space<vmem>>, vector<16xi32>,
      %swap3A_912 = vector.shape_cast %swap3A_911 : vector<16xi32> to vector<16xi32>
      %swap3A_913 = vector.shape_cast %add3A_909 : vector<16xi32> to vector<16xi32>
      tpu.vector_store %arg10[%swap3A_910], %swap3A_913 {strides = array<i32>} : memref<3328xi32, #tpu.memory_space<vmem>>, vector<16xi32>,
      %get3A_914 = arith.constant 1312 : index
      %get3A_915 = tpu.vector_load %arg9[%get3A_914] {strides = array<i32>} : memref<3328xi32, #tpu.memory_space<vmem>>, vector<16xi32>,
      %get3A_916 = vector.shape_cast %get3A_915 : vector<16xi32> to vector<16xi32>
      %get3A_917 = arith.constant 64 : index
      %get3A_918 = tpu.vector_load %arg8[%get3A_917] {strides = array<i32>} : memref<208xi32, #tpu.memory_space<vmem>>, vector<16xi32>,
      %get3A_919 = vector.shape_cast %get3A_918 : vector<16xi32> to vector<16xi32>
      %add3A_920 = arith.addi %get3A_916, %get3A_919 : vector<16xi32>
      %swap3A_921 = arith.constant 1312 : index
      %swap3A_922 = tpu.vector_load %arg10[%swap3A_921] {strides = array<i32>} : memref<3328xi32, #tpu.memory_space<vmem>>, vector<16xi32>,
      %swap3A_923 = vector.shape_cast %swap3A_922 : vector<16xi32> to vector<16xi32>
      %swap3A_924 = vector.shape_cast %add3A_920 : vector<16xi32> to vector<16xi32>
      tpu.vector_store %arg10[%swap3A_921], %swap3A_924 {strides = array<i32>} : memref<3328xi32, #tpu.memory_space<vmem>>, vector<16xi32>,
      %get3A_925 = arith.constant 1328 : index
      %get3A_926 = tpu.vector_load %arg9[%get3A_925] {strides = array<i32>} : memref<3328xi32, #tpu.memory_space<vmem>>, vector<16xi32>,
      %get3A_927 = vector.shape_cast %get3A_926 : vector<16xi32> to vector<16xi32>
      %get3A_928 = arith.constant 80 : index
      %get3A_929 = tpu.vector_load %arg8[%get3A_928] {strides = array<i32>} : memref<208xi32, #tpu.memory_space<vmem>>, vector<16xi32>,
      %get3A_930 = vector.shape_cast %get3A_929 : vector<16xi32> to vector<16xi32>
      %add3A_931 = arith.addi %get3A_927, %get3A_930 : vector<16xi32>
      %swap3A_932 = arith.constant 1328 : index
      %swap3A_933 = tpu.vector_load %arg10[%swap3A_932] {strides = array<i32>} : memref<3328xi32, #tpu.memory_space<vmem>>, vector<16xi32>,
      %swap3A_934 = vector.shape_cast %swap3A_933 : vector<16xi32> to vector<16xi32>
      %swap3A_935 = vector.shape_cast %add3A_931 : vector<16xi32> to vector<16xi32>
      tpu.vector_store %arg10[%swap3A_932], %swap3A_935 {strides = array<i32>} : memref<3328xi32, #tpu.memory_space<vmem>>, vector<16xi32>,
      %get3A_936 = arith.constant 1344 : index
      %get3A_937 = tpu.vector_load %arg9[%get3A_936] {strides = array<i32>} : memref<3328xi32, #tpu.memory_space<vmem>>, vector<16xi32>,
      %get3A_938 = vector.shape_cast %get3A_937 : vector<16xi32> to vector<16xi32>
      %get3A_939 = arith.constant 96 : index
      %get3A_940 = tpu.vector_load %arg8[%get3A_939] {strides = array<i32>} : memref<208xi32, #tpu.memory_space<vmem>>, vector<16xi32>,
      %get3A_941 = vector.shape_cast %get3A_940 : vector<16xi32> to vector<16xi32>
      %add3A_942 = arith.addi %get3A_938, %get3A_941 : vector<16xi32>
      %swap3A_943 = arith.constant 1344 : index
      %swap3A_944 = tpu.vector_load %arg10[%swap3A_943] {strides = array<i32>} : memref<3328xi32, #tpu.memory_space<vmem>>, vector<16xi32>,
      %swap3A_945 = vector.shape_cast %swap3A_944 : vector<16xi32> to vector<16xi32>
      %swap3A_946 = vector.shape_cast %add3A_942 : vector<16xi32> to vector<16xi32>
      tpu.vector_store %arg10[%swap3A_943], %swap3A_946 {strides = array<i32>} : memref<3328xi32, #tpu.memory_space<vmem>>, vector<16xi32>,
      %get3A_947 = arith.constant 1360 : index
      %get3A_948 = tpu.vector_load %arg9[%get3A_947] {strides = array<i32>} : memref<3328xi32, #tpu.memory_space<vmem>>, vector<16xi32>,
      %get3A_949 = vector.shape_cast %get3A_948 : vector<16xi32> to vector<16xi32>
      %get3A_950 = arith.constant 112 : index
      %get3A_951 = tpu.vector_load %arg8[%get3A_950] {strides = array<i32>} : memref<208xi32, #tpu.memory_space<vmem>>, vector<16xi32>,
      %get3A_952 = vector.shape_cast %get3A_951 : vector<16xi32> to vector<16xi32>
      %add3A_953 = arith.addi %get3A_949, %get3A_952 : vector<16xi32>
      %swap3A_954 = arith.constant 1360 : index
      %swap3A_955 = tpu.vector_load %arg10[%swap3A_954] {strides = array<i32>} : memref<3328xi32, #tpu.memory_space<vmem>>, vector<16xi32>,
      %swap3A_956 = vector.shape_cast %swap3A_955 : vector<16xi32> to vector<16xi32>
      %swap3A_957 = vector.shape_cast %add3A_953 : vector<16xi32> to vector<16xi32>
      tpu.vector_store %arg10[%swap3A_954], %swap3A_957 {strides = array<i32>} : memref<3328xi32, #tpu.memory_space<vmem>>, vector<16xi32>,
      %get3A_958 = arith.constant 1376 : index
      %get3A_959 = tpu.vector_load %arg9[%get3A_958] {strides = array<i32>} : memref<3328xi32, #tpu.memory_space<vmem>>, vector<16xi32>,
      %get3A_960 = vector.shape_cast %get3A_959 : vector<16xi32> to vector<16xi32>
      %get3A_961 = arith.constant 128 : index
      %get3A_962 = tpu.vector_load %arg8[%get3A_961] {strides = array<i32>} : memref<208xi32, #tpu.memory_space<vmem>>, vector<16xi32>,
      %get3A_963 = vector.shape_cast %get3A_962 : vector<16xi32> to vector<16xi32>
      %add3A_964 = arith.addi %get3A_960, %get3A_963 : vector<16xi32>
      %swap3A_965 = arith.constant 1376 : index
      %swap3A_966 = tpu.vector_load %arg10[%swap3A_965] {strides = array<i32>} : memref<3328xi32, #tpu.memory_space<vmem>>, vector<16xi32>,
      %swap3A_967 = vector.shape_cast %swap3A_966 : vector<16xi32> to vector<16xi32>
      %swap3A_968 = vector.shape_cast %add3A_964 : vector<16xi32> to vector<16xi32>
      tpu.vector_store %arg10[%swap3A_965], %swap3A_968 {strides = array<i32>} : memref<3328xi32, #tpu.memory_space<vmem>>, vector<16xi32>,
      %get3A_969 = arith.constant 1392 : index
      %get3A_970 = tpu.vector_load %arg9[%get3A_969] {strides = array<i32>} : memref<3328xi32, #tpu.memory_space<vmem>>, vector<16xi32>,
      %get3A_971 = vector.shape_cast %get3A_970 : vector<16xi32> to vector<16xi32>
      %get3A_972 = arith.constant 144 : index
      %get3A_973 = tpu.vector_load %arg8[%get3A_972] {strides = array<i32>} : memref<208xi32, #tpu.memory_space<vmem>>, vector<16xi32>,
      %get3A_974 = vector.shape_cast %get3A_973 : vector<16xi32> to vector<16xi32>
      %add3A_975 = arith.addi %get3A_971, %get3A_974 : vector<16xi32>
      %swap3A_976 = arith.constant 1392 : index
      %swap3A_977 = tpu.vector_load %arg10[%swap3A_976] {strides = array<i32>} : memref<3328xi32, #tpu.memory_space<vmem>>, vector<16xi32>,
      %swap3A_978 = vector.shape_cast %swap3A_977 : vector<16xi32> to vector<16xi32>
      %swap3A_979 = vector.shape_cast %add3A_975 : vector<16xi32> to vector<16xi32>
      tpu.vector_store %arg10[%swap3A_976], %swap3A_979 {strides = array<i32>} : memref<3328xi32, #tpu.memory_space<vmem>>, vector<16xi32>,
      %get3A_980 = arith.constant 1408 : index
      %get3A_981 = tpu.vector_load %arg9[%get3A_980] {strides = array<i32>} : memref<3328xi32, #tpu.memory_space<vmem>>, vector<16xi32>,
      %get3A_982 = vector.shape_cast %get3A_981 : vector<16xi32> to vector<16xi32>
      %get3A_983 = arith.constant 160 : index
      %get3A_984 = tpu.vector_load %arg8[%get3A_983] {strides = array<i32>} : memref<208xi32, #tpu.memory_space<vmem>>, vector<16xi32>,
      %get3A_985 = vector.shape_cast %get3A_984 : vector<16xi32> to vector<16xi32>
      %add3A_986 = arith.addi %get3A_982, %get3A_985 : vector<16xi32>
      %swap3A_987 = arith.constant 1408 : index
      %swap3A_988 = tpu.vector_load %arg10[%swap3A_987] {strides = array<i32>} : memref<3328xi32, #tpu.memory_space<vmem>>, vector<16xi32>,
      %swap3A_989 = vector.shape_cast %swap3A_988 : vector<16xi32> to vector<16xi32>
      %swap3A_990 = vector.shape_cast %add3A_986 : vector<16xi32> to vector<16xi32>
      tpu.vector_store %arg10[%swap3A_987], %swap3A_990 {strides = array<i32>} : memref<3328xi32, #tpu.memory_space<vmem>>, vector<16xi32>,
      %get3A_991 = arith.constant 1424 : index
      %get3A_992 = tpu.vector_load %arg9[%get3A_991] {strides = array<i32>} : memref<3328xi32, #tpu.memory_space<vmem>>, vector<16xi32>,
      %get3A_993 = vector.shape_cast %get3A_992 : vector<16xi32> to vector<16xi32>
      %get3A_994 = arith.constant 176 : index
      %get3A_995 = tpu.vector_load %arg8[%get3A_994] {strides = array<i32>} : memref<208xi32, #tpu.memory_space<vmem>>, vector<16xi32>,
      %get3A_996 = vector.shape_cast %get3A_995 : vector<16xi32> to vector<16xi32>
      %add3A_997 = arith.addi %get3A_993, %get3A_996 : vector<16xi32>
      %swap3A_998 = arith.constant 1424 : index
      %swap3A_999 = tpu.vector_load %arg10[%swap3A_998] {strides = array<i32>} : memref<3328xi32, #tpu.memory_space<vmem>>, vector<16xi32>,
      %swap3A_1000 = vector.shape_cast %swap3A_999 : vector<16xi32> to vector<16xi32>
      %swap3A_1001 = vector.shape_cast %add3A_997 : vector<16xi32> to vector<16xi32>
      tpu.vector_store %arg10[%swap3A_998], %swap3A_1001 {strides = array<i32>} : memref<3328xi32, #tpu.memory_space<vmem>>, vector<16xi32>,
      %get3A_1002 = arith.constant 1440 : index
      %get3A_1003 = tpu.vector_load %arg9[%get3A_1002] {strides = array<i32>} : memref<3328xi32, #tpu.memory_space<vmem>>, vector<16xi32>,
      %get3A_1004 = vector.shape_cast %get3A_1003 : vector<16xi32> to vector<16xi32>
      %get3A_1005 = arith.constant 192 : index
      %get3A_1006 = tpu.vector_load %arg8[%get3A_1005] {strides = array<i32>} : memref<208xi32, #tpu.memory_space<vmem>>, vector<16xi32>,
      %get3A_1007 = vector.shape_cast %get3A_1006 : vector<16xi32> to vector<16xi32>
      %add3A_1008 = arith.addi %get3A_1004, %get3A_1007 : vector<16xi32>
      %swap3A_1009 = arith.constant 1440 : index
      %swap3A_1010 = tpu.vector_load %arg10[%swap3A_1009] {strides = array<i32>} : memref<3328xi32, #tpu.memory_space<vmem>>, vector<16xi32>,
      %swap3A_1011 = vector.shape_cast %swap3A_1010 : vector<16xi32> to vector<16xi32>
      %swap3A_1012 = vector.shape_cast %add3A_1008 : vector<16xi32> to vector<16xi32>
      tpu.vector_store %arg10[%swap3A_1009], %swap3A_1012 {strides = array<i32>} : memref<3328xi32, #tpu.memory_space<vmem>>, vector<16xi32>,
      %get3A_1013 = arith.constant 1456 : index
      %get3A_1014 = tpu.vector_load %arg9[%get3A_1013] {strides = array<i32>} : memref<3328xi32, #tpu.memory_space<vmem>>, vector<16xi32>,
      %get3A_1015 = vector.shape_cast %get3A_1014 : vector<16xi32> to vector<16xi32>
      %get3A_1016 = arith.constant 0 : index
      %get3A_1017 = tpu.vector_load %arg8[%get3A_1016] {strides = array<i32>} : memref<208xi32, #tpu.memory_space<vmem>>, vector<16xi32>,
      %get3A_1018 = vector.shape_cast %get3A_1017 : vector<16xi32> to vector<16xi32>
      %add3A_1019 = arith.addi %get3A_1015, %get3A_1018 : vector<16xi32>
      %swap3A_1020 = arith.constant 1456 : index
      %swap3A_1021 = tpu.vector_load %arg10[%swap3A_1020] {strides = array<i32>} : memref<3328xi32, #tpu.memory_space<vmem>>, vector<16xi32>,
      %swap3A_1022 = vector.shape_cast %swap3A_1021 : vector<16xi32> to vector<16xi32>
      %swap3A_1023 = vector.shape_cast %add3A_1019 : vector<16xi32> to vector<16xi32>
      tpu.vector_store %arg10[%swap3A_1020], %swap3A_1023 {strides = array<i32>} : memref<3328xi32, #tpu.memory_space<vmem>>, vector<16xi32>,
      %get3A_1024 = arith.constant 1472 : index
      %get3A_1025 = tpu.vector_load %arg9[%get3A_1024] {strides = array<i32>} : memref<3328xi32, #tpu.memory_space<vmem>>, vector<16xi32>,
      %get3A_1026 = vector.shape_cast %get3A_1025 : vector<16xi32> to vector<16xi32>
      %get3A_1027 = arith.constant 16 : index
      %get3A_1028 = tpu.vector_load %arg8[%get3A_1027] {strides = array<i32>} : memref<208xi32, #tpu.memory_space<vmem>>, vector<16xi32>,
      %get3A_1029 = vector.shape_cast %get3A_1028 : vector<16xi32> to vector<16xi32>
      %add3A_1030 = arith.addi %get3A_1026, %get3A_1029 : vector<16xi32>
      %swap3A_1031 = arith.constant 1472 : index
      %swap3A_1032 = tpu.vector_load %arg10[%swap3A_1031] {strides = array<i32>} : memref<3328xi32, #tpu.memory_space<vmem>>, vector<16xi32>,
      %swap3A_1033 = vector.shape_cast %swap3A_1032 : vector<16xi32> to vector<16xi32>
      %swap3A_1034 = vector.shape_cast %add3A_1030 : vector<16xi32> to vector<16xi32>
      tpu.vector_store %arg10[%swap3A_1031], %swap3A_1034 {strides = array<i32>} : memref<3328xi32, #tpu.memory_space<vmem>>, vector<16xi32>,
      %get3A_1035 = arith.constant 1488 : index
      %get3A_1036 = tpu.vector_load %arg9[%get3A_1035] {strides = array<i32>} : memref<3328xi32, #tpu.memory_space<vmem>>, vector<16xi32>,
      %get3A_1037 = vector.shape_cast %get3A_1036 : vector<16xi32> to vector<16xi32>
      %get3A_1038 = arith.constant 32 : index
      %get3A_1039 = tpu.vector_load %arg8[%get3A_1038] {strides = array<i32>} : memref<208xi32, #tpu.memory_space<vmem>>, vector<16xi32>,
      %get3A_1040 = vector.shape_cast %get3A_1039 : vector<16xi32> to vector<16xi32>
      %add3A_1041 = arith.addi %get3A_1037, %get3A_1040 : vector<16xi32>
      %swap3A_1042 = arith.constant 1488 : index
      %swap3A_1043 = tpu.vector_load %arg10[%swap3A_1042] {strides = array<i32>} : memref<3328xi32, #tpu.memory_space<vmem>>, vector<16xi32>,
      %swap3A_1044 = vector.shape_cast %swap3A_1043 : vector<16xi32> to vector<16xi32>
      %swap3A_1045 = vector.shape_cast %add3A_1041 : vector<16xi32> to vector<16xi32>
      tpu.vector_store %arg10[%swap3A_1042], %swap3A_1045 {strides = array<i32>} : memref<3328xi32, #tpu.memory_space<vmem>>, vector<16xi32>,
      %get3A_1046 = arith.constant 1504 : index
      %get3A_1047 = tpu.vector_load %arg9[%get3A_1046] {strides = array<i32>} : memref<3328xi32, #tpu.memory_space<vmem>>, vector<16xi32>,
      %get3A_1048 = vector.shape_cast %get3A_1047 : vector<16xi32> to vector<16xi32>
      %get3A_1049 = arith.constant 48 : index
      %get3A_1050 = tpu.vector_load %arg8[%get3A_1049] {strides = array<i32>} : memref<208xi32, #tpu.memory_space<vmem>>, vector<16xi32>,
      %get3A_1051 = vector.shape_cast %get3A_1050 : vector<16xi32> to vector<16xi32>
      %add3A_1052 = arith.addi %get3A_1048, %get3A_1051 : vector<16xi32>
      %swap3A_1053 = arith.constant 1504 : index
      %swap3A_1054 = tpu.vector_load %arg10[%swap3A_1053] {strides = array<i32>} : memref<3328xi32, #tpu.memory_space<vmem>>, vector<16xi32>,
      %swap3A_1055 = vector.shape_cast %swap3A_1054 : vector<16xi32> to vector<16xi32>
      %swap3A_1056 = vector.shape_cast %add3A_1052 : vector<16xi32> to vector<16xi32>
      tpu.vector_store %arg10[%swap3A_1053], %swap3A_1056 {strides = array<i32>} : memref<3328xi32, #tpu.memory_space<vmem>>, vector<16xi32>,
      %get3A_1057 = arith.constant 1520 : index
      %get3A_1058 = tpu.vector_load %arg9[%get3A_1057] {strides = array<i32>} : memref<3328xi32, #tpu.memory_space<vmem>>, vector<16xi32>,
      %get3A_1059 = vector.shape_cast %get3A_1058 : vector<16xi32> to vector<16xi32>
      %get3A_1060 = arith.constant 64 : index
      %get3A_1061 = tpu.vector_load %arg8[%get3A_1060] {strides = array<i32>} : memref<208xi32, #tpu.memory_space<vmem>>, vector<16xi32>,
      %get3A_1062 = vector.shape_cast %get3A_1061 : vector<16xi32> to vector<16xi32>
      %add3A_1063 = arith.addi %get3A_1059, %get3A_1062 : vector<16xi32>
      %swap3A_1064 = arith.constant 1520 : index
      %swap3A_1065 = tpu.vector_load %arg10[%swap3A_1064] {strides = array<i32>} : memref<3328xi32, #tpu.memory_space<vmem>>, vector<16xi32>,
      %swap3A_1066 = vector.shape_cast %swap3A_1065 : vector<16xi32> to vector<16xi32>
      %swap3A_1067 = vector.shape_cast %add3A_1063 : vector<16xi32> to vector<16xi32>
      tpu.vector_store %arg10[%swap3A_1064], %swap3A_1067 {strides = array<i32>} : memref<3328xi32, #tpu.memory_space<vmem>>, vector<16xi32>,
      %get3A_1068 = arith.constant 1536 : index
      %get3A_1069 = tpu.vector_load %arg9[%get3A_1068] {strides = array<i32>} : memref<3328xi32, #tpu.memory_space<vmem>>, vector<16xi32>,
      %get3A_1070 = vector.shape_cast %get3A_1069 : vector<16xi32> to vector<16xi32>
      %get3A_1071 = arith.constant 80 : index
      %get3A_1072 = tpu.vector_load %arg8[%get3A_1071] {strides = array<i32>} : memref<208xi32, #tpu.memory_space<vmem>>, vector<16xi32>,
      %get3A_1073 = vector.shape_cast %get3A_1072 : vector<16xi32> to vector<16xi32>
      %add3A_1074 = arith.addi %get3A_1070, %get3A_1073 : vector<16xi32>
      %swap3A_1075 = arith.constant 1536 : index
      %swap3A_1076 = tpu.vector_load %arg10[%swap3A_1075] {strides = array<i32>} : memref<3328xi32, #tpu.memory_space<vmem>>, vector<16xi32>,
      %swap3A_1077 = vector.shape_cast %swap3A_1076 : vector<16xi32> to vector<16xi32>
      %swap3A_1078 = vector.shape_cast %add3A_1074 : vector<16xi32> to vector<16xi32>
      tpu.vector_store %arg10[%swap3A_1075], %swap3A_1078 {strides = array<i32>} : memref<3328xi32, #tpu.memory_space<vmem>>, vector<16xi32>,
      %get3A_1079 = arith.constant 1552 : index
      %get3A_1080 = tpu.vector_load %arg9[%get3A_1079] {strides = array<i32>} : memref<3328xi32, #tpu.memory_space<vmem>>, vector<16xi32>,
      %get3A_1081 = vector.shape_cast %get3A_1080 : vector<16xi32> to vector<16xi32>
      %get3A_1082 = arith.constant 96 : index
      %get3A_1083 = tpu.vector_load %arg8[%get3A_1082] {strides = array<i32>} : memref<208xi32, #tpu.memory_space<vmem>>, vector<16xi32>,
      %get3A_1084 = vector.shape_cast %get3A_1083 : vector<16xi32> to vector<16xi32>
      %add3A_1085 = arith.addi %get3A_1081, %get3A_1084 : vector<16xi32>
      %swap3A_1086 = arith.constant 1552 : index
      %swap3A_1087 = tpu.vector_load %arg10[%swap3A_1086] {strides = array<i32>} : memref<3328xi32, #tpu.memory_space<vmem>>, vector<16xi32>,
      %swap3A_1088 = vector.shape_cast %swap3A_1087 : vector<16xi32> to vector<16xi32>
      %swap3A_1089 = vector.shape_cast %add3A_1085 : vector<16xi32> to vector<16xi32>
      tpu.vector_store %arg10[%swap3A_1086], %swap3A_1089 {strides = array<i32>} : memref<3328xi32, #tpu.memory_space<vmem>>, vector<16xi32>,
      %get3A_1090 = arith.constant 1568 : index
      %get3A_1091 = tpu.vector_load %arg9[%get3A_1090] {strides = array<i32>} : memref<3328xi32, #tpu.memory_space<vmem>>, vector<16xi32>,
      %get3A_1092 = vector.shape_cast %get3A_1091 : vector<16xi32> to vector<16xi32>
      %get3A_1093 = arith.constant 112 : index
      %get3A_1094 = tpu.vector_load %arg8[%get3A_1093] {strides = array<i32>} : memref<208xi32, #tpu.memory_space<vmem>>, vector<16xi32>,
      %get3A_1095 = vector.shape_cast %get3A_1094 : vector<16xi32> to vector<16xi32>
      %add3A_1096 = arith.addi %get3A_1092, %get3A_1095 : vector<16xi32>
      %swap3A_1097 = arith.constant 1568 : index
      %swap3A_1098 = tpu.vector_load %arg10[%swap3A_1097] {strides = array<i32>} : memref<3328xi32, #tpu.memory_space<vmem>>, vector<16xi32>,
      %swap3A_1099 = vector.shape_cast %swap3A_1098 : vector<16xi32> to vector<16xi32>
      %swap3A_1100 = vector.shape_cast %add3A_1096 : vector<16xi32> to vector<16xi32>
      tpu.vector_store %arg10[%swap3A_1097], %swap3A_1100 {strides = array<i32>} : memref<3328xi32, #tpu.memory_space<vmem>>, vector<16xi32>,
      %get3A_1101 = arith.constant 1584 : index
      %get3A_1102 = tpu.vector_load %arg9[%get3A_1101] {strides = array<i32>} : memref<3328xi32, #tpu.memory_space<vmem>>, vector<16xi32>,
      %get3A_1103 = vector.shape_cast %get3A_1102 : vector<16xi32> to vector<16xi32>
      %get3A_1104 = arith.constant 128 : index
      %get3A_1105 = tpu.vector_load %arg8[%get3A_1104] {strides = array<i32>} : memref<208xi32, #tpu.memory_space<vmem>>, vector<16xi32>,
      %get3A_1106 = vector.shape_cast %get3A_1105 : vector<16xi32> to vector<16xi32>
      %add3A_1107 = arith.addi %get3A_1103, %get3A_1106 : vector<16xi32>
      %swap3A_1108 = arith.constant 1584 : index
      %swap3A_1109 = tpu.vector_load %arg10[%swap3A_1108] {strides = array<i32>} : memref<3328xi32, #tpu.memory_space<vmem>>, vector<16xi32>,
      %swap3A_1110 = vector.shape_cast %swap3A_1109 : vector<16xi32> to vector<16xi32>
      %swap3A_1111 = vector.shape_cast %add3A_1107 : vector<16xi32> to vector<16xi32>
      tpu.vector_store %arg10[%swap3A_1108], %swap3A_1111 {strides = array<i32>} : memref<3328xi32, #tpu.memory_space<vmem>>, vector<16xi32>,
      %get3A_1112 = arith.constant 1600 : index
      %get3A_1113 = tpu.vector_load %arg9[%get3A_1112] {strides = array<i32>} : memref<3328xi32, #tpu.memory_space<vmem>>, vector<16xi32>,
      %get3A_1114 = vector.shape_cast %get3A_1113 : vector<16xi32> to vector<16xi32>
      %get3A_1115 = arith.constant 144 : index
      %get3A_1116 = tpu.vector_load %arg8[%get3A_1115] {strides = array<i32>} : memref<208xi32, #tpu.memory_space<vmem>>, vector<16xi32>,
      %get3A_1117 = vector.shape_cast %get3A_1116 : vector<16xi32> to vector<16xi32>
      %add3A_1118 = arith.addi %get3A_1114, %get3A_1117 : vector<16xi32>
      %swap3A_1119 = arith.constant 1600 : index
      %swap3A_1120 = tpu.vector_load %arg10[%swap3A_1119] {strides = array<i32>} : memref<3328xi32, #tpu.memory_space<vmem>>, vector<16xi32>,
      %swap3A_1121 = vector.shape_cast %swap3A_1120 : vector<16xi32> to vector<16xi32>
      %swap3A_1122 = vector.shape_cast %add3A_1118 : vector<16xi32> to vector<16xi32>
      tpu.vector_store %arg10[%swap3A_1119], %swap3A_1122 {strides = array<i32>} : memref<3328xi32, #tpu.memory_space<vmem>>, vector<16xi32>,
      %get3A_1123 = arith.constant 1616 : index
      %get3A_1124 = tpu.vector_load %arg9[%get3A_1123] {strides = array<i32>} : memref<3328xi32, #tpu.memory_space<vmem>>, vector<16xi32>,
      %get3A_1125 = vector.shape_cast %get3A_1124 : vector<16xi32> to vector<16xi32>
      %get3A_1126 = arith.constant 160 : index
      %get3A_1127 = tpu.vector_load %arg8[%get3A_1126] {strides = array<i32>} : memref<208xi32, #tpu.memory_space<vmem>>, vector<16xi32>,
      %get3A_1128 = vector.shape_cast %get3A_1127 : vector<16xi32> to vector<16xi32>
      %add3A_1129 = arith.addi %get3A_1125, %get3A_1128 : vector<16xi32>
      %swap3A_1130 = arith.constant 1616 : index
      %swap3A_1131 = tpu.vector_load %arg10[%swap3A_1130] {strides = array<i32>} : memref<3328xi32, #tpu.memory_space<vmem>>, vector<16xi32>,
      %swap3A_1132 = vector.shape_cast %swap3A_1131 : vector<16xi32> to vector<16xi32>
      %swap3A_1133 = vector.shape_cast %add3A_1129 : vector<16xi32> to vector<16xi32>
      tpu.vector_store %arg10[%swap3A_1130], %swap3A_1133 {strides = array<i32>} : memref<3328xi32, #tpu.memory_space<vmem>>, vector<16xi32>,
      %get3A_1134 = arith.constant 1632 : index
      %get3A_1135 = tpu.vector_load %arg9[%get3A_1134] {strides = array<i32>} : memref<3328xi32, #tpu.memory_space<vmem>>, vector<16xi32>,
      %get3A_1136 = vector.shape_cast %get3A_1135 : vector<16xi32> to vector<16xi32>
      %get3A_1137 = arith.constant 176 : index
      %get3A_1138 = tpu.vector_load %arg8[%get3A_1137] {strides = array<i32>} : memref<208xi32, #tpu.memory_space<vmem>>, vector<16xi32>,
      %get3A_1139 = vector.shape_cast %get3A_1138 : vector<16xi32> to vector<16xi32>
      %add3A_1140 = arith.addi %get3A_1136, %get3A_1139 : vector<16xi32>
      %swap3A_1141 = arith.constant 1632 : index
      %swap3A_1142 = tpu.vector_load %arg10[%swap3A_1141] {strides = array<i32>} : memref<3328xi32, #tpu.memory_space<vmem>>, vector<16xi32>,
      %swap3A_1143 = vector.shape_cast %swap3A_1142 : vector<16xi32> to vector<16xi32>
      %swap3A_1144 = vector.shape_cast %add3A_1140 : vector<16xi32> to vector<16xi32>
      tpu.vector_store %arg10[%swap3A_1141], %swap3A_1144 {strides = array<i32>} : memref<3328xi32, #tpu.memory_space<vmem>>, vector<16xi32>,
      %get3A_1145 = arith.constant 1648 : index
      %get3A_1146 = tpu.vector_load %arg9[%get3A_1145] {strides = array<i32>} : memref<3328xi32, #tpu.memory_space<vmem>>, vector<16xi32>,
      %get3A_1147 = vector.shape_cast %get3A_1146 : vector<16xi32> to vector<16xi32>
      %get3A_1148 = arith.constant 192 : index
      %get3A_1149 = tpu.vector_load %arg8[%get3A_1148] {strides = array<i32>} : memref<208xi32, #tpu.memory_space<vmem>>, vector<16xi32>,
      %get3A_1150 = vector.shape_cast %get3A_1149 : vector<16xi32> to vector<16xi32>
      %add3A_1151 = arith.addi %get3A_1147, %get3A_1150 : vector<16xi32>
      %swap3A_1152 = arith.constant 1648 : index
      %swap3A_1153 = tpu.vector_load %arg10[%swap3A_1152] {strides = array<i32>} : memref<3328xi32, #tpu.memory_space<vmem>>, vector<16xi32>,
      %swap3A_1154 = vector.shape_cast %swap3A_1153 : vector<16xi32> to vector<16xi32>
      %swap3A_1155 = vector.shape_cast %add3A_1151 : vector<16xi32> to vector<16xi32>
      tpu.vector_store %arg10[%swap3A_1152], %swap3A_1155 {strides = array<i32>} : memref<3328xi32, #tpu.memory_space<vmem>>, vector<16xi32>,
      %get3A_1156 = arith.constant 1664 : index
      %get3A_1157 = tpu.vector_load %arg9[%get3A_1156] {strides = array<i32>} : memref<3328xi32, #tpu.memory_space<vmem>>, vector<16xi32>,
      %get3A_1158 = vector.shape_cast %get3A_1157 : vector<16xi32> to vector<16xi32>
      %get3A_1159 = arith.constant 0 : index
      %get3A_1160 = tpu.vector_load %arg8[%get3A_1159] {strides = array<i32>} : memref<208xi32, #tpu.memory_space<vmem>>, vector<16xi32>,
      %get3A_1161 = vector.shape_cast %get3A_1160 : vector<16xi32> to vector<16xi32>
      %add3A_1162 = arith.addi %get3A_1158, %get3A_1161 : vector<16xi32>
      %swap3A_1163 = arith.constant 1664 : index
      %swap3A_1164 = tpu.vector_load %arg10[%swap3A_1163] {strides = array<i32>} : memref<3328xi32, #tpu.memory_space<vmem>>, vector<16xi32>,
      %swap3A_1165 = vector.shape_cast %swap3A_1164 : vector<16xi32> to vector<16xi32>
      %swap3A_1166 = vector.shape_cast %add3A_1162 : vector<16xi32> to vector<16xi32>
      tpu.vector_store %arg10[%swap3A_1163], %swap3A_1166 {strides = array<i32>} : memref<3328xi32, #tpu.memory_space<vmem>>, vector<16xi32>,
      %get3A_1167 = arith.constant 1680 : index
      %get3A_1168 = tpu.vector_load %arg9[%get3A_1167] {strides = array<i32>} : memref<3328xi32, #tpu.memory_space<vmem>>, vector<16xi32>,
      %get3A_1169 = vector.shape_cast %get3A_1168 : vector<16xi32> to vector<16xi32>
      %get3A_1170 = arith.constant 16 : index
      %get3A_1171 = tpu.vector_load %arg8[%get3A_1170] {strides = array<i32>} : memref<208xi32, #tpu.memory_space<vmem>>, vector<16xi32>,
      %get3A_1172 = vector.shape_cast %get3A_1171 : vector<16xi32> to vector<16xi32>
      %add3A_1173 = arith.addi %get3A_1169, %get3A_1172 : vector<16xi32>
      %swap3A_1174 = arith.constant 1680 : index
      %swap3A_1175 = tpu.vector_load %arg10[%swap3A_1174] {strides = array<i32>} : memref<3328xi32, #tpu.memory_space<vmem>>, vector<16xi32>,
      %swap3A_1176 = vector.shape_cast %swap3A_1175 : vector<16xi32> to vector<16xi32>
      %swap3A_1177 = vector.shape_cast %add3A_1173 : vector<16xi32> to vector<16xi32>
      tpu.vector_store %arg10[%swap3A_1174], %swap3A_1177 {strides = array<i32>} : memref<3328xi32, #tpu.memory_space<vmem>>, vector<16xi32>,
      %get3A_1178 = arith.constant 1696 : index
      %get3A_1179 = tpu.vector_load %arg9[%get3A_1178] {strides = array<i32>} : memref<3328xi32, #tpu.memory_space<vmem>>, vector<16xi32>,
      %get3A_1180 = vector.shape_cast %get3A_1179 : vector<16xi32> to vector<16xi32>
      %get3A_1181 = arith.constant 32 : index
      %get3A_1182 = tpu.vector_load %arg8[%get3A_1181] {strides = array<i32>} : memref<208xi32, #tpu.memory_space<vmem>>, vector<16xi32>,
      %get3A_1183 = vector.shape_cast %get3A_1182 : vector<16xi32> to vector<16xi32>
      %add3A_1184 = arith.addi %get3A_1180, %get3A_1183 : vector<16xi32>
      %swap3A_1185 = arith.constant 1696 : index
      %swap3A_1186 = tpu.vector_load %arg10[%swap3A_1185] {strides = array<i32>} : memref<3328xi32, #tpu.memory_space<vmem>>, vector<16xi32>,
      %swap3A_1187 = vector.shape_cast %swap3A_1186 : vector<16xi32> to vector<16xi32>
      %swap3A_1188 = vector.shape_cast %add3A_1184 : vector<16xi32> to vector<16xi32>
      tpu.vector_store %arg10[%swap3A_1185], %swap3A_1188 {strides = array<i32>} : memref<3328xi32, #tpu.memory_space<vmem>>, vector<16xi32>,
      %get3A_1189 = arith.constant 1712 : index
      %get3A_1190 = tpu.vector_load %arg9[%get3A_1189] {strides = array<i32>} : memref<3328xi32, #tpu.memory_space<vmem>>, vector<16xi32>,
      %get3A_1191 = vector.shape_cast %get3A_1190 : vector<16xi32> to vector<16xi32>
      %get3A_1192 = arith.constant 48 : index
      %get3A_1193 = tpu.vector_load %arg8[%get3A_1192] {strides = array<i32>} : memref<208xi32, #tpu.memory_space<vmem>>, vector<16xi32>,
      %get3A_1194 = vector.shape_cast %get3A_1193 : vector<16xi32> to vector<16xi32>
      %add3A_1195 = arith.addi %get3A_1191, %get3A_1194 : vector<16xi32>
      %swap3A_1196 = arith.constant 1712 : index
      %swap3A_1197 = tpu.vector_load %arg10[%swap3A_1196] {strides = array<i32>} : memref<3328xi32, #tpu.memory_space<vmem>>, vector<16xi32>,
      %swap3A_1198 = vector.shape_cast %swap3A_1197 : vector<16xi32> to vector<16xi32>
      %swap3A_1199 = vector.shape_cast %add3A_1195 : vector<16xi32> to vector<16xi32>
      tpu.vector_store %arg10[%swap3A_1196], %swap3A_1199 {strides = array<i32>} : memref<3328xi32, #tpu.memory_space<vmem>>, vector<16xi32>,
      %get3A_1200 = arith.constant 1728 : index
      %get3A_1201 = tpu.vector_load %arg9[%get3A_1200] {strides = array<i32>} : memref<3328xi32, #tpu.memory_space<vmem>>, vector<16xi32>,
      %get3A_1202 = vector.shape_cast %get3A_1201 : vector<16xi32> to vector<16xi32>
      %get3A_1203 = arith.constant 64 : index
      %get3A_1204 = tpu.vector_load %arg8[%get3A_1203] {strides = array<i32>} : memref<208xi32, #tpu.memory_space<vmem>>, vector<16xi32>,
      %get3A_1205 = vector.shape_cast %get3A_1204 : vector<16xi32> to vector<16xi32>
      %add3A_1206 = arith.addi %get3A_1202, %get3A_1205 : vector<16xi32>
      %swap3A_1207 = arith.constant 1728 : index
      %swap3A_1208 = tpu.vector_load %arg10[%swap3A_1207] {strides = array<i32>} : memref<3328xi32, #tpu.memory_space<vmem>>, vector<16xi32>,
      %swap3A_1209 = vector.shape_cast %swap3A_1208 : vector<16xi32> to vector<16xi32>
      %swap3A_1210 = vector.shape_cast %add3A_1206 : vector<16xi32> to vector<16xi32>
      tpu.vector_store %arg10[%swap3A_1207], %swap3A_1210 {strides = array<i32>} : memref<3328xi32, #tpu.memory_space<vmem>>, vector<16xi32>,
      %get3A_1211 = arith.constant 1744 : index
      %get3A_1212 = tpu.vector_load %arg9[%get3A_1211] {strides = array<i32>} : memref<3328xi32, #tpu.memory_space<vmem>>, vector<16xi32>,
      %get3A_1213 = vector.shape_cast %get3A_1212 : vector<16xi32> to vector<16xi32>
      %get3A_1214 = arith.constant 80 : index
      %get3A_1215 = tpu.vector_load %arg8[%get3A_1214] {strides = array<i32>} : memref<208xi32, #tpu.memory_space<vmem>>, vector<16xi32>,
      %get3A_1216 = vector.shape_cast %get3A_1215 : vector<16xi32> to vector<16xi32>
      %add3A_1217 = arith.addi %get3A_1213, %get3A_1216 : vector<16xi32>
      %swap3A_1218 = arith.constant 1744 : index
      %swap3A_1219 = tpu.vector_load %arg10[%swap3A_1218] {strides = array<i32>} : memref<3328xi32, #tpu.memory_space<vmem>>, vector<16xi32>,
      %swap3A_1220 = vector.shape_cast %swap3A_1219 : vector<16xi32> to vector<16xi32>
      %swap3A_1221 = vector.shape_cast %add3A_1217 : vector<16xi32> to vector<16xi32>
      tpu.vector_store %arg10[%swap3A_1218], %swap3A_1221 {strides = array<i32>} : memref<3328xi32, #tpu.memory_space<vmem>>, vector<16xi32>,
      %get3A_1222 = arith.constant 1760 : index
      %get3A_1223 = tpu.vector_load %arg9[%get3A_1222] {strides = array<i32>} : memref<3328xi32, #tpu.memory_space<vmem>>, vector<16xi32>,
      %get3A_1224 = vector.shape_cast %get3A_1223 : vector<16xi32> to vector<16xi32>
      %get3A_1225 = arith.constant 96 : index
      %get3A_1226 = tpu.vector_load %arg8[%get3A_1225] {strides = array<i32>} : memref<208xi32, #tpu.memory_space<vmem>>, vector<16xi32>,
      %get3A_1227 = vector.shape_cast %get3A_1226 : vector<16xi32> to vector<16xi32>
      %add3A_1228 = arith.addi %get3A_1224, %get3A_1227 : vector<16xi32>
      %swap3A_1229 = arith.constant 1760 : index
      %swap3A_1230 = tpu.vector_load %arg10[%swap3A_1229] {strides = array<i32>} : memref<3328xi32, #tpu.memory_space<vmem>>, vector<16xi32>,
      %swap3A_1231 = vector.shape_cast %swap3A_1230 : vector<16xi32> to vector<16xi32>
      %swap3A_1232 = vector.shape_cast %add3A_1228 : vector<16xi32> to vector<16xi32>
      tpu.vector_store %arg10[%swap3A_1229], %swap3A_1232 {strides = array<i32>} : memref<3328xi32, #tpu.memory_space<vmem>>, vector<16xi32>,
      %get3A_1233 = arith.constant 1776 : index
      %get3A_1234 = tpu.vector_load %arg9[%get3A_1233] {strides = array<i32>} : memref<3328xi32, #tpu.memory_space<vmem>>, vector<16xi32>,
      %get3A_1235 = vector.shape_cast %get3A_1234 : vector<16xi32> to vector<16xi32>
      %get3A_1236 = arith.constant 112 : index
      %get3A_1237 = tpu.vector_load %arg8[%get3A_1236] {strides = array<i32>} : memref<208xi32, #tpu.memory_space<vmem>>, vector<16xi32>,
      %get3A_1238 = vector.shape_cast %get3A_1237 : vector<16xi32> to vector<16xi32>
      %add3A_1239 = arith.addi %get3A_1235, %get3A_1238 : vector<16xi32>
      %swap3A_1240 = arith.constant 1776 : index
      %swap3A_1241 = tpu.vector_load %arg10[%swap3A_1240] {strides = array<i32>} : memref<3328xi32, #tpu.memory_space<vmem>>, vector<16xi32>,
      %swap3A_1242 = vector.shape_cast %swap3A_1241 : vector<16xi32> to vector<16xi32>
      %swap3A_1243 = vector.shape_cast %add3A_1239 : vector<16xi32> to vector<16xi32>
      tpu.vector_store %arg10[%swap3A_1240], %swap3A_1243 {strides = array<i32>} : memref<3328xi32, #tpu.memory_space<vmem>>, vector<16xi32>,
      %get3A_1244 = arith.constant 1792 : index
      %get3A_1245 = tpu.vector_load %arg9[%get3A_1244] {strides = array<i32>} : memref<3328xi32, #tpu.memory_space<vmem>>, vector<16xi32>,
      %get3A_1246 = vector.shape_cast %get3A_1245 : vector<16xi32> to vector<16xi32>
      %get3A_1247 = arith.constant 128 : index
      %get3A_1248 = tpu.vector_load %arg8[%get3A_1247] {strides = array<i32>} : memref<208xi32, #tpu.memory_space<vmem>>, vector<16xi32>,
      %get3A_1249 = vector.shape_cast %get3A_1248 : vector<16xi32> to vector<16xi32>
      %add3A_1250 = arith.addi %get3A_1246, %get3A_1249 : vector<16xi32>
      %swap3A_1251 = arith.constant 1792 : index
      %swap3A_1252 = tpu.vector_load %arg10[%swap3A_1251] {strides = array<i32>} : memref<3328xi32, #tpu.memory_space<vmem>>, vector<16xi32>,
      %swap3A_1253 = vector.shape_cast %swap3A_1252 : vector<16xi32> to vector<16xi32>
      %swap3A_1254 = vector.shape_cast %add3A_1250 : vector<16xi32> to vector<16xi32>
      tpu.vector_store %arg10[%swap3A_1251], %swap3A_1254 {strides = array<i32>} : memref<3328xi32, #tpu.memory_space<vmem>>, vector<16xi32>,
      %get3A_1255 = arith.constant 1808 : index
      %get3A_1256 = tpu.vector_load %arg9[%get3A_1255] {strides = array<i32>} : memref<3328xi32, #tpu.memory_space<vmem>>, vector<16xi32>,
      %get3A_1257 = vector.shape_cast %get3A_1256 : vector<16xi32> to vector<16xi32>
      %get3A_1258 = arith.constant 144 : index
      %get3A_1259 = tpu.vector_load %arg8[%get3A_1258] {strides = array<i32>} : memref<208xi32, #tpu.memory_space<vmem>>, vector<16xi32>,
      %get3A_1260 = vector.shape_cast %get3A_1259 : vector<16xi32> to vector<16xi32>
      %add3A_1261 = arith.addi %get3A_1257, %get3A_1260 : vector<16xi32>
      %swap3A_1262 = arith.constant 1808 : index
      %swap3A_1263 = tpu.vector_load %arg10[%swap3A_1262] {strides = array<i32>} : memref<3328xi32, #tpu.memory_space<vmem>>, vector<16xi32>,
      %swap3A_1264 = vector.shape_cast %swap3A_1263 : vector<16xi32> to vector<16xi32>
      %swap3A_1265 = vector.shape_cast %add3A_1261 : vector<16xi32> to vector<16xi32>
      tpu.vector_store %arg10[%swap3A_1262], %swap3A_1265 {strides = array<i32>} : memref<3328xi32, #tpu.memory_space<vmem>>, vector<16xi32>,
      %get3A_1266 = arith.constant 1824 : index
      %get3A_1267 = tpu.vector_load %arg9[%get3A_1266] {strides = array<i32>} : memref<3328xi32, #tpu.memory_space<vmem>>, vector<16xi32>,
      %get3A_1268 = vector.shape_cast %get3A_1267 : vector<16xi32> to vector<16xi32>
      %get3A_1269 = arith.constant 160 : index
      %get3A_1270 = tpu.vector_load %arg8[%get3A_1269] {strides = array<i32>} : memref<208xi32, #tpu.memory_space<vmem>>, vector<16xi32>,
      %get3A_1271 = vector.shape_cast %get3A_1270 : vector<16xi32> to vector<16xi32>
      %add3A_1272 = arith.addi %get3A_1268, %get3A_1271 : vector<16xi32>
      %swap3A_1273 = arith.constant 1824 : index
      %swap3A_1274 = tpu.vector_load %arg10[%swap3A_1273] {strides = array<i32>} : memref<3328xi32, #tpu.memory_space<vmem>>, vector<16xi32>,
      %swap3A_1275 = vector.shape_cast %swap3A_1274 : vector<16xi32> to vector<16xi32>
      %swap3A_1276 = vector.shape_cast %add3A_1272 : vector<16xi32> to vector<16xi32>
      tpu.vector_store %arg10[%swap3A_1273], %swap3A_1276 {strides = array<i32>} : memref<3328xi32, #tpu.memory_space<vmem>>, vector<16xi32>,
      %get3A_1277 = arith.constant 1840 : index
      %get3A_1278 = tpu.vector_load %arg9[%get3A_1277] {strides = array<i32>} : memref<3328xi32, #tpu.memory_space<vmem>>, vector<16xi32>,
      %get3A_1279 = vector.shape_cast %get3A_1278 : vector<16xi32> to vector<16xi32>
      %get3A_1280 = arith.constant 176 : index
      %get3A_1281 = tpu.vector_load %arg8[%get3A_1280] {strides = array<i32>} : memref<208xi32, #tpu.memory_space<vmem>>, vector<16xi32>,
      %get3A_1282 = vector.shape_cast %get3A_1281 : vector<16xi32> to vector<16xi32>
      %add3A_1283 = arith.addi %get3A_1279, %get3A_1282 : vector<16xi32>
      %swap3A_1284 = arith.constant 1840 : index
      %swap3A_1285 = tpu.vector_load %arg10[%swap3A_1284] {strides = array<i32>} : memref<3328xi32, #tpu.memory_space<vmem>>, vector<16xi32>,
      %swap3A_1286 = vector.shape_cast %swap3A_1285 : vector<16xi32> to vector<16xi32>
      %swap3A_1287 = vector.shape_cast %add3A_1283 : vector<16xi32> to vector<16xi32>
      tpu.vector_store %arg10[%swap3A_1284], %swap3A_1287 {strides = array<i32>} : memref<3328xi32, #tpu.memory_space<vmem>>, vector<16xi32>,
      %get3A_1288 = arith.constant 1856 : index
      %get3A_1289 = tpu.vector_load %arg9[%get3A_1288] {strides = array<i32>} : memref<3328xi32, #tpu.memory_space<vmem>>, vector<16xi32>,
      %get3A_1290 = vector.shape_cast %get3A_1289 : vector<16xi32> to vector<16xi32>
      %get3A_1291 = arith.constant 192 : index
      %get3A_1292 = tpu.vector_load %arg8[%get3A_1291] {strides = array<i32>} : memref<208xi32, #tpu.memory_space<vmem>>, vector<16xi32>,
      %get3A_1293 = vector.shape_cast %get3A_1292 : vector<16xi32> to vector<16xi32>
      %add3A_1294 = arith.addi %get3A_1290, %get3A_1293 : vector<16xi32>
      %swap3A_1295 = arith.constant 1856 : index
      %swap3A_1296 = tpu.vector_load %arg10[%swap3A_1295] {strides = array<i32>} : memref<3328xi32, #tpu.memory_space<vmem>>, vector<16xi32>,
      %swap3A_1297 = vector.shape_cast %swap3A_1296 : vector<16xi32> to vector<16xi32>
      %swap3A_1298 = vector.shape_cast %add3A_1294 : vector<16xi32> to vector<16xi32>
      tpu.vector_store %arg10[%swap3A_1295], %swap3A_1298 {strides = array<i32>} : memref<3328xi32, #tpu.memory_space<vmem>>, vector<16xi32>,
      %get3A_1299 = arith.constant 1872 : index
      %get3A_1300 = tpu.vector_load %arg9[%get3A_1299] {strides = array<i32>} : memref<3328xi32, #tpu.memory_space<vmem>>, vector<16xi32>,
      %get3A_1301 = vector.shape_cast %get3A_1300 : vector<16xi32> to vector<16xi32>
      %get3A_1302 = arith.constant 0 : index
      %get3A_1303 = tpu.vector_load %arg8[%get3A_1302] {strides = array<i32>} : memref<208xi32, #tpu.memory_space<vmem>>, vector<16xi32>,
      %get3A_1304 = vector.shape_cast %get3A_1303 : vector<16xi32> to vector<16xi32>
      %add3A_1305 = arith.addi %get3A_1301, %get3A_1304 : vector<16xi32>
      %swap3A_1306 = arith.constant 1872 : index
      %swap3A_1307 = tpu.vector_load %arg10[%swap3A_1306] {strides = array<i32>} : memref<3328xi32, #tpu.memory_space<vmem>>, vector<16xi32>,
      %swap3A_1308 = vector.shape_cast %swap3A_1307 : vector<16xi32> to vector<16xi32>
      %swap3A_1309 = vector.shape_cast %add3A_1305 : vector<16xi32> to vector<16xi32>
      tpu.vector_store %arg10[%swap3A_1306], %swap3A_1309 {strides = array<i32>} : memref<3328xi32, #tpu.memory_space<vmem>>, vector<16xi32>,
      %get3A_1310 = arith.constant 1888 : index
      %get3A_1311 = tpu.vector_load %arg9[%get3A_1310] {strides = array<i32>} : memref<3328xi32, #tpu.memory_space<vmem>>, vector<16xi32>,
      %get3A_1312 = vector.shape_cast %get3A_1311 : vector<16xi32> to vector<16xi32>
      %get3A_1313 = arith.constant 16 : index
      %get3A_1314 = tpu.vector_load %arg8[%get3A_1313] {strides = array<i32>} : memref<208xi32, #tpu.memory_space<vmem>>, vector<16xi32>,
      %get3A_1315 = vector.shape_cast %get3A_1314 : vector<16xi32> to vector<16xi32>
      %add3A_1316 = arith.addi %get3A_1312, %get3A_1315 : vector<16xi32>
      %swap3A_1317 = arith.constant 1888 : index
      %swap3A_1318 = tpu.vector_load %arg10[%swap3A_1317] {strides = array<i32>} : memref<3328xi32, #tpu.memory_space<vmem>>, vector<16xi32>,
      %swap3A_1319 = vector.shape_cast %swap3A_1318 : vector<16xi32> to vector<16xi32>
      %swap3A_1320 = vector.shape_cast %add3A_1316 : vector<16xi32> to vector<16xi32>
      tpu.vector_store %arg10[%swap3A_1317], %swap3A_1320 {strides = array<i32>} : memref<3328xi32, #tpu.memory_space<vmem>>, vector<16xi32>,
      %get3A_1321 = arith.constant 1904 : index
      %get3A_1322 = tpu.vector_load %arg9[%get3A_1321] {strides = array<i32>} : memref<3328xi32, #tpu.memory_space<vmem>>, vector<16xi32>,
      %get3A_1323 = vector.shape_cast %get3A_1322 : vector<16xi32> to vector<16xi32>
      %get3A_1324 = arith.constant 32 : index
      %get3A_1325 = tpu.vector_load %arg8[%get3A_1324] {strides = array<i32>} : memref<208xi32, #tpu.memory_space<vmem>>, vector<16xi32>,
      %get3A_1326 = vector.shape_cast %get3A_1325 : vector<16xi32> to vector<16xi32>
      %add3A_1327 = arith.addi %get3A_1323, %get3A_1326 : vector<16xi32>
      %swap3A_1328 = arith.constant 1904 : index
      %swap3A_1329 = tpu.vector_load %arg10[%swap3A_1328] {strides = array<i32>} : memref<3328xi32, #tpu.memory_space<vmem>>, vector<16xi32>,
      %swap3A_1330 = vector.shape_cast %swap3A_1329 : vector<16xi32> to vector<16xi32>
      %swap3A_1331 = vector.shape_cast %add3A_1327 : vector<16xi32> to vector<16xi32>
      tpu.vector_store %arg10[%swap3A_1328], %swap3A_1331 {strides = array<i32>} : memref<3328xi32, #tpu.memory_space<vmem>>, vector<16xi32>,
      %get3A_1332 = arith.constant 1920 : index
      %get3A_1333 = tpu.vector_load %arg9[%get3A_1332] {strides = array<i32>} : memref<3328xi32, #tpu.memory_space<vmem>>, vector<16xi32>,
      %get3A_1334 = vector.shape_cast %get3A_1333 : vector<16xi32> to vector<16xi32>
      %get3A_1335 = arith.constant 48 : index
      %get3A_1336 = tpu.vector_load %arg8[%get3A_1335] {strides = array<i32>} : memref<208xi32, #tpu.memory_space<vmem>>, vector<16xi32>,
      %get3A_1337 = vector.shape_cast %get3A_1336 : vector<16xi32> to vector<16xi32>
      %add3A_1338 = arith.addi %get3A_1334, %get3A_1337 : vector<16xi32>
      %swap3A_1339 = arith.constant 1920 : index
      %swap3A_1340 = tpu.vector_load %arg10[%swap3A_1339] {strides = array<i32>} : memref<3328xi32, #tpu.memory_space<vmem>>, vector<16xi32>,
      %swap3A_1341 = vector.shape_cast %swap3A_1340 : vector<16xi32> to vector<16xi32>
      %swap3A_1342 = vector.shape_cast %add3A_1338 : vector<16xi32> to vector<16xi32>
      tpu.vector_store %arg10[%swap3A_1339], %swap3A_1342 {strides = array<i32>} : memref<3328xi32, #tpu.memory_space<vmem>>, vector<16xi32>,
      %get3A_1343 = arith.constant 1936 : index
      %get3A_1344 = tpu.vector_load %arg9[%get3A_1343] {strides = array<i32>} : memref<3328xi32, #tpu.memory_space<vmem>>, vector<16xi32>,
      %get3A_1345 = vector.shape_cast %get3A_1344 : vector<16xi32> to vector<16xi32>
      %get3A_1346 = arith.constant 64 : index
      %get3A_1347 = tpu.vector_load %arg8[%get3A_1346] {strides = array<i32>} : memref<208xi32, #tpu.memory_space<vmem>>, vector<16xi32>,
      %get3A_1348 = vector.shape_cast %get3A_1347 : vector<16xi32> to vector<16xi32>
      %add3A_1349 = arith.addi %get3A_1345, %get3A_1348 : vector<16xi32>
      %swap3A_1350 = arith.constant 1936 : index
      %swap3A_1351 = tpu.vector_load %arg10[%swap3A_1350] {strides = array<i32>} : memref<3328xi32, #tpu.memory_space<vmem>>, vector<16xi32>,
      %swap3A_1352 = vector.shape_cast %swap3A_1351 : vector<16xi32> to vector<16xi32>
      %swap3A_1353 = vector.shape_cast %add3A_1349 : vector<16xi32> to vector<16xi32>
      tpu.vector_store %arg10[%swap3A_1350], %swap3A_1353 {strides = array<i32>} : memref<3328xi32, #tpu.memory_space<vmem>>, vector<16xi32>,
      %get3A_1354 = arith.constant 1952 : index
      %get3A_1355 = tpu.vector_load %arg9[%get3A_1354] {strides = array<i32>} : memref<3328xi32, #tpu.memory_space<vmem>>, vector<16xi32>,
      %get3A_1356 = vector.shape_cast %get3A_1355 : vector<16xi32> to vector<16xi32>
      %get3A_1357 = arith.constant 80 : index
      %get3A_1358 = tpu.vector_load %arg8[%get3A_1357] {strides = array<i32>} : memref<208xi32, #tpu.memory_space<vmem>>, vector<16xi32>,
      %get3A_1359 = vector.shape_cast %get3A_1358 : vector<16xi32> to vector<16xi32>
      %add3A_1360 = arith.addi %get3A_1356, %get3A_1359 : vector<16xi32>
      %swap3A_1361 = arith.constant 1952 : index
      %swap3A_1362 = tpu.vector_load %arg10[%swap3A_1361] {strides = array<i32>} : memref<3328xi32, #tpu.memory_space<vmem>>, vector<16xi32>,
      %swap3A_1363 = vector.shape_cast %swap3A_1362 : vector<16xi32> to vector<16xi32>
      %swap3A_1364 = vector.shape_cast %add3A_1360 : vector<16xi32> to vector<16xi32>
      tpu.vector_store %arg10[%swap3A_1361], %swap3A_1364 {strides = array<i32>} : memref<3328xi32, #tpu.memory_space<vmem>>, vector<16xi32>,
      %get3A_1365 = arith.constant 1968 : index
      %get3A_1366 = tpu.vector_load %arg9[%get3A_1365] {strides = array<i32>} : memref<3328xi32, #tpu.memory_space<vmem>>, vector<16xi32>,
      %get3A_1367 = vector.shape_cast %get3A_1366 : vector<16xi32> to vector<16xi32>
      %get3A_1368 = arith.constant 96 : index
      %get3A_1369 = tpu.vector_load %arg8[%get3A_1368] {strides = array<i32>} : memref<208xi32, #tpu.memory_space<vmem>>, vector<16xi32>,
      %get3A_1370 = vector.shape_cast %get3A_1369 : vector<16xi32> to vector<16xi32>
      %add3A_1371 = arith.addi %get3A_1367, %get3A_1370 : vector<16xi32>
      %swap3A_1372 = arith.constant 1968 : index
      %swap3A_1373 = tpu.vector_load %arg10[%swap3A_1372] {strides = array<i32>} : memref<3328xi32, #tpu.memory_space<vmem>>, vector<16xi32>,
      %swap3A_1374 = vector.shape_cast %swap3A_1373 : vector<16xi32> to vector<16xi32>
      %swap3A_1375 = vector.shape_cast %add3A_1371 : vector<16xi32> to vector<16xi32>
      tpu.vector_store %arg10[%swap3A_1372], %swap3A_1375 {strides = array<i32>} : memref<3328xi32, #tpu.memory_space<vmem>>, vector<16xi32>,
      %get3A_1376 = arith.constant 1984 : index
      %get3A_1377 = tpu.vector_load %arg9[%get3A_1376] {strides = array<i32>} : memref<3328xi32, #tpu.memory_space<vmem>>, vector<16xi32>,
      %get3A_1378 = vector.shape_cast %get3A_1377 : vector<16xi32> to vector<16xi32>
      %get3A_1379 = arith.constant 112 : index
      %get3A_1380 = tpu.vector_load %arg8[%get3A_1379] {strides = array<i32>} : memref<208xi32, #tpu.memory_space<vmem>>, vector<16xi32>,
      %get3A_1381 = vector.shape_cast %get3A_1380 : vector<16xi32> to vector<16xi32>
      %add3A_1382 = arith.addi %get3A_1378, %get3A_1381 : vector<16xi32>
      %swap3A_1383 = arith.constant 1984 : index
      %swap3A_1384 = tpu.vector_load %arg10[%swap3A_1383] {strides = array<i32>} : memref<3328xi32, #tpu.memory_space<vmem>>, vector<16xi32>,
      %swap3A_1385 = vector.shape_cast %swap3A_1384 : vector<16xi32> to vector<16xi32>
      %swap3A_1386 = vector.shape_cast %add3A_1382 : vector<16xi32> to vector<16xi32>
      tpu.vector_store %arg10[%swap3A_1383], %swap3A_1386 {strides = array<i32>} : memref<3328xi32, #tpu.memory_space<vmem>>, vector<16xi32>,
      %get3A_1387 = arith.constant 2000 : index
      %get3A_1388 = tpu.vector_load %arg9[%get3A_1387] {strides = array<i32>} : memref<3328xi32, #tpu.memory_space<vmem>>, vector<16xi32>,
      %get3A_1389 = vector.shape_cast %get3A_1388 : vector<16xi32> to vector<16xi32>
      %get3A_1390 = arith.constant 128 : index
      %get3A_1391 = tpu.vector_load %arg8[%get3A_1390] {strides = array<i32>} : memref<208xi32, #tpu.memory_space<vmem>>, vector<16xi32>,
      %get3A_1392 = vector.shape_cast %get3A_1391 : vector<16xi32> to vector<16xi32>
      %add3A_1393 = arith.addi %get3A_1389, %get3A_1392 : vector<16xi32>
      %swap3A_1394 = arith.constant 2000 : index
      %swap3A_1395 = tpu.vector_load %arg10[%swap3A_1394] {strides = array<i32>} : memref<3328xi32, #tpu.memory_space<vmem>>, vector<16xi32>,
      %swap3A_1396 = vector.shape_cast %swap3A_1395 : vector<16xi32> to vector<16xi32>
      %swap3A_1397 = vector.shape_cast %add3A_1393 : vector<16xi32> to vector<16xi32>
      tpu.vector_store %arg10[%swap3A_1394], %swap3A_1397 {strides = array<i32>} : memref<3328xi32, #tpu.memory_space<vmem>>, vector<16xi32>,
      %get3A_1398 = arith.constant 2016 : index
      %get3A_1399 = tpu.vector_load %arg9[%get3A_1398] {strides = array<i32>} : memref<3328xi32, #tpu.memory_space<vmem>>, vector<16xi32>,
      %get3A_1400 = vector.shape_cast %get3A_1399 : vector<16xi32> to vector<16xi32>
      %get3A_1401 = arith.constant 144 : index
      %get3A_1402 = tpu.vector_load %arg8[%get3A_1401] {strides = array<i32>} : memref<208xi32, #tpu.memory_space<vmem>>, vector<16xi32>,
      %get3A_1403 = vector.shape_cast %get3A_1402 : vector<16xi32> to vector<16xi32>
      %add3A_1404 = arith.addi %get3A_1400, %get3A_1403 : vector<16xi32>
      %swap3A_1405 = arith.constant 2016 : index
      %swap3A_1406 = tpu.vector_load %arg10[%swap3A_1405] {strides = array<i32>} : memref<3328xi32, #tpu.memory_space<vmem>>, vector<16xi32>,
      %swap3A_1407 = vector.shape_cast %swap3A_1406 : vector<16xi32> to vector<16xi32>
      %swap3A_1408 = vector.shape_cast %add3A_1404 : vector<16xi32> to vector<16xi32>
      tpu.vector_store %arg10[%swap3A_1405], %swap3A_1408 {strides = array<i32>} : memref<3328xi32, #tpu.memory_space<vmem>>, vector<16xi32>,
      %get3A_1409 = arith.constant 2032 : index
      %get3A_1410 = tpu.vector_load %arg9[%get3A_1409] {strides = array<i32>} : memref<3328xi32, #tpu.memory_space<vmem>>, vector<16xi32>,
      %get3A_1411 = vector.shape_cast %get3A_1410 : vector<16xi32> to vector<16xi32>
      %get3A_1412 = arith.constant 160 : index
      %get3A_1413 = tpu.vector_load %arg8[%get3A_1412] {strides = array<i32>} : memref<208xi32, #tpu.memory_space<vmem>>, vector<16xi32>,
      %get3A_1414 = vector.shape_cast %get3A_1413 : vector<16xi32> to vector<16xi32>
      %add3A_1415 = arith.addi %get3A_1411, %get3A_1414 : vector<16xi32>
      %swap3A_1416 = arith.constant 2032 : index
      %swap3A_1417 = tpu.vector_load %arg10[%swap3A_1416] {strides = array<i32>} : memref<3328xi32, #tpu.memory_space<vmem>>, vector<16xi32>,
      %swap3A_1418 = vector.shape_cast %swap3A_1417 : vector<16xi32> to vector<16xi32>
      %swap3A_1419 = vector.shape_cast %add3A_1415 : vector<16xi32> to vector<16xi32>
      tpu.vector_store %arg10[%swap3A_1416], %swap3A_1419 {strides = array<i32>} : memref<3328xi32, #tpu.memory_space<vmem>>, vector<16xi32>,
      %get3A_1420 = arith.constant 2048 : index
      %get3A_1421 = tpu.vector_load %arg9[%get3A_1420] {strides = array<i32>} : memref<3328xi32, #tpu.memory_space<vmem>>, vector<16xi32>,
      %get3A_1422 = vector.shape_cast %get3A_1421 : vector<16xi32> to vector<16xi32>
      %get3A_1423 = arith.constant 176 : index
      %get3A_1424 = tpu.vector_load %arg8[%get3A_1423] {strides = array<i32>} : memref<208xi32, #tpu.memory_space<vmem>>, vector<16xi32>,
      %get3A_1425 = vector.shape_cast %get3A_1424 : vector<16xi32> to vector<16xi32>
      %add3A_1426 = arith.addi %get3A_1422, %get3A_1425 : vector<16xi32>
      %swap3A_1427 = arith.constant 2048 : index
      %swap3A_1428 = tpu.vector_load %arg10[%swap3A_1427] {strides = array<i32>} : memref<3328xi32, #tpu.memory_space<vmem>>, vector<16xi32>,
      %swap3A_1429 = vector.shape_cast %swap3A_1428 : vector<16xi32> to vector<16xi32>
      %swap3A_1430 = vector.shape_cast %add3A_1426 : vector<16xi32> to vector<16xi32>
      tpu.vector_store %arg10[%swap3A_1427], %swap3A_1430 {strides = array<i32>} : memref<3328xi32, #tpu.memory_space<vmem>>, vector<16xi32>,
      %get3A_1431 = arith.constant 2064 : index
      %get3A_1432 = tpu.vector_load %arg9[%get3A_1431] {strides = array<i32>} : memref<3328xi32, #tpu.memory_space<vmem>>, vector<16xi32>,
      %get3A_1433 = vector.shape_cast %get3A_1432 : vector<16xi32> to vector<16xi32>
      %get3A_1434 = arith.constant 192 : index
      %get3A_1435 = tpu.vector_load %arg8[%get3A_1434] {strides = array<i32>} : memref<208xi32, #tpu.memory_space<vmem>>, vector<16xi32>,
      %get3A_1436 = vector.shape_cast %get3A_1435 : vector<16xi32> to vector<16xi32>
      %add3A_1437 = arith.addi %get3A_1433, %get3A_1436 : vector<16xi32>
      %swap3A_1438 = arith.constant 2064 : index
      %swap3A_1439 = tpu.vector_load %arg10[%swap3A_1438] {strides = array<i32>} : memref<3328xi32, #tpu.memory_space<vmem>>, vector<16xi32>,
      %swap3A_1440 = vector.shape_cast %swap3A_1439 : vector<16xi32> to vector<16xi32>
      %swap3A_1441 = vector.shape_cast %add3A_1437 : vector<16xi32> to vector<16xi32>
      tpu.vector_store %arg10[%swap3A_1438], %swap3A_1441 {strides = array<i32>} : memref<3328xi32, #tpu.memory_space<vmem>>, vector<16xi32>,
      %get3A_1442 = arith.constant 2080 : index
      %get3A_1443 = tpu.vector_load %arg9[%get3A_1442] {strides = array<i32>} : memref<3328xi32, #tpu.memory_space<vmem>>, vector<16xi32>,
      %get3A_1444 = vector.shape_cast %get3A_1443 : vector<16xi32> to vector<16xi32>
      %get3A_1445 = arith.constant 0 : index
      %get3A_1446 = tpu.vector_load %arg8[%get3A_1445] {strides = array<i32>} : memref<208xi32, #tpu.memory_space<vmem>>, vector<16xi32>,
      %get3A_1447 = vector.shape_cast %get3A_1446 : vector<16xi32> to vector<16xi32>
      %add3A_1448 = arith.addi %get3A_1444, %get3A_1447 : vector<16xi32>
      %swap3A_1449 = arith.constant 2080 : index
      %swap3A_1450 = tpu.vector_load %arg10[%swap3A_1449] {strides = array<i32>} : memref<3328xi32, #tpu.memory_space<vmem>>, vector<16xi32>,
      %swap3A_1451 = vector.shape_cast %swap3A_1450 : vector<16xi32> to vector<16xi32>
      %swap3A_1452 = vector.shape_cast %add3A_1448 : vector<16xi32> to vector<16xi32>
      tpu.vector_store %arg10[%swap3A_1449], %swap3A_1452 {strides = array<i32>} : memref<3328xi32, #tpu.memory_space<vmem>>, vector<16xi32>,
      %get3A_1453 = arith.constant 2096 : index
      %get3A_1454 = tpu.vector_load %arg9[%get3A_1453] {strides = array<i32>} : memref<3328xi32, #tpu.memory_space<vmem>>, vector<16xi32>,
      %get3A_1455 = vector.shape_cast %get3A_1454 : vector<16xi32> to vector<16xi32>
      %get3A_1456 = arith.constant 16 : index
      %get3A_1457 = tpu.vector_load %arg8[%get3A_1456] {strides = array<i32>} : memref<208xi32, #tpu.memory_space<vmem>>, vector<16xi32>,
      %get3A_1458 = vector.shape_cast %get3A_1457 : vector<16xi32> to vector<16xi32>
      %add3A_1459 = arith.addi %get3A_1455, %get3A_1458 : vector<16xi32>
      %swap3A_1460 = arith.constant 2096 : index
      %swap3A_1461 = tpu.vector_load %arg10[%swap3A_1460] {strides = array<i32>} : memref<3328xi32, #tpu.memory_space<vmem>>, vector<16xi32>,
      %swap3A_1462 = vector.shape_cast %swap3A_1461 : vector<16xi32> to vector<16xi32>
      %swap3A_1463 = vector.shape_cast %add3A_1459 : vector<16xi32> to vector<16xi32>
      tpu.vector_store %arg10[%swap3A_1460], %swap3A_1463 {strides = array<i32>} : memref<3328xi32, #tpu.memory_space<vmem>>, vector<16xi32>,
      %get3A_1464 = arith.constant 2112 : index
      %get3A_1465 = tpu.vector_load %arg9[%get3A_1464] {strides = array<i32>} : memref<3328xi32, #tpu.memory_space<vmem>>, vector<16xi32>,
      %get3A_1466 = vector.shape_cast %get3A_1465 : vector<16xi32> to vector<16xi32>
      %get3A_1467 = arith.constant 32 : index
      %get3A_1468 = tpu.vector_load %arg8[%get3A_1467] {strides = array<i32>} : memref<208xi32, #tpu.memory_space<vmem>>, vector<16xi32>,
      %get3A_1469 = vector.shape_cast %get3A_1468 : vector<16xi32> to vector<16xi32>
      %add3A_1470 = arith.addi %get3A_1466, %get3A_1469 : vector<16xi32>
      %swap3A_1471 = arith.constant 2112 : index
      %swap3A_1472 = tpu.vector_load %arg10[%swap3A_1471] {strides = array<i32>} : memref<3328xi32, #tpu.memory_space<vmem>>, vector<16xi32>,
      %swap3A_1473 = vector.shape_cast %swap3A_1472 : vector<16xi32> to vector<16xi32>
      %swap3A_1474 = vector.shape_cast %add3A_1470 : vector<16xi32> to vector<16xi32>
      tpu.vector_store %arg10[%swap3A_1471], %swap3A_1474 {strides = array<i32>} : memref<3328xi32, #tpu.memory_space<vmem>>, vector<16xi32>,
      %get3A_1475 = arith.constant 2128 : index
      %get3A_1476 = tpu.vector_load %arg9[%get3A_1475] {strides = array<i32>} : memref<3328xi32, #tpu.memory_space<vmem>>, vector<16xi32>,
      %get3A_1477 = vector.shape_cast %get3A_1476 : vector<16xi32> to vector<16xi32>
      %get3A_1478 = arith.constant 48 : index
      %get3A_1479 = tpu.vector_load %arg8[%get3A_1478] {strides = array<i32>} : memref<208xi32, #tpu.memory_space<vmem>>, vector<16xi32>,
      %get3A_1480 = vector.shape_cast %get3A_1479 : vector<16xi32> to vector<16xi32>
      %add3A_1481 = arith.addi %get3A_1477, %get3A_1480 : vector<16xi32>
      %swap3A_1482 = arith.constant 2128 : index
      %swap3A_1483 = tpu.vector_load %arg10[%swap3A_1482] {strides = array<i32>} : memref<3328xi32, #tpu.memory_space<vmem>>, vector<16xi32>,
      %swap3A_1484 = vector.shape_cast %swap3A_1483 : vector<16xi32> to vector<16xi32>
      %swap3A_1485 = vector.shape_cast %add3A_1481 : vector<16xi32> to vector<16xi32>
      tpu.vector_store %arg10[%swap3A_1482], %swap3A_1485 {strides = array<i32>} : memref<3328xi32, #tpu.memory_space<vmem>>, vector<16xi32>,
      %get3A_1486 = arith.constant 2144 : index
      %get3A_1487 = tpu.vector_load %arg9[%get3A_1486] {strides = array<i32>} : memref<3328xi32, #tpu.memory_space<vmem>>, vector<16xi32>,
      %get3A_1488 = vector.shape_cast %get3A_1487 : vector<16xi32> to vector<16xi32>
      %get3A_1489 = arith.constant 64 : index
      %get3A_1490 = tpu.vector_load %arg8[%get3A_1489] {strides = array<i32>} : memref<208xi32, #tpu.memory_space<vmem>>, vector<16xi32>,
      %get3A_1491 = vector.shape_cast %get3A_1490 : vector<16xi32> to vector<16xi32>
      %add3A_1492 = arith.addi %get3A_1488, %get3A_1491 : vector<16xi32>
      %swap3A_1493 = arith.constant 2144 : index
      %swap3A_1494 = tpu.vector_load %arg10[%swap3A_1493] {strides = array<i32>} : memref<3328xi32, #tpu.memory_space<vmem>>, vector<16xi32>,
      %swap3A_1495 = vector.shape_cast %swap3A_1494 : vector<16xi32> to vector<16xi32>
      %swap3A_1496 = vector.shape_cast %add3A_1492 : vector<16xi32> to vector<16xi32>
      tpu.vector_store %arg10[%swap3A_1493], %swap3A_1496 {strides = array<i32>} : memref<3328xi32, #tpu.memory_space<vmem>>, vector<16xi32>,
      %get3A_1497 = arith.constant 2160 : index
      %get3A_1498 = tpu.vector_load %arg9[%get3A_1497] {strides = array<i32>} : memref<3328xi32, #tpu.memory_space<vmem>>, vector<16xi32>,
      %get3A_1499 = vector.shape_cast %get3A_1498 : vector<16xi32> to vector<16xi32>
      %get3A_1500 = arith.constant 80 : index
      %get3A_1501 = tpu.vector_load %arg8[%get3A_1500] {strides = array<i32>} : memref<208xi32, #tpu.memory_space<vmem>>, vector<16xi32>,
      %get3A_1502 = vector.shape_cast %get3A_1501 : vector<16xi32> to vector<16xi32>
      %add3A_1503 = arith.addi %get3A_1499, %get3A_1502 : vector<16xi32>
      %swap3A_1504 = arith.constant 2160 : index
      %swap3A_1505 = tpu.vector_load %arg10[%swap3A_1504] {strides = array<i32>} : memref<3328xi32, #tpu.memory_space<vmem>>, vector<16xi32>,
      %swap3A_1506 = vector.shape_cast %swap3A_1505 : vector<16xi32> to vector<16xi32>
      %swap3A_1507 = vector.shape_cast %add3A_1503 : vector<16xi32> to vector<16xi32>
      tpu.vector_store %arg10[%swap3A_1504], %swap3A_1507 {strides = array<i32>} : memref<3328xi32, #tpu.memory_space<vmem>>, vector<16xi32>,
      %get3A_1508 = arith.constant 2176 : index
      %get3A_1509 = tpu.vector_load %arg9[%get3A_1508] {strides = array<i32>} : memref<3328xi32, #tpu.memory_space<vmem>>, vector<16xi32>,
      %get3A_1510 = vector.shape_cast %get3A_1509 : vector<16xi32> to vector<16xi32>
      %get3A_1511 = arith.constant 96 : index
      %get3A_1512 = tpu.vector_load %arg8[%get3A_1511] {strides = array<i32>} : memref<208xi32, #tpu.memory_space<vmem>>, vector<16xi32>,
      %get3A_1513 = vector.shape_cast %get3A_1512 : vector<16xi32> to vector<16xi32>
      %add3A_1514 = arith.addi %get3A_1510, %get3A_1513 : vector<16xi32>
      %swap3A_1515 = arith.constant 2176 : index
      %swap3A_1516 = tpu.vector_load %arg10[%swap3A_1515] {strides = array<i32>} : memref<3328xi32, #tpu.memory_space<vmem>>, vector<16xi32>,
      %swap3A_1517 = vector.shape_cast %swap3A_1516 : vector<16xi32> to vector<16xi32>
      %swap3A_1518 = vector.shape_cast %add3A_1514 : vector<16xi32> to vector<16xi32>
      tpu.vector_store %arg10[%swap3A_1515], %swap3A_1518 {strides = array<i32>} : memref<3328xi32, #tpu.memory_space<vmem>>, vector<16xi32>,
      %get3A_1519 = arith.constant 2192 : index
      %get3A_1520 = tpu.vector_load %arg9[%get3A_1519] {strides = array<i32>} : memref<3328xi32, #tpu.memory_space<vmem>>, vector<16xi32>,
      %get3A_1521 = vector.shape_cast %get3A_1520 : vector<16xi32> to vector<16xi32>
      %get3A_1522 = arith.constant 112 : index
      %get3A_1523 = tpu.vector_load %arg8[%get3A_1522] {strides = array<i32>} : memref<208xi32, #tpu.memory_space<vmem>>, vector<16xi32>,
      %get3A_1524 = vector.shape_cast %get3A_1523 : vector<16xi32> to vector<16xi32>
      %add3A_1525 = arith.addi %get3A_1521, %get3A_1524 : vector<16xi32>
      %swap3A_1526 = arith.constant 2192 : index
      %swap3A_1527 = tpu.vector_load %arg10[%swap3A_1526] {strides = array<i32>} : memref<3328xi32, #tpu.memory_space<vmem>>, vector<16xi32>,
      %swap3A_1528 = vector.shape_cast %swap3A_1527 : vector<16xi32> to vector<16xi32>
      %swap3A_1529 = vector.shape_cast %add3A_1525 : vector<16xi32> to vector<16xi32>
      tpu.vector_store %arg10[%swap3A_1526], %swap3A_1529 {strides = array<i32>} : memref<3328xi32, #tpu.memory_space<vmem>>, vector<16xi32>,
      %get3A_1530 = arith.constant 2208 : index
      %get3A_1531 = tpu.vector_load %arg9[%get3A_1530] {strides = array<i32>} : memref<3328xi32, #tpu.memory_space<vmem>>, vector<16xi32>,
      %get3A_1532 = vector.shape_cast %get3A_1531 : vector<16xi32> to vector<16xi32>
      %get3A_1533 = arith.constant 128 : index
      %get3A_1534 = tpu.vector_load %arg8[%get3A_1533] {strides = array<i32>} : memref<208xi32, #tpu.memory_space<vmem>>, vector<16xi32>,
      %get3A_1535 = vector.shape_cast %get3A_1534 : vector<16xi32> to vector<16xi32>
      %add3A_1536 = arith.addi %get3A_1532, %get3A_1535 : vector<16xi32>
      %swap3A_1537 = arith.constant 2208 : index
      %swap3A_1538 = tpu.vector_load %arg10[%swap3A_1537] {strides = array<i32>} : memref<3328xi32, #tpu.memory_space<vmem>>, vector<16xi32>,
      %swap3A_1539 = vector.shape_cast %swap3A_1538 : vector<16xi32> to vector<16xi32>
      %swap3A_1540 = vector.shape_cast %add3A_1536 : vector<16xi32> to vector<16xi32>
      tpu.vector_store %arg10[%swap3A_1537], %swap3A_1540 {strides = array<i32>} : memref<3328xi32, #tpu.memory_space<vmem>>, vector<16xi32>,
      %get3A_1541 = arith.constant 2224 : index
      %get3A_1542 = tpu.vector_load %arg9[%get3A_1541] {strides = array<i32>} : memref<3328xi32, #tpu.memory_space<vmem>>, vector<16xi32>,
      %get3A_1543 = vector.shape_cast %get3A_1542 : vector<16xi32> to vector<16xi32>
      %get3A_1544 = arith.constant 144 : index
      %get3A_1545 = tpu.vector_load %arg8[%get3A_1544] {strides = array<i32>} : memref<208xi32, #tpu.memory_space<vmem>>, vector<16xi32>,
      %get3A_1546 = vector.shape_cast %get3A_1545 : vector<16xi32> to vector<16xi32>
      %add3A_1547 = arith.addi %get3A_1543, %get3A_1546 : vector<16xi32>
      %swap3A_1548 = arith.constant 2224 : index
      %swap3A_1549 = tpu.vector_load %arg10[%swap3A_1548] {strides = array<i32>} : memref<3328xi32, #tpu.memory_space<vmem>>, vector<16xi32>,
      %swap3A_1550 = vector.shape_cast %swap3A_1549 : vector<16xi32> to vector<16xi32>
      %swap3A_1551 = vector.shape_cast %add3A_1547 : vector<16xi32> to vector<16xi32>
      tpu.vector_store %arg10[%swap3A_1548], %swap3A_1551 {strides = array<i32>} : memref<3328xi32, #tpu.memory_space<vmem>>, vector<16xi32>,
      %get3A_1552 = arith.constant 2240 : index
      %get3A_1553 = tpu.vector_load %arg9[%get3A_1552] {strides = array<i32>} : memref<3328xi32, #tpu.memory_space<vmem>>, vector<16xi32>,
      %get3A_1554 = vector.shape_cast %get3A_1553 : vector<16xi32> to vector<16xi32>
      %get3A_1555 = arith.constant 160 : index
      %get3A_1556 = tpu.vector_load %arg8[%get3A_1555] {strides = array<i32>} : memref<208xi32, #tpu.memory_space<vmem>>, vector<16xi32>,
      %get3A_1557 = vector.shape_cast %get3A_1556 : vector<16xi32> to vector<16xi32>
      %add3A_1558 = arith.addi %get3A_1554, %get3A_1557 : vector<16xi32>
      %swap3A_1559 = arith.constant 2240 : index
      %swap3A_1560 = tpu.vector_load %arg10[%swap3A_1559] {strides = array<i32>} : memref<3328xi32, #tpu.memory_space<vmem>>, vector<16xi32>,
      %swap3A_1561 = vector.shape_cast %swap3A_1560 : vector<16xi32> to vector<16xi32>
      %swap3A_1562 = vector.shape_cast %add3A_1558 : vector<16xi32> to vector<16xi32>
      tpu.vector_store %arg10[%swap3A_1559], %swap3A_1562 {strides = array<i32>} : memref<3328xi32, #tpu.memory_space<vmem>>, vector<16xi32>,
      %get3A_1563 = arith.constant 2256 : index
      %get3A_1564 = tpu.vector_load %arg9[%get3A_1563] {strides = array<i32>} : memref<3328xi32, #tpu.memory_space<vmem>>, vector<16xi32>,
      %get3A_1565 = vector.shape_cast %get3A_1564 : vector<16xi32> to vector<16xi32>
      %get3A_1566 = arith.constant 176 : index
      %get3A_1567 = tpu.vector_load %arg8[%get3A_1566] {strides = array<i32>} : memref<208xi32, #tpu.memory_space<vmem>>, vector<16xi32>,
      %get3A_1568 = vector.shape_cast %get3A_1567 : vector<16xi32> to vector<16xi32>
      %add3A_1569 = arith.addi %get3A_1565, %get3A_1568 : vector<16xi32>
      %swap3A_1570 = arith.constant 2256 : index
      %swap3A_1571 = tpu.vector_load %arg10[%swap3A_1570] {strides = array<i32>} : memref<3328xi32, #tpu.memory_space<vmem>>, vector<16xi32>,
      %swap3A_1572 = vector.shape_cast %swap3A_1571 : vector<16xi32> to vector<16xi32>
      %swap3A_1573 = vector.shape_cast %add3A_1569 : vector<16xi32> to vector<16xi32>
      tpu.vector_store %arg10[%swap3A_1570], %swap3A_1573 {strides = array<i32>} : memref<3328xi32, #tpu.memory_space<vmem>>, vector<16xi32>,
      %get3A_1574 = arith.constant 2272 : index
      %get3A_1575 = tpu.vector_load %arg9[%get3A_1574] {strides = array<i32>} : memref<3328xi32, #tpu.memory_space<vmem>>, vector<16xi32>,
      %get3A_1576 = vector.shape_cast %get3A_1575 : vector<16xi32> to vector<16xi32>
      %get3A_1577 = arith.constant 192 : index
      %get3A_1578 = tpu.vector_load %arg8[%get3A_1577] {strides = array<i32>} : memref<208xi32, #tpu.memory_space<vmem>>, vector<16xi32>,
      %get3A_1579 = vector.shape_cast %get3A_1578 : vector<16xi32> to vector<16xi32>
      %add3A_1580 = arith.addi %get3A_1576, %get3A_1579 : vector<16xi32>
      %swap3A_1581 = arith.constant 2272 : index
      %swap3A_1582 = tpu.vector_load %arg10[%swap3A_1581] {strides = array<i32>} : memref<3328xi32, #tpu.memory_space<vmem>>, vector<16xi32>,
      %swap3A_1583 = vector.shape_cast %swap3A_1582 : vector<16xi32> to vector<16xi32>
      %swap3A_1584 = vector.shape_cast %add3A_1580 : vector<16xi32> to vector<16xi32>
      tpu.vector_store %arg10[%swap3A_1581], %swap3A_1584 {strides = array<i32>} : memref<3328xi32, #tpu.memory_space<vmem>>, vector<16xi32>,
      %get3A_1585 = arith.constant 2288 : index
      %get3A_1586 = tpu.vector_load %arg9[%get3A_1585] {strides = array<i32>} : memref<3328xi32, #tpu.memory_space<vmem>>, vector<16xi32>,
      %get3A_1587 = vector.shape_cast %get3A_1586 : vector<16xi32> to vector<16xi32>
      %get3A_1588 = arith.constant 0 : index
      %get3A_1589 = tpu.vector_load %arg8[%get3A_1588] {strides = array<i32>} : memref<208xi32, #tpu.memory_space<vmem>>, vector<16xi32>,
      %get3A_1590 = vector.shape_cast %get3A_1589 : vector<16xi32> to vector<16xi32>
      %add3A_1591 = arith.addi %get3A_1587, %get3A_1590 : vector<16xi32>
      %swap3A_1592 = arith.constant 2288 : index
      %swap3A_1593 = tpu.vector_load %arg10[%swap3A_1592] {strides = array<i32>} : memref<3328xi32, #tpu.memory_space<vmem>>, vector<16xi32>,
      %swap3A_1594 = vector.shape_cast %swap3A_1593 : vector<16xi32> to vector<16xi32>
      %swap3A_1595 = vector.shape_cast %add3A_1591 : vector<16xi32> to vector<16xi32>
      tpu.vector_store %arg10[%swap3A_1592], %swap3A_1595 {strides = array<i32>} : memref<3328xi32, #tpu.memory_space<vmem>>, vector<16xi32>,
      %get3A_1596 = arith.constant 2304 : index
      %get3A_1597 = tpu.vector_load %arg9[%get3A_1596] {strides = array<i32>} : memref<3328xi32, #tpu.memory_space<vmem>>, vector<16xi32>,
      %get3A_1598 = vector.shape_cast %get3A_1597 : vector<16xi32> to vector<16xi32>
      %get3A_1599 = arith.constant 16 : index
      %get3A_1600 = tpu.vector_load %arg8[%get3A_1599] {strides = array<i32>} : memref<208xi32, #tpu.memory_space<vmem>>, vector<16xi32>,
      %get3A_1601 = vector.shape_cast %get3A_1600 : vector<16xi32> to vector<16xi32>
      %add3A_1602 = arith.addi %get3A_1598, %get3A_1601 : vector<16xi32>
      %swap3A_1603 = arith.constant 2304 : index
      %swap3A_1604 = tpu.vector_load %arg10[%swap3A_1603] {strides = array<i32>} : memref<3328xi32, #tpu.memory_space<vmem>>, vector<16xi32>,
      %swap3A_1605 = vector.shape_cast %swap3A_1604 : vector<16xi32> to vector<16xi32>
      %swap3A_1606 = vector.shape_cast %add3A_1602 : vector<16xi32> to vector<16xi32>
      tpu.vector_store %arg10[%swap3A_1603], %swap3A_1606 {strides = array<i32>} : memref<3328xi32, #tpu.memory_space<vmem>>, vector<16xi32>,
      %get3A_1607 = arith.constant 2320 : index
      %get3A_1608 = tpu.vector_load %arg9[%get3A_1607] {strides = array<i32>} : memref<3328xi32, #tpu.memory_space<vmem>>, vector<16xi32>,
      %get3A_1609 = vector.shape_cast %get3A_1608 : vector<16xi32> to vector<16xi32>
      %get3A_1610 = arith.constant 32 : index
      %get3A_1611 = tpu.vector_load %arg8[%get3A_1610] {strides = array<i32>} : memref<208xi32, #tpu.memory_space<vmem>>, vector<16xi32>,
      %get3A_1612 = vector.shape_cast %get3A_1611 : vector<16xi32> to vector<16xi32>
      %add3A_1613 = arith.addi %get3A_1609, %get3A_1612 : vector<16xi32>
      %swap3A_1614 = arith.constant 2320 : index
      %swap3A_1615 = tpu.vector_load %arg10[%swap3A_1614] {strides = array<i32>} : memref<3328xi32, #tpu.memory_space<vmem>>, vector<16xi32>,
      %swap3A_1616 = vector.shape_cast %swap3A_1615 : vector<16xi32> to vector<16xi32>
      %swap3A_1617 = vector.shape_cast %add3A_1613 : vector<16xi32> to vector<16xi32>
      tpu.vector_store %arg10[%swap3A_1614], %swap3A_1617 {strides = array<i32>} : memref<3328xi32, #tpu.memory_space<vmem>>, vector<16xi32>,
      %get3A_1618 = arith.constant 2336 : index
      %get3A_1619 = tpu.vector_load %arg9[%get3A_1618] {strides = array<i32>} : memref<3328xi32, #tpu.memory_space<vmem>>, vector<16xi32>,
      %get3A_1620 = vector.shape_cast %get3A_1619 : vector<16xi32> to vector<16xi32>
      %get3A_1621 = arith.constant 48 : index
      %get3A_1622 = tpu.vector_load %arg8[%get3A_1621] {strides = array<i32>} : memref<208xi32, #tpu.memory_space<vmem>>, vector<16xi32>,
      %get3A_1623 = vector.shape_cast %get3A_1622 : vector<16xi32> to vector<16xi32>
      %add3A_1624 = arith.addi %get3A_1620, %get3A_1623 : vector<16xi32>
      %swap3A_1625 = arith.constant 2336 : index
      %swap3A_1626 = tpu.vector_load %arg10[%swap3A_1625] {strides = array<i32>} : memref<3328xi32, #tpu.memory_space<vmem>>, vector<16xi32>,
      %swap3A_1627 = vector.shape_cast %swap3A_1626 : vector<16xi32> to vector<16xi32>
      %swap3A_1628 = vector.shape_cast %add3A_1624 : vector<16xi32> to vector<16xi32>
      tpu.vector_store %arg10[%swap3A_1625], %swap3A_1628 {strides = array<i32>} : memref<3328xi32, #tpu.memory_space<vmem>>, vector<16xi32>,
      %get3A_1629 = arith.constant 2352 : index
      %get3A_1630 = tpu.vector_load %arg9[%get3A_1629] {strides = array<i32>} : memref<3328xi32, #tpu.memory_space<vmem>>, vector<16xi32>,
      %get3A_1631 = vector.shape_cast %get3A_1630 : vector<16xi32> to vector<16xi32>
      %get3A_1632 = arith.constant 64 : index
      %get3A_1633 = tpu.vector_load %arg8[%get3A_1632] {strides = array<i32>} : memref<208xi32, #tpu.memory_space<vmem>>, vector<16xi32>,
      %get3A_1634 = vector.shape_cast %get3A_1633 : vector<16xi32> to vector<16xi32>
      %add3A_1635 = arith.addi %get3A_1631, %get3A_1634 : vector<16xi32>
      %swap3A_1636 = arith.constant 2352 : index
      %swap3A_1637 = tpu.vector_load %arg10[%swap3A_1636] {strides = array<i32>} : memref<3328xi32, #tpu.memory_space<vmem>>, vector<16xi32>,
      %swap3A_1638 = vector.shape_cast %swap3A_1637 : vector<16xi32> to vector<16xi32>
      %swap3A_1639 = vector.shape_cast %add3A_1635 : vector<16xi32> to vector<16xi32>
      tpu.vector_store %arg10[%swap3A_1636], %swap3A_1639 {strides = array<i32>} : memref<3328xi32, #tpu.memory_space<vmem>>, vector<16xi32>,
      %get3A_1640 = arith.constant 2368 : index
      %get3A_1641 = tpu.vector_load %arg9[%get3A_1640] {strides = array<i32>} : memref<3328xi32, #tpu.memory_space<vmem>>, vector<16xi32>,
      %get3A_1642 = vector.shape_cast %get3A_1641 : vector<16xi32> to vector<16xi32>
      %get3A_1643 = arith.constant 80 : index
      %get3A_1644 = tpu.vector_load %arg8[%get3A_1643] {strides = array<i32>} : memref<208xi32, #tpu.memory_space<vmem>>, vector<16xi32>,
      %get3A_1645 = vector.shape_cast %get3A_1644 : vector<16xi32> to vector<16xi32>
      %add3A_1646 = arith.addi %get3A_1642, %get3A_1645 : vector<16xi32>
      %swap3A_1647 = arith.constant 2368 : index
      %swap3A_1648 = tpu.vector_load %arg10[%swap3A_1647] {strides = array<i32>} : memref<3328xi32, #tpu.memory_space<vmem>>, vector<16xi32>,
      %swap3A_1649 = vector.shape_cast %swap3A_1648 : vector<16xi32> to vector<16xi32>
      %swap3A_1650 = vector.shape_cast %add3A_1646 : vector<16xi32> to vector<16xi32>
      tpu.vector_store %arg10[%swap3A_1647], %swap3A_1650 {strides = array<i32>} : memref<3328xi32, #tpu.memory_space<vmem>>, vector<16xi32>,
      %get3A_1651 = arith.constant 2384 : index
      %get3A_1652 = tpu.vector_load %arg9[%get3A_1651] {strides = array<i32>} : memref<3328xi32, #tpu.memory_space<vmem>>, vector<16xi32>,
      %get3A_1653 = vector.shape_cast %get3A_1652 : vector<16xi32> to vector<16xi32>
      %get3A_1654 = arith.constant 96 : index
      %get3A_1655 = tpu.vector_load %arg8[%get3A_1654] {strides = array<i32>} : memref<208xi32, #tpu.memory_space<vmem>>, vector<16xi32>,
      %get3A_1656 = vector.shape_cast %get3A_1655 : vector<16xi32> to vector<16xi32>
      %add3A_1657 = arith.addi %get3A_1653, %get3A_1656 : vector<16xi32>
      %swap3A_1658 = arith.constant 2384 : index
      %swap3A_1659 = tpu.vector_load %arg10[%swap3A_1658] {strides = array<i32>} : memref<3328xi32, #tpu.memory_space<vmem>>, vector<16xi32>,
      %swap3A_1660 = vector.shape_cast %swap3A_1659 : vector<16xi32> to vector<16xi32>
      %swap3A_1661 = vector.shape_cast %add3A_1657 : vector<16xi32> to vector<16xi32>
      tpu.vector_store %arg10[%swap3A_1658], %swap3A_1661 {strides = array<i32>} : memref<3328xi32, #tpu.memory_space<vmem>>, vector<16xi32>,
      %get3A_1662 = arith.constant 2400 : index
      %get3A_1663 = tpu.vector_load %arg9[%get3A_1662] {strides = array<i32>} : memref<3328xi32, #tpu.memory_space<vmem>>, vector<16xi32>,
      %get3A_1664 = vector.shape_cast %get3A_1663 : vector<16xi32> to vector<16xi32>
      %get3A_1665 = arith.constant 112 : index
      %get3A_1666 = tpu.vector_load %arg8[%get3A_1665] {strides = array<i32>} : memref<208xi32, #tpu.memory_space<vmem>>, vector<16xi32>,
      %get3A_1667 = vector.shape_cast %get3A_1666 : vector<16xi32> to vector<16xi32>
      %add3A_1668 = arith.addi %get3A_1664, %get3A_1667 : vector<16xi32>
      %swap3A_1669 = arith.constant 2400 : index
      %swap3A_1670 = tpu.vector_load %arg10[%swap3A_1669] {strides = array<i32>} : memref<3328xi32, #tpu.memory_space<vmem>>, vector<16xi32>,
      %swap3A_1671 = vector.shape_cast %swap3A_1670 : vector<16xi32> to vector<16xi32>
      %swap3A_1672 = vector.shape_cast %add3A_1668 : vector<16xi32> to vector<16xi32>
      tpu.vector_store %arg10[%swap3A_1669], %swap3A_1672 {strides = array<i32>} : memref<3328xi32, #tpu.memory_space<vmem>>, vector<16xi32>,
      %get3A_1673 = arith.constant 2416 : index
      %get3A_1674 = tpu.vector_load %arg9[%get3A_1673] {strides = array<i32>} : memref<3328xi32, #tpu.memory_space<vmem>>, vector<16xi32>,
      %get3A_1675 = vector.shape_cast %get3A_1674 : vector<16xi32> to vector<16xi32>
      %get3A_1676 = arith.constant 128 : index
      %get3A_1677 = tpu.vector_load %arg8[%get3A_1676] {strides = array<i32>} : memref<208xi32, #tpu.memory_space<vmem>>, vector<16xi32>,
      %get3A_1678 = vector.shape_cast %get3A_1677 : vector<16xi32> to vector<16xi32>
      %add3A_1679 = arith.addi %get3A_1675, %get3A_1678 : vector<16xi32>
      %swap3A_1680 = arith.constant 2416 : index
      %swap3A_1681 = tpu.vector_load %arg10[%swap3A_1680] {strides = array<i32>} : memref<3328xi32, #tpu.memory_space<vmem>>, vector<16xi32>,
      %swap3A_1682 = vector.shape_cast %swap3A_1681 : vector<16xi32> to vector<16xi32>
      %swap3A_1683 = vector.shape_cast %add3A_1679 : vector<16xi32> to vector<16xi32>
      tpu.vector_store %arg10[%swap3A_1680], %swap3A_1683 {strides = array<i32>} : memref<3328xi32, #tpu.memory_space<vmem>>, vector<16xi32>,
      %get3A_1684 = arith.constant 2432 : index
      %get3A_1685 = tpu.vector_load %arg9[%get3A_1684] {strides = array<i32>} : memref<3328xi32, #tpu.memory_space<vmem>>, vector<16xi32>,
      %get3A_1686 = vector.shape_cast %get3A_1685 : vector<16xi32> to vector<16xi32>
      %get3A_1687 = arith.constant 144 : index
      %get3A_1688 = tpu.vector_load %arg8[%get3A_1687] {strides = array<i32>} : memref<208xi32, #tpu.memory_space<vmem>>, vector<16xi32>,
      %get3A_1689 = vector.shape_cast %get3A_1688 : vector<16xi32> to vector<16xi32>
      %add3A_1690 = arith.addi %get3A_1686, %get3A_1689 : vector<16xi32>
      %swap3A_1691 = arith.constant 2432 : index
      %swap3A_1692 = tpu.vector_load %arg10[%swap3A_1691] {strides = array<i32>} : memref<3328xi32, #tpu.memory_space<vmem>>, vector<16xi32>,
      %swap3A_1693 = vector.shape_cast %swap3A_1692 : vector<16xi32> to vector<16xi32>
      %swap3A_1694 = vector.shape_cast %add3A_1690 : vector<16xi32> to vector<16xi32>
      tpu.vector_store %arg10[%swap3A_1691], %swap3A_1694 {strides = array<i32>} : memref<3328xi32, #tpu.memory_space<vmem>>, vector<16xi32>,
      %get3A_1695 = arith.constant 2448 : index
      %get3A_1696 = tpu.vector_load %arg9[%get3A_1695] {strides = array<i32>} : memref<3328xi32, #tpu.memory_space<vmem>>, vector<16xi32>,
      %get3A_1697 = vector.shape_cast %get3A_1696 : vector<16xi32> to vector<16xi32>
      %get3A_1698 = arith.constant 160 : index
      %get3A_1699 = tpu.vector_load %arg8[%get3A_1698] {strides = array<i32>} : memref<208xi32, #tpu.memory_space<vmem>>, vector<16xi32>,
      %get3A_1700 = vector.shape_cast %get3A_1699 : vector<16xi32> to vector<16xi32>
      %add3A_1701 = arith.addi %get3A_1697, %get3A_1700 : vector<16xi32>
      %swap3A_1702 = arith.constant 2448 : index
      %swap3A_1703 = tpu.vector_load %arg10[%swap3A_1702] {strides = array<i32>} : memref<3328xi32, #tpu.memory_space<vmem>>, vector<16xi32>,
      %swap3A_1704 = vector.shape_cast %swap3A_1703 : vector<16xi32> to vector<16xi32>
      %swap3A_1705 = vector.shape_cast %add3A_1701 : vector<16xi32> to vector<16xi32>
      tpu.vector_store %arg10[%swap3A_1702], %swap3A_1705 {strides = array<i32>} : memref<3328xi32, #tpu.memory_space<vmem>>, vector<16xi32>,
      %get3A_1706 = arith.constant 2464 : index
      %get3A_1707 = tpu.vector_load %arg9[%get3A_1706] {strides = array<i32>} : memref<3328xi32, #tpu.memory_space<vmem>>, vector<16xi32>,
      %get3A_1708 = vector.shape_cast %get3A_1707 : vector<16xi32> to vector<16xi32>
      %get3A_1709 = arith.constant 176 : index
      %get3A_1710 = tpu.vector_load %arg8[%get3A_1709] {strides = array<i32>} : memref<208xi32, #tpu.memory_space<vmem>>, vector<16xi32>,
      %get3A_1711 = vector.shape_cast %get3A_1710 : vector<16xi32> to vector<16xi32>
      %add3A_1712 = arith.addi %get3A_1708, %get3A_1711 : vector<16xi32>
      %swap3A_1713 = arith.constant 2464 : index
      %swap3A_1714 = tpu.vector_load %arg10[%swap3A_1713] {strides = array<i32>} : memref<3328xi32, #tpu.memory_space<vmem>>, vector<16xi32>,
      %swap3A_1715 = vector.shape_cast %swap3A_1714 : vector<16xi32> to vector<16xi32>
      %swap3A_1716 = vector.shape_cast %add3A_1712 : vector<16xi32> to vector<16xi32>
      tpu.vector_store %arg10[%swap3A_1713], %swap3A_1716 {strides = array<i32>} : memref<3328xi32, #tpu.memory_space<vmem>>, vector<16xi32>,
      %get3A_1717 = arith.constant 2480 : index
      %get3A_1718 = tpu.vector_load %arg9[%get3A_1717] {strides = array<i32>} : memref<3328xi32, #tpu.memory_space<vmem>>, vector<16xi32>,
      %get3A_1719 = vector.shape_cast %get3A_1718 : vector<16xi32> to vector<16xi32>
      %get3A_1720 = arith.constant 192 : index
      %get3A_1721 = tpu.vector_load %arg8[%get3A_1720] {strides = array<i32>} : memref<208xi32, #tpu.memory_space<vmem>>, vector<16xi32>,
      %get3A_1722 = vector.shape_cast %get3A_1721 : vector<16xi32> to vector<16xi32>
      %add3A_1723 = arith.addi %get3A_1719, %get3A_1722 : vector<16xi32>
      %swap3A_1724 = arith.constant 2480 : index
      %swap3A_1725 = tpu.vector_load %arg10[%swap3A_1724] {strides = array<i32>} : memref<3328xi32, #tpu.memory_space<vmem>>, vector<16xi32>,
      %swap3A_1726 = vector.shape_cast %swap3A_1725 : vector<16xi32> to vector<16xi32>
      %swap3A_1727 = vector.shape_cast %add3A_1723 : vector<16xi32> to vector<16xi32>
      tpu.vector_store %arg10[%swap3A_1724], %swap3A_1727 {strides = array<i32>} : memref<3328xi32, #tpu.memory_space<vmem>>, vector<16xi32>,
      %get3A_1728 = arith.constant 2496 : index
      %get3A_1729 = tpu.vector_load %arg9[%get3A_1728] {strides = array<i32>} : memref<3328xi32, #tpu.memory_space<vmem>>, vector<16xi32>,
      %get3A_1730 = vector.shape_cast %get3A_1729 : vector<16xi32> to vector<16xi32>
      %get3A_1731 = arith.constant 0 : index
      %get3A_1732 = tpu.vector_load %arg8[%get3A_1731] {strides = array<i32>} : memref<208xi32, #tpu.memory_space<vmem>>, vector<16xi32>,
      %get3A_1733 = vector.shape_cast %get3A_1732 : vector<16xi32> to vector<16xi32>
      %add3A_1734 = arith.addi %get3A_1730, %get3A_1733 : vector<16xi32>
      %swap3A_1735 = arith.constant 2496 : index
      %swap3A_1736 = tpu.vector_load %arg10[%swap3A_1735] {strides = array<i32>} : memref<3328xi32, #tpu.memory_space<vmem>>, vector<16xi32>,
      %swap3A_1737 = vector.shape_cast %swap3A_1736 : vector<16xi32> to vector<16xi32>
      %swap3A_1738 = vector.shape_cast %add3A_1734 : vector<16xi32> to vector<16xi32>
      tpu.vector_store %arg10[%swap3A_1735], %swap3A_1738 {strides = array<i32>} : memref<3328xi32, #tpu.memory_space<vmem>>, vector<16xi32>,
      %get3A_1739 = arith.constant 2512 : index
      %get3A_1740 = tpu.vector_load %arg9[%get3A_1739] {strides = array<i32>} : memref<3328xi32, #tpu.memory_space<vmem>>, vector<16xi32>,
      %get3A_1741 = vector.shape_cast %get3A_1740 : vector<16xi32> to vector<16xi32>
      %get3A_1742 = arith.constant 16 : index
      %get3A_1743 = tpu.vector_load %arg8[%get3A_1742] {strides = array<i32>} : memref<208xi32, #tpu.memory_space<vmem>>, vector<16xi32>,
      %get3A_1744 = vector.shape_cast %get3A_1743 : vector<16xi32> to vector<16xi32>
      %add3A_1745 = arith.addi %get3A_1741, %get3A_1744 : vector<16xi32>
      %swap3A_1746 = arith.constant 2512 : index
      %swap3A_1747 = tpu.vector_load %arg10[%swap3A_1746] {strides = array<i32>} : memref<3328xi32, #tpu.memory_space<vmem>>, vector<16xi32>,
      %swap3A_1748 = vector.shape_cast %swap3A_1747 : vector<16xi32> to vector<16xi32>
      %swap3A_1749 = vector.shape_cast %add3A_1745 : vector<16xi32> to vector<16xi32>
      tpu.vector_store %arg10[%swap3A_1746], %swap3A_1749 {strides = array<i32>} : memref<3328xi32, #tpu.memory_space<vmem>>, vector<16xi32>,
      %get3A_1750 = arith.constant 2528 : index
      %get3A_1751 = tpu.vector_load %arg9[%get3A_1750] {strides = array<i32>} : memref<3328xi32, #tpu.memory_space<vmem>>, vector<16xi32>,
      %get3A_1752 = vector.shape_cast %get3A_1751 : vector<16xi32> to vector<16xi32>
      %get3A_1753 = arith.constant 32 : index
      %get3A_1754 = tpu.vector_load %arg8[%get3A_1753] {strides = array<i32>} : memref<208xi32, #tpu.memory_space<vmem>>, vector<16xi32>,
      %get3A_1755 = vector.shape_cast %get3A_1754 : vector<16xi32> to vector<16xi32>
      %add3A_1756 = arith.addi %get3A_1752, %get3A_1755 : vector<16xi32>
      %swap3A_1757 = arith.constant 2528 : index
      %swap3A_1758 = tpu.vector_load %arg10[%swap3A_1757] {strides = array<i32>} : memref<3328xi32, #tpu.memory_space<vmem>>, vector<16xi32>,
      %swap3A_1759 = vector.shape_cast %swap3A_1758 : vector<16xi32> to vector<16xi32>
      %swap3A_1760 = vector.shape_cast %add3A_1756 : vector<16xi32> to vector<16xi32>
      tpu.vector_store %arg10[%swap3A_1757], %swap3A_1760 {strides = array<i32>} : memref<3328xi32, #tpu.memory_space<vmem>>, vector<16xi32>,
      %get3A_1761 = arith.constant 2544 : index
      %get3A_1762 = tpu.vector_load %arg9[%get3A_1761] {strides = array<i32>} : memref<3328xi32, #tpu.memory_space<vmem>>, vector<16xi32>,
      %get3A_1763 = vector.shape_cast %get3A_1762 : vector<16xi32> to vector<16xi32>
      %get3A_1764 = arith.constant 48 : index
      %get3A_1765 = tpu.vector_load %arg8[%get3A_1764] {strides = array<i32>} : memref<208xi32, #tpu.memory_space<vmem>>, vector<16xi32>,
      %get3A_1766 = vector.shape_cast %get3A_1765 : vector<16xi32> to vector<16xi32>
      %add3A_1767 = arith.addi %get3A_1763, %get3A_1766 : vector<16xi32>
      %swap3A_1768 = arith.constant 2544 : index
      %swap3A_1769 = tpu.vector_load %arg10[%swap3A_1768] {strides = array<i32>} : memref<3328xi32, #tpu.memory_space<vmem>>, vector<16xi32>,
      %swap3A_1770 = vector.shape_cast %swap3A_1769 : vector<16xi32> to vector<16xi32>
      %swap3A_1771 = vector.shape_cast %add3A_1767 : vector<16xi32> to vector<16xi32>
      tpu.vector_store %arg10[%swap3A_1768], %swap3A_1771 {strides = array<i32>} : memref<3328xi32, #tpu.memory_space<vmem>>, vector<16xi32>,
      %get3A_1772 = arith.constant 2560 : index
      %get3A_1773 = tpu.vector_load %arg9[%get3A_1772] {strides = array<i32>} : memref<3328xi32, #tpu.memory_space<vmem>>, vector<16xi32>,
      %get3A_1774 = vector.shape_cast %get3A_1773 : vector<16xi32> to vector<16xi32>
      %get3A_1775 = arith.constant 64 : index
      %get3A_1776 = tpu.vector_load %arg8[%get3A_1775] {strides = array<i32>} : memref<208xi32, #tpu.memory_space<vmem>>, vector<16xi32>,
      %get3A_1777 = vector.shape_cast %get3A_1776 : vector<16xi32> to vector<16xi32>
      %add3A_1778 = arith.addi %get3A_1774, %get3A_1777 : vector<16xi32>
      %swap3A_1779 = arith.constant 2560 : index
      %swap3A_1780 = tpu.vector_load %arg10[%swap3A_1779] {strides = array<i32>} : memref<3328xi32, #tpu.memory_space<vmem>>, vector<16xi32>,
      %swap3A_1781 = vector.shape_cast %swap3A_1780 : vector<16xi32> to vector<16xi32>
      %swap3A_1782 = vector.shape_cast %add3A_1778 : vector<16xi32> to vector<16xi32>
      tpu.vector_store %arg10[%swap3A_1779], %swap3A_1782 {strides = array<i32>} : memref<3328xi32, #tpu.memory_space<vmem>>, vector<16xi32>,
      %get3A_1783 = arith.constant 2576 : index
      %get3A_1784 = tpu.vector_load %arg9[%get3A_1783] {strides = array<i32>} : memref<3328xi32, #tpu.memory_space<vmem>>, vector<16xi32>,
      %get3A_1785 = vector.shape_cast %get3A_1784 : vector<16xi32> to vector<16xi32>
      %get3A_1786 = arith.constant 80 : index
      %get3A_1787 = tpu.vector_load %arg8[%get3A_1786] {strides = array<i32>} : memref<208xi32, #tpu.memory_space<vmem>>, vector<16xi32>,
      %get3A_1788 = vector.shape_cast %get3A_1787 : vector<16xi32> to vector<16xi32>
      %add3A_1789 = arith.addi %get3A_1785, %get3A_1788 : vector<16xi32>
      %swap3A_1790 = arith.constant 2576 : index
      %swap3A_1791 = tpu.vector_load %arg10[%swap3A_1790] {strides = array<i32>} : memref<3328xi32, #tpu.memory_space<vmem>>, vector<16xi32>,
      %swap3A_1792 = vector.shape_cast %swap3A_1791 : vector<16xi32> to vector<16xi32>
      %swap3A_1793 = vector.shape_cast %add3A_1789 : vector<16xi32> to vector<16xi32>
      tpu.vector_store %arg10[%swap3A_1790], %swap3A_1793 {strides = array<i32>} : memref<3328xi32, #tpu.memory_space<vmem>>, vector<16xi32>,
      %get3A_1794 = arith.constant 2592 : index
      %get3A_1795 = tpu.vector_load %arg9[%get3A_1794] {strides = array<i32>} : memref<3328xi32, #tpu.memory_space<vmem>>, vector<16xi32>,
      %get3A_1796 = vector.shape_cast %get3A_1795 : vector<16xi32> to vector<16xi32>
      %get3A_1797 = arith.constant 96 : index
      %get3A_1798 = tpu.vector_load %arg8[%get3A_1797] {strides = array<i32>} : memref<208xi32, #tpu.memory_space<vmem>>, vector<16xi32>,
      %get3A_1799 = vector.shape_cast %get3A_1798 : vector<16xi32> to vector<16xi32>
      %add3A_1800 = arith.addi %get3A_1796, %get3A_1799 : vector<16xi32>
      %swap3A_1801 = arith.constant 2592 : index
      %swap3A_1802 = tpu.vector_load %arg10[%swap3A_1801] {strides = array<i32>} : memref<3328xi32, #tpu.memory_space<vmem>>, vector<16xi32>,
      %swap3A_1803 = vector.shape_cast %swap3A_1802 : vector<16xi32> to vector<16xi32>
      %swap3A_1804 = vector.shape_cast %add3A_1800 : vector<16xi32> to vector<16xi32>
      tpu.vector_store %arg10[%swap3A_1801], %swap3A_1804 {strides = array<i32>} : memref<3328xi32, #tpu.memory_space<vmem>>, vector<16xi32>,
      %get3A_1805 = arith.constant 2608 : index
      %get3A_1806 = tpu.vector_load %arg9[%get3A_1805] {strides = array<i32>} : memref<3328xi32, #tpu.memory_space<vmem>>, vector<16xi32>,
      %get3A_1807 = vector.shape_cast %get3A_1806 : vector<16xi32> to vector<16xi32>
      %get3A_1808 = arith.constant 112 : index
      %get3A_1809 = tpu.vector_load %arg8[%get3A_1808] {strides = array<i32>} : memref<208xi32, #tpu.memory_space<vmem>>, vector<16xi32>,
      %get3A_1810 = vector.shape_cast %get3A_1809 : vector<16xi32> to vector<16xi32>
      %add3A_1811 = arith.addi %get3A_1807, %get3A_1810 : vector<16xi32>
      %swap3A_1812 = arith.constant 2608 : index
      %swap3A_1813 = tpu.vector_load %arg10[%swap3A_1812] {strides = array<i32>} : memref<3328xi32, #tpu.memory_space<vmem>>, vector<16xi32>,
      %swap3A_1814 = vector.shape_cast %swap3A_1813 : vector<16xi32> to vector<16xi32>
      %swap3A_1815 = vector.shape_cast %add3A_1811 : vector<16xi32> to vector<16xi32>
      tpu.vector_store %arg10[%swap3A_1812], %swap3A_1815 {strides = array<i32>} : memref<3328xi32, #tpu.memory_space<vmem>>, vector<16xi32>,
      %get3A_1816 = arith.constant 2624 : index
      %get3A_1817 = tpu.vector_load %arg9[%get3A_1816] {strides = array<i32>} : memref<3328xi32, #tpu.memory_space<vmem>>, vector<16xi32>,
      %get3A_1818 = vector.shape_cast %get3A_1817 : vector<16xi32> to vector<16xi32>
      %get3A_1819 = arith.constant 128 : index
      %get3A_1820 = tpu.vector_load %arg8[%get3A_1819] {strides = array<i32>} : memref<208xi32, #tpu.memory_space<vmem>>, vector<16xi32>,
      %get3A_1821 = vector.shape_cast %get3A_1820 : vector<16xi32> to vector<16xi32>
      %add3A_1822 = arith.addi %get3A_1818, %get3A_1821 : vector<16xi32>
      %swap3A_1823 = arith.constant 2624 : index
      %swap3A_1824 = tpu.vector_load %arg10[%swap3A_1823] {strides = array<i32>} : memref<3328xi32, #tpu.memory_space<vmem>>, vector<16xi32>,
      %swap3A_1825 = vector.shape_cast %swap3A_1824 : vector<16xi32> to vector<16xi32>
      %swap3A_1826 = vector.shape_cast %add3A_1822 : vector<16xi32> to vector<16xi32>
      tpu.vector_store %arg10[%swap3A_1823], %swap3A_1826 {strides = array<i32>} : memref<3328xi32, #tpu.memory_space<vmem>>, vector<16xi32>,
      %get3A_1827 = arith.constant 2640 : index
      %get3A_1828 = tpu.vector_load %arg9[%get3A_1827] {strides = array<i32>} : memref<3328xi32, #tpu.memory_space<vmem>>, vector<16xi32>,
      %get3A_1829 = vector.shape_cast %get3A_1828 : vector<16xi32> to vector<16xi32>
      %get3A_1830 = arith.constant 144 : index
      %get3A_1831 = tpu.vector_load %arg8[%get3A_1830] {strides = array<i32>} : memref<208xi32, #tpu.memory_space<vmem>>, vector<16xi32>,
      %get3A_1832 = vector.shape_cast %get3A_1831 : vector<16xi32> to vector<16xi32>
      %add3A_1833 = arith.addi %get3A_1829, %get3A_1832 : vector<16xi32>
      %swap3A_1834 = arith.constant 2640 : index
      %swap3A_1835 = tpu.vector_load %arg10[%swap3A_1834] {strides = array<i32>} : memref<3328xi32, #tpu.memory_space<vmem>>, vector<16xi32>,
      %swap3A_1836 = vector.shape_cast %swap3A_1835 : vector<16xi32> to vector<16xi32>
      %swap3A_1837 = vector.shape_cast %add3A_1833 : vector<16xi32> to vector<16xi32>
      tpu.vector_store %arg10[%swap3A_1834], %swap3A_1837 {strides = array<i32>} : memref<3328xi32, #tpu.memory_space<vmem>>, vector<16xi32>,
      %get3A_1838 = arith.constant 2656 : index
      %get3A_1839 = tpu.vector_load %arg9[%get3A_1838] {strides = array<i32>} : memref<3328xi32, #tpu.memory_space<vmem>>, vector<16xi32>,
      %get3A_1840 = vector.shape_cast %get3A_1839 : vector<16xi32> to vector<16xi32>
      %get3A_1841 = arith.constant 160 : index
      %get3A_1842 = tpu.vector_load %arg8[%get3A_1841] {strides = array<i32>} : memref<208xi32, #tpu.memory_space<vmem>>, vector<16xi32>,
      %get3A_1843 = vector.shape_cast %get3A_1842 : vector<16xi32> to vector<16xi32>
      %add3A_1844 = arith.addi %get3A_1840, %get3A_1843 : vector<16xi32>
      %swap3A_1845 = arith.constant 2656 : index
      %swap3A_1846 = tpu.vector_load %arg10[%swap3A_1845] {strides = array<i32>} : memref<3328xi32, #tpu.memory_space<vmem>>, vector<16xi32>,
      %swap3A_1847 = vector.shape_cast %swap3A_1846 : vector<16xi32> to vector<16xi32>
      %swap3A_1848 = vector.shape_cast %add3A_1844 : vector<16xi32> to vector<16xi32>
      tpu.vector_store %arg10[%swap3A_1845], %swap3A_1848 {strides = array<i32>} : memref<3328xi32, #tpu.memory_space<vmem>>, vector<16xi32>,
      %get3A_1849 = arith.constant 2672 : index
      %get3A_1850 = tpu.vector_load %arg9[%get3A_1849] {strides = array<i32>} : memref<3328xi32, #tpu.memory_space<vmem>>, vector<16xi32>,
      %get3A_1851 = vector.shape_cast %get3A_1850 : vector<16xi32> to vector<16xi32>
      %get3A_1852 = arith.constant 176 : index
      %get3A_1853 = tpu.vector_load %arg8[%get3A_1852] {strides = array<i32>} : memref<208xi32, #tpu.memory_space<vmem>>, vector<16xi32>,
      %get3A_1854 = vector.shape_cast %get3A_1853 : vector<16xi32> to vector<16xi32>
      %add3A_1855 = arith.addi %get3A_1851, %get3A_1854 : vector<16xi32>
      %swap3A_1856 = arith.constant 2672 : index
      %swap3A_1857 = tpu.vector_load %arg10[%swap3A_1856] {strides = array<i32>} : memref<3328xi32, #tpu.memory_space<vmem>>, vector<16xi32>,
      %swap3A_1858 = vector.shape_cast %swap3A_1857 : vector<16xi32> to vector<16xi32>
      %swap3A_1859 = vector.shape_cast %add3A_1855 : vector<16xi32> to vector<16xi32>
      tpu.vector_store %arg10[%swap3A_1856], %swap3A_1859 {strides = array<i32>} : memref<3328xi32, #tpu.memory_space<vmem>>, vector<16xi32>,
      %get3A_1860 = arith.constant 2688 : index
      %get3A_1861 = tpu.vector_load %arg9[%get3A_1860] {strides = array<i32>} : memref<3328xi32, #tpu.memory_space<vmem>>, vector<16xi32>,
      %get3A_1862 = vector.shape_cast %get3A_1861 : vector<16xi32> to vector<16xi32>
      %get3A_1863 = arith.constant 192 : index
      %get3A_1864 = tpu.vector_load %arg8[%get3A_1863] {strides = array<i32>} : memref<208xi32, #tpu.memory_space<vmem>>, vector<16xi32>,
      %get3A_1865 = vector.shape_cast %get3A_1864 : vector<16xi32> to vector<16xi32>
      %add3A_1866 = arith.addi %get3A_1862, %get3A_1865 : vector<16xi32>
      %swap3A_1867 = arith.constant 2688 : index
      %swap3A_1868 = tpu.vector_load %arg10[%swap3A_1867] {strides = array<i32>} : memref<3328xi32, #tpu.memory_space<vmem>>, vector<16xi32>,
      %swap3A_1869 = vector.shape_cast %swap3A_1868 : vector<16xi32> to vector<16xi32>
      %swap3A_1870 = vector.shape_cast %add3A_1866 : vector<16xi32> to vector<16xi32>
      tpu.vector_store %arg10[%swap3A_1867], %swap3A_1870 {strides = array<i32>} : memref<3328xi32, #tpu.memory_space<vmem>>, vector<16xi32>,
      %get3A_1871 = arith.constant 2704 : index
      %get3A_1872 = tpu.vector_load %arg9[%get3A_1871] {strides = array<i32>} : memref<3328xi32, #tpu.memory_space<vmem>>, vector<16xi32>,
      %get3A_1873 = vector.shape_cast %get3A_1872 : vector<16xi32> to vector<16xi32>
      %get3A_1874 = arith.constant 0 : index
      %get3A_1875 = tpu.vector_load %arg8[%get3A_1874] {strides = array<i32>} : memref<208xi32, #tpu.memory_space<vmem>>, vector<16xi32>,
      %get3A_1876 = vector.shape_cast %get3A_1875 : vector<16xi32> to vector<16xi32>
      %add3A_1877 = arith.addi %get3A_1873, %get3A_1876 : vector<16xi32>
      %swap3A_1878 = arith.constant 2704 : index
      %swap3A_1879 = tpu.vector_load %arg10[%swap3A_1878] {strides = array<i32>} : memref<3328xi32, #tpu.memory_space<vmem>>, vector<16xi32>,
      %swap3A_1880 = vector.shape_cast %swap3A_1879 : vector<16xi32> to vector<16xi32>
      %swap3A_1881 = vector.shape_cast %add3A_1877 : vector<16xi32> to vector<16xi32>
      tpu.vector_store %arg10[%swap3A_1878], %swap3A_1881 {strides = array<i32>} : memref<3328xi32, #tpu.memory_space<vmem>>, vector<16xi32>,
      %get3A_1882 = arith.constant 2720 : index
      %get3A_1883 = tpu.vector_load %arg9[%get3A_1882] {strides = array<i32>} : memref<3328xi32, #tpu.memory_space<vmem>>, vector<16xi32>,
      %get3A_1884 = vector.shape_cast %get3A_1883 : vector<16xi32> to vector<16xi32>
      %get3A_1885 = arith.constant 16 : index
      %get3A_1886 = tpu.vector_load %arg8[%get3A_1885] {strides = array<i32>} : memref<208xi32, #tpu.memory_space<vmem>>, vector<16xi32>,
      %get3A_1887 = vector.shape_cast %get3A_1886 : vector<16xi32> to vector<16xi32>
      %add3A_1888 = arith.addi %get3A_1884, %get3A_1887 : vector<16xi32>
      %swap3A_1889 = arith.constant 2720 : index
      %swap3A_1890 = tpu.vector_load %arg10[%swap3A_1889] {strides = array<i32>} : memref<3328xi32, #tpu.memory_space<vmem>>, vector<16xi32>,
      %swap3A_1891 = vector.shape_cast %swap3A_1890 : vector<16xi32> to vector<16xi32>
      %swap3A_1892 = vector.shape_cast %add3A_1888 : vector<16xi32> to vector<16xi32>
      tpu.vector_store %arg10[%swap3A_1889], %swap3A_1892 {strides = array<i32>} : memref<3328xi32, #tpu.memory_space<vmem>>, vector<16xi32>,
      %get3A_1893 = arith.constant 2736 : index
      %get3A_1894 = tpu.vector_load %arg9[%get3A_1893] {strides = array<i32>} : memref<3328xi32, #tpu.memory_space<vmem>>, vector<16xi32>,
      %get3A_1895 = vector.shape_cast %get3A_1894 : vector<16xi32> to vector<16xi32>
      %get3A_1896 = arith.constant 32 : index
      %get3A_1897 = tpu.vector_load %arg8[%get3A_1896] {strides = array<i32>} : memref<208xi32, #tpu.memory_space<vmem>>, vector<16xi32>,
      %get3A_1898 = vector.shape_cast %get3A_1897 : vector<16xi32> to vector<16xi32>
      %add3A_1899 = arith.addi %get3A_1895, %get3A_1898 : vector<16xi32>
      %swap3A_1900 = arith.constant 2736 : index
      %swap3A_1901 = tpu.vector_load %arg10[%swap3A_1900] {strides = array<i32>} : memref<3328xi32, #tpu.memory_space<vmem>>, vector<16xi32>,
      %swap3A_1902 = vector.shape_cast %swap3A_1901 : vector<16xi32> to vector<16xi32>
      %swap3A_1903 = vector.shape_cast %add3A_1899 : vector<16xi32> to vector<16xi32>
      tpu.vector_store %arg10[%swap3A_1900], %swap3A_1903 {strides = array<i32>} : memref<3328xi32, #tpu.memory_space<vmem>>, vector<16xi32>,
      %get3A_1904 = arith.constant 2752 : index
      %get3A_1905 = tpu.vector_load %arg9[%get3A_1904] {strides = array<i32>} : memref<3328xi32, #tpu.memory_space<vmem>>, vector<16xi32>,
      %get3A_1906 = vector.shape_cast %get3A_1905 : vector<16xi32> to vector<16xi32>
      %get3A_1907 = arith.constant 48 : index
      %get3A_1908 = tpu.vector_load %arg8[%get3A_1907] {strides = array<i32>} : memref<208xi32, #tpu.memory_space<vmem>>, vector<16xi32>,
      %get3A_1909 = vector.shape_cast %get3A_1908 : vector<16xi32> to vector<16xi32>
      %add3A_1910 = arith.addi %get3A_1906, %get3A_1909 : vector<16xi32>
      %swap3A_1911 = arith.constant 2752 : index
      %swap3A_1912 = tpu.vector_load %arg10[%swap3A_1911] {strides = array<i32>} : memref<3328xi32, #tpu.memory_space<vmem>>, vector<16xi32>,
      %swap3A_1913 = vector.shape_cast %swap3A_1912 : vector<16xi32> to vector<16xi32>
      %swap3A_1914 = vector.shape_cast %add3A_1910 : vector<16xi32> to vector<16xi32>
      tpu.vector_store %arg10[%swap3A_1911], %swap3A_1914 {strides = array<i32>} : memref<3328xi32, #tpu.memory_space<vmem>>, vector<16xi32>,
      %get3A_1915 = arith.constant 2768 : index
      %get3A_1916 = tpu.vector_load %arg9[%get3A_1915] {strides = array<i32>} : memref<3328xi32, #tpu.memory_space<vmem>>, vector<16xi32>,
      %get3A_1917 = vector.shape_cast %get3A_1916 : vector<16xi32> to vector<16xi32>
      %get3A_1918 = arith.constant 64 : index
      %get3A_1919 = tpu.vector_load %arg8[%get3A_1918] {strides = array<i32>} : memref<208xi32, #tpu.memory_space<vmem>>, vector<16xi32>,
      %get3A_1920 = vector.shape_cast %get3A_1919 : vector<16xi32> to vector<16xi32>
      %add3A_1921 = arith.addi %get3A_1917, %get3A_1920 : vector<16xi32>
      %swap3A_1922 = arith.constant 2768 : index
      %swap3A_1923 = tpu.vector_load %arg10[%swap3A_1922] {strides = array<i32>} : memref<3328xi32, #tpu.memory_space<vmem>>, vector<16xi32>,
      %swap3A_1924 = vector.shape_cast %swap3A_1923 : vector<16xi32> to vector<16xi32>
      %swap3A_1925 = vector.shape_cast %add3A_1921 : vector<16xi32> to vector<16xi32>
      tpu.vector_store %arg10[%swap3A_1922], %swap3A_1925 {strides = array<i32>} : memref<3328xi32, #tpu.memory_space<vmem>>, vector<16xi32>,
      %get3A_1926 = arith.constant 2784 : index
      %get3A_1927 = tpu.vector_load %arg9[%get3A_1926] {strides = array<i32>} : memref<3328xi32, #tpu.memory_space<vmem>>, vector<16xi32>,
      %get3A_1928 = vector.shape_cast %get3A_1927 : vector<16xi32> to vector<16xi32>
      %get3A_1929 = arith.constant 80 : index
      %get3A_1930 = tpu.vector_load %arg8[%get3A_1929] {strides = array<i32>} : memref<208xi32, #tpu.memory_space<vmem>>, vector<16xi32>,
      %get3A_1931 = vector.shape_cast %get3A_1930 : vector<16xi32> to vector<16xi32>
      %add3A_1932 = arith.addi %get3A_1928, %get3A_1931 : vector<16xi32>
      %swap3A_1933 = arith.constant 2784 : index
      %swap3A_1934 = tpu.vector_load %arg10[%swap3A_1933] {strides = array<i32>} : memref<3328xi32, #tpu.memory_space<vmem>>, vector<16xi32>,
      %swap3A_1935 = vector.shape_cast %swap3A_1934 : vector<16xi32> to vector<16xi32>
      %swap3A_1936 = vector.shape_cast %add3A_1932 : vector<16xi32> to vector<16xi32>
      tpu.vector_store %arg10[%swap3A_1933], %swap3A_1936 {strides = array<i32>} : memref<3328xi32, #tpu.memory_space<vmem>>, vector<16xi32>,
      %get3A_1937 = arith.constant 2800 : index
      %get3A_1938 = tpu.vector_load %arg9[%get3A_1937] {strides = array<i32>} : memref<3328xi32, #tpu.memory_space<vmem>>, vector<16xi32>,
      %get3A_1939 = vector.shape_cast %get3A_1938 : vector<16xi32> to vector<16xi32>
      %get3A_1940 = arith.constant 96 : index
      %get3A_1941 = tpu.vector_load %arg8[%get3A_1940] {strides = array<i32>} : memref<208xi32, #tpu.memory_space<vmem>>, vector<16xi32>,
      %get3A_1942 = vector.shape_cast %get3A_1941 : vector<16xi32> to vector<16xi32>
      %add3A_1943 = arith.addi %get3A_1939, %get3A_1942 : vector<16xi32>
      %swap3A_1944 = arith.constant 2800 : index
      %swap3A_1945 = tpu.vector_load %arg10[%swap3A_1944] {strides = array<i32>} : memref<3328xi32, #tpu.memory_space<vmem>>, vector<16xi32>,
      %swap3A_1946 = vector.shape_cast %swap3A_1945 : vector<16xi32> to vector<16xi32>
      %swap3A_1947 = vector.shape_cast %add3A_1943 : vector<16xi32> to vector<16xi32>
      tpu.vector_store %arg10[%swap3A_1944], %swap3A_1947 {strides = array<i32>} : memref<3328xi32, #tpu.memory_space<vmem>>, vector<16xi32>,
      %get3A_1948 = arith.constant 2816 : index
      %get3A_1949 = tpu.vector_load %arg9[%get3A_1948] {strides = array<i32>} : memref<3328xi32, #tpu.memory_space<vmem>>, vector<16xi32>,
      %get3A_1950 = vector.shape_cast %get3A_1949 : vector<16xi32> to vector<16xi32>
      %get3A_1951 = arith.constant 112 : index
      %get3A_1952 = tpu.vector_load %arg8[%get3A_1951] {strides = array<i32>} : memref<208xi32, #tpu.memory_space<vmem>>, vector<16xi32>,
      %get3A_1953 = vector.shape_cast %get3A_1952 : vector<16xi32> to vector<16xi32>
      %add3A_1954 = arith.addi %get3A_1950, %get3A_1953 : vector<16xi32>
      %swap3A_1955 = arith.constant 2816 : index
      %swap3A_1956 = tpu.vector_load %arg10[%swap3A_1955] {strides = array<i32>} : memref<3328xi32, #tpu.memory_space<vmem>>, vector<16xi32>,
      %swap3A_1957 = vector.shape_cast %swap3A_1956 : vector<16xi32> to vector<16xi32>
      %swap3A_1958 = vector.shape_cast %add3A_1954 : vector<16xi32> to vector<16xi32>
      tpu.vector_store %arg10[%swap3A_1955], %swap3A_1958 {strides = array<i32>} : memref<3328xi32, #tpu.memory_space<vmem>>, vector<16xi32>,
      %get3A_1959 = arith.constant 2832 : index
      %get3A_1960 = tpu.vector_load %arg9[%get3A_1959] {strides = array<i32>} : memref<3328xi32, #tpu.memory_space<vmem>>, vector<16xi32>,
      %get3A_1961 = vector.shape_cast %get3A_1960 : vector<16xi32> to vector<16xi32>
      %get3A_1962 = arith.constant 128 : index
      %get3A_1963 = tpu.vector_load %arg8[%get3A_1962] {strides = array<i32>} : memref<208xi32, #tpu.memory_space<vmem>>, vector<16xi32>,
      %get3A_1964 = vector.shape_cast %get3A_1963 : vector<16xi32> to vector<16xi32>
      %add3A_1965 = arith.addi %get3A_1961, %get3A_1964 : vector<16xi32>
      %swap3A_1966 = arith.constant 2832 : index
      %swap3A_1967 = tpu.vector_load %arg10[%swap3A_1966] {strides = array<i32>} : memref<3328xi32, #tpu.memory_space<vmem>>, vector<16xi32>,
      %swap3A_1968 = vector.shape_cast %swap3A_1967 : vector<16xi32> to vector<16xi32>
      %swap3A_1969 = vector.shape_cast %add3A_1965 : vector<16xi32> to vector<16xi32>
      tpu.vector_store %arg10[%swap3A_1966], %swap3A_1969 {strides = array<i32>} : memref<3328xi32, #tpu.memory_space<vmem>>, vector<16xi32>,
      %get3A_1970 = arith.constant 2848 : index
      %get3A_1971 = tpu.vector_load %arg9[%get3A_1970] {strides = array<i32>} : memref<3328xi32, #tpu.memory_space<vmem>>, vector<16xi32>,
      %get3A_1972 = vector.shape_cast %get3A_1971 : vector<16xi32> to vector<16xi32>
      %get3A_1973 = arith.constant 144 : index
      %get3A_1974 = tpu.vector_load %arg8[%get3A_1973] {strides = array<i32>} : memref<208xi32, #tpu.memory_space<vmem>>, vector<16xi32>,
      %get3A_1975 = vector.shape_cast %get3A_1974 : vector<16xi32> to vector<16xi32>
      %add3A_1976 = arith.addi %get3A_1972, %get3A_1975 : vector<16xi32>
      %swap3A_1977 = arith.constant 2848 : index
      %swap3A_1978 = tpu.vector_load %arg10[%swap3A_1977] {strides = array<i32>} : memref<3328xi32, #tpu.memory_space<vmem>>, vector<16xi32>,
      %swap3A_1979 = vector.shape_cast %swap3A_1978 : vector<16xi32> to vector<16xi32>
      %swap3A_1980 = vector.shape_cast %add3A_1976 : vector<16xi32> to vector<16xi32>
      tpu.vector_store %arg10[%swap3A_1977], %swap3A_1980 {strides = array<i32>} : memref<3328xi32, #tpu.memory_space<vmem>>, vector<16xi32>,
      %get3A_1981 = arith.constant 2864 : index
      %get3A_1982 = tpu.vector_load %arg9[%get3A_1981] {strides = array<i32>} : memref<3328xi32, #tpu.memory_space<vmem>>, vector<16xi32>,
      %get3A_1983 = vector.shape_cast %get3A_1982 : vector<16xi32> to vector<16xi32>
      %get3A_1984 = arith.constant 160 : index
      %get3A_1985 = tpu.vector_load %arg8[%get3A_1984] {strides = array<i32>} : memref<208xi32, #tpu.memory_space<vmem>>, vector<16xi32>,
      %get3A_1986 = vector.shape_cast %get3A_1985 : vector<16xi32> to vector<16xi32>
      %add3A_1987 = arith.addi %get3A_1983, %get3A_1986 : vector<16xi32>
      %swap3A_1988 = arith.constant 2864 : index
      %swap3A_1989 = tpu.vector_load %arg10[%swap3A_1988] {strides = array<i32>} : memref<3328xi32, #tpu.memory_space<vmem>>, vector<16xi32>,
      %swap3A_1990 = vector.shape_cast %swap3A_1989 : vector<16xi32> to vector<16xi32>
      %swap3A_1991 = vector.shape_cast %add3A_1987 : vector<16xi32> to vector<16xi32>
      tpu.vector_store %arg10[%swap3A_1988], %swap3A_1991 {strides = array<i32>} : memref<3328xi32, #tpu.memory_space<vmem>>, vector<16xi32>,
      %get3A_1992 = arith.constant 2880 : index
      %get3A_1993 = tpu.vector_load %arg9[%get3A_1992] {strides = array<i32>} : memref<3328xi32, #tpu.memory_space<vmem>>, vector<16xi32>,
      %get3A_1994 = vector.shape_cast %get3A_1993 : vector<16xi32> to vector<16xi32>
      %get3A_1995 = arith.constant 176 : index
      %get3A_1996 = tpu.vector_load %arg8[%get3A_1995] {strides = array<i32>} : memref<208xi32, #tpu.memory_space<vmem>>, vector<16xi32>,
      %get3A_1997 = vector.shape_cast %get3A_1996 : vector<16xi32> to vector<16xi32>
      %add3A_1998 = arith.addi %get3A_1994, %get3A_1997 : vector<16xi32>
      %swap3A_1999 = arith.constant 2880 : index
      %swap3A_2000 = tpu.vector_load %arg10[%swap3A_1999] {strides = array<i32>} : memref<3328xi32, #tpu.memory_space<vmem>>, vector<16xi32>,
      %swap3A_2001 = vector.shape_cast %swap3A_2000 : vector<16xi32> to vector<16xi32>
      %swap3A_2002 = vector.shape_cast %add3A_1998 : vector<16xi32> to vector<16xi32>
      tpu.vector_store %arg10[%swap3A_1999], %swap3A_2002 {strides = array<i32>} : memref<3328xi32, #tpu.memory_space<vmem>>, vector<16xi32>,
      %get3A_2003 = arith.constant 2896 : index
      %get3A_2004 = tpu.vector_load %arg9[%get3A_2003] {strides = array<i32>} : memref<3328xi32, #tpu.memory_space<vmem>>, vector<16xi32>,
      %get3A_2005 = vector.shape_cast %get3A_2004 : vector<16xi32> to vector<16xi32>
      %get3A_2006 = arith.constant 192 : index
      %get3A_2007 = tpu.vector_load %arg8[%get3A_2006] {strides = array<i32>} : memref<208xi32, #tpu.memory_space<vmem>>, vector<16xi32>,
      %get3A_2008 = vector.shape_cast %get3A_2007 : vector<16xi32> to vector<16xi32>
      %add3A_2009 = arith.addi %get3A_2005, %get3A_2008 : vector<16xi32>
      %swap3A_2010 = arith.constant 2896 : index
      %swap3A_2011 = tpu.vector_load %arg10[%swap3A_2010] {strides = array<i32>} : memref<3328xi32, #tpu.memory_space<vmem>>, vector<16xi32>,
      %swap3A_2012 = vector.shape_cast %swap3A_2011 : vector<16xi32> to vector<16xi32>
      %swap3A_2013 = vector.shape_cast %add3A_2009 : vector<16xi32> to vector<16xi32>
      tpu.vector_store %arg10[%swap3A_2010], %swap3A_2013 {strides = array<i32>} : memref<3328xi32, #tpu.memory_space<vmem>>, vector<16xi32>,
      %get3A_2014 = arith.constant 2912 : index
      %get3A_2015 = tpu.vector_load %arg9[%get3A_2014] {strides = array<i32>} : memref<3328xi32, #tpu.memory_space<vmem>>, vector<16xi32>,
      %get3A_2016 = vector.shape_cast %get3A_2015 : vector<16xi32> to vector<16xi32>
      %get3A_2017 = arith.constant 0 : index
      %get3A_2018 = tpu.vector_load %arg8[%get3A_2017] {strides = array<i32>} : memref<208xi32, #tpu.memory_space<vmem>>, vector<16xi32>,
      %get3A_2019 = vector.shape_cast %get3A_2018 : vector<16xi32> to vector<16xi32>
      %add3A_2020 = arith.addi %get3A_2016, %get3A_2019 : vector<16xi32>
      %swap3A_2021 = arith.constant 2912 : index
      %swap3A_2022 = tpu.vector_load %arg10[%swap3A_2021] {strides = array<i32>} : memref<3328xi32, #tpu.memory_space<vmem>>, vector<16xi32>,
      %swap3A_2023 = vector.shape_cast %swap3A_2022 : vector<16xi32> to vector<16xi32>
      %swap3A_2024 = vector.shape_cast %add3A_2020 : vector<16xi32> to vector<16xi32>
      tpu.vector_store %arg10[%swap3A_2021], %swap3A_2024 {strides = array<i32>} : memref<3328xi32, #tpu.memory_space<vmem>>, vector<16xi32>,
      %get3A_2025 = arith.constant 2928 : index
      %get3A_2026 = tpu.vector_load %arg9[%get3A_2025] {strides = array<i32>} : memref<3328xi32, #tpu.memory_space<vmem>>, vector<16xi32>,
      %get3A_2027 = vector.shape_cast %get3A_2026 : vector<16xi32> to vector<16xi32>
      %get3A_2028 = arith.constant 16 : index
      %get3A_2029 = tpu.vector_load %arg8[%get3A_2028] {strides = array<i32>} : memref<208xi32, #tpu.memory_space<vmem>>, vector<16xi32>,
      %get3A_2030 = vector.shape_cast %get3A_2029 : vector<16xi32> to vector<16xi32>
      %add3A_2031 = arith.addi %get3A_2027, %get3A_2030 : vector<16xi32>
      %swap3A_2032 = arith.constant 2928 : index
      %swap3A_2033 = tpu.vector_load %arg10[%swap3A_2032] {strides = array<i32>} : memref<3328xi32, #tpu.memory_space<vmem>>, vector<16xi32>,
      %swap3A_2034 = vector.shape_cast %swap3A_2033 : vector<16xi32> to vector<16xi32>
      %swap3A_2035 = vector.shape_cast %add3A_2031 : vector<16xi32> to vector<16xi32>
      tpu.vector_store %arg10[%swap3A_2032], %swap3A_2035 {strides = array<i32>} : memref<3328xi32, #tpu.memory_space<vmem>>, vector<16xi32>,
      %get3A_2036 = arith.constant 2944 : index
      %get3A_2037 = tpu.vector_load %arg9[%get3A_2036] {strides = array<i32>} : memref<3328xi32, #tpu.memory_space<vmem>>, vector<16xi32>,
      %get3A_2038 = vector.shape_cast %get3A_2037 : vector<16xi32> to vector<16xi32>
      %get3A_2039 = arith.constant 32 : index
      %get3A_2040 = tpu.vector_load %arg8[%get3A_2039] {strides = array<i32>} : memref<208xi32, #tpu.memory_space<vmem>>, vector<16xi32>,
      %get3A_2041 = vector.shape_cast %get3A_2040 : vector<16xi32> to vector<16xi32>
      %add3A_2042 = arith.addi %get3A_2038, %get3A_2041 : vector<16xi32>
      %swap3A_2043 = arith.constant 2944 : index
      %swap3A_2044 = tpu.vector_load %arg10[%swap3A_2043] {strides = array<i32>} : memref<3328xi32, #tpu.memory_space<vmem>>, vector<16xi32>,
      %swap3A_2045 = vector.shape_cast %swap3A_2044 : vector<16xi32> to vector<16xi32>
      %swap3A_2046 = vector.shape_cast %add3A_2042 : vector<16xi32> to vector<16xi32>
      tpu.vector_store %arg10[%swap3A_2043], %swap3A_2046 {strides = array<i32>} : memref<3328xi32, #tpu.memory_space<vmem>>, vector<16xi32>,
      %get3A_2047 = arith.constant 2960 : index
      %get3A_2048 = tpu.vector_load %arg9[%get3A_2047] {strides = array<i32>} : memref<3328xi32, #tpu.memory_space<vmem>>, vector<16xi32>,
      %get3A_2049 = vector.shape_cast %get3A_2048 : vector<16xi32> to vector<16xi32>
      %get3A_2050 = arith.constant 48 : index
      %get3A_2051 = tpu.vector_load %arg8[%get3A_2050] {strides = array<i32>} : memref<208xi32, #tpu.memory_space<vmem>>, vector<16xi32>,
      %get3A_2052 = vector.shape_cast %get3A_2051 : vector<16xi32> to vector<16xi32>
      %add3A_2053 = arith.addi %get3A_2049, %get3A_2052 : vector<16xi32>
      %swap3A_2054 = arith.constant 2960 : index
      %swap3A_2055 = tpu.vector_load %arg10[%swap3A_2054] {strides = array<i32>} : memref<3328xi32, #tpu.memory_space<vmem>>, vector<16xi32>,
      %swap3A_2056 = vector.shape_cast %swap3A_2055 : vector<16xi32> to vector<16xi32>
      %swap3A_2057 = vector.shape_cast %add3A_2053 : vector<16xi32> to vector<16xi32>
      tpu.vector_store %arg10[%swap3A_2054], %swap3A_2057 {strides = array<i32>} : memref<3328xi32, #tpu.memory_space<vmem>>, vector<16xi32>,
      %get3A_2058 = arith.constant 2976 : index
      %get3A_2059 = tpu.vector_load %arg9[%get3A_2058] {strides = array<i32>} : memref<3328xi32, #tpu.memory_space<vmem>>, vector<16xi32>,
      %get3A_2060 = vector.shape_cast %get3A_2059 : vector<16xi32> to vector<16xi32>
      %get3A_2061 = arith.constant 64 : index
      %get3A_2062 = tpu.vector_load %arg8[%get3A_2061] {strides = array<i32>} : memref<208xi32, #tpu.memory_space<vmem>>, vector<16xi32>,
      %get3A_2063 = vector.shape_cast %get3A_2062 : vector<16xi32> to vector<16xi32>
      %add3A_2064 = arith.addi %get3A_2060, %get3A_2063 : vector<16xi32>
      %swap3A_2065 = arith.constant 2976 : index
      %swap3A_2066 = tpu.vector_load %arg10[%swap3A_2065] {strides = array<i32>} : memref<3328xi32, #tpu.memory_space<vmem>>, vector<16xi32>,
      %swap3A_2067 = vector.shape_cast %swap3A_2066 : vector<16xi32> to vector<16xi32>
      %swap3A_2068 = vector.shape_cast %add3A_2064 : vector<16xi32> to vector<16xi32>
      tpu.vector_store %arg10[%swap3A_2065], %swap3A_2068 {strides = array<i32>} : memref<3328xi32, #tpu.memory_space<vmem>>, vector<16xi32>,
      %get3A_2069 = arith.constant 2992 : index
      %get3A_2070 = tpu.vector_load %arg9[%get3A_2069] {strides = array<i32>} : memref<3328xi32, #tpu.memory_space<vmem>>, vector<16xi32>,
      %get3A_2071 = vector.shape_cast %get3A_2070 : vector<16xi32> to vector<16xi32>
      %get3A_2072 = arith.constant 80 : index
      %get3A_2073 = tpu.vector_load %arg8[%get3A_2072] {strides = array<i32>} : memref<208xi32, #tpu.memory_space<vmem>>, vector<16xi32>,
      %get3A_2074 = vector.shape_cast %get3A_2073 : vector<16xi32> to vector<16xi32>
      %add3A_2075 = arith.addi %get3A_2071, %get3A_2074 : vector<16xi32>
      %swap3A_2076 = arith.constant 2992 : index
      %swap3A_2077 = tpu.vector_load %arg10[%swap3A_2076] {strides = array<i32>} : memref<3328xi32, #tpu.memory_space<vmem>>, vector<16xi32>,
      %swap3A_2078 = vector.shape_cast %swap3A_2077 : vector<16xi32> to vector<16xi32>
      %swap3A_2079 = vector.shape_cast %add3A_2075 : vector<16xi32> to vector<16xi32>
      tpu.vector_store %arg10[%swap3A_2076], %swap3A_2079 {strides = array<i32>} : memref<3328xi32, #tpu.memory_space<vmem>>, vector<16xi32>,
      %get3A_2080 = arith.constant 3008 : index
      %get3A_2081 = tpu.vector_load %arg9[%get3A_2080] {strides = array<i32>} : memref<3328xi32, #tpu.memory_space<vmem>>, vector<16xi32>,
      %get3A_2082 = vector.shape_cast %get3A_2081 : vector<16xi32> to vector<16xi32>
      %get3A_2083 = arith.constant 96 : index
      %get3A_2084 = tpu.vector_load %arg8[%get3A_2083] {strides = array<i32>} : memref<208xi32, #tpu.memory_space<vmem>>, vector<16xi32>,
      %get3A_2085 = vector.shape_cast %get3A_2084 : vector<16xi32> to vector<16xi32>
      %add3A_2086 = arith.addi %get3A_2082, %get3A_2085 : vector<16xi32>
      %swap3A_2087 = arith.constant 3008 : index
      %swap3A_2088 = tpu.vector_load %arg10[%swap3A_2087] {strides = array<i32>} : memref<3328xi32, #tpu.memory_space<vmem>>, vector<16xi32>,
      %swap3A_2089 = vector.shape_cast %swap3A_2088 : vector<16xi32> to vector<16xi32>
      %swap3A_2090 = vector.shape_cast %add3A_2086 : vector<16xi32> to vector<16xi32>
      tpu.vector_store %arg10[%swap3A_2087], %swap3A_2090 {strides = array<i32>} : memref<3328xi32, #tpu.memory_space<vmem>>, vector<16xi32>,
      %get3A_2091 = arith.constant 3024 : index
      %get3A_2092 = tpu.vector_load %arg9[%get3A_2091] {strides = array<i32>} : memref<3328xi32, #tpu.memory_space<vmem>>, vector<16xi32>,
      %get3A_2093 = vector.shape_cast %get3A_2092 : vector<16xi32> to vector<16xi32>
      %get3A_2094 = arith.constant 112 : index
      %get3A_2095 = tpu.vector_load %arg8[%get3A_2094] {strides = array<i32>} : memref<208xi32, #tpu.memory_space<vmem>>, vector<16xi32>,
      %get3A_2096 = vector.shape_cast %get3A_2095 : vector<16xi32> to vector<16xi32>
      %add3A_2097 = arith.addi %get3A_2093, %get3A_2096 : vector<16xi32>
      %swap3A_2098 = arith.constant 3024 : index
      %swap3A_2099 = tpu.vector_load %arg10[%swap3A_2098] {strides = array<i32>} : memref<3328xi32, #tpu.memory_space<vmem>>, vector<16xi32>,
      %swap3A_2100 = vector.shape_cast %swap3A_2099 : vector<16xi32> to vector<16xi32>
      %swap3A_2101 = vector.shape_cast %add3A_2097 : vector<16xi32> to vector<16xi32>
      tpu.vector_store %arg10[%swap3A_2098], %swap3A_2101 {strides = array<i32>} : memref<3328xi32, #tpu.memory_space<vmem>>, vector<16xi32>,
      %get3A_2102 = arith.constant 3040 : index
      %get3A_2103 = tpu.vector_load %arg9[%get3A_2102] {strides = array<i32>} : memref<3328xi32, #tpu.memory_space<vmem>>, vector<16xi32>,
      %get3A_2104 = vector.shape_cast %get3A_2103 : vector<16xi32> to vector<16xi32>
      %get3A_2105 = arith.constant 128 : index
      %get3A_2106 = tpu.vector_load %arg8[%get3A_2105] {strides = array<i32>} : memref<208xi32, #tpu.memory_space<vmem>>, vector<16xi32>,
      %get3A_2107 = vector.shape_cast %get3A_2106 : vector<16xi32> to vector<16xi32>
      %add3A_2108 = arith.addi %get3A_2104, %get3A_2107 : vector<16xi32>
      %swap3A_2109 = arith.constant 3040 : index
      %swap3A_2110 = tpu.vector_load %arg10[%swap3A_2109] {strides = array<i32>} : memref<3328xi32, #tpu.memory_space<vmem>>, vector<16xi32>,
      %swap3A_2111 = vector.shape_cast %swap3A_2110 : vector<16xi32> to vector<16xi32>
      %swap3A_2112 = vector.shape_cast %add3A_2108 : vector<16xi32> to vector<16xi32>
      tpu.vector_store %arg10[%swap3A_2109], %swap3A_2112 {strides = array<i32>} : memref<3328xi32, #tpu.memory_space<vmem>>, vector<16xi32>,
      %get3A_2113 = arith.constant 3056 : index
      %get3A_2114 = tpu.vector_load %arg9[%get3A_2113] {strides = array<i32>} : memref<3328xi32, #tpu.memory_space<vmem>>, vector<16xi32>,
      %get3A_2115 = vector.shape_cast %get3A_2114 : vector<16xi32> to vector<16xi32>
      %get3A_2116 = arith.constant 144 : index
      %get3A_2117 = tpu.vector_load %arg8[%get3A_2116] {strides = array<i32>} : memref<208xi32, #tpu.memory_space<vmem>>, vector<16xi32>,
      %get3A_2118 = vector.shape_cast %get3A_2117 : vector<16xi32> to vector<16xi32>
      %add3A_2119 = arith.addi %get3A_2115, %get3A_2118 : vector<16xi32>
      %swap3A_2120 = arith.constant 3056 : index
      %swap3A_2121 = tpu.vector_load %arg10[%swap3A_2120] {strides = array<i32>} : memref<3328xi32, #tpu.memory_space<vmem>>, vector<16xi32>,
      %swap3A_2122 = vector.shape_cast %swap3A_2121 : vector<16xi32> to vector<16xi32>
      %swap3A_2123 = vector.shape_cast %add3A_2119 : vector<16xi32> to vector<16xi32>
      tpu.vector_store %arg10[%swap3A_2120], %swap3A_2123 {strides = array<i32>} : memref<3328xi32, #tpu.memory_space<vmem>>, vector<16xi32>,
      %get3A_2124 = arith.constant 3072 : index
      %get3A_2125 = tpu.vector_load %arg9[%get3A_2124] {strides = array<i32>} : memref<3328xi32, #tpu.memory_space<vmem>>, vector<16xi32>,
      %get3A_2126 = vector.shape_cast %get3A_2125 : vector<16xi32> to vector<16xi32>
      %get3A_2127 = arith.constant 160 : index
      %get3A_2128 = tpu.vector_load %arg8[%get3A_2127] {strides = array<i32>} : memref<208xi32, #tpu.memory_space<vmem>>, vector<16xi32>,
      %get3A_2129 = vector.shape_cast %get3A_2128 : vector<16xi32> to vector<16xi32>
      %add3A_2130 = arith.addi %get3A_2126, %get3A_2129 : vector<16xi32>
      %swap3A_2131 = arith.constant 3072 : index
      %swap3A_2132 = tpu.vector_load %arg10[%swap3A_2131] {strides = array<i32>} : memref<3328xi32, #tpu.memory_space<vmem>>, vector<16xi32>,
      %swap3A_2133 = vector.shape_cast %swap3A_2132 : vector<16xi32> to vector<16xi32>
      %swap3A_2134 = vector.shape_cast %add3A_2130 : vector<16xi32> to vector<16xi32>
      tpu.vector_store %arg10[%swap3A_2131], %swap3A_2134 {strides = array<i32>} : memref<3328xi32, #tpu.memory_space<vmem>>, vector<16xi32>,
      %get3A_2135 = arith.constant 3088 : index
      %get3A_2136 = tpu.vector_load %arg9[%get3A_2135] {strides = array<i32>} : memref<3328xi32, #tpu.memory_space<vmem>>, vector<16xi32>,
      %get3A_2137 = vector.shape_cast %get3A_2136 : vector<16xi32> to vector<16xi32>
      %get3A_2138 = arith.constant 176 : index
      %get3A_2139 = tpu.vector_load %arg8[%get3A_2138] {strides = array<i32>} : memref<208xi32, #tpu.memory_space<vmem>>, vector<16xi32>,
      %get3A_2140 = vector.shape_cast %get3A_2139 : vector<16xi32> to vector<16xi32>
      %add3A_2141 = arith.addi %get3A_2137, %get3A_2140 : vector<16xi32>
      %swap3A_2142 = arith.constant 3088 : index
      %swap3A_2143 = tpu.vector_load %arg10[%swap3A_2142] {strides = array<i32>} : memref<3328xi32, #tpu.memory_space<vmem>>, vector<16xi32>,
      %swap3A_2144 = vector.shape_cast %swap3A_2143 : vector<16xi32> to vector<16xi32>
      %swap3A_2145 = vector.shape_cast %add3A_2141 : vector<16xi32> to vector<16xi32>
      tpu.vector_store %arg10[%swap3A_2142], %swap3A_2145 {strides = array<i32>} : memref<3328xi32, #tpu.memory_space<vmem>>, vector<16xi32>,
      %get3A_2146 = arith.constant 3104 : index
      %get3A_2147 = tpu.vector_load %arg9[%get3A_2146] {strides = array<i32>} : memref<3328xi32, #tpu.memory_space<vmem>>, vector<16xi32>,
      %get3A_2148 = vector.shape_cast %get3A_2147 : vector<16xi32> to vector<16xi32>
      %get3A_2149 = arith.constant 192 : index
      %get3A_2150 = tpu.vector_load %arg8[%get3A_2149] {strides = array<i32>} : memref<208xi32, #tpu.memory_space<vmem>>, vector<16xi32>,
      %get3A_2151 = vector.shape_cast %get3A_2150 : vector<16xi32> to vector<16xi32>
      %add3A_2152 = arith.addi %get3A_2148, %get3A_2151 : vector<16xi32>
      %swap3A_2153 = arith.constant 3104 : index
      %swap3A_2154 = tpu.vector_load %arg10[%swap3A_2153] {strides = array<i32>} : memref<3328xi32, #tpu.memory_space<vmem>>, vector<16xi32>,
      %swap3A_2155 = vector.shape_cast %swap3A_2154 : vector<16xi32> to vector<16xi32>
      %swap3A_2156 = vector.shape_cast %add3A_2152 : vector<16xi32> to vector<16xi32>
      tpu.vector_store %arg10[%swap3A_2153], %swap3A_2156 {strides = array<i32>} : memref<3328xi32, #tpu.memory_space<vmem>>, vector<16xi32>,
      %get3A_2157 = arith.constant 3120 : index
      %get3A_2158 = tpu.vector_load %arg9[%get3A_2157] {strides = array<i32>} : memref<3328xi32, #tpu.memory_space<vmem>>, vector<16xi32>,
      %get3A_2159 = vector.shape_cast %get3A_2158 : vector<16xi32> to vector<16xi32>
      %get3A_2160 = arith.constant 0 : index
      %get3A_2161 = tpu.vector_load %arg8[%get3A_2160] {strides = array<i32>} : memref<208xi32, #tpu.memory_space<vmem>>, vector<16xi32>,
      %get3A_2162 = vector.shape_cast %get3A_2161 : vector<16xi32> to vector<16xi32>
      %add3A_2163 = arith.addi %get3A_2159, %get3A_2162 : vector<16xi32>
      %swap3A_2164 = arith.constant 3120 : index
      %swap3A_2165 = tpu.vector_load %arg10[%swap3A_2164] {strides = array<i32>} : memref<3328xi32, #tpu.memory_space<vmem>>, vector<16xi32>,
      %swap3A_2166 = vector.shape_cast %swap3A_2165 : vector<16xi32> to vector<16xi32>
      %swap3A_2167 = vector.shape_cast %add3A_2163 : vector<16xi32> to vector<16xi32>
      tpu.vector_store %arg10[%swap3A_2164], %swap3A_2167 {strides = array<i32>} : memref<3328xi32, #tpu.memory_space<vmem>>, vector<16xi32>,
      %get3A_2168 = arith.constant 3136 : index
      %get3A_2169 = tpu.vector_load %arg9[%get3A_2168] {strides = array<i32>} : memref<3328xi32, #tpu.memory_space<vmem>>, vector<16xi32>,
      %get3A_2170 = vector.shape_cast %get3A_2169 : vector<16xi32> to vector<16xi32>
      %get3A_2171 = arith.constant 16 : index
      %get3A_2172 = tpu.vector_load %arg8[%get3A_2171] {strides = array<i32>} : memref<208xi32, #tpu.memory_space<vmem>>, vector<16xi32>,
      %get3A_2173 = vector.shape_cast %get3A_2172 : vector<16xi32> to vector<16xi32>
      %add3A_2174 = arith.addi %get3A_2170, %get3A_2173 : vector<16xi32>
      %swap3A_2175 = arith.constant 3136 : index
      %swap3A_2176 = tpu.vector_load %arg10[%swap3A_2175] {strides = array<i32>} : memref<3328xi32, #tpu.memory_space<vmem>>, vector<16xi32>,
      %swap3A_2177 = vector.shape_cast %swap3A_2176 : vector<16xi32> to vector<16xi32>
      %swap3A_2178 = vector.shape_cast %add3A_2174 : vector<16xi32> to vector<16xi32>
      tpu.vector_store %arg10[%swap3A_2175], %swap3A_2178 {strides = array<i32>} : memref<3328xi32, #tpu.memory_space<vmem>>, vector<16xi32>,
      %get3A_2179 = arith.constant 3152 : index
      %get3A_2180 = tpu.vector_load %arg9[%get3A_2179] {strides = array<i32>} : memref<3328xi32, #tpu.memory_space<vmem>>, vector<16xi32>,
      %get3A_2181 = vector.shape_cast %get3A_2180 : vector<16xi32> to vector<16xi32>
      %get3A_2182 = arith.constant 32 : index
      %get3A_2183 = tpu.vector_load %arg8[%get3A_2182] {strides = array<i32>} : memref<208xi32, #tpu.memory_space<vmem>>, vector<16xi32>,
      %get3A_2184 = vector.shape_cast %get3A_2183 : vector<16xi32> to vector<16xi32>
      %add3A_2185 = arith.addi %get3A_2181, %get3A_2184 : vector<16xi32>
      %swap3A_2186 = arith.constant 3152 : index
      %swap3A_2187 = tpu.vector_load %arg10[%swap3A_2186] {strides = array<i32>} : memref<3328xi32, #tpu.memory_space<vmem>>, vector<16xi32>,
      %swap3A_2188 = vector.shape_cast %swap3A_2187 : vector<16xi32> to vector<16xi32>
      %swap3A_2189 = vector.shape_cast %add3A_2185 : vector<16xi32> to vector<16xi32>
      tpu.vector_store %arg10[%swap3A_2186], %swap3A_2189 {strides = array<i32>} : memref<3328xi32, #tpu.memory_space<vmem>>, vector<16xi32>,
      %get3A_2190 = arith.constant 3168 : index
      %get3A_2191 = tpu.vector_load %arg9[%get3A_2190] {strides = array<i32>} : memref<3328xi32, #tpu.memory_space<vmem>>, vector<16xi32>,
      %get3A_2192 = vector.shape_cast %get3A_2191 : vector<16xi32> to vector<16xi32>
      %get3A_2193 = arith.constant 48 : index
      %get3A_2194 = tpu.vector_load %arg8[%get3A_2193] {strides = array<i32>} : memref<208xi32, #tpu.memory_space<vmem>>, vector<16xi32>,
      %get3A_2195 = vector.shape_cast %get3A_2194 : vector<16xi32> to vector<16xi32>
      %add3A_2196 = arith.addi %get3A_2192, %get3A_2195 : vector<16xi32>
      %swap3A_2197 = arith.constant 3168 : index
      %swap3A_2198 = tpu.vector_load %arg10[%swap3A_2197] {strides = array<i32>} : memref<3328xi32, #tpu.memory_space<vmem>>, vector<16xi32>,
      %swap3A_2199 = vector.shape_cast %swap3A_2198 : vector<16xi32> to vector<16xi32>
      %swap3A_2200 = vector.shape_cast %add3A_2196 : vector<16xi32> to vector<16xi32>
      tpu.vector_store %arg10[%swap3A_2197], %swap3A_2200 {strides = array<i32>} : memref<3328xi32, #tpu.memory_space<vmem>>, vector<16xi32>,
      %get3A_2201 = arith.constant 3184 : index
      %get3A_2202 = tpu.vector_load %arg9[%get3A_2201] {strides = array<i32>} : memref<3328xi32, #tpu.memory_space<vmem>>, vector<16xi32>,
      %get3A_2203 = vector.shape_cast %get3A_2202 : vector<16xi32> to vector<16xi32>
      %get3A_2204 = arith.constant 64 : index
      %get3A_2205 = tpu.vector_load %arg8[%get3A_2204] {strides = array<i32>} : memref<208xi32, #tpu.memory_space<vmem>>, vector<16xi32>,
      %get3A_2206 = vector.shape_cast %get3A_2205 : vector<16xi32> to vector<16xi32>
      %add3A_2207 = arith.addi %get3A_2203, %get3A_2206 : vector<16xi32>
      %swap3A_2208 = arith.constant 3184 : index
      %swap3A_2209 = tpu.vector_load %arg10[%swap3A_2208] {strides = array<i32>} : memref<3328xi32, #tpu.memory_space<vmem>>, vector<16xi32>,
      %swap3A_2210 = vector.shape_cast %swap3A_2209 : vector<16xi32> to vector<16xi32>
      %swap3A_2211 = vector.shape_cast %add3A_2207 : vector<16xi32> to vector<16xi32>
      tpu.vector_store %arg10[%swap3A_2208], %swap3A_2211 {strides = array<i32>} : memref<3328xi32, #tpu.memory_space<vmem>>, vector<16xi32>,
      %get3A_2212 = arith.constant 3200 : index
      %get3A_2213 = tpu.vector_load %arg9[%get3A_2212] {strides = array<i32>} : memref<3328xi32, #tpu.memory_space<vmem>>, vector<16xi32>,
      %get3A_2214 = vector.shape_cast %get3A_2213 : vector<16xi32> to vector<16xi32>
      %get3A_2215 = arith.constant 80 : index
      %get3A_2216 = tpu.vector_load %arg8[%get3A_2215] {strides = array<i32>} : memref<208xi32, #tpu.memory_space<vmem>>, vector<16xi32>,
      %get3A_2217 = vector.shape_cast %get3A_2216 : vector<16xi32> to vector<16xi32>
      %add3A_2218 = arith.addi %get3A_2214, %get3A_2217 : vector<16xi32>
      %swap3A_2219 = arith.constant 3200 : index
      %swap3A_2220 = tpu.vector_load %arg10[%swap3A_2219] {strides = array<i32>} : memref<3328xi32, #tpu.memory_space<vmem>>, vector<16xi32>,
      %swap3A_2221 = vector.shape_cast %swap3A_2220 : vector<16xi32> to vector<16xi32>
      %swap3A_2222 = vector.shape_cast %add3A_2218 : vector<16xi32> to vector<16xi32>
      tpu.vector_store %arg10[%swap3A_2219], %swap3A_2222 {strides = array<i32>} : memref<3328xi32, #tpu.memory_space<vmem>>, vector<16xi32>,
      %get3A_2223 = arith.constant 3216 : index
      %get3A_2224 = tpu.vector_load %arg9[%get3A_2223] {strides = array<i32>} : memref<3328xi32, #tpu.memory_space<vmem>>, vector<16xi32>,
      %get3A_2225 = vector.shape_cast %get3A_2224 : vector<16xi32> to vector<16xi32>
      %get3A_2226 = arith.constant 96 : index
      %get3A_2227 = tpu.vector_load %arg8[%get3A_2226] {strides = array<i32>} : memref<208xi32, #tpu.memory_space<vmem>>, vector<16xi32>,
      %get3A_2228 = vector.shape_cast %get3A_2227 : vector<16xi32> to vector<16xi32>
      %add3A_2229 = arith.addi %get3A_2225, %get3A_2228 : vector<16xi32>
      %swap3A_2230 = arith.constant 3216 : index
      %swap3A_2231 = tpu.vector_load %arg10[%swap3A_2230] {strides = array<i32>} : memref<3328xi32, #tpu.memory_space<vmem>>, vector<16xi32>,
      %swap3A_2232 = vector.shape_cast %swap3A_2231 : vector<16xi32> to vector<16xi32>
      %swap3A_2233 = vector.shape_cast %add3A_2229 : vector<16xi32> to vector<16xi32>
      tpu.vector_store %arg10[%swap3A_2230], %swap3A_2233 {strides = array<i32>} : memref<3328xi32, #tpu.memory_space<vmem>>, vector<16xi32>,
      %get3A_2234 = arith.constant 3232 : index
      %get3A_2235 = tpu.vector_load %arg9[%get3A_2234] {strides = array<i32>} : memref<3328xi32, #tpu.memory_space<vmem>>, vector<16xi32>,
      %get3A_2236 = vector.shape_cast %get3A_2235 : vector<16xi32> to vector<16xi32>
      %get3A_2237 = arith.constant 112 : index
      %get3A_2238 = tpu.vector_load %arg8[%get3A_2237] {strides = array<i32>} : memref<208xi32, #tpu.memory_space<vmem>>, vector<16xi32>,
      %get3A_2239 = vector.shape_cast %get3A_2238 : vector<16xi32> to vector<16xi32>
      %add3A_2240 = arith.addi %get3A_2236, %get3A_2239 : vector<16xi32>
      %swap3A_2241 = arith.constant 3232 : index
      %swap3A_2242 = tpu.vector_load %arg10[%swap3A_2241] {strides = array<i32>} : memref<3328xi32, #tpu.memory_space<vmem>>, vector<16xi32>,
      %swap3A_2243 = vector.shape_cast %swap3A_2242 : vector<16xi32> to vector<16xi32>
      %swap3A_2244 = vector.shape_cast %add3A_2240 : vector<16xi32> to vector<16xi32>
      tpu.vector_store %arg10[%swap3A_2241], %swap3A_2244 {strides = array<i32>} : memref<3328xi32, #tpu.memory_space<vmem>>, vector<16xi32>,
      %get3A_2245 = arith.constant 3248 : index
      %get3A_2246 = tpu.vector_load %arg9[%get3A_2245] {strides = array<i32>} : memref<3328xi32, #tpu.memory_space<vmem>>, vector<16xi32>,
      %get3A_2247 = vector.shape_cast %get3A_2246 : vector<16xi32> to vector<16xi32>
      %get3A_2248 = arith.constant 128 : index
      %get3A_2249 = tpu.vector_load %arg8[%get3A_2248] {strides = array<i32>} : memref<208xi32, #tpu.memory_space<vmem>>, vector<16xi32>,
      %get3A_2250 = vector.shape_cast %get3A_2249 : vector<16xi32> to vector<16xi32>
      %add3A_2251 = arith.addi %get3A_2247, %get3A_2250 : vector<16xi32>
      %swap3A_2252 = arith.constant 3248 : index
      %swap3A_2253 = tpu.vector_load %arg10[%swap3A_2252] {strides = array<i32>} : memref<3328xi32, #tpu.memory_space<vmem>>, vector<16xi32>,
      %swap3A_2254 = vector.shape_cast %swap3A_2253 : vector<16xi32> to vector<16xi32>
      %swap3A_2255 = vector.shape_cast %add3A_2251 : vector<16xi32> to vector<16xi32>
      tpu.vector_store %arg10[%swap3A_2252], %swap3A_2255 {strides = array<i32>} : memref<3328xi32, #tpu.memory_space<vmem>>, vector<16xi32>,
      %get3A_2256 = arith.constant 3264 : index
      %get3A_2257 = tpu.vector_load %arg9[%get3A_2256] {strides = array<i32>} : memref<3328xi32, #tpu.memory_space<vmem>>, vector<16xi32>,
      %get3A_2258 = vector.shape_cast %get3A_2257 : vector<16xi32> to vector<16xi32>
      %get3A_2259 = arith.constant 144 : index
      %get3A_2260 = tpu.vector_load %arg8[%get3A_2259] {strides = array<i32>} : memref<208xi32, #tpu.memory_space<vmem>>, vector<16xi32>,
      %get3A_2261 = vector.shape_cast %get3A_2260 : vector<16xi32> to vector<16xi32>
      %add3A_2262 = arith.addi %get3A_2258, %get3A_2261 : vector<16xi32>
      %swap3A_2263 = arith.constant 3264 : index
      %swap3A_2264 = tpu.vector_load %arg10[%swap3A_2263] {strides = array<i32>} : memref<3328xi32, #tpu.memory_space<vmem>>, vector<16xi32>,
      %swap3A_2265 = vector.shape_cast %swap3A_2264 : vector<16xi32> to vector<16xi32>
      %swap3A_2266 = vector.shape_cast %add3A_2262 : vector<16xi32> to vector<16xi32>
      tpu.vector_store %arg10[%swap3A_2263], %swap3A_2266 {strides = array<i32>} : memref<3328xi32, #tpu.memory_space<vmem>>, vector<16xi32>,
      %get3A_2267 = arith.constant 3280 : index
      %get3A_2268 = tpu.vector_load %arg9[%get3A_2267] {strides = array<i32>} : memref<3328xi32, #tpu.memory_space<vmem>>, vector<16xi32>,
      %get3A_2269 = vector.shape_cast %get3A_2268 : vector<16xi32> to vector<16xi32>
      %get3A_2270 = arith.constant 160 : index
      %get3A_2271 = tpu.vector_load %arg8[%get3A_2270] {strides = array<i32>} : memref<208xi32, #tpu.memory_space<vmem>>, vector<16xi32>,
      %get3A_2272 = vector.shape_cast %get3A_2271 : vector<16xi32> to vector<16xi32>
      %add3A_2273 = arith.addi %get3A_2269, %get3A_2272 : vector<16xi32>
      %swap3A_2274 = arith.constant 3280 : index
      %swap3A_2275 = tpu.vector_load %arg10[%swap3A_2274] {strides = array<i32>} : memref<3328xi32, #tpu.memory_space<vmem>>, vector<16xi32>,
      %swap3A_2276 = vector.shape_cast %swap3A_2275 : vector<16xi32> to vector<16xi32>
      %swap3A_2277 = vector.shape_cast %add3A_2273 : vector<16xi32> to vector<16xi32>
      tpu.vector_store %arg10[%swap3A_2274], %swap3A_2277 {strides = array<i32>} : memref<3328xi32, #tpu.memory_space<vmem>>, vector<16xi32>,
      %get3A_2278 = arith.constant 3296 : index
      %get3A_2279 = tpu.vector_load %arg9[%get3A_2278] {strides = array<i32>} : memref<3328xi32, #tpu.memory_space<vmem>>, vector<16xi32>,
      %get3A_2280 = vector.shape_cast %get3A_2279 : vector<16xi32> to vector<16xi32>
      %get3A_2281 = arith.constant 176 : index
      %get3A_2282 = tpu.vector_load %arg8[%get3A_2281] {strides = array<i32>} : memref<208xi32, #tpu.memory_space<vmem>>, vector<16xi32>,
      %get3A_2283 = vector.shape_cast %get3A_2282 : vector<16xi32> to vector<16xi32>
      %add3A_2284 = arith.addi %get3A_2280, %get3A_2283 : vector<16xi32>
      %swap3A_2285 = arith.constant 3296 : index
      %swap3A_2286 = tpu.vector_load %arg10[%swap3A_2285] {strides = array<i32>} : memref<3328xi32, #tpu.memory_space<vmem>>, vector<16xi32>,
      %swap3A_2287 = vector.shape_cast %swap3A_2286 : vector<16xi32> to vector<16xi32>
      %swap3A_2288 = vector.shape_cast %add3A_2284 : vector<16xi32> to vector<16xi32>
      tpu.vector_store %arg10[%swap3A_2285], %swap3A_2288 {strides = array<i32>} : memref<3328xi32, #tpu.memory_space<vmem>>, vector<16xi32>,
      %get3A_2289 = arith.constant 3312 : index
      %get3A_2290 = tpu.vector_load %arg9[%get3A_2289] {strides = array<i32>} : memref<3328xi32, #tpu.memory_space<vmem>>, vector<16xi32>,
      %get3A_2291 = vector.shape_cast %get3A_2290 : vector<16xi32> to vector<16xi32>
      %get3A_2292 = arith.constant 192 : index
      %get3A_2293 = tpu.vector_load %arg8[%get3A_2292] {strides = array<i32>} : memref<208xi32, #tpu.memory_space<vmem>>, vector<16xi32>,
      %get3A_2294 = vector.shape_cast %get3A_2293 : vector<16xi32> to vector<16xi32>
      %add3A_2295 = arith.addi %get3A_2291, %get3A_2294 : vector<16xi32>
      %swap3A_2296 = arith.constant 3312 : index
      %swap3A_2297 = tpu.vector_load %arg10[%swap3A_2296] {strides = array<i32>} : memref<3328xi32, #tpu.memory_space<vmem>>, vector<16xi32>,
      %swap3A_2298 = vector.shape_cast %swap3A_2297 : vector<16xi32> to vector<16xi32>
      %swap3A_2299 = vector.shape_cast %add3A_2295 : vector<16xi32> to vector<16xi32>
      tpu.vector_store %arg10[%swap3A_2296], %swap3A_2299 {strides = array<i32>} : memref<3328xi32, #tpu.memory_space<vmem>>, vector<16xi32>,
      %dma_start3A = arith.constant 0 : i32
      %dma_start3A_2300 = arith.constant 0 : i32
      %dma_start3A_2301 = tpu.memref_slice %arg11[%dma_start3A, %dma_start3A_2300] : memref<3328x16xf32, #tpu.memory_space<vmem>> -> memref<128x16xf32, #tpu.memory_space<vmem>>
      %dma_start3A_2302 = arith.constant 0 : i32
      %dma_start3A_2303 = tpu.memref_slice %arg10[%dma_start3A_2302] : memref<3328xi32, #tpu.memory_space<vmem>> -> memref<128xi32, #tpu.memory_space<vmem>>
      %dma_start3A_2304 = arith.constant 0 : i32
      %dma_start3A_2305 = arith.constant 0 : i32
      %dma_start3A_2306 = tpu.memref_slice %arg4[%dma_start3A_2304, %dma_start3A_2305] : memref<2600000x16xf32, #tpu.memory_space<hbm>> -> memref<2600000x16xf32, #tpu.memory_space<hbm>>
      tpu.enqueue_indirect_dma source(%dma_start3A_2306 : memref<2600000x16xf32, #tpu.memory_space<hbm>>) target(%dma_start3A_2301 : memref<128x16xf32, #tpu.memory_space<vmem>>) offsets(%dma_start3A_2303 : memref<128xi32, #tpu.memory_space<vmem>>) semaphore(%arg13 : memref<!tpu.dma_semaphore, #tpu.memory_space<semaphore_mem>>)
      %dma_start3A_2307 = arith.constant 0 : i32
      %dma_start3A_2308 = tpu.memref_slice %arg12[%dma_start3A_2307] : memref<3328xf32, #tpu.memory_space<vmem>> -> memref<128xf32, #tpu.memory_space<vmem>>
      %dma_start3A_2309 = arith.constant 0 : i32
      %dma_start3A_2310 = tpu.memref_slice %arg10[%dma_start3A_2309] : memref<3328xi32, #tpu.memory_space<vmem>> -> memref<128xi32, #tpu.memory_space<vmem>>
      %dma_start3A_2311 = arith.constant 0 : i32
      %dma_start3A_2312 = tpu.memref_slice %arg5[%dma_start3A_2311] : memref<2600000xf32, #tpu.memory_space<hbm>> -> memref<2600000xf32, #tpu.memory_space<hbm>>
      tpu.enqueue_indirect_dma source(%dma_start3A_2312 : memref<2600000xf32, #tpu.memory_space<hbm>>) target(%dma_start3A_2308 : memref<128xf32, #tpu.memory_space<vmem>>) offsets(%dma_start3A_2310 : memref<128xi32, #tpu.memory_space<vmem>>) semaphore(%arg14 : memref<!tpu.dma_semaphore, #tpu.memory_space<semaphore_mem>>)
      %dma_start3A_2313 = arith.constant 128 : i32
      %dma_start3A_2314 = arith.constant 0 : i32
      %dma_start3A_2315 = tpu.memref_slice %arg11[%dma_start3A_2313, %dma_start3A_2314] : memref<3328x16xf32, #tpu.memory_space<vmem>> -> memref<128x16xf32, #tpu.memory_space<vmem>>
      %dma_start3A_2316 = arith.constant 128 : i32
      %dma_start3A_2317 = tpu.memref_slice %arg10[%dma_start3A_2316] : memref<3328xi32, #tpu.memory_space<vmem>> -> memref<128xi32, #tpu.memory_space<vmem>>
      %dma_start3A_2318 = arith.constant 0 : i32
      %dma_start3A_2319 = arith.constant 0 : i32
      %dma_start3A_2320 = tpu.memref_slice %arg4[%dma_start3A_2318, %dma_start3A_2319] : memref<2600000x16xf32, #tpu.memory_space<hbm>> -> memref<2600000x16xf32, #tpu.memory_space<hbm>>
      tpu.enqueue_indirect_dma source(%dma_start3A_2320 : memref<2600000x16xf32, #tpu.memory_space<hbm>>) target(%dma_start3A_2315 : memref<128x16xf32, #tpu.memory_space<vmem>>) offsets(%dma_start3A_2317 : memref<128xi32, #tpu.memory_space<vmem>>) semaphore(%arg13 : memref<!tpu.dma_semaphore, #tpu.memory_space<semaphore_mem>>)
      %dma_start3A_2321 = arith.constant 128 : i32
      %dma_start3A_2322 = tpu.memref_slice %arg12[%dma_start3A_2321] : memref<3328xf32, #tpu.memory_space<vmem>> -> memref<128xf32, #tpu.memory_space<vmem>>
      %dma_start3A_2323 = arith.constant 128 : i32
      %dma_start3A_2324 = tpu.memref_slice %arg10[%dma_start3A_2323] : memref<3328xi32, #tpu.memory_space<vmem>> -> memref<128xi32, #tpu.memory_space<vmem>>
      %dma_start3A_2325 = arith.constant 0 : i32
      %dma_start3A_2326 = tpu.memref_slice %arg5[%dma_start3A_2325] : memref<2600000xf32, #tpu.memory_space<hbm>> -> memref<2600000xf32, #tpu.memory_space<hbm>>
      tpu.enqueue_indirect_dma source(%dma_start3A_2326 : memref<2600000xf32, #tpu.memory_space<hbm>>) target(%dma_start3A_2322 : memref<128xf32, #tpu.memory_space<vmem>>) offsets(%dma_start3A_2324 : memref<128xi32, #tpu.memory_space<vmem>>) semaphore(%arg14 : memref<!tpu.dma_semaphore, #tpu.memory_space<semaphore_mem>>)
      %dma_start3A_2327 = arith.constant 256 : i32
      %dma_start3A_2328 = arith.constant 0 : i32
      %dma_start3A_2329 = tpu.memref_slice %arg11[%dma_start3A_2327, %dma_start3A_2328] : memref<3328x16xf32, #tpu.memory_space<vmem>> -> memref<128x16xf32, #tpu.memory_space<vmem>>
      %dma_start3A_2330 = arith.constant 256 : i32
      %dma_start3A_2331 = tpu.memref_slice %arg10[%dma_start3A_2330] : memref<3328xi32, #tpu.memory_space<vmem>> -> memref<128xi32, #tpu.memory_space<vmem>>
      %dma_start3A_2332 = arith.constant 0 : i32
      %dma_start3A_2333 = arith.constant 0 : i32
      %dma_start3A_2334 = tpu.memref_slice %arg4[%dma_start3A_2332, %dma_start3A_2333] : memref<2600000x16xf32, #tpu.memory_space<hbm>> -> memref<2600000x16xf32, #tpu.memory_space<hbm>>
      tpu.enqueue_indirect_dma source(%dma_start3A_2334 : memref<2600000x16xf32, #tpu.memory_space<hbm>>) target(%dma_start3A_2329 : memref<128x16xf32, #tpu.memory_space<vmem>>) offsets(%dma_start3A_2331 : memref<128xi32, #tpu.memory_space<vmem>>) semaphore(%arg13 : memref<!tpu.dma_semaphore, #tpu.memory_space<semaphore_mem>>)
      %dma_start3A_2335 = arith.constant 256 : i32
      %dma_start3A_2336 = tpu.memref_slice %arg12[%dma_start3A_2335] : memref<3328xf32, #tpu.memory_space<vmem>> -> memref<128xf32, #tpu.memory_space<vmem>>
      %dma_start3A_2337 = arith.constant 256 : i32
      %dma_start3A_2338 = tpu.memref_slice %arg10[%dma_start3A_2337] : memref<3328xi32, #tpu.memory_space<vmem>> -> memref<128xi32, #tpu.memory_space<vmem>>
      %dma_start3A_2339 = arith.constant 0 : i32
      %dma_start3A_2340 = tpu.memref_slice %arg5[%dma_start3A_2339] : memref<2600000xf32, #tpu.memory_space<hbm>> -> memref<2600000xf32, #tpu.memory_space<hbm>>
      tpu.enqueue_indirect_dma source(%dma_start3A_2340 : memref<2600000xf32, #tpu.memory_space<hbm>>) target(%dma_start3A_2336 : memref<128xf32, #tpu.memory_space<vmem>>) offsets(%dma_start3A_2338 : memref<128xi32, #tpu.memory_space<vmem>>) semaphore(%arg14 : memref<!tpu.dma_semaphore, #tpu.memory_space<semaphore_mem>>)
      %dma_start3A_2341 = arith.constant 384 : i32
      %dma_start3A_2342 = arith.constant 0 : i32
      %dma_start3A_2343 = tpu.memref_slice %arg11[%dma_start3A_2341, %dma_start3A_2342] : memref<3328x16xf32, #tpu.memory_space<vmem>> -> memref<128x16xf32, #tpu.memory_space<vmem>>
      %dma_start3A_2344 = arith.constant 384 : i32
      %dma_start3A_2345 = tpu.memref_slice %arg10[%dma_start3A_2344] : memref<3328xi32, #tpu.memory_space<vmem>> -> memref<128xi32, #tpu.memory_space<vmem>>
      %dma_start3A_2346 = arith.constant 0 : i32
      %dma_start3A_2347 = arith.constant 0 : i32
      %dma_start3A_2348 = tpu.memref_slice %arg4[%dma_start3A_2346, %dma_start3A_2347] : memref<2600000x16xf32, #tpu.memory_space<hbm>> -> memref<2600000x16xf32, #tpu.memory_space<hbm>>
      tpu.enqueue_indirect_dma source(%dma_start3A_2348 : memref<2600000x16xf32, #tpu.memory_space<hbm>>) target(%dma_start3A_2343 : memref<128x16xf32, #tpu.memory_space<vmem>>) offsets(%dma_start3A_2345 : memref<128xi32, #tpu.memory_space<vmem>>) semaphore(%arg13 : memref<!tpu.dma_semaphore, #tpu.memory_space<semaphore_mem>>)
      %dma_start3A_2349 = arith.constant 384 : i32
      %dma_start3A_2350 = tpu.memref_slice %arg12[%dma_start3A_2349] : memref<3328xf32, #tpu.memory_space<vmem>> -> memref<128xf32, #tpu.memory_space<vmem>>
      %dma_start3A_2351 = arith.constant 384 : i32
      %dma_start3A_2352 = tpu.memref_slice %arg10[%dma_start3A_2351] : memref<3328xi32, #tpu.memory_space<vmem>> -> memref<128xi32, #tpu.memory_space<vmem>>
      %dma_start3A_2353 = arith.constant 0 : i32
      %dma_start3A_2354 = tpu.memref_slice %arg5[%dma_start3A_2353] : memref<2600000xf32, #tpu.memory_space<hbm>> -> memref<2600000xf32, #tpu.memory_space<hbm>>
      tpu.enqueue_indirect_dma source(%dma_start3A_2354 : memref<2600000xf32, #tpu.memory_space<hbm>>) target(%dma_start3A_2350 : memref<128xf32, #tpu.memory_space<vmem>>) offsets(%dma_start3A_2352 : memref<128xi32, #tpu.memory_space<vmem>>) semaphore(%arg14 : memref<!tpu.dma_semaphore, #tpu.memory_space<semaphore_mem>>)
      %dma_start3A_2355 = arith.constant 512 : i32
      %dma_start3A_2356 = arith.constant 0 : i32
      %dma_start3A_2357 = tpu.memref_slice %arg11[%dma_start3A_2355, %dma_start3A_2356] : memref<3328x16xf32, #tpu.memory_space<vmem>> -> memref<128x16xf32, #tpu.memory_space<vmem>>
      %dma_start3A_2358 = arith.constant 512 : i32
      %dma_start3A_2359 = tpu.memref_slice %arg10[%dma_start3A_2358] : memref<3328xi32, #tpu.memory_space<vmem>> -> memref<128xi32, #tpu.memory_space<vmem>>
      %dma_start3A_2360 = arith.constant 0 : i32
      %dma_start3A_2361 = arith.constant 0 : i32
      %dma_start3A_2362 = tpu.memref_slice %arg4[%dma_start3A_2360, %dma_start3A_2361] : memref<2600000x16xf32, #tpu.memory_space<hbm>> -> memref<2600000x16xf32, #tpu.memory_space<hbm>>
      tpu.enqueue_indirect_dma source(%dma_start3A_2362 : memref<2600000x16xf32, #tpu.memory_space<hbm>>) target(%dma_start3A_2357 : memref<128x16xf32, #tpu.memory_space<vmem>>) offsets(%dma_start3A_2359 : memref<128xi32, #tpu.memory_space<vmem>>) semaphore(%arg13 : memref<!tpu.dma_semaphore, #tpu.memory_space<semaphore_mem>>)
      %dma_start3A_2363 = arith.constant 512 : i32
      %dma_start3A_2364 = tpu.memref_slice %arg12[%dma_start3A_2363] : memref<3328xf32, #tpu.memory_space<vmem>> -> memref<128xf32, #tpu.memory_space<vmem>>
      %dma_start3A_2365 = arith.constant 512 : i32
      %dma_start3A_2366 = tpu.memref_slice %arg10[%dma_start3A_2365] : memref<3328xi32, #tpu.memory_space<vmem>> -> memref<128xi32, #tpu.memory_space<vmem>>
      %dma_start3A_2367 = arith.constant 0 : i32
      %dma_start3A_2368 = tpu.memref_slice %arg5[%dma_start3A_2367] : memref<2600000xf32, #tpu.memory_space<hbm>> -> memref<2600000xf32, #tpu.memory_space<hbm>>
      tpu.enqueue_indirect_dma source(%dma_start3A_2368 : memref<2600000xf32, #tpu.memory_space<hbm>>) target(%dma_start3A_2364 : memref<128xf32, #tpu.memory_space<vmem>>) offsets(%dma_start3A_2366 : memref<128xi32, #tpu.memory_space<vmem>>) semaphore(%arg14 : memref<!tpu.dma_semaphore, #tpu.memory_space<semaphore_mem>>)
      %dma_start3A_2369 = arith.constant 640 : i32
      %dma_start3A_2370 = arith.constant 0 : i32
      %dma_start3A_2371 = tpu.memref_slice %arg11[%dma_start3A_2369, %dma_start3A_2370] : memref<3328x16xf32, #tpu.memory_space<vmem>> -> memref<128x16xf32, #tpu.memory_space<vmem>>
      %dma_start3A_2372 = arith.constant 640 : i32
      %dma_start3A_2373 = tpu.memref_slice %arg10[%dma_start3A_2372] : memref<3328xi32, #tpu.memory_space<vmem>> -> memref<128xi32, #tpu.memory_space<vmem>>
      %dma_start3A_2374 = arith.constant 0 : i32
      %dma_start3A_2375 = arith.constant 0 : i32
      %dma_start3A_2376 = tpu.memref_slice %arg4[%dma_start3A_2374, %dma_start3A_2375] : memref<2600000x16xf32, #tpu.memory_space<hbm>> -> memref<2600000x16xf32, #tpu.memory_space<hbm>>
      tpu.enqueue_indirect_dma source(%dma_start3A_2376 : memref<2600000x16xf32, #tpu.memory_space<hbm>>) target(%dma_start3A_2371 : memref<128x16xf32, #tpu.memory_space<vmem>>) offsets(%dma_start3A_2373 : memref<128xi32, #tpu.memory_space<vmem>>) semaphore(%arg13 : memref<!tpu.dma_semaphore, #tpu.memory_space<semaphore_mem>>)
      %dma_start3A_2377 = arith.constant 640 : i32
      %dma_start3A_2378 = tpu.memref_slice %arg12[%dma_start3A_2377] : memref<3328xf32, #tpu.memory_space<vmem>> -> memref<128xf32, #tpu.memory_space<vmem>>
      %dma_start3A_2379 = arith.constant 640 : i32
      %dma_start3A_2380 = tpu.memref_slice %arg10[%dma_start3A_2379] : memref<3328xi32, #tpu.memory_space<vmem>> -> memref<128xi32, #tpu.memory_space<vmem>>
      %dma_start3A_2381 = arith.constant 0 : i32
      %dma_start3A_2382 = tpu.memref_slice %arg5[%dma_start3A_2381] : memref<2600000xf32, #tpu.memory_space<hbm>> -> memref<2600000xf32, #tpu.memory_space<hbm>>
      tpu.enqueue_indirect_dma source(%dma_start3A_2382 : memref<2600000xf32, #tpu.memory_space<hbm>>) target(%dma_start3A_2378 : memref<128xf32, #tpu.memory_space<vmem>>) offsets(%dma_start3A_2380 : memref<128xi32, #tpu.memory_space<vmem>>) semaphore(%arg14 : memref<!tpu.dma_semaphore, #tpu.memory_space<semaphore_mem>>)
      %dma_start3A_2383 = arith.constant 768 : i32
      %dma_start3A_2384 = arith.constant 0 : i32
      %dma_start3A_2385 = tpu.memref_slice %arg11[%dma_start3A_2383, %dma_start3A_2384] : memref<3328x16xf32, #tpu.memory_space<vmem>> -> memref<128x16xf32, #tpu.memory_space<vmem>>
      %dma_start3A_2386 = arith.constant 768 : i32
      %dma_start3A_2387 = tpu.memref_slice %arg10[%dma_start3A_2386] : memref<3328xi32, #tpu.memory_space<vmem>> -> memref<128xi32, #tpu.memory_space<vmem>>
      %dma_start3A_2388 = arith.constant 0 : i32
      %dma_start3A_2389 = arith.constant 0 : i32
      %dma_start3A_2390 = tpu.memref_slice %arg4[%dma_start3A_2388, %dma_start3A_2389] : memref<2600000x16xf32, #tpu.memory_space<hbm>> -> memref<2600000x16xf32, #tpu.memory_space<hbm>>
      tpu.enqueue_indirect_dma source(%dma_start3A_2390 : memref<2600000x16xf32, #tpu.memory_space<hbm>>) target(%dma_start3A_2385 : memref<128x16xf32, #tpu.memory_space<vmem>>) offsets(%dma_start3A_2387 : memref<128xi32, #tpu.memory_space<vmem>>) semaphore(%arg13 : memref<!tpu.dma_semaphore, #tpu.memory_space<semaphore_mem>>)
      %dma_start3A_2391 = arith.constant 768 : i32
      %dma_start3A_2392 = tpu.memref_slice %arg12[%dma_start3A_2391] : memref<3328xf32, #tpu.memory_space<vmem>> -> memref<128xf32, #tpu.memory_space<vmem>>
      %dma_start3A_2393 = arith.constant 768 : i32
      %dma_start3A_2394 = tpu.memref_slice %arg10[%dma_start3A_2393] : memref<3328xi32, #tpu.memory_space<vmem>> -> memref<128xi32, #tpu.memory_space<vmem>>
      %dma_start3A_2395 = arith.constant 0 : i32
      %dma_start3A_2396 = tpu.memref_slice %arg5[%dma_start3A_2395] : memref<2600000xf32, #tpu.memory_space<hbm>> -> memref<2600000xf32, #tpu.memory_space<hbm>>
      tpu.enqueue_indirect_dma source(%dma_start3A_2396 : memref<2600000xf32, #tpu.memory_space<hbm>>) target(%dma_start3A_2392 : memref<128xf32, #tpu.memory_space<vmem>>) offsets(%dma_start3A_2394 : memref<128xi32, #tpu.memory_space<vmem>>) semaphore(%arg14 : memref<!tpu.dma_semaphore, #tpu.memory_space<semaphore_mem>>)
      %dma_start3A_2397 = arith.constant 896 : i32
      %dma_start3A_2398 = arith.constant 0 : i32
      %dma_start3A_2399 = tpu.memref_slice %arg11[%dma_start3A_2397, %dma_start3A_2398] : memref<3328x16xf32, #tpu.memory_space<vmem>> -> memref<128x16xf32, #tpu.memory_space<vmem>>
      %dma_start3A_2400 = arith.constant 896 : i32
      %dma_start3A_2401 = tpu.memref_slice %arg10[%dma_start3A_2400] : memref<3328xi32, #tpu.memory_space<vmem>> -> memref<128xi32, #tpu.memory_space<vmem>>
      %dma_start3A_2402 = arith.constant 0 : i32
      %dma_start3A_2403 = arith.constant 0 : i32
      %dma_start3A_2404 = tpu.memref_slice %arg4[%dma_start3A_2402, %dma_start3A_2403] : memref<2600000x16xf32, #tpu.memory_space<hbm>> -> memref<2600000x16xf32, #tpu.memory_space<hbm>>
      tpu.enqueue_indirect_dma source(%dma_start3A_2404 : memref<2600000x16xf32, #tpu.memory_space<hbm>>) target(%dma_start3A_2399 : memref<128x16xf32, #tpu.memory_space<vmem>>) offsets(%dma_start3A_2401 : memref<128xi32, #tpu.memory_space<vmem>>) semaphore(%arg13 : memref<!tpu.dma_semaphore, #tpu.memory_space<semaphore_mem>>)
      %dma_start3A_2405 = arith.constant 896 : i32
      %dma_start3A_2406 = tpu.memref_slice %arg12[%dma_start3A_2405] : memref<3328xf32, #tpu.memory_space<vmem>> -> memref<128xf32, #tpu.memory_space<vmem>>
      %dma_start3A_2407 = arith.constant 896 : i32
      %dma_start3A_2408 = tpu.memref_slice %arg10[%dma_start3A_2407] : memref<3328xi32, #tpu.memory_space<vmem>> -> memref<128xi32, #tpu.memory_space<vmem>>
      %dma_start3A_2409 = arith.constant 0 : i32
      %dma_start3A_2410 = tpu.memref_slice %arg5[%dma_start3A_2409] : memref<2600000xf32, #tpu.memory_space<hbm>> -> memref<2600000xf32, #tpu.memory_space<hbm>>
      tpu.enqueue_indirect_dma source(%dma_start3A_2410 : memref<2600000xf32, #tpu.memory_space<hbm>>) target(%dma_start3A_2406 : memref<128xf32, #tpu.memory_space<vmem>>) offsets(%dma_start3A_2408 : memref<128xi32, #tpu.memory_space<vmem>>) semaphore(%arg14 : memref<!tpu.dma_semaphore, #tpu.memory_space<semaphore_mem>>)
      %dma_start3A_2411 = arith.constant 1024 : i32
      %dma_start3A_2412 = arith.constant 0 : i32
      %dma_start3A_2413 = tpu.memref_slice %arg11[%dma_start3A_2411, %dma_start3A_2412] : memref<3328x16xf32, #tpu.memory_space<vmem>> -> memref<128x16xf32, #tpu.memory_space<vmem>>
      %dma_start3A_2414 = arith.constant 1024 : i32
      %dma_start3A_2415 = tpu.memref_slice %arg10[%dma_start3A_2414] : memref<3328xi32, #tpu.memory_space<vmem>> -> memref<128xi32, #tpu.memory_space<vmem>>
      %dma_start3A_2416 = arith.constant 0 : i32
      %dma_start3A_2417 = arith.constant 0 : i32
      %dma_start3A_2418 = tpu.memref_slice %arg4[%dma_start3A_2416, %dma_start3A_2417] : memref<2600000x16xf32, #tpu.memory_space<hbm>> -> memref<2600000x16xf32, #tpu.memory_space<hbm>>
      tpu.enqueue_indirect_dma source(%dma_start3A_2418 : memref<2600000x16xf32, #tpu.memory_space<hbm>>) target(%dma_start3A_2413 : memref<128x16xf32, #tpu.memory_space<vmem>>) offsets(%dma_start3A_2415 : memref<128xi32, #tpu.memory_space<vmem>>) semaphore(%arg13 : memref<!tpu.dma_semaphore, #tpu.memory_space<semaphore_mem>>)
      %dma_start3A_2419 = arith.constant 1024 : i32
      %dma_start3A_2420 = tpu.memref_slice %arg12[%dma_start3A_2419] : memref<3328xf32, #tpu.memory_space<vmem>> -> memref<128xf32, #tpu.memory_space<vmem>>
      %dma_start3A_2421 = arith.constant 1024 : i32
      %dma_start3A_2422 = tpu.memref_slice %arg10[%dma_start3A_2421] : memref<3328xi32, #tpu.memory_space<vmem>> -> memref<128xi32, #tpu.memory_space<vmem>>
      %dma_start3A_2423 = arith.constant 0 : i32
      %dma_start3A_2424 = tpu.memref_slice %arg5[%dma_start3A_2423] : memref<2600000xf32, #tpu.memory_space<hbm>> -> memref<2600000xf32, #tpu.memory_space<hbm>>
      tpu.enqueue_indirect_dma source(%dma_start3A_2424 : memref<2600000xf32, #tpu.memory_space<hbm>>) target(%dma_start3A_2420 : memref<128xf32, #tpu.memory_space<vmem>>) offsets(%dma_start3A_2422 : memref<128xi32, #tpu.memory_space<vmem>>) semaphore(%arg14 : memref<!tpu.dma_semaphore, #tpu.memory_space<semaphore_mem>>)
      %dma_start3A_2425 = arith.constant 1152 : i32
      %dma_start3A_2426 = arith.constant 0 : i32
      %dma_start3A_2427 = tpu.memref_slice %arg11[%dma_start3A_2425, %dma_start3A_2426] : memref<3328x16xf32, #tpu.memory_space<vmem>> -> memref<128x16xf32, #tpu.memory_space<vmem>>
      %dma_start3A_2428 = arith.constant 1152 : i32
      %dma_start3A_2429 = tpu.memref_slice %arg10[%dma_start3A_2428] : memref<3328xi32, #tpu.memory_space<vmem>> -> memref<128xi32, #tpu.memory_space<vmem>>
      %dma_start3A_2430 = arith.constant 0 : i32
      %dma_start3A_2431 = arith.constant 0 : i32
      %dma_start3A_2432 = tpu.memref_slice %arg4[%dma_start3A_2430, %dma_start3A_2431] : memref<2600000x16xf32, #tpu.memory_space<hbm>> -> memref<2600000x16xf32, #tpu.memory_space<hbm>>
      tpu.enqueue_indirect_dma source(%dma_start3A_2432 : memref<2600000x16xf32, #tpu.memory_space<hbm>>) target(%dma_start3A_2427 : memref<128x16xf32, #tpu.memory_space<vmem>>) offsets(%dma_start3A_2429 : memref<128xi32, #tpu.memory_space<vmem>>) semaphore(%arg13 : memref<!tpu.dma_semaphore, #tpu.memory_space<semaphore_mem>>)
      %dma_start3A_2433 = arith.constant 1152 : i32
      %dma_start3A_2434 = tpu.memref_slice %arg12[%dma_start3A_2433] : memref<3328xf32, #tpu.memory_space<vmem>> -> memref<128xf32, #tpu.memory_space<vmem>>
      %dma_start3A_2435 = arith.constant 1152 : i32
      %dma_start3A_2436 = tpu.memref_slice %arg10[%dma_start3A_2435] : memref<3328xi32, #tpu.memory_space<vmem>> -> memref<128xi32, #tpu.memory_space<vmem>>
      %dma_start3A_2437 = arith.constant 0 : i32
      %dma_start3A_2438 = tpu.memref_slice %arg5[%dma_start3A_2437] : memref<2600000xf32, #tpu.memory_space<hbm>> -> memref<2600000xf32, #tpu.memory_space<hbm>>
      tpu.enqueue_indirect_dma source(%dma_start3A_2438 : memref<2600000xf32, #tpu.memory_space<hbm>>) target(%dma_start3A_2434 : memref<128xf32, #tpu.memory_space<vmem>>) offsets(%dma_start3A_2436 : memref<128xi32, #tpu.memory_space<vmem>>) semaphore(%arg14 : memref<!tpu.dma_semaphore, #tpu.memory_space<semaphore_mem>>)
      %dma_start3A_2439 = arith.constant 1280 : i32
      %dma_start3A_2440 = arith.constant 0 : i32
      %dma_start3A_2441 = tpu.memref_slice %arg11[%dma_start3A_2439, %dma_start3A_2440] : memref<3328x16xf32, #tpu.memory_space<vmem>> -> memref<128x16xf32, #tpu.memory_space<vmem>>
      %dma_start3A_2442 = arith.constant 1280 : i32
      %dma_start3A_2443 = tpu.memref_slice %arg10[%dma_start3A_2442] : memref<3328xi32, #tpu.memory_space<vmem>> -> memref<128xi32, #tpu.memory_space<vmem>>
      %dma_start3A_2444 = arith.constant 0 : i32
      %dma_start3A_2445 = arith.constant 0 : i32
      %dma_start3A_2446 = tpu.memref_slice %arg4[%dma_start3A_2444, %dma_start3A_2445] : memref<2600000x16xf32, #tpu.memory_space<hbm>> -> memref<2600000x16xf32, #tpu.memory_space<hbm>>
      tpu.enqueue_indirect_dma source(%dma_start3A_2446 : memref<2600000x16xf32, #tpu.memory_space<hbm>>) target(%dma_start3A_2441 : memref<128x16xf32, #tpu.memory_space<vmem>>) offsets(%dma_start3A_2443 : memref<128xi32, #tpu.memory_space<vmem>>) semaphore(%arg13 : memref<!tpu.dma_semaphore, #tpu.memory_space<semaphore_mem>>)
      %dma_start3A_2447 = arith.constant 1280 : i32
      %dma_start3A_2448 = tpu.memref_slice %arg12[%dma_start3A_2447] : memref<3328xf32, #tpu.memory_space<vmem>> -> memref<128xf32, #tpu.memory_space<vmem>>
      %dma_start3A_2449 = arith.constant 1280 : i32
      %dma_start3A_2450 = tpu.memref_slice %arg10[%dma_start3A_2449] : memref<3328xi32, #tpu.memory_space<vmem>> -> memref<128xi32, #tpu.memory_space<vmem>>
      %dma_start3A_2451 = arith.constant 0 : i32
      %dma_start3A_2452 = tpu.memref_slice %arg5[%dma_start3A_2451] : memref<2600000xf32, #tpu.memory_space<hbm>> -> memref<2600000xf32, #tpu.memory_space<hbm>>
      tpu.enqueue_indirect_dma source(%dma_start3A_2452 : memref<2600000xf32, #tpu.memory_space<hbm>>) target(%dma_start3A_2448 : memref<128xf32, #tpu.memory_space<vmem>>) offsets(%dma_start3A_2450 : memref<128xi32, #tpu.memory_space<vmem>>) semaphore(%arg14 : memref<!tpu.dma_semaphore, #tpu.memory_space<semaphore_mem>>)
      %dma_start3A_2453 = arith.constant 1408 : i32
      %dma_start3A_2454 = arith.constant 0 : i32
      %dma_start3A_2455 = tpu.memref_slice %arg11[%dma_start3A_2453, %dma_start3A_2454] : memref<3328x16xf32, #tpu.memory_space<vmem>> -> memref<128x16xf32, #tpu.memory_space<vmem>>
      %dma_start3A_2456 = arith.constant 1408 : i32
      %dma_start3A_2457 = tpu.memref_slice %arg10[%dma_start3A_2456] : memref<3328xi32, #tpu.memory_space<vmem>> -> memref<128xi32, #tpu.memory_space<vmem>>
      %dma_start3A_2458 = arith.constant 0 : i32
      %dma_start3A_2459 = arith.constant 0 : i32
      %dma_start3A_2460 = tpu.memref_slice %arg4[%dma_start3A_2458, %dma_start3A_2459] : memref<2600000x16xf32, #tpu.memory_space<hbm>> -> memref<2600000x16xf32, #tpu.memory_space<hbm>>
      tpu.enqueue_indirect_dma source(%dma_start3A_2460 : memref<2600000x16xf32, #tpu.memory_space<hbm>>) target(%dma_start3A_2455 : memref<128x16xf32, #tpu.memory_space<vmem>>) offsets(%dma_start3A_2457 : memref<128xi32, #tpu.memory_space<vmem>>) semaphore(%arg13 : memref<!tpu.dma_semaphore, #tpu.memory_space<semaphore_mem>>)
      %dma_start3A_2461 = arith.constant 1408 : i32
      %dma_start3A_2462 = tpu.memref_slice %arg12[%dma_start3A_2461] : memref<3328xf32, #tpu.memory_space<vmem>> -> memref<128xf32, #tpu.memory_space<vmem>>
      %dma_start3A_2463 = arith.constant 1408 : i32
      %dma_start3A_2464 = tpu.memref_slice %arg10[%dma_start3A_2463] : memref<3328xi32, #tpu.memory_space<vmem>> -> memref<128xi32, #tpu.memory_space<vmem>>
      %dma_start3A_2465 = arith.constant 0 : i32
      %dma_start3A_2466 = tpu.memref_slice %arg5[%dma_start3A_2465] : memref<2600000xf32, #tpu.memory_space<hbm>> -> memref<2600000xf32, #tpu.memory_space<hbm>>
      tpu.enqueue_indirect_dma source(%dma_start3A_2466 : memref<2600000xf32, #tpu.memory_space<hbm>>) target(%dma_start3A_2462 : memref<128xf32, #tpu.memory_space<vmem>>) offsets(%dma_start3A_2464 : memref<128xi32, #tpu.memory_space<vmem>>) semaphore(%arg14 : memref<!tpu.dma_semaphore, #tpu.memory_space<semaphore_mem>>)
      %dma_start3A_2467 = arith.constant 1536 : i32
      %dma_start3A_2468 = arith.constant 0 : i32
      %dma_start3A_2469 = tpu.memref_slice %arg11[%dma_start3A_2467, %dma_start3A_2468] : memref<3328x16xf32, #tpu.memory_space<vmem>> -> memref<128x16xf32, #tpu.memory_space<vmem>>
      %dma_start3A_2470 = arith.constant 1536 : i32
      %dma_start3A_2471 = tpu.memref_slice %arg10[%dma_start3A_2470] : memref<3328xi32, #tpu.memory_space<vmem>> -> memref<128xi32, #tpu.memory_space<vmem>>
      %dma_start3A_2472 = arith.constant 0 : i32
      %dma_start3A_2473 = arith.constant 0 : i32
      %dma_start3A_2474 = tpu.memref_slice %arg4[%dma_start3A_2472, %dma_start3A_2473] : memref<2600000x16xf32, #tpu.memory_space<hbm>> -> memref<2600000x16xf32, #tpu.memory_space<hbm>>
      tpu.enqueue_indirect_dma source(%dma_start3A_2474 : memref<2600000x16xf32, #tpu.memory_space<hbm>>) target(%dma_start3A_2469 : memref<128x16xf32, #tpu.memory_space<vmem>>) offsets(%dma_start3A_2471 : memref<128xi32, #tpu.memory_space<vmem>>) semaphore(%arg13 : memref<!tpu.dma_semaphore, #tpu.memory_space<semaphore_mem>>)
      %dma_start3A_2475 = arith.constant 1536 : i32
      %dma_start3A_2476 = tpu.memref_slice %arg12[%dma_start3A_2475] : memref<3328xf32, #tpu.memory_space<vmem>> -> memref<128xf32, #tpu.memory_space<vmem>>
      %dma_start3A_2477 = arith.constant 1536 : i32
      %dma_start3A_2478 = tpu.memref_slice %arg10[%dma_start3A_2477] : memref<3328xi32, #tpu.memory_space<vmem>> -> memref<128xi32, #tpu.memory_space<vmem>>
      %dma_start3A_2479 = arith.constant 0 : i32
      %dma_start3A_2480 = tpu.memref_slice %arg5[%dma_start3A_2479] : memref<2600000xf32, #tpu.memory_space<hbm>> -> memref<2600000xf32, #tpu.memory_space<hbm>>
      tpu.enqueue_indirect_dma source(%dma_start3A_2480 : memref<2600000xf32, #tpu.memory_space<hbm>>) target(%dma_start3A_2476 : memref<128xf32, #tpu.memory_space<vmem>>) offsets(%dma_start3A_2478 : memref<128xi32, #tpu.memory_space<vmem>>) semaphore(%arg14 : memref<!tpu.dma_semaphore, #tpu.memory_space<semaphore_mem>>)
      %dma_start3A_2481 = arith.constant 1664 : i32
      %dma_start3A_2482 = arith.constant 0 : i32
      %dma_start3A_2483 = tpu.memref_slice %arg11[%dma_start3A_2481, %dma_start3A_2482] : memref<3328x16xf32, #tpu.memory_space<vmem>> -> memref<128x16xf32, #tpu.memory_space<vmem>>
      %dma_start3A_2484 = arith.constant 1664 : i32
      %dma_start3A_2485 = tpu.memref_slice %arg10[%dma_start3A_2484] : memref<3328xi32, #tpu.memory_space<vmem>> -> memref<128xi32, #tpu.memory_space<vmem>>
      %dma_start3A_2486 = arith.constant 0 : i32
      %dma_start3A_2487 = arith.constant 0 : i32
      %dma_start3A_2488 = tpu.memref_slice %arg4[%dma_start3A_2486, %dma_start3A_2487] : memref<2600000x16xf32, #tpu.memory_space<hbm>> -> memref<2600000x16xf32, #tpu.memory_space<hbm>>
      tpu.enqueue_indirect_dma source(%dma_start3A_2488 : memref<2600000x16xf32, #tpu.memory_space<hbm>>) target(%dma_start3A_2483 : memref<128x16xf32, #tpu.memory_space<vmem>>) offsets(%dma_start3A_2485 : memref<128xi32, #tpu.memory_space<vmem>>) semaphore(%arg13 : memref<!tpu.dma_semaphore, #tpu.memory_space<semaphore_mem>>)
      %dma_start3A_2489 = arith.constant 1664 : i32
      %dma_start3A_2490 = tpu.memref_slice %arg12[%dma_start3A_2489] : memref<3328xf32, #tpu.memory_space<vmem>> -> memref<128xf32, #tpu.memory_space<vmem>>
      %dma_start3A_2491 = arith.constant 1664 : i32
      %dma_start3A_2492 = tpu.memref_slice %arg10[%dma_start3A_2491] : memref<3328xi32, #tpu.memory_space<vmem>> -> memref<128xi32, #tpu.memory_space<vmem>>
      %dma_start3A_2493 = arith.constant 0 : i32
      %dma_start3A_2494 = tpu.memref_slice %arg5[%dma_start3A_2493] : memref<2600000xf32, #tpu.memory_space<hbm>> -> memref<2600000xf32, #tpu.memory_space<hbm>>
      tpu.enqueue_indirect_dma source(%dma_start3A_2494 : memref<2600000xf32, #tpu.memory_space<hbm>>) target(%dma_start3A_2490 : memref<128xf32, #tpu.memory_space<vmem>>) offsets(%dma_start3A_2492 : memref<128xi32, #tpu.memory_space<vmem>>) semaphore(%arg14 : memref<!tpu.dma_semaphore, #tpu.memory_space<semaphore_mem>>)
      %dma_start3A_2495 = arith.constant 1792 : i32
      %dma_start3A_2496 = arith.constant 0 : i32
      %dma_start3A_2497 = tpu.memref_slice %arg11[%dma_start3A_2495, %dma_start3A_2496] : memref<3328x16xf32, #tpu.memory_space<vmem>> -> memref<128x16xf32, #tpu.memory_space<vmem>>
      %dma_start3A_2498 = arith.constant 1792 : i32
      %dma_start3A_2499 = tpu.memref_slice %arg10[%dma_start3A_2498] : memref<3328xi32, #tpu.memory_space<vmem>> -> memref<128xi32, #tpu.memory_space<vmem>>
      %dma_start3A_2500 = arith.constant 0 : i32
      %dma_start3A_2501 = arith.constant 0 : i32
      %dma_start3A_2502 = tpu.memref_slice %arg4[%dma_start3A_2500, %dma_start3A_2501] : memref<2600000x16xf32, #tpu.memory_space<hbm>> -> memref<2600000x16xf32, #tpu.memory_space<hbm>>
      tpu.enqueue_indirect_dma source(%dma_start3A_2502 : memref<2600000x16xf32, #tpu.memory_space<hbm>>) target(%dma_start3A_2497 : memref<128x16xf32, #tpu.memory_space<vmem>>) offsets(%dma_start3A_2499 : memref<128xi32, #tpu.memory_space<vmem>>) semaphore(%arg13 : memref<!tpu.dma_semaphore, #tpu.memory_space<semaphore_mem>>)
      %dma_start3A_2503 = arith.constant 1792 : i32
      %dma_start3A_2504 = tpu.memref_slice %arg12[%dma_start3A_2503] : memref<3328xf32, #tpu.memory_space<vmem>> -> memref<128xf32, #tpu.memory_space<vmem>>
      %dma_start3A_2505 = arith.constant 1792 : i32
      %dma_start3A_2506 = tpu.memref_slice %arg10[%dma_start3A_2505] : memref<3328xi32, #tpu.memory_space<vmem>> -> memref<128xi32, #tpu.memory_space<vmem>>
      %dma_start3A_2507 = arith.constant 0 : i32
      %dma_start3A_2508 = tpu.memref_slice %arg5[%dma_start3A_2507] : memref<2600000xf32, #tpu.memory_space<hbm>> -> memref<2600000xf32, #tpu.memory_space<hbm>>
      tpu.enqueue_indirect_dma source(%dma_start3A_2508 : memref<2600000xf32, #tpu.memory_space<hbm>>) target(%dma_start3A_2504 : memref<128xf32, #tpu.memory_space<vmem>>) offsets(%dma_start3A_2506 : memref<128xi32, #tpu.memory_space<vmem>>) semaphore(%arg14 : memref<!tpu.dma_semaphore, #tpu.memory_space<semaphore_mem>>)
      %dma_start3A_2509 = arith.constant 1920 : i32
      %dma_start3A_2510 = arith.constant 0 : i32
      %dma_start3A_2511 = tpu.memref_slice %arg11[%dma_start3A_2509, %dma_start3A_2510] : memref<3328x16xf32, #tpu.memory_space<vmem>> -> memref<128x16xf32, #tpu.memory_space<vmem>>
      %dma_start3A_2512 = arith.constant 1920 : i32
      %dma_start3A_2513 = tpu.memref_slice %arg10[%dma_start3A_2512] : memref<3328xi32, #tpu.memory_space<vmem>> -> memref<128xi32, #tpu.memory_space<vmem>>
      %dma_start3A_2514 = arith.constant 0 : i32
      %dma_start3A_2515 = arith.constant 0 : i32
      %dma_start3A_2516 = tpu.memref_slice %arg4[%dma_start3A_2514, %dma_start3A_2515] : memref<2600000x16xf32, #tpu.memory_space<hbm>> -> memref<2600000x16xf32, #tpu.memory_space<hbm>>
      tpu.enqueue_indirect_dma source(%dma_start3A_2516 : memref<2600000x16xf32, #tpu.memory_space<hbm>>) target(%dma_start3A_2511 : memref<128x16xf32, #tpu.memory_space<vmem>>) offsets(%dma_start3A_2513 : memref<128xi32, #tpu.memory_space<vmem>>) semaphore(%arg13 : memref<!tpu.dma_semaphore, #tpu.memory_space<semaphore_mem>>)
      %dma_start3A_2517 = arith.constant 1920 : i32
      %dma_start3A_2518 = tpu.memref_slice %arg12[%dma_start3A_2517] : memref<3328xf32, #tpu.memory_space<vmem>> -> memref<128xf32, #tpu.memory_space<vmem>>
      %dma_start3A_2519 = arith.constant 1920 : i32
      %dma_start3A_2520 = tpu.memref_slice %arg10[%dma_start3A_2519] : memref<3328xi32, #tpu.memory_space<vmem>> -> memref<128xi32, #tpu.memory_space<vmem>>
      %dma_start3A_2521 = arith.constant 0 : i32
      %dma_start3A_2522 = tpu.memref_slice %arg5[%dma_start3A_2521] : memref<2600000xf32, #tpu.memory_space<hbm>> -> memref<2600000xf32, #tpu.memory_space<hbm>>
      tpu.enqueue_indirect_dma source(%dma_start3A_2522 : memref<2600000xf32, #tpu.memory_space<hbm>>) target(%dma_start3A_2518 : memref<128xf32, #tpu.memory_space<vmem>>) offsets(%dma_start3A_2520 : memref<128xi32, #tpu.memory_space<vmem>>) semaphore(%arg14 : memref<!tpu.dma_semaphore, #tpu.memory_space<semaphore_mem>>)
      %dma_start3A_2523 = arith.constant 2048 : i32
      %dma_start3A_2524 = arith.constant 0 : i32
      %dma_start3A_2525 = tpu.memref_slice %arg11[%dma_start3A_2523, %dma_start3A_2524] : memref<3328x16xf32, #tpu.memory_space<vmem>> -> memref<128x16xf32, #tpu.memory_space<vmem>>
      %dma_start3A_2526 = arith.constant 2048 : i32
      %dma_start3A_2527 = tpu.memref_slice %arg10[%dma_start3A_2526] : memref<3328xi32, #tpu.memory_space<vmem>> -> memref<128xi32, #tpu.memory_space<vmem>>
      %dma_start3A_2528 = arith.constant 0 : i32
      %dma_start3A_2529 = arith.constant 0 : i32
      %dma_start3A_2530 = tpu.memref_slice %arg4[%dma_start3A_2528, %dma_start3A_2529] : memref<2600000x16xf32, #tpu.memory_space<hbm>> -> memref<2600000x16xf32, #tpu.memory_space<hbm>>
      tpu.enqueue_indirect_dma source(%dma_start3A_2530 : memref<2600000x16xf32, #tpu.memory_space<hbm>>) target(%dma_start3A_2525 : memref<128x16xf32, #tpu.memory_space<vmem>>) offsets(%dma_start3A_2527 : memref<128xi32, #tpu.memory_space<vmem>>) semaphore(%arg13 : memref<!tpu.dma_semaphore, #tpu.memory_space<semaphore_mem>>)
      %dma_start3A_2531 = arith.constant 2048 : i32
      %dma_start3A_2532 = tpu.memref_slice %arg12[%dma_start3A_2531] : memref<3328xf32, #tpu.memory_space<vmem>> -> memref<128xf32, #tpu.memory_space<vmem>>
      %dma_start3A_2533 = arith.constant 2048 : i32
      %dma_start3A_2534 = tpu.memref_slice %arg10[%dma_start3A_2533] : memref<3328xi32, #tpu.memory_space<vmem>> -> memref<128xi32, #tpu.memory_space<vmem>>
      %dma_start3A_2535 = arith.constant 0 : i32
      %dma_start3A_2536 = tpu.memref_slice %arg5[%dma_start3A_2535] : memref<2600000xf32, #tpu.memory_space<hbm>> -> memref<2600000xf32, #tpu.memory_space<hbm>>
      tpu.enqueue_indirect_dma source(%dma_start3A_2536 : memref<2600000xf32, #tpu.memory_space<hbm>>) target(%dma_start3A_2532 : memref<128xf32, #tpu.memory_space<vmem>>) offsets(%dma_start3A_2534 : memref<128xi32, #tpu.memory_space<vmem>>) semaphore(%arg14 : memref<!tpu.dma_semaphore, #tpu.memory_space<semaphore_mem>>)
      %dma_start3A_2537 = arith.constant 2176 : i32
      %dma_start3A_2538 = arith.constant 0 : i32
      %dma_start3A_2539 = tpu.memref_slice %arg11[%dma_start3A_2537, %dma_start3A_2538] : memref<3328x16xf32, #tpu.memory_space<vmem>> -> memref<128x16xf32, #tpu.memory_space<vmem>>
      %dma_start3A_2540 = arith.constant 2176 : i32
      %dma_start3A_2541 = tpu.memref_slice %arg10[%dma_start3A_2540] : memref<3328xi32, #tpu.memory_space<vmem>> -> memref<128xi32, #tpu.memory_space<vmem>>
      %dma_start3A_2542 = arith.constant 0 : i32
      %dma_start3A_2543 = arith.constant 0 : i32
      %dma_start3A_2544 = tpu.memref_slice %arg4[%dma_start3A_2542, %dma_start3A_2543] : memref<2600000x16xf32, #tpu.memory_space<hbm>> -> memref<2600000x16xf32, #tpu.memory_space<hbm>>
      tpu.enqueue_indirect_dma source(%dma_start3A_2544 : memref<2600000x16xf32, #tpu.memory_space<hbm>>) target(%dma_start3A_2539 : memref<128x16xf32, #tpu.memory_space<vmem>>) offsets(%dma_start3A_2541 : memref<128xi32, #tpu.memory_space<vmem>>) semaphore(%arg13 : memref<!tpu.dma_semaphore, #tpu.memory_space<semaphore_mem>>)
      %dma_start3A_2545 = arith.constant 2176 : i32
      %dma_start3A_2546 = tpu.memref_slice %arg12[%dma_start3A_2545] : memref<3328xf32, #tpu.memory_space<vmem>> -> memref<128xf32, #tpu.memory_space<vmem>>
      %dma_start3A_2547 = arith.constant 2176 : i32
      %dma_start3A_2548 = tpu.memref_slice %arg10[%dma_start3A_2547] : memref<3328xi32, #tpu.memory_space<vmem>> -> memref<128xi32, #tpu.memory_space<vmem>>
      %dma_start3A_2549 = arith.constant 0 : i32
      %dma_start3A_2550 = tpu.memref_slice %arg5[%dma_start3A_2549] : memref<2600000xf32, #tpu.memory_space<hbm>> -> memref<2600000xf32, #tpu.memory_space<hbm>>
      tpu.enqueue_indirect_dma source(%dma_start3A_2550 : memref<2600000xf32, #tpu.memory_space<hbm>>) target(%dma_start3A_2546 : memref<128xf32, #tpu.memory_space<vmem>>) offsets(%dma_start3A_2548 : memref<128xi32, #tpu.memory_space<vmem>>) semaphore(%arg14 : memref<!tpu.dma_semaphore, #tpu.memory_space<semaphore_mem>>)
      %dma_start3A_2551 = arith.constant 2304 : i32
      %dma_start3A_2552 = arith.constant 0 : i32
      %dma_start3A_2553 = tpu.memref_slice %arg11[%dma_start3A_2551, %dma_start3A_2552] : memref<3328x16xf32, #tpu.memory_space<vmem>> -> memref<128x16xf32, #tpu.memory_space<vmem>>
      %dma_start3A_2554 = arith.constant 2304 : i32
      %dma_start3A_2555 = tpu.memref_slice %arg10[%dma_start3A_2554] : memref<3328xi32, #tpu.memory_space<vmem>> -> memref<128xi32, #tpu.memory_space<vmem>>
      %dma_start3A_2556 = arith.constant 0 : i32
      %dma_start3A_2557 = arith.constant 0 : i32
      %dma_start3A_2558 = tpu.memref_slice %arg4[%dma_start3A_2556, %dma_start3A_2557] : memref<2600000x16xf32, #tpu.memory_space<hbm>> -> memref<2600000x16xf32, #tpu.memory_space<hbm>>
      tpu.enqueue_indirect_dma source(%dma_start3A_2558 : memref<2600000x16xf32, #tpu.memory_space<hbm>>) target(%dma_start3A_2553 : memref<128x16xf32, #tpu.memory_space<vmem>>) offsets(%dma_start3A_2555 : memref<128xi32, #tpu.memory_space<vmem>>) semaphore(%arg13 : memref<!tpu.dma_semaphore, #tpu.memory_space<semaphore_mem>>)
      %dma_start3A_2559 = arith.constant 2304 : i32
      %dma_start3A_2560 = tpu.memref_slice %arg12[%dma_start3A_2559] : memref<3328xf32, #tpu.memory_space<vmem>> -> memref<128xf32, #tpu.memory_space<vmem>>
      %dma_start3A_2561 = arith.constant 2304 : i32
      %dma_start3A_2562 = tpu.memref_slice %arg10[%dma_start3A_2561] : memref<3328xi32, #tpu.memory_space<vmem>> -> memref<128xi32, #tpu.memory_space<vmem>>
      %dma_start3A_2563 = arith.constant 0 : i32
      %dma_start3A_2564 = tpu.memref_slice %arg5[%dma_start3A_2563] : memref<2600000xf32, #tpu.memory_space<hbm>> -> memref<2600000xf32, #tpu.memory_space<hbm>>
      tpu.enqueue_indirect_dma source(%dma_start3A_2564 : memref<2600000xf32, #tpu.memory_space<hbm>>) target(%dma_start3A_2560 : memref<128xf32, #tpu.memory_space<vmem>>) offsets(%dma_start3A_2562 : memref<128xi32, #tpu.memory_space<vmem>>) semaphore(%arg14 : memref<!tpu.dma_semaphore, #tpu.memory_space<semaphore_mem>>)
      %dma_start3A_2565 = arith.constant 2432 : i32
      %dma_start3A_2566 = arith.constant 0 : i32
      %dma_start3A_2567 = tpu.memref_slice %arg11[%dma_start3A_2565, %dma_start3A_2566] : memref<3328x16xf32, #tpu.memory_space<vmem>> -> memref<128x16xf32, #tpu.memory_space<vmem>>
      %dma_start3A_2568 = arith.constant 2432 : i32
      %dma_start3A_2569 = tpu.memref_slice %arg10[%dma_start3A_2568] : memref<3328xi32, #tpu.memory_space<vmem>> -> memref<128xi32, #tpu.memory_space<vmem>>
      %dma_start3A_2570 = arith.constant 0 : i32
      %dma_start3A_2571 = arith.constant 0 : i32
      %dma_start3A_2572 = tpu.memref_slice %arg4[%dma_start3A_2570, %dma_start3A_2571] : memref<2600000x16xf32, #tpu.memory_space<hbm>> -> memref<2600000x16xf32, #tpu.memory_space<hbm>>
      tpu.enqueue_indirect_dma source(%dma_start3A_2572 : memref<2600000x16xf32, #tpu.memory_space<hbm>>) target(%dma_start3A_2567 : memref<128x16xf32, #tpu.memory_space<vmem>>) offsets(%dma_start3A_2569 : memref<128xi32, #tpu.memory_space<vmem>>) semaphore(%arg13 : memref<!tpu.dma_semaphore, #tpu.memory_space<semaphore_mem>>)
      %dma_start3A_2573 = arith.constant 2432 : i32
      %dma_start3A_2574 = tpu.memref_slice %arg12[%dma_start3A_2573] : memref<3328xf32, #tpu.memory_space<vmem>> -> memref<128xf32, #tpu.memory_space<vmem>>
      %dma_start3A_2575 = arith.constant 2432 : i32
      %dma_start3A_2576 = tpu.memref_slice %arg10[%dma_start3A_2575] : memref<3328xi32, #tpu.memory_space<vmem>> -> memref<128xi32, #tpu.memory_space<vmem>>
      %dma_start3A_2577 = arith.constant 0 : i32
      %dma_start3A_2578 = tpu.memref_slice %arg5[%dma_start3A_2577] : memref<2600000xf32, #tpu.memory_space<hbm>> -> memref<2600000xf32, #tpu.memory_space<hbm>>
      tpu.enqueue_indirect_dma source(%dma_start3A_2578 : memref<2600000xf32, #tpu.memory_space<hbm>>) target(%dma_start3A_2574 : memref<128xf32, #tpu.memory_space<vmem>>) offsets(%dma_start3A_2576 : memref<128xi32, #tpu.memory_space<vmem>>) semaphore(%arg14 : memref<!tpu.dma_semaphore, #tpu.memory_space<semaphore_mem>>)
      %dma_start3A_2579 = arith.constant 2560 : i32
      %dma_start3A_2580 = arith.constant 0 : i32
      %dma_start3A_2581 = tpu.memref_slice %arg11[%dma_start3A_2579, %dma_start3A_2580] : memref<3328x16xf32, #tpu.memory_space<vmem>> -> memref<128x16xf32, #tpu.memory_space<vmem>>
      %dma_start3A_2582 = arith.constant 2560 : i32
      %dma_start3A_2583 = tpu.memref_slice %arg10[%dma_start3A_2582] : memref<3328xi32, #tpu.memory_space<vmem>> -> memref<128xi32, #tpu.memory_space<vmem>>
      %dma_start3A_2584 = arith.constant 0 : i32
      %dma_start3A_2585 = arith.constant 0 : i32
      %dma_start3A_2586 = tpu.memref_slice %arg4[%dma_start3A_2584, %dma_start3A_2585] : memref<2600000x16xf32, #tpu.memory_space<hbm>> -> memref<2600000x16xf32, #tpu.memory_space<hbm>>
      tpu.enqueue_indirect_dma source(%dma_start3A_2586 : memref<2600000x16xf32, #tpu.memory_space<hbm>>) target(%dma_start3A_2581 : memref<128x16xf32, #tpu.memory_space<vmem>>) offsets(%dma_start3A_2583 : memref<128xi32, #tpu.memory_space<vmem>>) semaphore(%arg13 : memref<!tpu.dma_semaphore, #tpu.memory_space<semaphore_mem>>)
      %dma_start3A_2587 = arith.constant 2560 : i32
      %dma_start3A_2588 = tpu.memref_slice %arg12[%dma_start3A_2587] : memref<3328xf32, #tpu.memory_space<vmem>> -> memref<128xf32, #tpu.memory_space<vmem>>
      %dma_start3A_2589 = arith.constant 2560 : i32
      %dma_start3A_2590 = tpu.memref_slice %arg10[%dma_start3A_2589] : memref<3328xi32, #tpu.memory_space<vmem>> -> memref<128xi32, #tpu.memory_space<vmem>>
      %dma_start3A_2591 = arith.constant 0 : i32
      %dma_start3A_2592 = tpu.memref_slice %arg5[%dma_start3A_2591] : memref<2600000xf32, #tpu.memory_space<hbm>> -> memref<2600000xf32, #tpu.memory_space<hbm>>
      tpu.enqueue_indirect_dma source(%dma_start3A_2592 : memref<2600000xf32, #tpu.memory_space<hbm>>) target(%dma_start3A_2588 : memref<128xf32, #tpu.memory_space<vmem>>) offsets(%dma_start3A_2590 : memref<128xi32, #tpu.memory_space<vmem>>) semaphore(%arg14 : memref<!tpu.dma_semaphore, #tpu.memory_space<semaphore_mem>>)
      %dma_start3A_2593 = arith.constant 2688 : i32
      %dma_start3A_2594 = arith.constant 0 : i32
      %dma_start3A_2595 = tpu.memref_slice %arg11[%dma_start3A_2593, %dma_start3A_2594] : memref<3328x16xf32, #tpu.memory_space<vmem>> -> memref<128x16xf32, #tpu.memory_space<vmem>>
      %dma_start3A_2596 = arith.constant 2688 : i32
      %dma_start3A_2597 = tpu.memref_slice %arg10[%dma_start3A_2596] : memref<3328xi32, #tpu.memory_space<vmem>> -> memref<128xi32, #tpu.memory_space<vmem>>
      %dma_start3A_2598 = arith.constant 0 : i32
      %dma_start3A_2599 = arith.constant 0 : i32
      %dma_start3A_2600 = tpu.memref_slice %arg4[%dma_start3A_2598, %dma_start3A_2599] : memref<2600000x16xf32, #tpu.memory_space<hbm>> -> memref<2600000x16xf32, #tpu.memory_space<hbm>>
      tpu.enqueue_indirect_dma source(%dma_start3A_2600 : memref<2600000x16xf32, #tpu.memory_space<hbm>>) target(%dma_start3A_2595 : memref<128x16xf32, #tpu.memory_space<vmem>>) offsets(%dma_start3A_2597 : memref<128xi32, #tpu.memory_space<vmem>>) semaphore(%arg13 : memref<!tpu.dma_semaphore, #tpu.memory_space<semaphore_mem>>)
      %dma_start3A_2601 = arith.constant 2688 : i32
      %dma_start3A_2602 = tpu.memref_slice %arg12[%dma_start3A_2601] : memref<3328xf32, #tpu.memory_space<vmem>> -> memref<128xf32, #tpu.memory_space<vmem>>
      %dma_start3A_2603 = arith.constant 2688 : i32
      %dma_start3A_2604 = tpu.memref_slice %arg10[%dma_start3A_2603] : memref<3328xi32, #tpu.memory_space<vmem>> -> memref<128xi32, #tpu.memory_space<vmem>>
      %dma_start3A_2605 = arith.constant 0 : i32
      %dma_start3A_2606 = tpu.memref_slice %arg5[%dma_start3A_2605] : memref<2600000xf32, #tpu.memory_space<hbm>> -> memref<2600000xf32, #tpu.memory_space<hbm>>
      tpu.enqueue_indirect_dma source(%dma_start3A_2606 : memref<2600000xf32, #tpu.memory_space<hbm>>) target(%dma_start3A_2602 : memref<128xf32, #tpu.memory_space<vmem>>) offsets(%dma_start3A_2604 : memref<128xi32, #tpu.memory_space<vmem>>) semaphore(%arg14 : memref<!tpu.dma_semaphore, #tpu.memory_space<semaphore_mem>>)
      %dma_start3A_2607 = arith.constant 2816 : i32
      %dma_start3A_2608 = arith.constant 0 : i32
      %dma_start3A_2609 = tpu.memref_slice %arg11[%dma_start3A_2607, %dma_start3A_2608] : memref<3328x16xf32, #tpu.memory_space<vmem>> -> memref<128x16xf32, #tpu.memory_space<vmem>>
      %dma_start3A_2610 = arith.constant 2816 : i32
      %dma_start3A_2611 = tpu.memref_slice %arg10[%dma_start3A_2610] : memref<3328xi32, #tpu.memory_space<vmem>> -> memref<128xi32, #tpu.memory_space<vmem>>
      %dma_start3A_2612 = arith.constant 0 : i32
      %dma_start3A_2613 = arith.constant 0 : i32
      %dma_start3A_2614 = tpu.memref_slice %arg4[%dma_start3A_2612, %dma_start3A_2613] : memref<2600000x16xf32, #tpu.memory_space<hbm>> -> memref<2600000x16xf32, #tpu.memory_space<hbm>>
      tpu.enqueue_indirect_dma source(%dma_start3A_2614 : memref<2600000x16xf32, #tpu.memory_space<hbm>>) target(%dma_start3A_2609 : memref<128x16xf32, #tpu.memory_space<vmem>>) offsets(%dma_start3A_2611 : memref<128xi32, #tpu.memory_space<vmem>>) semaphore(%arg13 : memref<!tpu.dma_semaphore, #tpu.memory_space<semaphore_mem>>)
      %dma_start3A_2615 = arith.constant 2816 : i32
      %dma_start3A_2616 = tpu.memref_slice %arg12[%dma_start3A_2615] : memref<3328xf32, #tpu.memory_space<vmem>> -> memref<128xf32, #tpu.memory_space<vmem>>
      %dma_start3A_2617 = arith.constant 2816 : i32
      %dma_start3A_2618 = tpu.memref_slice %arg10[%dma_start3A_2617] : memref<3328xi32, #tpu.memory_space<vmem>> -> memref<128xi32, #tpu.memory_space<vmem>>
      %dma_start3A_2619 = arith.constant 0 : i32
      %dma_start3A_2620 = tpu.memref_slice %arg5[%dma_start3A_2619] : memref<2600000xf32, #tpu.memory_space<hbm>> -> memref<2600000xf32, #tpu.memory_space<hbm>>
      tpu.enqueue_indirect_dma source(%dma_start3A_2620 : memref<2600000xf32, #tpu.memory_space<hbm>>) target(%dma_start3A_2616 : memref<128xf32, #tpu.memory_space<vmem>>) offsets(%dma_start3A_2618 : memref<128xi32, #tpu.memory_space<vmem>>) semaphore(%arg14 : memref<!tpu.dma_semaphore, #tpu.memory_space<semaphore_mem>>)
      %dma_start3A_2621 = arith.constant 2944 : i32
      %dma_start3A_2622 = arith.constant 0 : i32
      %dma_start3A_2623 = tpu.memref_slice %arg11[%dma_start3A_2621, %dma_start3A_2622] : memref<3328x16xf32, #tpu.memory_space<vmem>> -> memref<128x16xf32, #tpu.memory_space<vmem>>
      %dma_start3A_2624 = arith.constant 2944 : i32
      %dma_start3A_2625 = tpu.memref_slice %arg10[%dma_start3A_2624] : memref<3328xi32, #tpu.memory_space<vmem>> -> memref<128xi32, #tpu.memory_space<vmem>>
      %dma_start3A_2626 = arith.constant 0 : i32
      %dma_start3A_2627 = arith.constant 0 : i32
      %dma_start3A_2628 = tpu.memref_slice %arg4[%dma_start3A_2626, %dma_start3A_2627] : memref<2600000x16xf32, #tpu.memory_space<hbm>> -> memref<2600000x16xf32, #tpu.memory_space<hbm>>
      tpu.enqueue_indirect_dma source(%dma_start3A_2628 : memref<2600000x16xf32, #tpu.memory_space<hbm>>) target(%dma_start3A_2623 : memref<128x16xf32, #tpu.memory_space<vmem>>) offsets(%dma_start3A_2625 : memref<128xi32, #tpu.memory_space<vmem>>) semaphore(%arg13 : memref<!tpu.dma_semaphore, #tpu.memory_space<semaphore_mem>>)
      %dma_start3A_2629 = arith.constant 2944 : i32
      %dma_start3A_2630 = tpu.memref_slice %arg12[%dma_start3A_2629] : memref<3328xf32, #tpu.memory_space<vmem>> -> memref<128xf32, #tpu.memory_space<vmem>>
      %dma_start3A_2631 = arith.constant 2944 : i32
      %dma_start3A_2632 = tpu.memref_slice %arg10[%dma_start3A_2631] : memref<3328xi32, #tpu.memory_space<vmem>> -> memref<128xi32, #tpu.memory_space<vmem>>
      %dma_start3A_2633 = arith.constant 0 : i32
      %dma_start3A_2634 = tpu.memref_slice %arg5[%dma_start3A_2633] : memref<2600000xf32, #tpu.memory_space<hbm>> -> memref<2600000xf32, #tpu.memory_space<hbm>>
      tpu.enqueue_indirect_dma source(%dma_start3A_2634 : memref<2600000xf32, #tpu.memory_space<hbm>>) target(%dma_start3A_2630 : memref<128xf32, #tpu.memory_space<vmem>>) offsets(%dma_start3A_2632 : memref<128xi32, #tpu.memory_space<vmem>>) semaphore(%arg14 : memref<!tpu.dma_semaphore, #tpu.memory_space<semaphore_mem>>)
      %dma_start3A_2635 = arith.constant 3072 : i32
      %dma_start3A_2636 = arith.constant 0 : i32
      %dma_start3A_2637 = tpu.memref_slice %arg11[%dma_start3A_2635, %dma_start3A_2636] : memref<3328x16xf32, #tpu.memory_space<vmem>> -> memref<128x16xf32, #tpu.memory_space<vmem>>
      %dma_start3A_2638 = arith.constant 3072 : i32
      %dma_start3A_2639 = tpu.memref_slice %arg10[%dma_start3A_2638] : memref<3328xi32, #tpu.memory_space<vmem>> -> memref<128xi32, #tpu.memory_space<vmem>>
      %dma_start3A_2640 = arith.constant 0 : i32
      %dma_start3A_2641 = arith.constant 0 : i32
      %dma_start3A_2642 = tpu.memref_slice %arg4[%dma_start3A_2640, %dma_start3A_2641] : memref<2600000x16xf32, #tpu.memory_space<hbm>> -> memref<2600000x16xf32, #tpu.memory_space<hbm>>
      tpu.enqueue_indirect_dma source(%dma_start3A_2642 : memref<2600000x16xf32, #tpu.memory_space<hbm>>) target(%dma_start3A_2637 : memref<128x16xf32, #tpu.memory_space<vmem>>) offsets(%dma_start3A_2639 : memref<128xi32, #tpu.memory_space<vmem>>) semaphore(%arg13 : memref<!tpu.dma_semaphore, #tpu.memory_space<semaphore_mem>>)
      %dma_start3A_2643 = arith.constant 3072 : i32
      %dma_start3A_2644 = tpu.memref_slice %arg12[%dma_start3A_2643] : memref<3328xf32, #tpu.memory_space<vmem>> -> memref<128xf32, #tpu.memory_space<vmem>>
      %dma_start3A_2645 = arith.constant 3072 : i32
      %dma_start3A_2646 = tpu.memref_slice %arg10[%dma_start3A_2645] : memref<3328xi32, #tpu.memory_space<vmem>> -> memref<128xi32, #tpu.memory_space<vmem>>
      %dma_start3A_2647 = arith.constant 0 : i32
      %dma_start3A_2648 = tpu.memref_slice %arg5[%dma_start3A_2647] : memref<2600000xf32, #tpu.memory_space<hbm>> -> memref<2600000xf32, #tpu.memory_space<hbm>>
      tpu.enqueue_indirect_dma source(%dma_start3A_2648 : memref<2600000xf32, #tpu.memory_space<hbm>>) target(%dma_start3A_2644 : memref<128xf32, #tpu.memory_space<vmem>>) offsets(%dma_start3A_2646 : memref<128xi32, #tpu.memory_space<vmem>>) semaphore(%arg14 : memref<!tpu.dma_semaphore, #tpu.memory_space<semaphore_mem>>)
      %dma_start3A_2649 = arith.constant 3200 : i32
      %dma_start3A_2650 = arith.constant 0 : i32
      %dma_start3A_2651 = tpu.memref_slice %arg11[%dma_start3A_2649, %dma_start3A_2650] : memref<3328x16xf32, #tpu.memory_space<vmem>> -> memref<128x16xf32, #tpu.memory_space<vmem>>
      %dma_start3A_2652 = arith.constant 3200 : i32
      %dma_start3A_2653 = tpu.memref_slice %arg10[%dma_start3A_2652] : memref<3328xi32, #tpu.memory_space<vmem>> -> memref<128xi32, #tpu.memory_space<vmem>>
      %dma_start3A_2654 = arith.constant 0 : i32
      %dma_start3A_2655 = arith.constant 0 : i32
      %dma_start3A_2656 = tpu.memref_slice %arg4[%dma_start3A_2654, %dma_start3A_2655] : memref<2600000x16xf32, #tpu.memory_space<hbm>> -> memref<2600000x16xf32, #tpu.memory_space<hbm>>
      tpu.enqueue_indirect_dma source(%dma_start3A_2656 : memref<2600000x16xf32, #tpu.memory_space<hbm>>) target(%dma_start3A_2651 : memref<128x16xf32, #tpu.memory_space<vmem>>) offsets(%dma_start3A_2653 : memref<128xi32, #tpu.memory_space<vmem>>) semaphore(%arg13 : memref<!tpu.dma_semaphore, #tpu.memory_space<semaphore_mem>>)
      %dma_start3A_2657 = arith.constant 3200 : i32
      %dma_start3A_2658 = tpu.memref_slice %arg12[%dma_start3A_2657] : memref<3328xf32, #tpu.memory_space<vmem>> -> memref<128xf32, #tpu.memory_space<vmem>>
      %dma_start3A_2659 = arith.constant 3200 : i32
      %dma_start3A_2660 = tpu.memref_slice %arg10[%dma_start3A_2659] : memref<3328xi32, #tpu.memory_space<vmem>> -> memref<128xi32, #tpu.memory_space<vmem>>
      %dma_start3A_2661 = arith.constant 0 : i32
      %dma_start3A_2662 = tpu.memref_slice %arg5[%dma_start3A_2661] : memref<2600000xf32, #tpu.memory_space<hbm>> -> memref<2600000xf32, #tpu.memory_space<hbm>>
      tpu.enqueue_indirect_dma source(%dma_start3A_2662 : memref<2600000xf32, #tpu.memory_space<hbm>>) target(%dma_start3A_2658 : memref<128xf32, #tpu.memory_space<vmem>>) offsets(%dma_start3A_2660 : memref<128xi32, #tpu.memory_space<vmem>>) semaphore(%arg14 : memref<!tpu.dma_semaphore, #tpu.memory_space<semaphore_mem>>)
      %dma_wait3A = arith.constant 0 : i32
      %dma_wait3A_2663 = arith.constant 0 : i32
      %dma_wait3A_2664 = tpu.memref_slice %arg11[%dma_wait3A, %dma_wait3A_2663] : memref<3328x16xf32, #tpu.memory_space<vmem>> -> memref<128x16xf32, #tpu.memory_space<vmem>>
      %dma_wait3A_2665 = arith.constant 0 : i32
      %dma_wait3A_2666 = tpu.memref_slice %arg10[%dma_wait3A_2665] : memref<3328xi32, #tpu.memory_space<vmem>> -> memref<128xi32, #tpu.memory_space<vmem>>
      %dma_wait3A_2667 = arith.constant 0 : i32
      %dma_wait3A_2668 = arith.constant 0 : i32
      %dma_wait3A_2669 = tpu.memref_slice %arg4[%dma_wait3A_2667, %dma_wait3A_2668] : memref<2600000x16xf32, #tpu.memory_space<hbm>> -> memref<2600000x16xf32, #tpu.memory_space<hbm>>
      tpu.wait_indirect_dma semaphore(%arg13 : memref<!tpu.dma_semaphore, #tpu.memory_space<semaphore_mem>>) src(%dma_wait3A_2669 : memref<2600000x16xf32, #tpu.memory_space<hbm>>) dst(%dma_wait3A_2664 : memref<128x16xf32, #tpu.memory_space<vmem>>)
      %dma_wait3A_2670 = arith.constant 0 : i32
      %dma_wait3A_2671 = tpu.memref_slice %arg12[%dma_wait3A_2670] : memref<3328xf32, #tpu.memory_space<vmem>> -> memref<128xf32, #tpu.memory_space<vmem>>
      %dma_wait3A_2672 = arith.constant 0 : i32
      %dma_wait3A_2673 = tpu.memref_slice %arg10[%dma_wait3A_2672] : memref<3328xi32, #tpu.memory_space<vmem>> -> memref<128xi32, #tpu.memory_space<vmem>>
      %dma_wait3A_2674 = arith.constant 0 : i32
      %dma_wait3A_2675 = tpu.memref_slice %arg5[%dma_wait3A_2674] : memref<2600000xf32, #tpu.memory_space<hbm>> -> memref<2600000xf32, #tpu.memory_space<hbm>>
      tpu.wait_indirect_dma semaphore(%arg14 : memref<!tpu.dma_semaphore, #tpu.memory_space<semaphore_mem>>) src(%dma_wait3A_2675 : memref<2600000xf32, #tpu.memory_space<hbm>>) dst(%dma_wait3A_2671 : memref<128xf32, #tpu.memory_space<vmem>>)
      %dma_wait3A_2676 = arith.constant 128 : i32
      %dma_wait3A_2677 = arith.constant 0 : i32
      %dma_wait3A_2678 = tpu.memref_slice %arg11[%dma_wait3A_2676, %dma_wait3A_2677] : memref<3328x16xf32, #tpu.memory_space<vmem>> -> memref<128x16xf32, #tpu.memory_space<vmem>>
      %dma_wait3A_2679 = arith.constant 128 : i32
      %dma_wait3A_2680 = tpu.memref_slice %arg10[%dma_wait3A_2679] : memref<3328xi32, #tpu.memory_space<vmem>> -> memref<128xi32, #tpu.memory_space<vmem>>
      %dma_wait3A_2681 = arith.constant 0 : i32
      %dma_wait3A_2682 = arith.constant 0 : i32
      %dma_wait3A_2683 = tpu.memref_slice %arg4[%dma_wait3A_2681, %dma_wait3A_2682] : memref<2600000x16xf32, #tpu.memory_space<hbm>> -> memref<2600000x16xf32, #tpu.memory_space<hbm>>
      tpu.wait_indirect_dma semaphore(%arg13 : memref<!tpu.dma_semaphore, #tpu.memory_space<semaphore_mem>>) src(%dma_wait3A_2683 : memref<2600000x16xf32, #tpu.memory_space<hbm>>) dst(%dma_wait3A_2678 : memref<128x16xf32, #tpu.memory_space<vmem>>)
      %dma_wait3A_2684 = arith.constant 128 : i32
      %dma_wait3A_2685 = tpu.memref_slice %arg12[%dma_wait3A_2684] : memref<3328xf32, #tpu.memory_space<vmem>> -> memref<128xf32, #tpu.memory_space<vmem>>
      %dma_wait3A_2686 = arith.constant 128 : i32
      %dma_wait3A_2687 = tpu.memref_slice %arg10[%dma_wait3A_2686] : memref<3328xi32, #tpu.memory_space<vmem>> -> memref<128xi32, #tpu.memory_space<vmem>>
      %dma_wait3A_2688 = arith.constant 0 : i32
      %dma_wait3A_2689 = tpu.memref_slice %arg5[%dma_wait3A_2688] : memref<2600000xf32, #tpu.memory_space<hbm>> -> memref<2600000xf32, #tpu.memory_space<hbm>>
      tpu.wait_indirect_dma semaphore(%arg14 : memref<!tpu.dma_semaphore, #tpu.memory_space<semaphore_mem>>) src(%dma_wait3A_2689 : memref<2600000xf32, #tpu.memory_space<hbm>>) dst(%dma_wait3A_2685 : memref<128xf32, #tpu.memory_space<vmem>>)
      %dma_wait3A_2690 = arith.constant 256 : i32
      %dma_wait3A_2691 = arith.constant 0 : i32
      %dma_wait3A_2692 = tpu.memref_slice %arg11[%dma_wait3A_2690, %dma_wait3A_2691] : memref<3328x16xf32, #tpu.memory_space<vmem>> -> memref<128x16xf32, #tpu.memory_space<vmem>>
      %dma_wait3A_2693 = arith.constant 256 : i32
      %dma_wait3A_2694 = tpu.memref_slice %arg10[%dma_wait3A_2693] : memref<3328xi32, #tpu.memory_space<vmem>> -> memref<128xi32, #tpu.memory_space<vmem>>
      %dma_wait3A_2695 = arith.constant 0 : i32
      %dma_wait3A_2696 = arith.constant 0 : i32
      %dma_wait3A_2697 = tpu.memref_slice %arg4[%dma_wait3A_2695, %dma_wait3A_2696] : memref<2600000x16xf32, #tpu.memory_space<hbm>> -> memref<2600000x16xf32, #tpu.memory_space<hbm>>
      tpu.wait_indirect_dma semaphore(%arg13 : memref<!tpu.dma_semaphore, #tpu.memory_space<semaphore_mem>>) src(%dma_wait3A_2697 : memref<2600000x16xf32, #tpu.memory_space<hbm>>) dst(%dma_wait3A_2692 : memref<128x16xf32, #tpu.memory_space<vmem>>)
      %dma_wait3A_2698 = arith.constant 256 : i32
      %dma_wait3A_2699 = tpu.memref_slice %arg12[%dma_wait3A_2698] : memref<3328xf32, #tpu.memory_space<vmem>> -> memref<128xf32, #tpu.memory_space<vmem>>
      %dma_wait3A_2700 = arith.constant 256 : i32
      %dma_wait3A_2701 = tpu.memref_slice %arg10[%dma_wait3A_2700] : memref<3328xi32, #tpu.memory_space<vmem>> -> memref<128xi32, #tpu.memory_space<vmem>>
      %dma_wait3A_2702 = arith.constant 0 : i32
      %dma_wait3A_2703 = tpu.memref_slice %arg5[%dma_wait3A_2702] : memref<2600000xf32, #tpu.memory_space<hbm>> -> memref<2600000xf32, #tpu.memory_space<hbm>>
      tpu.wait_indirect_dma semaphore(%arg14 : memref<!tpu.dma_semaphore, #tpu.memory_space<semaphore_mem>>) src(%dma_wait3A_2703 : memref<2600000xf32, #tpu.memory_space<hbm>>) dst(%dma_wait3A_2699 : memref<128xf32, #tpu.memory_space<vmem>>)
      %dma_wait3A_2704 = arith.constant 384 : i32
      %dma_wait3A_2705 = arith.constant 0 : i32
      %dma_wait3A_2706 = tpu.memref_slice %arg11[%dma_wait3A_2704, %dma_wait3A_2705] : memref<3328x16xf32, #tpu.memory_space<vmem>> -> memref<128x16xf32, #tpu.memory_space<vmem>>
      %dma_wait3A_2707 = arith.constant 384 : i32
      %dma_wait3A_2708 = tpu.memref_slice %arg10[%dma_wait3A_2707] : memref<3328xi32, #tpu.memory_space<vmem>> -> memref<128xi32, #tpu.memory_space<vmem>>
      %dma_wait3A_2709 = arith.constant 0 : i32
      %dma_wait3A_2710 = arith.constant 0 : i32
      %dma_wait3A_2711 = tpu.memref_slice %arg4[%dma_wait3A_2709, %dma_wait3A_2710] : memref<2600000x16xf32, #tpu.memory_space<hbm>> -> memref<2600000x16xf32, #tpu.memory_space<hbm>>
      tpu.wait_indirect_dma semaphore(%arg13 : memref<!tpu.dma_semaphore, #tpu.memory_space<semaphore_mem>>) src(%dma_wait3A_2711 : memref<2600000x16xf32, #tpu.memory_space<hbm>>) dst(%dma_wait3A_2706 : memref<128x16xf32, #tpu.memory_space<vmem>>)
      %dma_wait3A_2712 = arith.constant 384 : i32
      %dma_wait3A_2713 = tpu.memref_slice %arg12[%dma_wait3A_2712] : memref<3328xf32, #tpu.memory_space<vmem>> -> memref<128xf32, #tpu.memory_space<vmem>>
      %dma_wait3A_2714 = arith.constant 384 : i32
      %dma_wait3A_2715 = tpu.memref_slice %arg10[%dma_wait3A_2714] : memref<3328xi32, #tpu.memory_space<vmem>> -> memref<128xi32, #tpu.memory_space<vmem>>
      %dma_wait3A_2716 = arith.constant 0 : i32
      %dma_wait3A_2717 = tpu.memref_slice %arg5[%dma_wait3A_2716] : memref<2600000xf32, #tpu.memory_space<hbm>> -> memref<2600000xf32, #tpu.memory_space<hbm>>
      tpu.wait_indirect_dma semaphore(%arg14 : memref<!tpu.dma_semaphore, #tpu.memory_space<semaphore_mem>>) src(%dma_wait3A_2717 : memref<2600000xf32, #tpu.memory_space<hbm>>) dst(%dma_wait3A_2713 : memref<128xf32, #tpu.memory_space<vmem>>)
      %dma_wait3A_2718 = arith.constant 512 : i32
      %dma_wait3A_2719 = arith.constant 0 : i32
      %dma_wait3A_2720 = tpu.memref_slice %arg11[%dma_wait3A_2718, %dma_wait3A_2719] : memref<3328x16xf32, #tpu.memory_space<vmem>> -> memref<128x16xf32, #tpu.memory_space<vmem>>
      %dma_wait3A_2721 = arith.constant 512 : i32
      %dma_wait3A_2722 = tpu.memref_slice %arg10[%dma_wait3A_2721] : memref<3328xi32, #tpu.memory_space<vmem>> -> memref<128xi32, #tpu.memory_space<vmem>>
      %dma_wait3A_2723 = arith.constant 0 : i32
      %dma_wait3A_2724 = arith.constant 0 : i32
      %dma_wait3A_2725 = tpu.memref_slice %arg4[%dma_wait3A_2723, %dma_wait3A_2724] : memref<2600000x16xf32, #tpu.memory_space<hbm>> -> memref<2600000x16xf32, #tpu.memory_space<hbm>>
      tpu.wait_indirect_dma semaphore(%arg13 : memref<!tpu.dma_semaphore, #tpu.memory_space<semaphore_mem>>) src(%dma_wait3A_2725 : memref<2600000x16xf32, #tpu.memory_space<hbm>>) dst(%dma_wait3A_2720 : memref<128x16xf32, #tpu.memory_space<vmem>>)
      %dma_wait3A_2726 = arith.constant 512 : i32
      %dma_wait3A_2727 = tpu.memref_slice %arg12[%dma_wait3A_2726] : memref<3328xf32, #tpu.memory_space<vmem>> -> memref<128xf32, #tpu.memory_space<vmem>>
      %dma_wait3A_2728 = arith.constant 512 : i32
      %dma_wait3A_2729 = tpu.memref_slice %arg10[%dma_wait3A_2728] : memref<3328xi32, #tpu.memory_space<vmem>> -> memref<128xi32, #tpu.memory_space<vmem>>
      %dma_wait3A_2730 = arith.constant 0 : i32
      %dma_wait3A_2731 = tpu.memref_slice %arg5[%dma_wait3A_2730] : memref<2600000xf32, #tpu.memory_space<hbm>> -> memref<2600000xf32, #tpu.memory_space<hbm>>
      tpu.wait_indirect_dma semaphore(%arg14 : memref<!tpu.dma_semaphore, #tpu.memory_space<semaphore_mem>>) src(%dma_wait3A_2731 : memref<2600000xf32, #tpu.memory_space<hbm>>) dst(%dma_wait3A_2727 : memref<128xf32, #tpu.memory_space<vmem>>)
      %dma_wait3A_2732 = arith.constant 640 : i32
      %dma_wait3A_2733 = arith.constant 0 : i32
      %dma_wait3A_2734 = tpu.memref_slice %arg11[%dma_wait3A_2732, %dma_wait3A_2733] : memref<3328x16xf32, #tpu.memory_space<vmem>> -> memref<128x16xf32, #tpu.memory_space<vmem>>
      %dma_wait3A_2735 = arith.constant 640 : i32
      %dma_wait3A_2736 = tpu.memref_slice %arg10[%dma_wait3A_2735] : memref<3328xi32, #tpu.memory_space<vmem>> -> memref<128xi32, #tpu.memory_space<vmem>>
      %dma_wait3A_2737 = arith.constant 0 : i32
      %dma_wait3A_2738 = arith.constant 0 : i32
      %dma_wait3A_2739 = tpu.memref_slice %arg4[%dma_wait3A_2737, %dma_wait3A_2738] : memref<2600000x16xf32, #tpu.memory_space<hbm>> -> memref<2600000x16xf32, #tpu.memory_space<hbm>>
      tpu.wait_indirect_dma semaphore(%arg13 : memref<!tpu.dma_semaphore, #tpu.memory_space<semaphore_mem>>) src(%dma_wait3A_2739 : memref<2600000x16xf32, #tpu.memory_space<hbm>>) dst(%dma_wait3A_2734 : memref<128x16xf32, #tpu.memory_space<vmem>>)
      %dma_wait3A_2740 = arith.constant 640 : i32
      %dma_wait3A_2741 = tpu.memref_slice %arg12[%dma_wait3A_2740] : memref<3328xf32, #tpu.memory_space<vmem>> -> memref<128xf32, #tpu.memory_space<vmem>>
      %dma_wait3A_2742 = arith.constant 640 : i32
      %dma_wait3A_2743 = tpu.memref_slice %arg10[%dma_wait3A_2742] : memref<3328xi32, #tpu.memory_space<vmem>> -> memref<128xi32, #tpu.memory_space<vmem>>
      %dma_wait3A_2744 = arith.constant 0 : i32
      %dma_wait3A_2745 = tpu.memref_slice %arg5[%dma_wait3A_2744] : memref<2600000xf32, #tpu.memory_space<hbm>> -> memref<2600000xf32, #tpu.memory_space<hbm>>
      tpu.wait_indirect_dma semaphore(%arg14 : memref<!tpu.dma_semaphore, #tpu.memory_space<semaphore_mem>>) src(%dma_wait3A_2745 : memref<2600000xf32, #tpu.memory_space<hbm>>) dst(%dma_wait3A_2741 : memref<128xf32, #tpu.memory_space<vmem>>)
      %dma_wait3A_2746 = arith.constant 768 : i32
      %dma_wait3A_2747 = arith.constant 0 : i32
      %dma_wait3A_2748 = tpu.memref_slice %arg11[%dma_wait3A_2746, %dma_wait3A_2747] : memref<3328x16xf32, #tpu.memory_space<vmem>> -> memref<128x16xf32, #tpu.memory_space<vmem>>
      %dma_wait3A_2749 = arith.constant 768 : i32
      %dma_wait3A_2750 = tpu.memref_slice %arg10[%dma_wait3A_2749] : memref<3328xi32, #tpu.memory_space<vmem>> -> memref<128xi32, #tpu.memory_space<vmem>>
      %dma_wait3A_2751 = arith.constant 0 : i32
      %dma_wait3A_2752 = arith.constant 0 : i32
      %dma_wait3A_2753 = tpu.memref_slice %arg4[%dma_wait3A_2751, %dma_wait3A_2752] : memref<2600000x16xf32, #tpu.memory_space<hbm>> -> memref<2600000x16xf32, #tpu.memory_space<hbm>>
      tpu.wait_indirect_dma semaphore(%arg13 : memref<!tpu.dma_semaphore, #tpu.memory_space<semaphore_mem>>) src(%dma_wait3A_2753 : memref<2600000x16xf32, #tpu.memory_space<hbm>>) dst(%dma_wait3A_2748 : memref<128x16xf32, #tpu.memory_space<vmem>>)
      %dma_wait3A_2754 = arith.constant 768 : i32
      %dma_wait3A_2755 = tpu.memref_slice %arg12[%dma_wait3A_2754] : memref<3328xf32, #tpu.memory_space<vmem>> -> memref<128xf32, #tpu.memory_space<vmem>>
      %dma_wait3A_2756 = arith.constant 768 : i32
      %dma_wait3A_2757 = tpu.memref_slice %arg10[%dma_wait3A_2756] : memref<3328xi32, #tpu.memory_space<vmem>> -> memref<128xi32, #tpu.memory_space<vmem>>
      %dma_wait3A_2758 = arith.constant 0 : i32
      %dma_wait3A_2759 = tpu.memref_slice %arg5[%dma_wait3A_2758] : memref<2600000xf32, #tpu.memory_space<hbm>> -> memref<2600000xf32, #tpu.memory_space<hbm>>
      tpu.wait_indirect_dma semaphore(%arg14 : memref<!tpu.dma_semaphore, #tpu.memory_space<semaphore_mem>>) src(%dma_wait3A_2759 : memref<2600000xf32, #tpu.memory_space<hbm>>) dst(%dma_wait3A_2755 : memref<128xf32, #tpu.memory_space<vmem>>)
      %dma_wait3A_2760 = arith.constant 896 : i32
      %dma_wait3A_2761 = arith.constant 0 : i32
      %dma_wait3A_2762 = tpu.memref_slice %arg11[%dma_wait3A_2760, %dma_wait3A_2761] : memref<3328x16xf32, #tpu.memory_space<vmem>> -> memref<128x16xf32, #tpu.memory_space<vmem>>
      %dma_wait3A_2763 = arith.constant 896 : i32
      %dma_wait3A_2764 = tpu.memref_slice %arg10[%dma_wait3A_2763] : memref<3328xi32, #tpu.memory_space<vmem>> -> memref<128xi32, #tpu.memory_space<vmem>>
      %dma_wait3A_2765 = arith.constant 0 : i32
      %dma_wait3A_2766 = arith.constant 0 : i32
      %dma_wait3A_2767 = tpu.memref_slice %arg4[%dma_wait3A_2765, %dma_wait3A_2766] : memref<2600000x16xf32, #tpu.memory_space<hbm>> -> memref<2600000x16xf32, #tpu.memory_space<hbm>>
      tpu.wait_indirect_dma semaphore(%arg13 : memref<!tpu.dma_semaphore, #tpu.memory_space<semaphore_mem>>) src(%dma_wait3A_2767 : memref<2600000x16xf32, #tpu.memory_space<hbm>>) dst(%dma_wait3A_2762 : memref<128x16xf32, #tpu.memory_space<vmem>>)
      %dma_wait3A_2768 = arith.constant 896 : i32
      %dma_wait3A_2769 = tpu.memref_slice %arg12[%dma_wait3A_2768] : memref<3328xf32, #tpu.memory_space<vmem>> -> memref<128xf32, #tpu.memory_space<vmem>>
      %dma_wait3A_2770 = arith.constant 896 : i32
      %dma_wait3A_2771 = tpu.memref_slice %arg10[%dma_wait3A_2770] : memref<3328xi32, #tpu.memory_space<vmem>> -> memref<128xi32, #tpu.memory_space<vmem>>
      %dma_wait3A_2772 = arith.constant 0 : i32
      %dma_wait3A_2773 = tpu.memref_slice %arg5[%dma_wait3A_2772] : memref<2600000xf32, #tpu.memory_space<hbm>> -> memref<2600000xf32, #tpu.memory_space<hbm>>
      tpu.wait_indirect_dma semaphore(%arg14 : memref<!tpu.dma_semaphore, #tpu.memory_space<semaphore_mem>>) src(%dma_wait3A_2773 : memref<2600000xf32, #tpu.memory_space<hbm>>) dst(%dma_wait3A_2769 : memref<128xf32, #tpu.memory_space<vmem>>)
      %dma_wait3A_2774 = arith.constant 1024 : i32
      %dma_wait3A_2775 = arith.constant 0 : i32
      %dma_wait3A_2776 = tpu.memref_slice %arg11[%dma_wait3A_2774, %dma_wait3A_2775] : memref<3328x16xf32, #tpu.memory_space<vmem>> -> memref<128x16xf32, #tpu.memory_space<vmem>>
      %dma_wait3A_2777 = arith.constant 1024 : i32
      %dma_wait3A_2778 = tpu.memref_slice %arg10[%dma_wait3A_2777] : memref<3328xi32, #tpu.memory_space<vmem>> -> memref<128xi32, #tpu.memory_space<vmem>>
      %dma_wait3A_2779 = arith.constant 0 : i32
      %dma_wait3A_2780 = arith.constant 0 : i32
      %dma_wait3A_2781 = tpu.memref_slice %arg4[%dma_wait3A_2779, %dma_wait3A_2780] : memref<2600000x16xf32, #tpu.memory_space<hbm>> -> memref<2600000x16xf32, #tpu.memory_space<hbm>>
      tpu.wait_indirect_dma semaphore(%arg13 : memref<!tpu.dma_semaphore, #tpu.memory_space<semaphore_mem>>) src(%dma_wait3A_2781 : memref<2600000x16xf32, #tpu.memory_space<hbm>>) dst(%dma_wait3A_2776 : memref<128x16xf32, #tpu.memory_space<vmem>>)
      %dma_wait3A_2782 = arith.constant 1024 : i32
      %dma_wait3A_2783 = tpu.memref_slice %arg12[%dma_wait3A_2782] : memref<3328xf32, #tpu.memory_space<vmem>> -> memref<128xf32, #tpu.memory_space<vmem>>
      %dma_wait3A_2784 = arith.constant 1024 : i32
      %dma_wait3A_2785 = tpu.memref_slice %arg10[%dma_wait3A_2784] : memref<3328xi32, #tpu.memory_space<vmem>> -> memref<128xi32, #tpu.memory_space<vmem>>
      %dma_wait3A_2786 = arith.constant 0 : i32
      %dma_wait3A_2787 = tpu.memref_slice %arg5[%dma_wait3A_2786] : memref<2600000xf32, #tpu.memory_space<hbm>> -> memref<2600000xf32, #tpu.memory_space<hbm>>
      tpu.wait_indirect_dma semaphore(%arg14 : memref<!tpu.dma_semaphore, #tpu.memory_space<semaphore_mem>>) src(%dma_wait3A_2787 : memref<2600000xf32, #tpu.memory_space<hbm>>) dst(%dma_wait3A_2783 : memref<128xf32, #tpu.memory_space<vmem>>)
      %dma_wait3A_2788 = arith.constant 1152 : i32
      %dma_wait3A_2789 = arith.constant 0 : i32
      %dma_wait3A_2790 = tpu.memref_slice %arg11[%dma_wait3A_2788, %dma_wait3A_2789] : memref<3328x16xf32, #tpu.memory_space<vmem>> -> memref<128x16xf32, #tpu.memory_space<vmem>>
      %dma_wait3A_2791 = arith.constant 1152 : i32
      %dma_wait3A_2792 = tpu.memref_slice %arg10[%dma_wait3A_2791] : memref<3328xi32, #tpu.memory_space<vmem>> -> memref<128xi32, #tpu.memory_space<vmem>>
      %dma_wait3A_2793 = arith.constant 0 : i32
      %dma_wait3A_2794 = arith.constant 0 : i32
      %dma_wait3A_2795 = tpu.memref_slice %arg4[%dma_wait3A_2793, %dma_wait3A_2794] : memref<2600000x16xf32, #tpu.memory_space<hbm>> -> memref<2600000x16xf32, #tpu.memory_space<hbm>>
      tpu.wait_indirect_dma semaphore(%arg13 : memref<!tpu.dma_semaphore, #tpu.memory_space<semaphore_mem>>) src(%dma_wait3A_2795 : memref<2600000x16xf32, #tpu.memory_space<hbm>>) dst(%dma_wait3A_2790 : memref<128x16xf32, #tpu.memory_space<vmem>>)
      %dma_wait3A_2796 = arith.constant 1152 : i32
      %dma_wait3A_2797 = tpu.memref_slice %arg12[%dma_wait3A_2796] : memref<3328xf32, #tpu.memory_space<vmem>> -> memref<128xf32, #tpu.memory_space<vmem>>
      %dma_wait3A_2798 = arith.constant 1152 : i32
      %dma_wait3A_2799 = tpu.memref_slice %arg10[%dma_wait3A_2798] : memref<3328xi32, #tpu.memory_space<vmem>> -> memref<128xi32, #tpu.memory_space<vmem>>
      %dma_wait3A_2800 = arith.constant 0 : i32
      %dma_wait3A_2801 = tpu.memref_slice %arg5[%dma_wait3A_2800] : memref<2600000xf32, #tpu.memory_space<hbm>> -> memref<2600000xf32, #tpu.memory_space<hbm>>
      tpu.wait_indirect_dma semaphore(%arg14 : memref<!tpu.dma_semaphore, #tpu.memory_space<semaphore_mem>>) src(%dma_wait3A_2801 : memref<2600000xf32, #tpu.memory_space<hbm>>) dst(%dma_wait3A_2797 : memref<128xf32, #tpu.memory_space<vmem>>)
      %dma_wait3A_2802 = arith.constant 1280 : i32
      %dma_wait3A_2803 = arith.constant 0 : i32
      %dma_wait3A_2804 = tpu.memref_slice %arg11[%dma_wait3A_2802, %dma_wait3A_2803] : memref<3328x16xf32, #tpu.memory_space<vmem>> -> memref<128x16xf32, #tpu.memory_space<vmem>>
      %dma_wait3A_2805 = arith.constant 1280 : i32
      %dma_wait3A_2806 = tpu.memref_slice %arg10[%dma_wait3A_2805] : memref<3328xi32, #tpu.memory_space<vmem>> -> memref<128xi32, #tpu.memory_space<vmem>>
      %dma_wait3A_2807 = arith.constant 0 : i32
      %dma_wait3A_2808 = arith.constant 0 : i32
      %dma_wait3A_2809 = tpu.memref_slice %arg4[%dma_wait3A_2807, %dma_wait3A_2808] : memref<2600000x16xf32, #tpu.memory_space<hbm>> -> memref<2600000x16xf32, #tpu.memory_space<hbm>>
      tpu.wait_indirect_dma semaphore(%arg13 : memref<!tpu.dma_semaphore, #tpu.memory_space<semaphore_mem>>) src(%dma_wait3A_2809 : memref<2600000x16xf32, #tpu.memory_space<hbm>>) dst(%dma_wait3A_2804 : memref<128x16xf32, #tpu.memory_space<vmem>>)
      %dma_wait3A_2810 = arith.constant 1280 : i32
      %dma_wait3A_2811 = tpu.memref_slice %arg12[%dma_wait3A_2810] : memref<3328xf32, #tpu.memory_space<vmem>> -> memref<128xf32, #tpu.memory_space<vmem>>
      %dma_wait3A_2812 = arith.constant 1280 : i32
      %dma_wait3A_2813 = tpu.memref_slice %arg10[%dma_wait3A_2812] : memref<3328xi32, #tpu.memory_space<vmem>> -> memref<128xi32, #tpu.memory_space<vmem>>
      %dma_wait3A_2814 = arith.constant 0 : i32
      %dma_wait3A_2815 = tpu.memref_slice %arg5[%dma_wait3A_2814] : memref<2600000xf32, #tpu.memory_space<hbm>> -> memref<2600000xf32, #tpu.memory_space<hbm>>
      tpu.wait_indirect_dma semaphore(%arg14 : memref<!tpu.dma_semaphore, #tpu.memory_space<semaphore_mem>>) src(%dma_wait3A_2815 : memref<2600000xf32, #tpu.memory_space<hbm>>) dst(%dma_wait3A_2811 : memref<128xf32, #tpu.memory_space<vmem>>)
      %dma_wait3A_2816 = arith.constant 1408 : i32
      %dma_wait3A_2817 = arith.constant 0 : i32
      %dma_wait3A_2818 = tpu.memref_slice %arg11[%dma_wait3A_2816, %dma_wait3A_2817] : memref<3328x16xf32, #tpu.memory_space<vmem>> -> memref<128x16xf32, #tpu.memory_space<vmem>>
      %dma_wait3A_2819 = arith.constant 1408 : i32
      %dma_wait3A_2820 = tpu.memref_slice %arg10[%dma_wait3A_2819] : memref<3328xi32, #tpu.memory_space<vmem>> -> memref<128xi32, #tpu.memory_space<vmem>>
      %dma_wait3A_2821 = arith.constant 0 : i32
      %dma_wait3A_2822 = arith.constant 0 : i32
      %dma_wait3A_2823 = tpu.memref_slice %arg4[%dma_wait3A_2821, %dma_wait3A_2822] : memref<2600000x16xf32, #tpu.memory_space<hbm>> -> memref<2600000x16xf32, #tpu.memory_space<hbm>>
      tpu.wait_indirect_dma semaphore(%arg13 : memref<!tpu.dma_semaphore, #tpu.memory_space<semaphore_mem>>) src(%dma_wait3A_2823 : memref<2600000x16xf32, #tpu.memory_space<hbm>>) dst(%dma_wait3A_2818 : memref<128x16xf32, #tpu.memory_space<vmem>>)
      %dma_wait3A_2824 = arith.constant 1408 : i32
      %dma_wait3A_2825 = tpu.memref_slice %arg12[%dma_wait3A_2824] : memref<3328xf32, #tpu.memory_space<vmem>> -> memref<128xf32, #tpu.memory_space<vmem>>
      %dma_wait3A_2826 = arith.constant 1408 : i32
      %dma_wait3A_2827 = tpu.memref_slice %arg10[%dma_wait3A_2826] : memref<3328xi32, #tpu.memory_space<vmem>> -> memref<128xi32, #tpu.memory_space<vmem>>
      %dma_wait3A_2828 = arith.constant 0 : i32
      %dma_wait3A_2829 = tpu.memref_slice %arg5[%dma_wait3A_2828] : memref<2600000xf32, #tpu.memory_space<hbm>> -> memref<2600000xf32, #tpu.memory_space<hbm>>
      tpu.wait_indirect_dma semaphore(%arg14 : memref<!tpu.dma_semaphore, #tpu.memory_space<semaphore_mem>>) src(%dma_wait3A_2829 : memref<2600000xf32, #tpu.memory_space<hbm>>) dst(%dma_wait3A_2825 : memref<128xf32, #tpu.memory_space<vmem>>)
      %dma_wait3A_2830 = arith.constant 1536 : i32
      %dma_wait3A_2831 = arith.constant 0 : i32
      %dma_wait3A_2832 = tpu.memref_slice %arg11[%dma_wait3A_2830, %dma_wait3A_2831] : memref<3328x16xf32, #tpu.memory_space<vmem>> -> memref<128x16xf32, #tpu.memory_space<vmem>>
      %dma_wait3A_2833 = arith.constant 1536 : i32
      %dma_wait3A_2834 = tpu.memref_slice %arg10[%dma_wait3A_2833] : memref<3328xi32, #tpu.memory_space<vmem>> -> memref<128xi32, #tpu.memory_space<vmem>>
      %dma_wait3A_2835 = arith.constant 0 : i32
      %dma_wait3A_2836 = arith.constant 0 : i32
      %dma_wait3A_2837 = tpu.memref_slice %arg4[%dma_wait3A_2835, %dma_wait3A_2836] : memref<2600000x16xf32, #tpu.memory_space<hbm>> -> memref<2600000x16xf32, #tpu.memory_space<hbm>>
      tpu.wait_indirect_dma semaphore(%arg13 : memref<!tpu.dma_semaphore, #tpu.memory_space<semaphore_mem>>) src(%dma_wait3A_2837 : memref<2600000x16xf32, #tpu.memory_space<hbm>>) dst(%dma_wait3A_2832 : memref<128x16xf32, #tpu.memory_space<vmem>>)
      %dma_wait3A_2838 = arith.constant 1536 : i32
      %dma_wait3A_2839 = tpu.memref_slice %arg12[%dma_wait3A_2838] : memref<3328xf32, #tpu.memory_space<vmem>> -> memref<128xf32, #tpu.memory_space<vmem>>
      %dma_wait3A_2840 = arith.constant 1536 : i32
      %dma_wait3A_2841 = tpu.memref_slice %arg10[%dma_wait3A_2840] : memref<3328xi32, #tpu.memory_space<vmem>> -> memref<128xi32, #tpu.memory_space<vmem>>
      %dma_wait3A_2842 = arith.constant 0 : i32
      %dma_wait3A_2843 = tpu.memref_slice %arg5[%dma_wait3A_2842] : memref<2600000xf32, #tpu.memory_space<hbm>> -> memref<2600000xf32, #tpu.memory_space<hbm>>
      tpu.wait_indirect_dma semaphore(%arg14 : memref<!tpu.dma_semaphore, #tpu.memory_space<semaphore_mem>>) src(%dma_wait3A_2843 : memref<2600000xf32, #tpu.memory_space<hbm>>) dst(%dma_wait3A_2839 : memref<128xf32, #tpu.memory_space<vmem>>)
      %dma_wait3A_2844 = arith.constant 1664 : i32
      %dma_wait3A_2845 = arith.constant 0 : i32
      %dma_wait3A_2846 = tpu.memref_slice %arg11[%dma_wait3A_2844, %dma_wait3A_2845] : memref<3328x16xf32, #tpu.memory_space<vmem>> -> memref<128x16xf32, #tpu.memory_space<vmem>>
      %dma_wait3A_2847 = arith.constant 1664 : i32
      %dma_wait3A_2848 = tpu.memref_slice %arg10[%dma_wait3A_2847] : memref<3328xi32, #tpu.memory_space<vmem>> -> memref<128xi32, #tpu.memory_space<vmem>>
      %dma_wait3A_2849 = arith.constant 0 : i32
      %dma_wait3A_2850 = arith.constant 0 : i32
      %dma_wait3A_2851 = tpu.memref_slice %arg4[%dma_wait3A_2849, %dma_wait3A_2850] : memref<2600000x16xf32, #tpu.memory_space<hbm>> -> memref<2600000x16xf32, #tpu.memory_space<hbm>>
      tpu.wait_indirect_dma semaphore(%arg13 : memref<!tpu.dma_semaphore, #tpu.memory_space<semaphore_mem>>) src(%dma_wait3A_2851 : memref<2600000x16xf32, #tpu.memory_space<hbm>>) dst(%dma_wait3A_2846 : memref<128x16xf32, #tpu.memory_space<vmem>>)
      %dma_wait3A_2852 = arith.constant 1664 : i32
      %dma_wait3A_2853 = tpu.memref_slice %arg12[%dma_wait3A_2852] : memref<3328xf32, #tpu.memory_space<vmem>> -> memref<128xf32, #tpu.memory_space<vmem>>
      %dma_wait3A_2854 = arith.constant 1664 : i32
      %dma_wait3A_2855 = tpu.memref_slice %arg10[%dma_wait3A_2854] : memref<3328xi32, #tpu.memory_space<vmem>> -> memref<128xi32, #tpu.memory_space<vmem>>
      %dma_wait3A_2856 = arith.constant 0 : i32
      %dma_wait3A_2857 = tpu.memref_slice %arg5[%dma_wait3A_2856] : memref<2600000xf32, #tpu.memory_space<hbm>> -> memref<2600000xf32, #tpu.memory_space<hbm>>
      tpu.wait_indirect_dma semaphore(%arg14 : memref<!tpu.dma_semaphore, #tpu.memory_space<semaphore_mem>>) src(%dma_wait3A_2857 : memref<2600000xf32, #tpu.memory_space<hbm>>) dst(%dma_wait3A_2853 : memref<128xf32, #tpu.memory_space<vmem>>)
      %dma_wait3A_2858 = arith.constant 1792 : i32
      %dma_wait3A_2859 = arith.constant 0 : i32
      %dma_wait3A_2860 = tpu.memref_slice %arg11[%dma_wait3A_2858, %dma_wait3A_2859] : memref<3328x16xf32, #tpu.memory_space<vmem>> -> memref<128x16xf32, #tpu.memory_space<vmem>>
      %dma_wait3A_2861 = arith.constant 1792 : i32
      %dma_wait3A_2862 = tpu.memref_slice %arg10[%dma_wait3A_2861] : memref<3328xi32, #tpu.memory_space<vmem>> -> memref<128xi32, #tpu.memory_space<vmem>>
      %dma_wait3A_2863 = arith.constant 0 : i32
      %dma_wait3A_2864 = arith.constant 0 : i32
      %dma_wait3A_2865 = tpu.memref_slice %arg4[%dma_wait3A_2863, %dma_wait3A_2864] : memref<2600000x16xf32, #tpu.memory_space<hbm>> -> memref<2600000x16xf32, #tpu.memory_space<hbm>>
      tpu.wait_indirect_dma semaphore(%arg13 : memref<!tpu.dma_semaphore, #tpu.memory_space<semaphore_mem>>) src(%dma_wait3A_2865 : memref<2600000x16xf32, #tpu.memory_space<hbm>>) dst(%dma_wait3A_2860 : memref<128x16xf32, #tpu.memory_space<vmem>>)
      %dma_wait3A_2866 = arith.constant 1792 : i32
      %dma_wait3A_2867 = tpu.memref_slice %arg12[%dma_wait3A_2866] : memref<3328xf32, #tpu.memory_space<vmem>> -> memref<128xf32, #tpu.memory_space<vmem>>
      %dma_wait3A_2868 = arith.constant 1792 : i32
      %dma_wait3A_2869 = tpu.memref_slice %arg10[%dma_wait3A_2868] : memref<3328xi32, #tpu.memory_space<vmem>> -> memref<128xi32, #tpu.memory_space<vmem>>
      %dma_wait3A_2870 = arith.constant 0 : i32
      %dma_wait3A_2871 = tpu.memref_slice %arg5[%dma_wait3A_2870] : memref<2600000xf32, #tpu.memory_space<hbm>> -> memref<2600000xf32, #tpu.memory_space<hbm>>
      tpu.wait_indirect_dma semaphore(%arg14 : memref<!tpu.dma_semaphore, #tpu.memory_space<semaphore_mem>>) src(%dma_wait3A_2871 : memref<2600000xf32, #tpu.memory_space<hbm>>) dst(%dma_wait3A_2867 : memref<128xf32, #tpu.memory_space<vmem>>)
      %dma_wait3A_2872 = arith.constant 1920 : i32
      %dma_wait3A_2873 = arith.constant 0 : i32
      %dma_wait3A_2874 = tpu.memref_slice %arg11[%dma_wait3A_2872, %dma_wait3A_2873] : memref<3328x16xf32, #tpu.memory_space<vmem>> -> memref<128x16xf32, #tpu.memory_space<vmem>>
      %dma_wait3A_2875 = arith.constant 1920 : i32
      %dma_wait3A_2876 = tpu.memref_slice %arg10[%dma_wait3A_2875] : memref<3328xi32, #tpu.memory_space<vmem>> -> memref<128xi32, #tpu.memory_space<vmem>>
      %dma_wait3A_2877 = arith.constant 0 : i32
      %dma_wait3A_2878 = arith.constant 0 : i32
      %dma_wait3A_2879 = tpu.memref_slice %arg4[%dma_wait3A_2877, %dma_wait3A_2878] : memref<2600000x16xf32, #tpu.memory_space<hbm>> -> memref<2600000x16xf32, #tpu.memory_space<hbm>>
      tpu.wait_indirect_dma semaphore(%arg13 : memref<!tpu.dma_semaphore, #tpu.memory_space<semaphore_mem>>) src(%dma_wait3A_2879 : memref<2600000x16xf32, #tpu.memory_space<hbm>>) dst(%dma_wait3A_2874 : memref<128x16xf32, #tpu.memory_space<vmem>>)
      %dma_wait3A_2880 = arith.constant 1920 : i32
      %dma_wait3A_2881 = tpu.memref_slice %arg12[%dma_wait3A_2880] : memref<3328xf32, #tpu.memory_space<vmem>> -> memref<128xf32, #tpu.memory_space<vmem>>
      %dma_wait3A_2882 = arith.constant 1920 : i32
      %dma_wait3A_2883 = tpu.memref_slice %arg10[%dma_wait3A_2882] : memref<3328xi32, #tpu.memory_space<vmem>> -> memref<128xi32, #tpu.memory_space<vmem>>
      %dma_wait3A_2884 = arith.constant 0 : i32
      %dma_wait3A_2885 = tpu.memref_slice %arg5[%dma_wait3A_2884] : memref<2600000xf32, #tpu.memory_space<hbm>> -> memref<2600000xf32, #tpu.memory_space<hbm>>
      tpu.wait_indirect_dma semaphore(%arg14 : memref<!tpu.dma_semaphore, #tpu.memory_space<semaphore_mem>>) src(%dma_wait3A_2885 : memref<2600000xf32, #tpu.memory_space<hbm>>) dst(%dma_wait3A_2881 : memref<128xf32, #tpu.memory_space<vmem>>)
      %dma_wait3A_2886 = arith.constant 2048 : i32
      %dma_wait3A_2887 = arith.constant 0 : i32
      %dma_wait3A_2888 = tpu.memref_slice %arg11[%dma_wait3A_2886, %dma_wait3A_2887] : memref<3328x16xf32, #tpu.memory_space<vmem>> -> memref<128x16xf32, #tpu.memory_space<vmem>>
      %dma_wait3A_2889 = arith.constant 2048 : i32
      %dma_wait3A_2890 = tpu.memref_slice %arg10[%dma_wait3A_2889] : memref<3328xi32, #tpu.memory_space<vmem>> -> memref<128xi32, #tpu.memory_space<vmem>>
      %dma_wait3A_2891 = arith.constant 0 : i32
      %dma_wait3A_2892 = arith.constant 0 : i32
      %dma_wait3A_2893 = tpu.memref_slice %arg4[%dma_wait3A_2891, %dma_wait3A_2892] : memref<2600000x16xf32, #tpu.memory_space<hbm>> -> memref<2600000x16xf32, #tpu.memory_space<hbm>>
      tpu.wait_indirect_dma semaphore(%arg13 : memref<!tpu.dma_semaphore, #tpu.memory_space<semaphore_mem>>) src(%dma_wait3A_2893 : memref<2600000x16xf32, #tpu.memory_space<hbm>>) dst(%dma_wait3A_2888 : memref<128x16xf32, #tpu.memory_space<vmem>>)
      %dma_wait3A_2894 = arith.constant 2048 : i32
      %dma_wait3A_2895 = tpu.memref_slice %arg12[%dma_wait3A_2894] : memref<3328xf32, #tpu.memory_space<vmem>> -> memref<128xf32, #tpu.memory_space<vmem>>
      %dma_wait3A_2896 = arith.constant 2048 : i32
      %dma_wait3A_2897 = tpu.memref_slice %arg10[%dma_wait3A_2896] : memref<3328xi32, #tpu.memory_space<vmem>> -> memref<128xi32, #tpu.memory_space<vmem>>
      %dma_wait3A_2898 = arith.constant 0 : i32
      %dma_wait3A_2899 = tpu.memref_slice %arg5[%dma_wait3A_2898] : memref<2600000xf32, #tpu.memory_space<hbm>> -> memref<2600000xf32, #tpu.memory_space<hbm>>
      tpu.wait_indirect_dma semaphore(%arg14 : memref<!tpu.dma_semaphore, #tpu.memory_space<semaphore_mem>>) src(%dma_wait3A_2899 : memref<2600000xf32, #tpu.memory_space<hbm>>) dst(%dma_wait3A_2895 : memref<128xf32, #tpu.memory_space<vmem>>)
      %dma_wait3A_2900 = arith.constant 2176 : i32
      %dma_wait3A_2901 = arith.constant 0 : i32
      %dma_wait3A_2902 = tpu.memref_slice %arg11[%dma_wait3A_2900, %dma_wait3A_2901] : memref<3328x16xf32, #tpu.memory_space<vmem>> -> memref<128x16xf32, #tpu.memory_space<vmem>>
      %dma_wait3A_2903 = arith.constant 2176 : i32
      %dma_wait3A_2904 = tpu.memref_slice %arg10[%dma_wait3A_2903] : memref<3328xi32, #tpu.memory_space<vmem>> -> memref<128xi32, #tpu.memory_space<vmem>>
      %dma_wait3A_2905 = arith.constant 0 : i32
      %dma_wait3A_2906 = arith.constant 0 : i32
      %dma_wait3A_2907 = tpu.memref_slice %arg4[%dma_wait3A_2905, %dma_wait3A_2906] : memref<2600000x16xf32, #tpu.memory_space<hbm>> -> memref<2600000x16xf32, #tpu.memory_space<hbm>>
      tpu.wait_indirect_dma semaphore(%arg13 : memref<!tpu.dma_semaphore, #tpu.memory_space<semaphore_mem>>) src(%dma_wait3A_2907 : memref<2600000x16xf32, #tpu.memory_space<hbm>>) dst(%dma_wait3A_2902 : memref<128x16xf32, #tpu.memory_space<vmem>>)
      %dma_wait3A_2908 = arith.constant 2176 : i32
      %dma_wait3A_2909 = tpu.memref_slice %arg12[%dma_wait3A_2908] : memref<3328xf32, #tpu.memory_space<vmem>> -> memref<128xf32, #tpu.memory_space<vmem>>
      %dma_wait3A_2910 = arith.constant 2176 : i32
      %dma_wait3A_2911 = tpu.memref_slice %arg10[%dma_wait3A_2910] : memref<3328xi32, #tpu.memory_space<vmem>> -> memref<128xi32, #tpu.memory_space<vmem>>
      %dma_wait3A_2912 = arith.constant 0 : i32
      %dma_wait3A_2913 = tpu.memref_slice %arg5[%dma_wait3A_2912] : memref<2600000xf32, #tpu.memory_space<hbm>> -> memref<2600000xf32, #tpu.memory_space<hbm>>
      tpu.wait_indirect_dma semaphore(%arg14 : memref<!tpu.dma_semaphore, #tpu.memory_space<semaphore_mem>>) src(%dma_wait3A_2913 : memref<2600000xf32, #tpu.memory_space<hbm>>) dst(%dma_wait3A_2909 : memref<128xf32, #tpu.memory_space<vmem>>)
      %dma_wait3A_2914 = arith.constant 2304 : i32
      %dma_wait3A_2915 = arith.constant 0 : i32
      %dma_wait3A_2916 = tpu.memref_slice %arg11[%dma_wait3A_2914, %dma_wait3A_2915] : memref<3328x16xf32, #tpu.memory_space<vmem>> -> memref<128x16xf32, #tpu.memory_space<vmem>>
      %dma_wait3A_2917 = arith.constant 2304 : i32
      %dma_wait3A_2918 = tpu.memref_slice %arg10[%dma_wait3A_2917] : memref<3328xi32, #tpu.memory_space<vmem>> -> memref<128xi32, #tpu.memory_space<vmem>>
      %dma_wait3A_2919 = arith.constant 0 : i32
      %dma_wait3A_2920 = arith.constant 0 : i32
      %dma_wait3A_2921 = tpu.memref_slice %arg4[%dma_wait3A_2919, %dma_wait3A_2920] : memref<2600000x16xf32, #tpu.memory_space<hbm>> -> memref<2600000x16xf32, #tpu.memory_space<hbm>>
      tpu.wait_indirect_dma semaphore(%arg13 : memref<!tpu.dma_semaphore, #tpu.memory_space<semaphore_mem>>) src(%dma_wait3A_2921 : memref<2600000x16xf32, #tpu.memory_space<hbm>>) dst(%dma_wait3A_2916 : memref<128x16xf32, #tpu.memory_space<vmem>>)
      %dma_wait3A_2922 = arith.constant 2304 : i32
      %dma_wait3A_2923 = tpu.memref_slice %arg12[%dma_wait3A_2922] : memref<3328xf32, #tpu.memory_space<vmem>> -> memref<128xf32, #tpu.memory_space<vmem>>
      %dma_wait3A_2924 = arith.constant 2304 : i32
      %dma_wait3A_2925 = tpu.memref_slice %arg10[%dma_wait3A_2924] : memref<3328xi32, #tpu.memory_space<vmem>> -> memref<128xi32, #tpu.memory_space<vmem>>
      %dma_wait3A_2926 = arith.constant 0 : i32
      %dma_wait3A_2927 = tpu.memref_slice %arg5[%dma_wait3A_2926] : memref<2600000xf32, #tpu.memory_space<hbm>> -> memref<2600000xf32, #tpu.memory_space<hbm>>
      tpu.wait_indirect_dma semaphore(%arg14 : memref<!tpu.dma_semaphore, #tpu.memory_space<semaphore_mem>>) src(%dma_wait3A_2927 : memref<2600000xf32, #tpu.memory_space<hbm>>) dst(%dma_wait3A_2923 : memref<128xf32, #tpu.memory_space<vmem>>)
      %dma_wait3A_2928 = arith.constant 2432 : i32
      %dma_wait3A_2929 = arith.constant 0 : i32
      %dma_wait3A_2930 = tpu.memref_slice %arg11[%dma_wait3A_2928, %dma_wait3A_2929] : memref<3328x16xf32, #tpu.memory_space<vmem>> -> memref<128x16xf32, #tpu.memory_space<vmem>>
      %dma_wait3A_2931 = arith.constant 2432 : i32
      %dma_wait3A_2932 = tpu.memref_slice %arg10[%dma_wait3A_2931] : memref<3328xi32, #tpu.memory_space<vmem>> -> memref<128xi32, #tpu.memory_space<vmem>>
      %dma_wait3A_2933 = arith.constant 0 : i32
      %dma_wait3A_2934 = arith.constant 0 : i32
      %dma_wait3A_2935 = tpu.memref_slice %arg4[%dma_wait3A_2933, %dma_wait3A_2934] : memref<2600000x16xf32, #tpu.memory_space<hbm>> -> memref<2600000x16xf32, #tpu.memory_space<hbm>>
      tpu.wait_indirect_dma semaphore(%arg13 : memref<!tpu.dma_semaphore, #tpu.memory_space<semaphore_mem>>) src(%dma_wait3A_2935 : memref<2600000x16xf32, #tpu.memory_space<hbm>>) dst(%dma_wait3A_2930 : memref<128x16xf32, #tpu.memory_space<vmem>>)
      %dma_wait3A_2936 = arith.constant 2432 : i32
      %dma_wait3A_2937 = tpu.memref_slice %arg12[%dma_wait3A_2936] : memref<3328xf32, #tpu.memory_space<vmem>> -> memref<128xf32, #tpu.memory_space<vmem>>
      %dma_wait3A_2938 = arith.constant 2432 : i32
      %dma_wait3A_2939 = tpu.memref_slice %arg10[%dma_wait3A_2938] : memref<3328xi32, #tpu.memory_space<vmem>> -> memref<128xi32, #tpu.memory_space<vmem>>
      %dma_wait3A_2940 = arith.constant 0 : i32
      %dma_wait3A_2941 = tpu.memref_slice %arg5[%dma_wait3A_2940] : memref<2600000xf32, #tpu.memory_space<hbm>> -> memref<2600000xf32, #tpu.memory_space<hbm>>
      tpu.wait_indirect_dma semaphore(%arg14 : memref<!tpu.dma_semaphore, #tpu.memory_space<semaphore_mem>>) src(%dma_wait3A_2941 : memref<2600000xf32, #tpu.memory_space<hbm>>) dst(%dma_wait3A_2937 : memref<128xf32, #tpu.memory_space<vmem>>)
      %dma_wait3A_2942 = arith.constant 2560 : i32
      %dma_wait3A_2943 = arith.constant 0 : i32
      %dma_wait3A_2944 = tpu.memref_slice %arg11[%dma_wait3A_2942, %dma_wait3A_2943] : memref<3328x16xf32, #tpu.memory_space<vmem>> -> memref<128x16xf32, #tpu.memory_space<vmem>>
      %dma_wait3A_2945 = arith.constant 2560 : i32
      %dma_wait3A_2946 = tpu.memref_slice %arg10[%dma_wait3A_2945] : memref<3328xi32, #tpu.memory_space<vmem>> -> memref<128xi32, #tpu.memory_space<vmem>>
      %dma_wait3A_2947 = arith.constant 0 : i32
      %dma_wait3A_2948 = arith.constant 0 : i32
      %dma_wait3A_2949 = tpu.memref_slice %arg4[%dma_wait3A_2947, %dma_wait3A_2948] : memref<2600000x16xf32, #tpu.memory_space<hbm>> -> memref<2600000x16xf32, #tpu.memory_space<hbm>>
      tpu.wait_indirect_dma semaphore(%arg13 : memref<!tpu.dma_semaphore, #tpu.memory_space<semaphore_mem>>) src(%dma_wait3A_2949 : memref<2600000x16xf32, #tpu.memory_space<hbm>>) dst(%dma_wait3A_2944 : memref<128x16xf32, #tpu.memory_space<vmem>>)
      %dma_wait3A_2950 = arith.constant 2560 : i32
      %dma_wait3A_2951 = tpu.memref_slice %arg12[%dma_wait3A_2950] : memref<3328xf32, #tpu.memory_space<vmem>> -> memref<128xf32, #tpu.memory_space<vmem>>
      %dma_wait3A_2952 = arith.constant 2560 : i32
      %dma_wait3A_2953 = tpu.memref_slice %arg10[%dma_wait3A_2952] : memref<3328xi32, #tpu.memory_space<vmem>> -> memref<128xi32, #tpu.memory_space<vmem>>
      %dma_wait3A_2954 = arith.constant 0 : i32
      %dma_wait3A_2955 = tpu.memref_slice %arg5[%dma_wait3A_2954] : memref<2600000xf32, #tpu.memory_space<hbm>> -> memref<2600000xf32, #tpu.memory_space<hbm>>
      tpu.wait_indirect_dma semaphore(%arg14 : memref<!tpu.dma_semaphore, #tpu.memory_space<semaphore_mem>>) src(%dma_wait3A_2955 : memref<2600000xf32, #tpu.memory_space<hbm>>) dst(%dma_wait3A_2951 : memref<128xf32, #tpu.memory_space<vmem>>)
      %dma_wait3A_2956 = arith.constant 2688 : i32
      %dma_wait3A_2957 = arith.constant 0 : i32
      %dma_wait3A_2958 = tpu.memref_slice %arg11[%dma_wait3A_2956, %dma_wait3A_2957] : memref<3328x16xf32, #tpu.memory_space<vmem>> -> memref<128x16xf32, #tpu.memory_space<vmem>>
      %dma_wait3A_2959 = arith.constant 2688 : i32
      %dma_wait3A_2960 = tpu.memref_slice %arg10[%dma_wait3A_2959] : memref<3328xi32, #tpu.memory_space<vmem>> -> memref<128xi32, #tpu.memory_space<vmem>>
      %dma_wait3A_2961 = arith.constant 0 : i32
      %dma_wait3A_2962 = arith.constant 0 : i32
      %dma_wait3A_2963 = tpu.memref_slice %arg4[%dma_wait3A_2961, %dma_wait3A_2962] : memref<2600000x16xf32, #tpu.memory_space<hbm>> -> memref<2600000x16xf32, #tpu.memory_space<hbm>>
      tpu.wait_indirect_dma semaphore(%arg13 : memref<!tpu.dma_semaphore, #tpu.memory_space<semaphore_mem>>) src(%dma_wait3A_2963 : memref<2600000x16xf32, #tpu.memory_space<hbm>>) dst(%dma_wait3A_2958 : memref<128x16xf32, #tpu.memory_space<vmem>>)
      %dma_wait3A_2964 = arith.constant 2688 : i32
      %dma_wait3A_2965 = tpu.memref_slice %arg12[%dma_wait3A_2964] : memref<3328xf32, #tpu.memory_space<vmem>> -> memref<128xf32, #tpu.memory_space<vmem>>
      %dma_wait3A_2966 = arith.constant 2688 : i32
      %dma_wait3A_2967 = tpu.memref_slice %arg10[%dma_wait3A_2966] : memref<3328xi32, #tpu.memory_space<vmem>> -> memref<128xi32, #tpu.memory_space<vmem>>
      %dma_wait3A_2968 = arith.constant 0 : i32
      %dma_wait3A_2969 = tpu.memref_slice %arg5[%dma_wait3A_2968] : memref<2600000xf32, #tpu.memory_space<hbm>> -> memref<2600000xf32, #tpu.memory_space<hbm>>
      tpu.wait_indirect_dma semaphore(%arg14 : memref<!tpu.dma_semaphore, #tpu.memory_space<semaphore_mem>>) src(%dma_wait3A_2969 : memref<2600000xf32, #tpu.memory_space<hbm>>) dst(%dma_wait3A_2965 : memref<128xf32, #tpu.memory_space<vmem>>)
      %dma_wait3A_2970 = arith.constant 2816 : i32
      %dma_wait3A_2971 = arith.constant 0 : i32
      %dma_wait3A_2972 = tpu.memref_slice %arg11[%dma_wait3A_2970, %dma_wait3A_2971] : memref<3328x16xf32, #tpu.memory_space<vmem>> -> memref<128x16xf32, #tpu.memory_space<vmem>>
      %dma_wait3A_2973 = arith.constant 2816 : i32
      %dma_wait3A_2974 = tpu.memref_slice %arg10[%dma_wait3A_2973] : memref<3328xi32, #tpu.memory_space<vmem>> -> memref<128xi32, #tpu.memory_space<vmem>>
      %dma_wait3A_2975 = arith.constant 0 : i32
      %dma_wait3A_2976 = arith.constant 0 : i32
      %dma_wait3A_2977 = tpu.memref_slice %arg4[%dma_wait3A_2975, %dma_wait3A_2976] : memref<2600000x16xf32, #tpu.memory_space<hbm>> -> memref<2600000x16xf32, #tpu.memory_space<hbm>>
      tpu.wait_indirect_dma semaphore(%arg13 : memref<!tpu.dma_semaphore, #tpu.memory_space<semaphore_mem>>) src(%dma_wait3A_2977 : memref<2600000x16xf32, #tpu.memory_space<hbm>>) dst(%dma_wait3A_2972 : memref<128x16xf32, #tpu.memory_space<vmem>>)
      %dma_wait3A_2978 = arith.constant 2816 : i32
      %dma_wait3A_2979 = tpu.memref_slice %arg12[%dma_wait3A_2978] : memref<3328xf32, #tpu.memory_space<vmem>> -> memref<128xf32, #tpu.memory_space<vmem>>
      %dma_wait3A_2980 = arith.constant 2816 : i32
      %dma_wait3A_2981 = tpu.memref_slice %arg10[%dma_wait3A_2980] : memref<3328xi32, #tpu.memory_space<vmem>> -> memref<128xi32, #tpu.memory_space<vmem>>
      %dma_wait3A_2982 = arith.constant 0 : i32
      %dma_wait3A_2983 = tpu.memref_slice %arg5[%dma_wait3A_2982] : memref<2600000xf32, #tpu.memory_space<hbm>> -> memref<2600000xf32, #tpu.memory_space<hbm>>
      tpu.wait_indirect_dma semaphore(%arg14 : memref<!tpu.dma_semaphore, #tpu.memory_space<semaphore_mem>>) src(%dma_wait3A_2983 : memref<2600000xf32, #tpu.memory_space<hbm>>) dst(%dma_wait3A_2979 : memref<128xf32, #tpu.memory_space<vmem>>)
      %dma_wait3A_2984 = arith.constant 2944 : i32
      %dma_wait3A_2985 = arith.constant 0 : i32
      %dma_wait3A_2986 = tpu.memref_slice %arg11[%dma_wait3A_2984, %dma_wait3A_2985] : memref<3328x16xf32, #tpu.memory_space<vmem>> -> memref<128x16xf32, #tpu.memory_space<vmem>>
      %dma_wait3A_2987 = arith.constant 2944 : i32
      %dma_wait3A_2988 = tpu.memref_slice %arg10[%dma_wait3A_2987] : memref<3328xi32, #tpu.memory_space<vmem>> -> memref<128xi32, #tpu.memory_space<vmem>>
      %dma_wait3A_2989 = arith.constant 0 : i32
      %dma_wait3A_2990 = arith.constant 0 : i32
      %dma_wait3A_2991 = tpu.memref_slice %arg4[%dma_wait3A_2989, %dma_wait3A_2990] : memref<2600000x16xf32, #tpu.memory_space<hbm>> -> memref<2600000x16xf32, #tpu.memory_space<hbm>>
      tpu.wait_indirect_dma semaphore(%arg13 : memref<!tpu.dma_semaphore, #tpu.memory_space<semaphore_mem>>) src(%dma_wait3A_2991 : memref<2600000x16xf32, #tpu.memory_space<hbm>>) dst(%dma_wait3A_2986 : memref<128x16xf32, #tpu.memory_space<vmem>>)
      %dma_wait3A_2992 = arith.constant 2944 : i32
      %dma_wait3A_2993 = tpu.memref_slice %arg12[%dma_wait3A_2992] : memref<3328xf32, #tpu.memory_space<vmem>> -> memref<128xf32, #tpu.memory_space<vmem>>
      %dma_wait3A_2994 = arith.constant 2944 : i32
      %dma_wait3A_2995 = tpu.memref_slice %arg10[%dma_wait3A_2994] : memref<3328xi32, #tpu.memory_space<vmem>> -> memref<128xi32, #tpu.memory_space<vmem>>
      %dma_wait3A_2996 = arith.constant 0 : i32
      %dma_wait3A_2997 = tpu.memref_slice %arg5[%dma_wait3A_2996] : memref<2600000xf32, #tpu.memory_space<hbm>> -> memref<2600000xf32, #tpu.memory_space<hbm>>
      tpu.wait_indirect_dma semaphore(%arg14 : memref<!tpu.dma_semaphore, #tpu.memory_space<semaphore_mem>>) src(%dma_wait3A_2997 : memref<2600000xf32, #tpu.memory_space<hbm>>) dst(%dma_wait3A_2993 : memref<128xf32, #tpu.memory_space<vmem>>)
      %dma_wait3A_2998 = arith.constant 3072 : i32
      %dma_wait3A_2999 = arith.constant 0 : i32
      %dma_wait3A_3000 = tpu.memref_slice %arg11[%dma_wait3A_2998, %dma_wait3A_2999] : memref<3328x16xf32, #tpu.memory_space<vmem>> -> memref<128x16xf32, #tpu.memory_space<vmem>>
      %dma_wait3A_3001 = arith.constant 3072 : i32
      %dma_wait3A_3002 = tpu.memref_slice %arg10[%dma_wait3A_3001] : memref<3328xi32, #tpu.memory_space<vmem>> -> memref<128xi32, #tpu.memory_space<vmem>>
      %dma_wait3A_3003 = arith.constant 0 : i32
      %dma_wait3A_3004 = arith.constant 0 : i32
      %dma_wait3A_3005 = tpu.memref_slice %arg4[%dma_wait3A_3003, %dma_wait3A_3004] : memref<2600000x16xf32, #tpu.memory_space<hbm>> -> memref<2600000x16xf32, #tpu.memory_space<hbm>>
      tpu.wait_indirect_dma semaphore(%arg13 : memref<!tpu.dma_semaphore, #tpu.memory_space<semaphore_mem>>) src(%dma_wait3A_3005 : memref<2600000x16xf32, #tpu.memory_space<hbm>>) dst(%dma_wait3A_3000 : memref<128x16xf32, #tpu.memory_space<vmem>>)
      %dma_wait3A_3006 = arith.constant 3072 : i32
      %dma_wait3A_3007 = tpu.memref_slice %arg12[%dma_wait3A_3006] : memref<3328xf32, #tpu.memory_space<vmem>> -> memref<128xf32, #tpu.memory_space<vmem>>
      %dma_wait3A_3008 = arith.constant 3072 : i32
      %dma_wait3A_3009 = tpu.memref_slice %arg10[%dma_wait3A_3008] : memref<3328xi32, #tpu.memory_space<vmem>> -> memref<128xi32, #tpu.memory_space<vmem>>
      %dma_wait3A_3010 = arith.constant 0 : i32
      %dma_wait3A_3011 = tpu.memref_slice %arg5[%dma_wait3A_3010] : memref<2600000xf32, #tpu.memory_space<hbm>> -> memref<2600000xf32, #tpu.memory_space<hbm>>
      tpu.wait_indirect_dma semaphore(%arg14 : memref<!tpu.dma_semaphore, #tpu.memory_space<semaphore_mem>>) src(%dma_wait3A_3011 : memref<2600000xf32, #tpu.memory_space<hbm>>) dst(%dma_wait3A_3007 : memref<128xf32, #tpu.memory_space<vmem>>)
      %dma_wait3A_3012 = arith.constant 3200 : i32
      %dma_wait3A_3013 = arith.constant 0 : i32
      %dma_wait3A_3014 = tpu.memref_slice %arg11[%dma_wait3A_3012, %dma_wait3A_3013] : memref<3328x16xf32, #tpu.memory_space<vmem>> -> memref<128x16xf32, #tpu.memory_space<vmem>>
      %dma_wait3A_3015 = arith.constant 3200 : i32
      %dma_wait3A_3016 = tpu.memref_slice %arg10[%dma_wait3A_3015] : memref<3328xi32, #tpu.memory_space<vmem>> -> memref<128xi32, #tpu.memory_space<vmem>>
      %dma_wait3A_3017 = arith.constant 0 : i32
      %dma_wait3A_3018 = arith.constant 0 : i32
      %dma_wait3A_3019 = tpu.memref_slice %arg4[%dma_wait3A_3017, %dma_wait3A_3018] : memref<2600000x16xf32, #tpu.memory_space<hbm>> -> memref<2600000x16xf32, #tpu.memory_space<hbm>>
      tpu.wait_indirect_dma semaphore(%arg13 : memref<!tpu.dma_semaphore, #tpu.memory_space<semaphore_mem>>) src(%dma_wait3A_3019 : memref<2600000x16xf32, #tpu.memory_space<hbm>>) dst(%dma_wait3A_3014 : memref<128x16xf32, #tpu.memory_space<vmem>>)
      %dma_wait3A_3020 = arith.constant 3200 : i32
      %dma_wait3A_3021 = tpu.memref_slice %arg12[%dma_wait3A_3020] : memref<3328xf32, #tpu.memory_space<vmem>> -> memref<128xf32, #tpu.memory_space<vmem>>
      %dma_wait3A_3022 = arith.constant 3200 : i32
      %dma_wait3A_3023 = tpu.memref_slice %arg10[%dma_wait3A_3022] : memref<3328xi32, #tpu.memory_space<vmem>> -> memref<128xi32, #tpu.memory_space<vmem>>
      %dma_wait3A_3024 = arith.constant 0 : i32
      %dma_wait3A_3025 = tpu.memref_slice %arg5[%dma_wait3A_3024] : memref<2600000xf32, #tpu.memory_space<hbm>> -> memref<2600000xf32, #tpu.memory_space<hbm>>
      tpu.wait_indirect_dma semaphore(%arg14 : memref<!tpu.dma_semaphore, #tpu.memory_space<semaphore_mem>>) src(%dma_wait3A_3025 : memref<2600000xf32, #tpu.memory_space<hbm>>) dst(%dma_wait3A_3021 : memref<128xf32, #tpu.memory_space<vmem>>)
      "tpu.region"() ({
        %run_scoped3A = tpu.sem_alloc : memref<!tpu.dma_semaphore, #tpu.memory_space<semaphore_mem>>
        %dma_start3A_3026 = arith.constant 0 : i32
        %dma_start3A_3027 = tpu.memref_slice %arg6[%mul3A_13, %dma_start3A_3026] : memref<425984x16xf32, #tpu.memory_space<hbm>> -> memref<3328x16xf32, #tpu.memory_space<hbm>>
        %dma_start3A_3028 = arith.constant 0 : i32
        %dma_start3A_3029 = tpu.memref_slice %arg6[%mul3A_13, %dma_start3A_3028] : memref<425984x16xf32, #tpu.memory_space<hbm>> -> memref<3328x16xf32, #tpu.memory_space<hbm>>
        tpu.enqueue_dma source(%arg11 : memref<3328x16xf32, #tpu.memory_space<vmem>>) target(%dma_start3A_3029 : memref<3328x16xf32, #tpu.memory_space<hbm>>) target_semaphore(%run_scoped3A : memref<!tpu.dma_semaphore, #tpu.memory_space<semaphore_mem>>)
        %dma_wait3A_3030 = arith.constant 0 : i32
        %dma_wait3A_3031 = tpu.memref_slice %arg6[%mul3A_13, %dma_wait3A_3030] : memref<425984x16xf32, #tpu.memory_space<hbm>> -> memref<3328x16xf32, #tpu.memory_space<hbm>>
        %dma_wait3A_3032 = arith.constant 0 : i32
        %dma_wait3A_3033 = tpu.memref_slice %arg6[%mul3A_13, %dma_wait3A_3032] : memref<425984x16xf32, #tpu.memory_space<hbm>> -> memref<3328x16xf32, #tpu.memory_space<hbm>>
        tpu.wait_dma2 semaphore(%run_scoped3A : memref<!tpu.dma_semaphore, #tpu.memory_space<semaphore_mem>>) src(%arg11 : memref<3328x16xf32, #tpu.memory_space<vmem>>) dst(%dma_wait3A_3033 : memref<3328x16xf32, #tpu.memory_space<hbm>>)
        tpu.yield
      }) : () -> ()
      "tpu.region"() ({
        %run_scoped3A = tpu.sem_alloc : memref<!tpu.dma_semaphore, #tpu.memory_space<semaphore_mem>>
        %dma_start3A_3026 = tpu.memref_slice %arg7[%mul3A_13] : memref<425984xf32, #tpu.memory_space<hbm>> -> memref<3328xf32, #tpu.memory_space<hbm>>
        %dma_start3A_3027 = tpu.memref_slice %arg7[%mul3A_13] : memref<425984xf32, #tpu.memory_space<hbm>> -> memref<3328xf32, #tpu.memory_space<hbm>>
        tpu.enqueue_dma source(%arg12 : memref<3328xf32, #tpu.memory_space<vmem>>) target(%dma_start3A_3027 : memref<3328xf32, #tpu.memory_space<hbm>>) target_semaphore(%run_scoped3A : memref<!tpu.dma_semaphore, #tpu.memory_space<semaphore_mem>>)
        %dma_wait3A_3028 = tpu.memref_slice %arg7[%mul3A_13] : memref<425984xf32, #tpu.memory_space<hbm>> -> memref<3328xf32, #tpu.memory_space<hbm>>
        %dma_wait3A_3029 = tpu.memref_slice %arg7[%mul3A_13] : memref<425984xf32, #tpu.memory_space<hbm>> -> memref<3328xf32, #tpu.memory_space<hbm>>
        tpu.wait_dma2 semaphore(%run_scoped3A : memref<!tpu.dma_semaphore, #tpu.memory_space<semaphore_mem>>) src(%arg12 : memref<3328xf32, #tpu.memory_space<vmem>>) dst(%dma_wait3A_3029 : memref<3328xf32, #tpu.memory_space<hbm>>)
        tpu.yield
      }) : () -> ()
    }
    %scan3A_5 = arith.constant 4 : i32
    return
  }
}

module attributes {stable_mosaic.version = 14 : i64} {
  func.func @_tc_body(%arg0: i32, %arg1: memref<512x416xf32, #tpu.memory_space<vmem>>, %arg2: memref<512x26xf32, #tpu.memory_space<vmem>>, %arg3: memref<416x416xf32, #tpu.memory_space<vmem>>, %arg4: memref<1x1xf32, #tpu.memory_space<smem>>, %arg5: memref<512x1xf32, #tpu.memory_space<vmem>>) attributes {dimension_semantics = [#tpu.dimension_semantics<arbitrary>], iteration_bounds = array<i64: 32>, scalar_prefetch = 0 : i64, scratch_operands = 0 : i64, tpu.core_type = #tpu.core_type<tc>, window_params = [{transform_indices = @transform_0, window_bounds = array<i64: 512, 416>}, {transform_indices = @transform_1, window_bounds = array<i64: 512, 26>}, {pipeline_mode = #tpu.pipeline_mode<synchronous>, transform_indices = @transform_2, window_bounds = array<i64: 416, 416>}, {transform_indices = @transform_3, window_bounds = array<i64: 1, 1>}, {transform_indices = @transform_4, window_bounds = array<i64: 512, 1>}]} {
    %get3A = arith.constant 0 : index
    %get3A_0 = arith.constant 0 : index
    %get3A_1 = vector.load %arg1[%get3A, %get3A_0] : memref<512x416xf32, #tpu.memory_space<vmem>>, vector<512x416xf32>
    %get3A_2 = arith.constant 0 : index
    %get3A_3 = arith.constant 0 : index
    %get3A_4 = vector.load %arg3[%get3A_2, %get3A_3] : memref<416x416xf32, #tpu.memory_space<vmem>>, vector<416x416xf32>
    %dot_general3A = arith.constant dense<0.000000e+00> : vector<512x416xf32>
    %dot_general3A_5 = tpu.matmul %get3A_1, %get3A_4, %dot_general3A {dimension_numbers = #tpu.dot_dimension_numbers<[1], [0], [0], [1], [0, 0, 1, 1], [], []>, transpose_lhs_hint = false} : vector<512x416xf32>, vector<416x416xf32>, vector<512x416xf32> -> vector<512x416xf32>
    %mul3A = arith.mulf %get3A_1, %dot_general3A_5 : vector<512x416xf32>
    %reduce_sum3A = arith.constant dense<0.000000e+00> : vector<512xf32>
    %reduce_sum3A_6 = vector.multi_reduction <add>, %mul3A, %reduce_sum3A [1] : vector<512x416xf32> to vector<512xf32>
    %broadcast_in_dim3A = vector.shape_cast %reduce_sum3A_6 : vector<512xf32> to vector<512x1xf32>
    %get3A_7 = arith.constant 0 : index
    %get3A_8 = arith.constant 0 : index
    %get3A_9 = vector.load %arg2[%get3A_7, %get3A_8] : memref<512x26xf32, #tpu.memory_space<vmem>>, vector<512x26xf32>
    %reduce_sum3A_10 = arith.constant dense<0.000000e+00> : vector<512xf32>
    %reduce_sum3A_11 = vector.multi_reduction <add>, %get3A_9, %reduce_sum3A_10 [1] : vector<512x26xf32> to vector<512xf32>
    %broadcast_in_dim3A_12 = vector.shape_cast %reduce_sum3A_11 : vector<512xf32> to vector<512x1xf32>
    %add3A = arith.addf %broadcast_in_dim3A, %broadcast_in_dim3A_12 : vector<512x1xf32>
    %get3A_13 = arith.constant 0 : index
    %get3A_14 = arith.constant 0 : index
    %get3A_15 = memref.load %arg4[%get3A_13, %get3A_14] : memref<1x1xf32, #tpu.memory_space<smem>>
    %add3A_16 = vector.broadcast %get3A_15 : f32 to vector<512x1xf32>
    %add3A_17 = arith.addf %add3A, %add3A_16 : vector<512x1xf32>
    %swap3A = arith.constant 0 : index
    %swap3A_18 = arith.constant 0 : index
    %swap3A_19 = vector.load %arg5[%swap3A, %swap3A_18] : memref<512x1xf32, #tpu.memory_space<vmem>>, vector<512x1xf32>
    tpu.vector_store %arg5[%swap3A, %swap3A_18], %add3A_17 {strides = array<i32>} : memref<512x1xf32, #tpu.memory_space<vmem>>, vector<512x1xf32>,
    return
  }
  func.func @transform_0(%arg0: i32) -> (i32, i32) {
    %c0_i32 = arith.constant 0 : i32
    %c0_i32_0 = arith.constant 0 : i32
    return %arg0, %c0_i32 : i32, i32
  }
  func.func @transform_1(%arg0: i32) -> (i32, i32) {
    %c0_i32 = arith.constant 0 : i32
    %c0_i32_0 = arith.constant 0 : i32
    return %arg0, %c0_i32 : i32, i32
  }
  func.func @transform_2(%arg0: i32) -> (i32, i32) {
    %c0_i32 = arith.constant 0 : i32
    %c0_i32_0 = arith.constant 0 : i32
    %c0_i32_1 = arith.constant 0 : i32
    return %c0_i32, %c0_i32_0 : i32, i32
  }
  func.func @transform_3(%arg0: i32) -> (i32, i32) {
    %c0_i32 = arith.constant 0 : i32
    %c0_i32_0 = arith.constant 0 : i32
    %c0_i32_1 = arith.constant 0 : i32
    return %c0_i32, %c0_i32_0 : i32, i32
  }
  func.func @transform_4(%arg0: i32) -> (i32, i32) {
    %c0_i32 = arith.constant 0 : i32
    %c0_i32_0 = arith.constant 0 : i32
    return %arg0, %c0_i32 : i32, i32
  }
}

</mosaic_0001>

<sc_bundles>
// kernel: kernel.4.cloned.1.call-start
scs
__scs_entry_jumppad:
0x0: {  	(pc) =	sbr.rel $0x88, $3  }
0x1: {  	(tag) =	ssettag $0x0;
	lr =	simm.s32 $0x1  }
0x2: {  	[smem:$0x3F9B] =	sst lr;
	_ =	strace $0xD0000000  }
0x3: {  	_ = 	snop  }
0x4: {  	_ = 	snop  }
0x5: {  	_ = 	snop  }
0x6: {  	_ = 	snop  }
0x7: {  	_ = 	snop  }
__scs_overlays_trampoline_lowered:
0x8: {  	[smem:$0x3FAA] =	sst s0  }
0x9: {  	[smem:$0x3FAB] =	sst s1  }
0xa: {  	[smem:$0x3FAC] =	sst s2  }
0xb: {  	[smem:$0x3FAD] =	sst s3  }
0xc: {  	[smem:$0x3FAE] =	sst s4  }
0xd: {  	[smem:$0x3FAF] =	sst s5  }
0xe: {  	[smem:$0x3FB0] =	sst s6  }
0xf: {  	[smem:$0x3FB1] =	sst s7  }
0x10: {  	[smem:$0x3FB2] =	sst s8  }
0x11: {  	[smem:$0x3FB3] =	sst s9;
	s0 =	simm.s32 @!p0 $0x0  }
0x12: {  	s1 =	sld [smem:$0x3F99];
	s0 =	simm.s32 @p0 $0x1  }
0x13: {  	[smem:$0x3FB4] =	sst s0;
	s0 =	simm.s32 @!p1 $0x0  }
0x14: {  	s2 =	sld [smem:$0x3F98];
	s0 =	simm.s32 @p1 $0x1  }
0x15: {  	[smem:$0x3FB5] =	sst s0;
	s0 =	simm.s32 @!p2 $0x0  }
0x16: {  	s3 =	sld [smem:$0x3FDB];
	s0 =	simm.s32 @p2 $0x1  }
0x17: {  	s4 =	simm.s32 $0x1BF5;
	[smem:$0x3FB7] =	sst s0  }
0x18: {  	s0 =	sld [smem:$0x3F9A];
	_ =	swait.ge [sflag:s4], $0x0  }
0x19: {  	s7 =	sld [smem:$0x3F9B]  }
0x1a: {  	s8 =	sadd.s32 $0xFFFFE003, lr  }
0x1b: {  	s9 =	sadd.s32 $0xFFFFFEF7, lr;
	s5 =	simm.s32 $0xFFFFFFFF;
	p2 =	slt.u32 s8, $0xFFFFF086  }
0x1c: {  	p1 =	slt.u32 s9, $0xF7A;
	s5 =	simm.s32 @!p2 $0x0  }
0x1d: {  	s5 =	simm.s32 @p1 $0x1;
	p0 =	seq.s32 s7, s2  }
0x1e: {  	s7 =	smul.u32 @!p0 $0xF7A, s2;
	p2 =	seq.s32 @!p0 s5, $0x0  }
0x1f: {  	s9 =	smul.u32 $0xF7A, s1;
	s8 =	simm.s32 @!p0 $0x1BF5;
	p2 =	por !p2, p0  }
0x20: {  	[sflag:s8] =	ssyncset.s32 @!p0 $0xFFFFF086;
	s6 =	sadd.s32 @!p0 s3, s7;
	s7 =	simm.s32 @!p0 $0x108  }
0x21: {  	s3 =	sadd.s32 s3, s9;
	s6 =	sadd.s32 @!p0 $0x88, s6;
	s7 =	simm.s32 @p2 $0x1082  }
0x22: {  	[simem:s7], [sflag:s8] =	dma.local @!p0 [hbm:s6], $0xF7A  }
0x23: {  	s9 =	sor.u32 $0xD0000000, s2;
	s6 =	simm.s32 $0x108;
	_ =	swait.ge @!p0 [sflag:s8], $0x0  }
0x24: {  	s3 =	sadd.s32 $0x88, s3;
	s6 =	simm.s32 @!p1 $0x1082;
	[sflag:s4] =	ssyncset.s32 $0xFFFFF086  }
0x25: {  	[simem:s6], [sflag:s4] =	dma.local [hbm:s3], $0xF7A  }
0x26: {  	[smem:$0x3F9B] =	sst s1;
	(tag) =	ssettag s2;
	_ =	strace s9  }
0x27: {  	s1 =	sld [smem:$0x3FAB]  }
0x28: {  	s2 =	sld [smem:$0x3FAC]  }
0x29: {  	s4 =	sld [smem:$0x3FAE]  }
0x2a: {  	p0 =	seq.s32 s5, $0x0;
	s5 =	sld [smem:$0x3FAF]  }
0x2b: {  	s6 =	sld [smem:$0x3FB0]  }
0x2c: {  	s7 =	sld [smem:$0x3FB1]  }
0x2d: {  	s3 =	simm.s32 $0x108;
	s8 =	sld [smem:$0x3FB2]  }
0x2e: {  	s3 =	simm.s32 @!p0 $0x1082;
	s9 =	sld [smem:$0x3FB3]  }
0x2f: {  	lr =	sadd.s32 s0, s3;
	s0 =	sld [smem:$0x3FAA]  }
0x30: {  	s3 =	sld [smem:$0x3FAD]  }
0x31: {  	[smem:$0x3FB6] =	sst s10  }
0x32: {  	s10 =	sld [smem:$0x3FB4];
	_ =	sdelay $0x3  }
0x33: {  	p0 =	seq.s32 s10, $0x1;
	s10 =	sld [smem:$0x3FB6];
	_ =	sdelay $0x3  }
0x34: {  	[smem:$0x3FB6] =	sst s10  }
0x35: {  	s10 =	sld [smem:$0x3FB5];
	_ =	sdelay $0x3  }
0x36: {  	p1 =	seq.s32 s10, $0x1;
	s10 =	sld [smem:$0x3FB6];
	_ =	sdelay $0x3  }
0x37: {  	[smem:$0x3FB6] =	sst s10  }
0x38: {  	s10 =	sld [smem:$0x3FB7]  }
0x39: {  	_ = 	snop;
	(pc) =	sbr.ind lr, $3  }
0x3a: {  	_ = 	snop  }
0x3b: {  	_ = 	snop  }
0x3c: {  	p2 =	seq.s32 s10, $0x1;
	s10 =	sld [smem:$0x3FB6]  }
0x3d: {  	_ =	shalt  }
0x3e: {  	_ =	shalt  }
0x3f: {  	_ =	shalt  }
0x40: {  	_ =	shalt  }
0x41: {  	_ =	shalt  }
0x42: {  	_ =	shalt  }
0x43: {  	_ =	shalt  }
0x44: {  	_ =	shalt  }
0x45: {  	_ =	shalt  }
0x46: {  	_ =	shalt  }
0x47: {  	_ =	shalt  }
0x48: {  	_ =	shalt  }
0x49: {  	_ =	shalt  }
0x4a: {  	_ =	shalt  }
0x4b: {  	_ =	shalt  }
0x4c: {  	_ =	shalt  }
0x4d: {  	_ =	shalt  }
0x4e: {  	_ =	shalt  }
0x4f: {  	_ =	shalt  }
0x50: {  	_ =	shalt  }
0x51: {  	_ =	shalt  }
0x52: {  	_ =	shalt  }
0x53: {  	_ =	shalt  }
0x54: {  	_ =	shalt  }
0x55: {  	_ =	shalt  }
0x56: {  	_ =	shalt  }
0x57: {  	_ =	shalt  }
0x58: {  	_ =	shalt  }
0x59: {  	_ =	shalt  }
0x5a: {  	_ =	shalt  }
0x5b: {  	_ =	shalt  }
0x5c: {  	_ =	shalt  }
0x5d: {  	_ =	shalt  }
0x5e: {  	_ =	shalt  }
0x5f: {  	_ =	shalt  }
0x60: {  	_ =	shalt  }
0x61: {  	_ =	shalt  }
0x62: {  	_ =	shalt  }
0x63: {  	_ =	shalt  }
0x64: {  	_ =	shalt  }
0x65: {  	_ =	shalt  }
0x66: {  	_ =	shalt  }
0x67: {  	_ =	shalt  }
0x68: {  	_ =	shalt  }
0x69: {  	_ =	shalt  }
0x6a: {  	_ =	shalt  }
0x6b: {  	_ =	shalt  }
0x6c: {  	_ =	shalt  }
0x6d: {  	_ =	shalt  }
0x6e: {  	_ =	shalt  }
0x6f: {  	_ =	shalt  }
0x70: {  	_ =	shalt  }
0x71: {  	_ =	shalt  }
0x72: {  	_ =	shalt  }
0x73: {  	_ =	shalt  }
0x74: {  	_ =	shalt  }
0x75: {  	_ =	shalt  }
0x76: {  	_ =	shalt  }
0x77: {  	_ =	shalt  }
0x78: {  	_ =	shalt  }
0x79: {  	_ =	shalt  }
0x7a: {  	_ =	shalt  }
0x7b: {  	_ =	shalt  }
0x7c: {  	_ =	shalt  }
0x7d: {  	_ =	shalt  }
0x7e: {  	_ =	shalt  }
0x7f: {  	_ =	shalt  }
0x80: {  	_ =	shalt  }
0x81: {  	_ =	shalt  }
0x82: {  	_ =	shalt  }
0x83: {  	_ =	shalt  }
0x84: {  	_ =	shalt  }
0x85: {  	_ =	shalt  }
0x86: {  	_ =	shalt  }
0x87: {  	_ =	shalt  }
.Lfunc_end0:
.L_simem_size_0:
called_computation_lowered:
.L_overlay_start_0:
0x88: {  	s2 =	sld [smem:$0x3FD9]  }
0x89: {  	s3 =	sld [smem:$0x3FFE];
	_ =	sdelay $0x1  }
0x8a: {  	s1 =	srdreg.scid  }
0x8b: {  	s0 =	sand.u32 $0x1, s1  }
0x8c: {  	s17 =	sshll.u32 s0, $0xA;
	s2 =	sadd.s32 s3, s2  }
0x8d: {  	s2 =	sadd.s32 s2, s17  }
0x8e: {  	[smem:$0x3FC2] =	sst s2  }
0x8f: {  	_ = 	snop  }
0x90: {  	s2 =	sld [smem:$0x3FD0];
	(tm) =	ssettm $0x1  }
0x91: {  	s18 =	sld [smem:$0x3FFB];
	_ =	sdelay $0x3  }
0x92: {  	_ =	strace s18  }
0x93: {  	s3 =	sld [smem:$0x3FFC];
	_ =	sdelay $0x3  }
0x94: {  	_ =	strace s3  }
0x95: {  	s3 =	sld [smem:$0x3FFD];
	_ =	sdelay $0x3  }
0x96: {  	_ =	strace s3  }
0x97: {  	_ =	strace $0x8FFFFFFF  }
0x98: {  	s19 =	sld [smem:$0x3FDB];
	_ =	sdelay $0x1  }
0x99: {  	s4 =	simm.s32 $_scs_section_size  }
0x9a: {  	s5 =	simm.s32 $_size__tile_overlayer_lowered;
	s6 =	simm.s32 $_tile_overlayer_lowered  }
0x9b: {  	s22 =	simm.s32 $0x1BFF;
	s21 =	sshll.u32 s6, $0x1;
	s3 =	sadd.s32 s4, s19  }
0x9c: {  	s7 =	simm.s32 $0x0;
	s20 =	sshll.u32 s5, $0x1;
	s5 =	sadd.s32 s21, s3  }
0x9d: {  	[timem:s7], [sflag:s22] =	dma.local [hbm:s5], s20  }
0x9e: {  	_ =	swait.ge [sflag:s22], s20  }
0x9f: {  	s4 =	ssub.s32 $0x0, s20;
	[sflag:s22] =	ssyncset.done $0x0  }
0xa0: {  	[sflag:s22] =	ssyncadd.s32 s4;
	_ =	sdelay $0x1  }
0xa1: {  	s23 =	simm.s32 $0x1B8B  }
0xa2: {  	_ =	swait.ge [sflag:s23], $0x1  }
0xa3: {  	[sflag:s23] =	ssyncset.done $0x0  }
0xa4: {  	s25 =	simm.s32 $0x1B8E;
	s24 =	sld [smem:$0x3FFE];
	[sflag:s23] =	ssyncadd.s32 $0xFFFFFFFF  }
0xa5: {  	s26 =	simm.s32 $execute0_lowered;
	[smem:$0x3FD2] =	sst s25  }
0xa6: {  	s5 =	sshll.u32 s26, $0x1;
	_ =	strace $0x80000046;
	[dreg:$0x1] =	wrdreg $0xFFFFFFFF  }
0xa7: {  	s28 =	simm.s32 $_size_execute0_lowered;
	s3 =	sadd.s32 s3, s5;
	[dreg:$0x0] =	wrdreg $0x0  }
0xa8: {  	s5 =	sshll.u32 s28, $0x1;
	[dreg:$0x2] =	wrdreg s3  }
0xa9: {  	[dreg:$0x3] =	wrdreg s5  }
0xaa: {  	[dreg:$0x4] =	wrdreg $0xC0  }
0xab: {  	_ =	task [dreg:s7], $0x5FFFF  }
0xac: {  	[dreg:$0x1] =	wrdreg $0xFFFFFFFF  }
0xad: {  	[dreg:$0x0] =	wrdreg $0x60  }
0xae: {  	[dreg:$0x2] =	wrdreg s24  }
0xaf: {  	[dreg:$0x3] =	wrdreg s2  }
0xb0: {  	[dreg:$0x4] =	wrdreg $0x9  }
0xb1: {  	_ =	task.clear_ibuf [dreg:s7], $0x5FFFF;
	_ =	strace $0x90000046  }
0xb2: {  	s29 =	simm.s32 $0x9;
	_ =	strace $0x80000048  }
0xb3: {  	_ =	swait.ge [sflag:s29], $0x1  }
0xb4: {  	[sflag:s29] =	ssyncadd.s32 $0xFFFFFFFF  }
0xb5: {  	_ =	strace $0x90000048  }
0xb6: {  	_ =	sfence  }
0xb7: {  	s30 =	sld [smem:$0x0];
	_ =	sdelay $0x2  }
0xb8: {  	s31 =	sshll.u32 s1, $0xD;
	s1 =	sshrl.u32 s1, $0x2  }
0xb9: {  	s3 =	sand.u32 $0x4000, s31;
	s1 =	sadd.s32 s1, s30  }
0xba: {  	s0 =	sor.u32 s3, s0;
	s1 =	sshll.u32 s1, $0x11  }
0xbb: {  	s0 =	sor.u32 s1, s0  }
0xbc: {  	s0 =	sadd.s32 $0x8F2B, s0  }
0xbd: {  	[sflag:s0] =	ssyncadd.remote.s32 $0x1  }
0xbe: {  	_ =	sfence.sel $0xFFFF  }
0xbf: {  	[dreg:$0x0] =	wrdreg $0xFFFFFFFF;
	(pc) =	sbr.abs _section_cstart, $3  }
0xc0: {  	[dreg:$0x1] =	wrdreg $0xFFFFFFFF  }
0xc1: {  	_ =	task.clear_ibuf [dreg:s7], $0x2FFFF;
	_ =	strace $0x9FFFFFFF  }
0xc2: {  	(tm) =	ssettm $0x7FFFFFFF  }
0xc3: {  	_ =	shalt  }
tec
execute0_lowered:
.L_overlay_start_1:
0x0: {  	(tag) =	ssettag $0x1  }
0x1: {  	s0 =	srdreg.scid;
	s5 =	stileid.u32  }
0x2: {  	s0 =	sand.u32 $0x1, s0;
	s2 =	smul.u32 $0x6800, s5  }
0x3: {  	s3 =	smul.u32 $0x3400, s0;
	_ =	sdelay $0x1  }
0x4: {  	s1 =	rddreg [dreg:$0x0];
	s2 =	sadd.s32 s3, s2;
	s3 =	simm.s32 $0x0  }
0x5: {  	s17 =	simm.s32 $0xD0;
	[smem:$0x7FF] =	sst s3  }
0x6: {  	s18 =	simm.s32 $0x22D0;
	_ =	strace $0x80000047;
	[dreg:$0x5] =	wrdreg s17  }
0x7: {  	s19 =	simm.s32 $0xEB50;
	[dreg:$0x6] =	wrdreg s18  }
0x8: {  	s20 =	simm.s32 $0x2AD0;
	[dreg:$0x7] =	wrdreg s19  }
0x9: {  	s21 =	simm.s32 $0xEBD0;
	[dreg:$0x8] =	wrdreg s20  }
0xa: {  	s22 =	simm.s32 $0x32D0;
	[dreg:$0x9] =	wrdreg s21  }
0xb: {  	s23 =	simm.s32 $0xEC50;
	[dreg:$0xa] =	wrdreg s22  }
0xc: {  	s24 =	simm.s32 $0x3AD0;
	[dreg:$0xb] =	wrdreg s23  }
0xd: {  	s25 =	simm.s32 $0xECD0;
	[dreg:$0xc] =	wrdreg s24  }
0xe: {  	s26 =	simm.s32 $0x42D0;
	[dreg:$0xd] =	wrdreg s25  }
0xf: {  	s6 =	simm.s32 $0x4AD0;
	[dreg:$0xe] =	wrdreg s26  }
0x10: {  	s7 =	simm.s32 $0xEDD0;
	[dreg:$0x10] =	wrdreg s6  }
0x11: {  	s8 =	simm.s32 $0x52D0;
	[dreg:$0x11] =	wrdreg s7  }
0x12: {  	s9 =	simm.s32 $0xEE50;
	[dreg:$0x12] =	wrdreg s8  }
0x13: {  	s10 =	simm.s32 $0x5AD0;
	[dreg:$0x13] =	wrdreg s9  }
0x14: {  	s11 =	simm.s32 $0xEED0;
	[dreg:$0x14] =	wrdreg s10  }
0x15: {  	s12 =	simm.s32 $0x62D0;
	[dreg:$0x15] =	wrdreg s11  }
0x16: {  	s13 =	simm.s32 $0xEF50;
	[dreg:$0x16] =	wrdreg s12  }
0x17: {  	s14 =	simm.s32 $0x6AD0;
	[dreg:$0x17] =	wrdreg s13  }
0x18: {  	s15 =	simm.s32 $0xEFD0;
	[dreg:$0x18] =	wrdreg s14  }
0x19: {  	s16 =	simm.s32 $0x72D0;
	[dreg:$0x19] =	wrdreg s15  }
0x1a: {  	[dreg:$0x1a] =	wrdreg s16;
	s17 =	simm.s32 $0xF050  }
0x1b: {  	s18 =	simm.s32 $0x7AD0;
	[dreg:$0x1b] =	wrdreg s17  }
0x1c: {  	s19 =	simm.s32 $0xF0D0;
	[dreg:$0x1c] =	wrdreg s18  }
0x1d: {  	s20 =	simm.s32 $0x82D0;
	[dreg:$0x1d] =	wrdreg s19  }
0x1e: {  	s21 =	simm.s32 $0xF150;
	[dreg:$0x1e] =	wrdreg s20  }
0x1f: {  	s22 =	simm.s32 $0x8AD0;
	[dreg:$0x1f] =	wrdreg s21  }
0x20: {  	s24 =	simm.s32 $0xF1D0;
	[smem:$0x7E4] =	sst s22  }
0x21: {  	s25 =	simm.s32 $0x92D0;
	[smem:$0x7E5] =	sst s24  }
0x22: {  	s26 =	simm.s32 $0xF250;
	[smem:$0x7E6] =	sst s25  }
0x23: {  	s8 =	simm.s32 $0xF2D0;
	[smem:$0x7E7] =	sst s26  }
0x24: {  	s9 =	simm.s32 $0xA2D0;
	[smem:$0x7EA] =	sst s8  }
0x25: {  	s10 =	simm.s32 $0xF350;
	[smem:$0x7EC] =	sst s9  }
0x26: {  	s28 =	simm.s32 $0x11D0;
	s11 =	simm.s32 $0xAAD0;
	[smem:$0x7ED] =	sst s10  }
0x27: {  	s29 =	simm.s32 $0x1250;
	s12 =	simm.s32 $0xF3D0;
	[smem:$0x7EE] =	sst s11  }
0x28: {  	s30 =	simm.s32 $0x12D0;
	s13 =	simm.s32 $0xB2D0;
	[smem:$0x7EF] =	sst s12  }
0x29: {  	s31 =	simm.s32 $0x1350;
	s14 =	simm.s32 $0xF450;
	[smem:$0x7F0] =	sst s13  }
0x2a: {  	s2 =	sshrl.u32 s2, $0x3;
	s15 =	simm.s32 $0xBAD0;
	[smem:$0x7F1] =	sst s14  }
0x2b: {  	s2 =	sadd.s32 s2, s1;
	s16 =	simm.s32 $0xF4D0;
	[smem:$0x7F2] =	sst s15  }
0x2c: {  	s6 =	smul.u32 $0xD000, s5;
	s4 =	sadd.s32 $0x12D600, s2;
	[smem:$0x7F3] =	sst s16  }
0x2d: {  	s5 =	sadd.s32 $0xE000, s1;
	s2 =	sadd.s32 $0x1000, s2;
	[dreg:$0x3] =	wrdreg s4  }
0x2e: {  	s23 =	ssub.s32 $0x2, s0;
	s17 =	simm.s32 $0xC2D0;
	[dreg:$0x4] =	wrdreg s2  }
0x2f: {  	s0 =	smul.u32 $0x6800, s0;
	s18 =	simm.s32 $0xF550;
	[smem:$0x7F4] =	sst s17  }
0x30: {  	s7 =	sshrl.u32 s23, $0x1;
	s19 =	simm.s32 $0xCAD0;
	[smem:$0x7F5] =	sst s18  }
0x31: {  	s8 =	simm.s32 $0x3;
	s20 =	simm.s32 $0xF5D0;
	[smem:$0x7F6] =	sst s19  }
0x32: {  	s9 =	simm.s32 $0x80;
	s21 =	simm.s32 $0xD2D0;
	[smem:$0x7F7] =	sst s20  }
0x33: {  	s22 =	simm.s32 $0xF650;
	s24 =	simm.s32 $0xF6D0;
	[smem:$0x7F8] =	sst s21  }
0x34: {  	s25 =	simm.s32 $0xE2D0;
	s26 =	simm.s32 $0xF750;
	[smem:$0x7F9] =	sst s22  }
0x35: {  	s12 =	simm.s32 $0x1;
	s13 =	simm.s32 $0x2;
	[smem:$0x7FB] =	sst s24  }
0x36: {  	s10 =	simm.s32 $0x1650;
	s11 =	simm.s32 $0x16D0;
	[smem:$0x7FC] =	sst s25  }
0x37: {  	s4 =	simm.s32 $0xED50;
	[smem:$0x7FD] =	sst s26;
	s2 =	simm.s32 $0x14D0  }
0x38: {  	s18 =	simm.s32 $0x1750;
	s20 =	simm.s32 $0x17D0;
	s21 =	simm.s32 $0x1850  }
0x39: {  	s22 =	simm.s32 $0x18D0;
	s24 =	simm.s32 $0x19D0;
	s25 =	simm.s32 $0x1A50  }
0x3a: {  	[dreg:$0xf] =	wrdreg s4;
	s4 =	sadd.s32 $0x27AD400, s1;
	s1 =	sadd.s32 s6, s1  }
0x3b: {  	s6 =	ssub.s32 s23, s7;
	s7 =	simm.s32 $0x9AD0;
	s23 =	simm.s32 $0xDAD0  }
0x3c: {  	s6 =	smax.u32 s6, $0x1;
	[smem:$0x7E9] =	sst s7;
	s0 =	sadd.s32 s0, s1  }
0x3d: {  	[smem:$0x7FA] =	sst s23;
	s1 =	simm.s32 $0x13D0;
	s7 =	simm.s32 $0x15D0  }
0x3e: {  	s23 =	simm.s32 $0x1950;
	[smem:$0x7E8] =	sst s6;
	s0 =	sadd.s32 $0x5D600, s0  }
0x3f: {  	s6 =	simm.s32 $0x1550;
	[smem:$0x7EB] =	sst s0;
	s0 =	simm.s32 $0x0  }
.LBB2_1:
0x40: {  	[smem:$0x7E3] =	sst s0  }
0x41: {  	s14 =	rddreg [dreg:$0x1]  }
0x42: {  	[tilespmem:s3], [sflag:$0x3] =	stream.linear.gather [hbm4b:s14+s3], $0xD0, $0x38;
	[tilespmem:$0xF7D0] =	vst v63  }
0x43: {  	_ =	swait.ge [sflag:s8], $0xD0  }
0x44: {  	s15 =	simm.s32 $0x0;
	[sflag:s8] =	ssyncset.done $0x0  }
0x45: {  	s0 =	simm.s32 $0x1450;
	s14 =	sld [smem:$0x7EB];
	[sflag:s8] =	ssyncadd.s32 $0xFFFFFF30  }
.LBB2_2:
0x46: {  	s16 =	rddreg [dreg:$0x4]  }
0x47: {  	s17 =	rddreg [dreg:$0x5];
	s16 =	sadd.s32 s15, s16  }
0x48: {  	[tilespmem:s17], [sflag:$0x3] =	stream.linear.gather [hbm4b:s16+s3], $0xD00, $0x38;
	[tilespmem:$0xF7D0] =	vst v63  }
0x49: {  	_ =	swait.ge [sflag:s8], $0xD00  }
0x4a: {  	[sflag:s8] =	ssyncset.done $0x0  }
0x4b: {  	[sflag:s8] =	ssyncadd.s32 $0xFFFFF300  }
0x4c: {  	v44 =	vld [tilespmem:$0xD0]  }
0x4d: {  	v45 =	vld [tilespmem:$0x0]  }
0x4e: {  	v1 =	vld [tilespmem:$0xE0]  }
0x4f: {  	v0 =	vld [tilespmem:$0x10]  }
0x50: {  	v3 =	vld [tilespmem:$0xF0]  }
0x51: {  	v2 =	vld [tilespmem:$0x20]  }
0x52: {  	v5 =	vld [tilespmem:$0x100]  }
0x53: {  	v4 =	vld [tilespmem:$0x30]  }
0x54: {  	v7 =	vld [tilespmem:$0x110]  }
0x55: {  	v6 =	vld [tilespmem:$0x40]  }
0x56: {  	v9 =	vld [tilespmem:$0x120]  }
0x57: {  	v8 =	vld [tilespmem:$0x50]  }
0x58: {  	v11 =	vld [tilespmem:$0x130]  }
0x59: {  	v10 =	vld [tilespmem:$0x60]  }
0x5a: {  	v13 =	vld [tilespmem:$0x140]  }
0x5b: {  	v12 =	vld [tilespmem:$0x70]  }
0x5c: {  	v15 =	vld [tilespmem:$0x150]  }
0x5d: {  	v14 =	vld [tilespmem:$0x80]  }
0x5e: {  	v17 =	vld [tilespmem:$0x160]  }
0x5f: {  	v16 =	vld [tilespmem:$0x90]  }
0x60: {  	v19 =	vld [tilespmem:$0x170]  }
0x61: {  	v18 =	vld [tilespmem:$0xA0]  }
0x62: {  	v21 =	vld [tilespmem:$0x180]  }
0x63: {  	v20 =	vld [tilespmem:$0xB0]  }
0x64: {  	v52 =	vld [tilespmem:$0x190]  }
0x65: {  	v22 =	vld [tilespmem:$0xC0]  }
0x66: {  	v53 =	vld [tilespmem:$0x1A0]  }
0x67: {  	v23 =	vld [tilespmem:$0x0]  }
0x68: {  	v60 =	vld [tilespmem:$0x1B0]  }
0x69: {  	v24 =	vld [tilespmem:$0x10]  }
0x6a: {  	v61 =	vld [tilespmem:$0x1C0]  }
0x6b: {  	v25 =	vld [tilespmem:$0x20]  }
0x6c: {  	v30 =	vld [tilespmem:$0x1D0]  }
0x6d: {  	v26 =	vld [tilespmem:$0x30]  }
0x6e: {  	v31 =	vld [tilespmem:$0x1E0]  }
0x6f: {  	v27 =	vld [tilespmem:$0x40]  }
0x70: {  	v32 =	vld [tilespmem:$0x1F0]  }
0x71: {  	v28 =	vld [tilespmem:$0x50]  }
0x72: {  	v34 =	vld [tilespmem:$0x200]  }
0x73: {  	v29 =	vld [tilespmem:$0x60]  }
0x74: {  	v63 =	vld [tilespmem:$0x2D0];
	_ =	sdelay $0x4  }
0x75: {  	[tilespmem:$0x1F9C0] =	vst v63;
	v63 =	vld [tilespmem:$0x60];
	_ =	sdelay $0x4  }
0x76: {  	[tilespmem:$0x1F9D0] =	vst v63;
	v63 =	vld [tilespmem:$0x2E0];
	_ =	sdelay $0x4  }
0x77: {  	[tilespmem:$0x1F9E0] =	vst v63;
	v63 =	vld [tilespmem:$0x70];
	_ =	sdelay $0x4  }
0x78: {  	[tilespmem:$0x1F9F0] =	vst v63;
	v63 =	vld [tilespmem:$0x2F0];
	_ =	sdelay $0x4  }
0x79: {  	[tilespmem:$0x1FA00] =	vst v63;
	v63 =	vld [tilespmem:$0x80];
	_ =	sdelay $0x4  }
0x7a: {  	[tilespmem:$0x1FA10] =	vst v63;
	v63 =	vld [tilespmem:$0x300];
	_ =	sdelay $0x4  }
0x7b: {  	[tilespmem:$0x1FA20] =	vst v63;
	v63 =	vld [tilespmem:$0x90];
	_ =	sdelay $0x4  }
0x7c: {  	[tilespmem:$0x1FA30] =	vst v63;
	v63 =	vld [tilespmem:$0x310];
	_ =	sdelay $0x4  }
0x7d: {  	[tilespmem:$0x1FA40] =	vst v63;
	v63 =	vld [tilespmem:$0xA0];
	_ =	sdelay $0x1  }
0x7e: {  	v36 =	vld [tilespmem:$0x210]  }
0x7f: {  	v33 =	vld [tilespmem:$0x70]  }
0x80: {  	v37 =	vld [tilespmem:$0x220]  }
0x81: {  	[tilespmem:$0x1FA50] =	vst v63;
	v63 =	vld [tilespmem:$0x320]  }
0x82: {  	v35 =	vld [tilespmem:$0x80]  }
0x83: {  	v40 =	vld [tilespmem:$0x230]  }
0x84: {  	v38 =	vld [tilespmem:$0x90]  }
0x85: {  	v41 =	vld [tilespmem:$0x240]  }
0x86: {  	[tilespmem:$0x1FA60] =	vst v63;
	v63 =	vld [tilespmem:$0xB0]  }
0x87: {  	v39 =	vld [tilespmem:$0xA0]  }
0x88: {  	v46 =	vld [tilespmem:$0x250]  }
0x89: {  	v42 =	vld [tilespmem:$0xB0]  }
0x8a: {  	v48 =	vld [tilespmem:$0x260]  }
0x8b: {  	[tilespmem:$0x1FA70] =	vst v63;
	v63 =	vld [tilespmem:$0x330]  }
0x8c: {  	v43 =	vld [tilespmem:$0xC0]  }
0x8d: {  	v50 =	vld [tilespmem:$0x270]  }
0x8e: {  	v47 =	vld [tilespmem:$0x0]  }
0x8f: {  	v54 =	vld [tilespmem:$0x280]  }
0x90: {  	[tilespmem:$0x1FA80] =	vst v63;
	v63 =	vld [tilespmem:$0xC0]  }
0x91: {  	v49 =	vld [tilespmem:$0x10]  }
0x92: {  	v56 =	vld [tilespmem:$0x290]  }
0x93: {  	v51 =	vld [tilespmem:$0x20]  }
0x94: {  	v57 =	vld [tilespmem:$0x2A0]  }
0x95: {  	[tilespmem:$0x1FA90] =	vst v63;
	v63 =	vld [tilespmem:$0x340]  }
0x96: {  	v59 =	vld [tilespmem:$0x2C0]  }
0x97: {  	v55 =	vld [tilespmem:$0x30]  }
0x98: {  	v62 =	vld [tilespmem:$0x2B0]  }
0x99: {  	v58 =	vld [tilespmem:$0x40]  }
0x9a: {  	[tilespmem:$0x1FAA0] =	vst v63;
	v63 =	vld [tilespmem:$0x0]  }
0x9b: {  	[tilespmem:$0x1F9B0] =	vst v59;
	v59 =	vld [tilespmem:$0x50]  }
0x9c: {  	v44 =	vadd.s32 v44, v45;
	v45 =	vld [tilespmem:$0x480]  }
0x9d: {  	v4 =	vadd.s32 v5, v4;
	v5 =	vld [tilespmem:$0x490]  }
0x9e: {  	v6 =	vadd.s32 v7, v6;
	v7 =	vld [tilespmem:$0x80]  }
0x9f: {  	[tilespmem:$0x1FAB0] =	vst v63;
	v63 =	vld [tilespmem:$0x350]  }
0xa0: {  	v8 =	vadd.s32 v9, v8;
	v9 =	vld [tilespmem:$0x4A0]  }
0xa1: {  	v10 =	vadd.s32 v11, v10;
	v11 =	vld [tilespmem:$0x90]  }
0xa2: {  	v12 =	vadd.s32 v13, v12;
	v13 =	vld [tilespmem:$0x4B0]  }
0xa3: {  	v0 =	vadd.s32 v1, v0;
	v1 =	vld [tilespmem:$0x50]  }
0xa4: {  	[tilespmem:$0x1FAC0] =	vst v63;
	v63 =	vld [tilespmem:$0x10]  }
0xa5: {  	[tilespmem:$0xE00] =	vst v4;
	v4 =	vld [tilespmem:$0x4C0]  }
0xa6: {  	[tilespmem:$0xE20] =	vst v8;
	v8 =	vadd.s32 v53, v23;
	v53 =	vld [tilespmem:$0x4E0]  }
0xa7: {  	[tilespmem:$0xE30] =	vst v10;
	v10 =	vadd.s32 v61, v25;
	v61 =	vld [tilespmem:$0x4F0]  }
0xa8: {  	[tilespmem:$0xE40] =	vst v12;
	v12 =	vadd.s32 v31, v27;
	v31 =	vld [tilespmem:$0x500]  }
0xa9: {  	[tilespmem:$0x1FAD0] =	vst v63;
	v63 =	vld [tilespmem:$0x360]  }
0xaa: {  	[tilespmem:$0xDD0] =	vst v44;
	v44 =	vadd.s32 v3, v2;
	v2 =	vld [tilespmem:$0x40]  }
0xab: {  	[tilespmem:$0xDE0] =	vst v0;
	v0 =	vld [tilespmem:$0x530]  }
0xac: {  	v15 =	vadd.s32 v15, v14;
	[tilespmem:$0xE10] =	vst v6;
	v3 =	vld [tilespmem:$0x540]  }
0xad: {  	v14 =	vadd.s32 v34, v29;
	[tilespmem:$0xE50] =	vst v15;
	v29 =	vld [tilespmem:$0x1F9C0]  }
0xae: {  	[tilespmem:$0x1FAE0] =	vst v63;
	v63 =	vld [tilespmem:$0x20]  }
0xaf: {  	[tilespmem:$0xF00] =	vst v14;
	v14 =	vld [tilespmem:$0x580]  }
0xb0: {  	[tilespmem:$0xDF0] =	vst v44;
	v44 =	vld [tilespmem:$0xA0]  }
0xb1: {  	v6 =	vadd.s32 v21, v20;
	[tilespmem:$0xEC0] =	vst v10;
	v10 =	vld [tilespmem:$0x30]  }
0xb2: {  	[tilespmem:$0xE80] =	vst v6;
	v6 =	vld [tilespmem:$0x70]  }
0xb3: {  	[tilespmem:$0x1FAF0] =	vst v63;
	v63 =	vld [tilespmem:$0x370]  }
0xb4: {  	v15 =	vadd.s32 v36, v33;
	[tilespmem:$0xEE0] =	vst v12;
	v12 =	vld [tilespmem:$0x570]  }
0xb5: {  	v20 =	vadd.s32 v46, v42;
	[tilespmem:$0xF10] =	vst v15;
	v15 =	vld [tilespmem:$0xA0]  }
0xb6: {  	v21 =	vadd.s32 v48, v43;
	[tilespmem:$0xF50] =	vst v20;
	v20 =	vld [tilespmem:$0xC0]  }
0xb7: {  	[tilespmem:$0xF60] =	vst v21;
	v21 =	vld [tilespmem:$0x5B0]  }
0xb8: {  	v23 =	vadd.s32 v50, v47;
	[tilespmem:$0x1FB00] =	vst v63;
	v63 =	vld [tilespmem:$0x30]  }
0xb9: {  	v25 =	vadd.s32 v56, v51;
	[tilespmem:$0xF70] =	vst v23;
	v23 =	vld [tilespmem:$0x0]  }
0xba: {  	v27 =	vadd.s32 v62, v58;
	[tilespmem:$0xF90] =	vst v25;
	v25 =	vld [tilespmem:$0x10]  }
0xbb: {  	[tilespmem:$0xFB0] =	vst v27;
	v27 =	vld [tilespmem:$0x20]  }
0xbc: {  	[tilespmem:$0x1FD10] =	vst v45;
	v45 =	vld [tilespmem:$0x70]  }
0xbd: {  	[tilespmem:$0x1FB10] =	vst v63;
	v63 =	vld [tilespmem:$0x380]  }
0xbe: {  	[tilespmem:$0x1FD40] =	vst v7;
	v7 =	vadd.s32 v52, v22;
	v52 =	vld [tilespmem:$0xC0]  }
0xbf: {  	[tilespmem:$0x1FD50] =	vst v9;
	v9 =	vadd.s32 v60, v24;
	v60 =	vld [tilespmem:$0x0]  }
0xc0: {  	[tilespmem:$0x1FD60] =	vst v11;
	v11 =	vadd.s32 v30, v26;
	v30 =	vld [tilespmem:$0x10]  }
0xc1: {  	v22 =	vld [tilespmem:$0x20]  }
0xc2: {  	[tilespmem:$0x1FB20] =	vst v63;
	v63 =	vld [tilespmem:$0x40]  }
0xc3: {  	[tilespmem:$0x1FD30] =	vst v5;
	v5 =	vadd.s32 v19, v18;
	v19 =	vld [tilespmem:$0x510]  }
0xc4: {  	[tilespmem:$0x1FD70] =	vst v13;
	v13 =	vadd.s32 v32, v28;
	v28 =	vld [tilespmem:$0x1F9B0]  }
0xc5: {  	[tilespmem:$0xED0] =	vst v11;
	v11 =	vld [tilespmem:$0x520]  }
0xc6: {  	[tilespmem:$0x1FD90] =	vst v4;
	v4 =	vld [tilespmem:$0x60]  }
0xc7: {  	[tilespmem:$0x1FB30] =	vst v63;
	v63 =	vld [tilespmem:$0x390]  }
0xc8: {  	[tilespmem:$0xE70] =	vst v5;
	v5 =	vld [tilespmem:$0x550]  }
0xc9: {  	[tilespmem:$0xE90] =	vst v7;
	v7 =	vld [tilespmem:$0x560]  }
0xca: {  	[tilespmem:$0xEB0] =	vst v9;
	v9 =	vld [tilespmem:$0x80]  }
0xcb: {  	v32 =	vld [tilespmem:$0x1F9D0]  }
0xcc: {  	[tilespmem:$0x1FB40] =	vst v63;
	v63 =	vld [tilespmem:$0x50]  }
0xcd: {  	v18 =	vadd.s32 v41, v39;
	[tilespmem:$0xEF0] =	vst v13;
	v13 =	vld [tilespmem:$0x90]  }
0xce: {  	v24 =	vadd.s32 v54, v49;
	[tilespmem:$0xF40] =	vst v18;
	v18 =	vld [tilespmem:$0x5A0]  }
0xcf: {  	v26 =	vadd.s32 v57, v55;
	[tilespmem:$0xF80] =	vst v24;
	v24 =	vld [tilespmem:$0x5C0]  }
0xd0: {  	[tilespmem:$0xFA0] =	vst v26;
	v26 =	vld [tilespmem:$0x5D0]  }
0xd1: {  	[tilespmem:$0x1FB50] =	vst v63;
	v63 =	vld [tilespmem:$0x3A0]  }
0xd2: {  	v0 =	vadd.s32 v0, v1;
	v1 =	vld [tilespmem:$0x20]  }
0xd3: {  	[tilespmem:$0x1FD80] =	vst v44;
	v44 =	vld [tilespmem:$0xB0]  }
0xd4: {  	v23 =	vadd.s32 v21, v23;
	v21 =	vld [tilespmem:$0xA0]  }
0xd5: {  	[tilespmem:$0x1230] =	vst v0;
	v0 =	vld [tilespmem:$0x50]  }
0xd6: {  	v15 =	vadd.s32 v14, v15;
	[tilespmem:$0x1FB60] =	vst v63;
	v63 =	vld [tilespmem:$0x60]  }
0xd7: {  	[tilespmem:$0x1280] =	vst v15;
	v15 =	vld [tilespmem:$0x70]  }
0xd8: {  	[tilespmem:$0x12B0] =	vst v23;
	v23 =	vld [tilespmem:$0x8F0]  }
0xd9: {  	[tilespmem:$0xEA0] =	vst v8;
	v8 =	vadd.s32 v28, v59;
	v28 =	vld [tilespmem:$0x5E0]  }
0xda: {  	v61 =	vadd.s32 v61, v30;
	v30 =	vld [tilespmem:$0x0]  }
0xdb: {  	[tilespmem:$0x1FB70] =	vst v63;
	v63 =	vld [tilespmem:$0x3B0]  }
0xdc: {  	[tilespmem:$0x1FD20] =	vst v45;
	v45 =	vadd.s32 v17, v16;
	v60 =	vadd.s32 v53, v60;
	v53 =	vld [tilespmem:$0x80]  }
0xdd: {  	[tilespmem:$0xE60] =	vst v45;
	v45 =	vld [tilespmem:$0x4D0]  }
0xde: {  	v16 =	vadd.s32 v37, v35;
	v33 =	vld [tilespmem:$0x1F9E0]  }
0xdf: {  	[tilespmem:$0xF20] =	vst v16;
	v16 =	vld [tilespmem:$0x590]  }
0xe0: {  	v17 =	vadd.s32 v40, v38;
	[tilespmem:$0x1FB80] =	vst v63;
	v63 =	vld [tilespmem:$0x70]  }
0xe1: {  	[tilespmem:$0xF30] =	vst v17;
	v17 =	vld [tilespmem:$0xB0]  }
0xe2: {  	[tilespmem:$0xFC0] =	vst v8;
	v8 =	vadd.s32 v29, v32;
	v29 =	vld [tilespmem:$0x30]  }
0xe3: {  	v4 =	vadd.s32 v3, v4;
	v3 =	vld [tilespmem:$0x30]  }
0xe4: {  	v6 =	vadd.s32 v5, v6;
	v5 =	vld [tilespmem:$0x40]  }
0xe5: {  	[tilespmem:$0x1FB90] =	vst v63;
	v63 =	vld [tilespmem:$0x3C0]  }
0xe6: {  	v2 =	vadd.s32 v11, v2;
	v11 =	vadd.s32 v7, v9;
	v7 =	vld [tilespmem:$0x50]  }
0xe7: {  	v9 =	vld [tilespmem:$0x6E0]  }
0xe8: {  	v13 =	vadd.s32 v12, v13;
	v12 =	vld [tilespmem:$0x6F0]  }
0xe9: {  	[tilespmem:$0x11F0] =	vst v61;
	v61 =	vld [tilespmem:$0xA0]  }
0xea: {  	[tilespmem:$0x1FBA0] =	vst v63;
	v63 =	vld [tilespmem:$0x80]  }
0xeb: {  	v25 =	vadd.s32 v24, v25;
	v24 =	vld [tilespmem:$0x10]  }
0xec: {  	v27 =	vadd.s32 v26, v27;
	v26 =	vld [tilespmem:$0x20]  }
0xed: {  	[tilespmem:$0x1220] =	vst v2;
	v2 =	vld [tilespmem:$0x6B0]  }
0xee: {  	[tilespmem:$0x1240] =	vst v4;
	v4 =	vld [tilespmem:$0x6C0]  }
0xef: {  	[tilespmem:$0x1FBB0] =	vst v63;
	v63 =	vld [tilespmem:$0x3D0]  }
0xf0: {  	[tilespmem:$0x1250] =	vst v6;
	v6 =	vld [tilespmem:$0x6D0]  }
0xf1: {  	[tilespmem:$0x1260] =	vst v11;
	v11 =	vld [tilespmem:$0x60]  }
0xf2: {  	[tilespmem:$0x1270] =	vst v13;
	v13 =	vld [tilespmem:$0x70]  }
0xf3: {  	[tilespmem:$0x12C0] =	vst v25;
	v25 =	vld [tilespmem:$0x900]  }
0xf4: {  	[tilespmem:$0x1FBC0] =	vst v63;
	v63 =	vld [tilespmem:$0x90]  }
0xf5: {  	v34 =	vld [tilespmem:$0x1F9F0]  }
0xf6: {  	v35 =	vld [tilespmem:$0x1FA00]  }
0xf7: {  	v36 =	vld [tilespmem:$0x1FA10]  }
0xf8: {  	v37 =	vld [tilespmem:$0x1FA20]  }
0xf9: {  	[tilespmem:$0x1FBD0] =	vst v63;
	v63 =	vld [tilespmem:$0x3E0]  }
0xfa: {  	v38 =	vld [tilespmem:$0x1FA30]  }
0xfb: {  	v39 =	vld [tilespmem:$0x1FA40]  }
0xfc: {  	v40 =	vld [tilespmem:$0x1FA50]  }
0xfd: {  	v41 =	vld [tilespmem:$0x1FA60]  }
0xfe: {  	[tilespmem:$0x1FBE0] =	vst v63;
	v63 =	vld [tilespmem:$0xA0]  }
0xff: {  	v42 =	vld [tilespmem:$0x1FA70]  }
0x100: {  	v43 =	vld [tilespmem:$0x1FA80]  }
0x101: {  	v46 =	vld [tilespmem:$0x1FA90]  }
0x102: {  	v47 =	vld [tilespmem:$0x1FAA0]  }
0x103: {  	[tilespmem:$0x1FBF0] =	vst v63;
	v63 =	vld [tilespmem:$0x3F0]  }
0x104: {  	v48 =	vld [tilespmem:$0x1FAB0]  }
0x105: {  	v49 =	vld [tilespmem:$0x1FAC0]  }
0x106: {  	v50 =	vld [tilespmem:$0x1FAD0]  }
0x107: {  	[tilespmem:$0xFD0] =	vst v8;
	v51 =	vld [tilespmem:$0x1FAE0]  }
0x108: {  	[tilespmem:$0x1FC00] =	vst v63;
	v63 =	vld [tilespmem:$0xB0]  }
0x109: {  	[tilespmem:$0x12D0] =	vst v27;
	v8 =	vadd.s32 v33, v34;
	v54 =	vld [tilespmem:$0x1FAF0]  }
0x10a: {  	[tilespmem:$0xFE0] =	vst v8;
	v8 =	vadd.s32 v35, v36;
	v55 =	vld [tilespmem:$0x1FB00]  }
0x10b: {  	[tilespmem:$0xFF0] =	vst v8;
	v8 =	vadd.s32 v37, v38;
	v56 =	vld [tilespmem:$0x1FB10]  }
0x10c: {  	[tilespmem:$0x1000] =	vst v8;
	v57 =	vld [tilespmem:$0x1FB20]  }
0x10d: {  	v8 =	vadd.s32 v39, v40;
	[tilespmem:$0x1FC10] =	vst v63;
	v63 =	vld [tilespmem:$0x400]  }
0x10e: {  	[tilespmem:$0x1010] =	vst v8;
	v8 =	vadd.s32 v41, v42;
	v58 =	vld [tilespmem:$0x1FB30]  }
0x10f: {  	[tilespmem:$0x1020] =	vst v8;
	v8 =	vadd.s32 v43, v46;
	v59 =	vld [tilespmem:$0x1FB40]  }
0x110: {  	[tilespmem:$0x1030] =	vst v8;
	v8 =	vadd.s32 v47, v48;
	v62 =	vld [tilespmem:$0x1FB50]  }
0x111: {  	[tilespmem:$0x1040] =	vst v8;
	v32 =	vld [tilespmem:$0x1FB60]  }
0x112: {  	v8 =	vadd.s32 v49, v50;
	[tilespmem:$0x1FC20] =	vst v63;
	v63 =	vld [tilespmem:$0xC0]  }
0x113: {  	[tilespmem:$0x1050] =	vst v8;
	v8 =	vadd.s32 v51, v54;
	v33 =	vld [tilespmem:$0x1FB70]  }
0x114: {  	v27 =	vld [tilespmem:$0x910];
	[tilespmem:$0x1060] =	vst v8;
	v8 =	vadd.s32 v55, v56  }
0x115: {  	[tilespmem:$0x1070] =	vst v8;
	v8 =	vadd.s32 v57, v58;
	v34 =	vld [tilespmem:$0x1FB80]  }
0x116: {  	[tilespmem:$0x1080] =	vst v8;
	v35 =	vld [tilespmem:$0x1FB90]  }
0x117: {  	v8 =	vadd.s32 v59, v62;
	[tilespmem:$0x1FC30] =	vst v63;
	v63 =	vld [tilespmem:$0x410]  }
0x118: {  	[tilespmem:$0x1090] =	vst v8;
	v8 =	vadd.s32 v32, v33;
	v32 =	vld [tilespmem:$0x5F0]  }
0x119: {  	v33 =	vld [tilespmem:$0x40]  }
0x11a: {  	v36 =	vld [tilespmem:$0x1FBA0]  }
0x11b: {  	[tilespmem:$0x10A0] =	vst v8;
	v8 =	vadd.s32 v34, v35;
	v34 =	vld [tilespmem:$0x600]  }
0x11c: {  	[tilespmem:$0x1FC40] =	vst v63;
	v63 =	vld [tilespmem:$0x0]  }
0x11d: {  	v35 =	vld [tilespmem:$0x50]  }
0x11e: {  	v37 =	vld [tilespmem:$0x1FBB0]  }
0x11f: {  	v38 =	vld [tilespmem:$0x1FBC0]  }
0x120: {  	v39 =	vld [tilespmem:$0x1FBD0]  }
0x121: {  	[tilespmem:$0x1FC50] =	vst v63;
	v63 =	vld [tilespmem:$0x420]  }
0x122: {  	v40 =	vld [tilespmem:$0x1FBE0]  }
0x123: {  	v41 =	vld [tilespmem:$0x1FBF0]  }
0x124: {  	[tilespmem:$0x10B0] =	vst v8;
	v8 =	vadd.s32 v36, v37;
	v36 =	vld [tilespmem:$0x610]  }
0x125: {  	v37 =	vld [tilespmem:$0x60]  }
0x126: {  	[tilespmem:$0x1FC60] =	vst v63;
	v63 =	vld [tilespmem:$0x10]  }
0x127: {  	[tilespmem:$0x10C0] =	vst v8;
	v8 =	vadd.s32 v38, v39;
	v38 =	vld [tilespmem:$0x620]  }
0x128: {  	[tilespmem:$0x10D0] =	vst v8;
	v8 =	vadd.s32 v40, v41;
	v40 =	vld [tilespmem:$0x630]  }
0x129: {  	v41 =	vld [tilespmem:$0x80]  }
0x12a: {  	v39 =	vld [tilespmem:$0x70]  }
0x12b: {  	[tilespmem:$0x1FC70] =	vst v63;
	v63 =	vld [tilespmem:$0x430]  }
0x12c: {  	v42 =	vld [tilespmem:$0x1FC00]  }
0x12d: {  	v43 =	vld [tilespmem:$0x1FC10]  }
0x12e: {  	[tilespmem:$0x11E0] =	vst v60;
	v60 =	vadd.s32 v40, v41;
	v40 =	vld [tilespmem:$0x760]  }
0x12f: {  	v41 =	vadd.s32 v2, v3;
	v3 =	vld [tilespmem:$0x880]  }
0x130: {  	[tilespmem:$0x1FC80] =	vst v63;
	v63 =	vld [tilespmem:$0x20]  }
0x131: {  	v2 =	vld [tilespmem:$0x60]  }
0x132: {  	[tilespmem:$0x1330] =	vst v60;
	v60 =	vld [tilespmem:$0x7B0]  }
0x133: {  	[tilespmem:$0x13B0] =	vst v41;
	v41 =	vld [tilespmem:$0x960]  }
0x134: {  	v46 =	vld [tilespmem:$0x1FC20]  }
0x135: {  	[tilespmem:$0x1FC90] =	vst v63;
	v63 =	vld [tilespmem:$0x440]  }
0x136: {  	v47 =	vld [tilespmem:$0x1FC30]  }
0x137: {  	v48 =	vld [tilespmem:$0x1FC40]  }
0x138: {  	v49 =	vld [tilespmem:$0x1FC50]  }
0x139: {  	[tilespmem:$0x10E0] =	vst v8;
	v8 =	vadd.s32 v42, v43;
	v42 =	vld [tilespmem:$0x640]  }
0x13a: {  	[tilespmem:$0x1FCA0] =	vst v63;
	v63 =	vld [tilespmem:$0x30]  }
0x13b: {  	v43 =	vld [tilespmem:$0x90]  }
0x13c: {  	[tilespmem:$0x10F0] =	vst v8;
	v8 =	vadd.s32 v46, v47;
	v50 =	vld [tilespmem:$0x1FC60]  }
0x13d: {  	[tilespmem:$0x1100] =	vst v8;
	v8 =	vadd.s32 v48, v49;
	v48 =	vld [tilespmem:$0x1FD10]  }
0x13e: {  	v51 =	vld [tilespmem:$0x1FC70]  }
0x13f: {  	[tilespmem:$0x1FCB0] =	vst v63;
	v63 =	vld [tilespmem:$0x450]  }
0x140: {  	v49 =	vld [tilespmem:$0x1FD20]  }
0x141: {  	v54 =	vld [tilespmem:$0x1FC80]  }
0x142: {  	v55 =	vld [tilespmem:$0x1FC90]  }
0x143: {  	[tilespmem:$0x1110] =	vst v8;
	v8 =	vadd.s32 v50, v51;
	v50 =	vld [tilespmem:$0x1FD30]  }
0x144: {  	[tilespmem:$0x1FCC0] =	vst v63;
	v63 =	vld [tilespmem:$0x40]  }
0x145: {  	v51 =	vld [tilespmem:$0x1FD40]  }
0x146: {  	v56 =	vld [tilespmem:$0x1FCA0]  }
0x147: {  	[tilespmem:$0x1120] =	vst v8;
	v8 =	vadd.s32 v54, v55;
	v54 =	vld [tilespmem:$0x1FD50]  }
0x148: {  	v57 =	vld [tilespmem:$0x1FCB0]  }
0x149: {  	[tilespmem:$0x1FCD0] =	vst v63;
	v63 =	vld [tilespmem:$0x460]  }
0x14a: {  	v55 =	vld [tilespmem:$0x1FD60]  }
0x14b: {  	v58 =	vld [tilespmem:$0x1FCC0]  }
0x14c: {  	v59 =	vld [tilespmem:$0x1FCD0]  }
0x14d: {  	[tilespmem:$0x1130] =	vst v8;
	v8 =	vadd.s32 v56, v57;
	v56 =	vld [tilespmem:$0x1FD70]  }
0x14e: {  	[tilespmem:$0x1FCE0] =	vst v63;
	v63 =	vld [tilespmem:$0x50]  }
0x14f: {  	v57 =	vld [tilespmem:$0x1FD80]  }
0x150: {  	v62 =	vld [tilespmem:$0x1FCE0]  }
0x151: {  	[tilespmem:$0x1140] =	vst v8;
	v8 =	vadd.s32 v58, v59;
	v58 =	vld [tilespmem:$0x1FD90]  }
0x152: {  	v59 =	vadd.s32 v45, v52;
	v45 =	vld [tilespmem:$0xC0]  }
0x153: {  	[tilespmem:$0x1FCF0] =	vst v63;
	v63 =	vld [tilespmem:$0x470]  }
0x154: {  	v52 =	vadd.s32 v32, v33;
	v32 =	vld [tilespmem:$0x740]  }
0x155: {  	v46 =	vld [tilespmem:$0x1FCF0]  }
0x156: {  	[tilespmem:$0x11D0] =	vst v59;
	v59 =	vld [tilespmem:$0x720]  }
0x157: {  	[tilespmem:$0x12F0] =	vst v52;
	v52 =	vld [tilespmem:$0x790]  }
0x158: {  	[tilespmem:$0x1FD00] =	vst v63;
	v63 =	vld [tilespmem:$0x60]  }
0x159: {  	v47 =	vld [tilespmem:$0x1FD00]  }
0x15a: {  	[tilespmem:$0x1150] =	vst v8;
	v8 =	vadd.s32 v62, v46;
	v46 =	vld [tilespmem:$0x650]  }
0x15b: {  	v62 =	vadd.s32 v31, v22;
	v22 =	vld [tilespmem:$0x690]  }
0x15c: {  	v31 =	vadd.s32 v28, v29;
	v29 =	vld [tilespmem:$0xB0]  }
0x15d: {  	[tilespmem:$0x1200] =	vst v62;
	v62 =	vadd.s32 v42, v43;
	v42 =	vld [tilespmem:$0x10]  }
0x15e: {  	v43 =	vadd.s32 v4, v5;
	v4 =	vld [tilespmem:$0x7D0]  }
0x15f: {  	v5 =	vld [tilespmem:$0x80]  }
0x160: {  	[tilespmem:$0x1340] =	vst v62;
	v62 =	vld [tilespmem:$0x60]  }
0x161: {  	[tilespmem:$0x13C0] =	vst v43;
	v43 =	vld [tilespmem:$0x970]  }
0x162: {  	[tilespmem:$0x1160] =	vst v8;
	v8 =	vadd.s32 v47, v63;
	v47 =	vld [tilespmem:$0xA0]  }
0x163: {  	v63 =	vadd.s32 v19, v10;
	v10 =	vld [tilespmem:$0x10]  }
0x164: {  	[tilespmem:$0x1170] =	vst v8;
	v8 =	vadd.s32 v48, v49;
	v48 =	vld [tilespmem:$0x660]  }
0x165: {  	v49 =	vld [tilespmem:$0xB0]  }
0x166: {  	[tilespmem:$0x1210] =	vst v63;
	v63 =	vld [tilespmem:$0x730]  }
0x167: {  	[tilespmem:$0x1180] =	vst v8;
	v8 =	vadd.s32 v50, v51;
	v50 =	vld [tilespmem:$0x680]  }
0x168: {  	v19 =	vadd.s32 v16, v17;
	v51 =	vld [tilespmem:$0x700]  }
0x169: {  	[tilespmem:$0x1290] =	vst v19;
	v19 =	vadd.s32 v60, v62;
	v60 =	vld [tilespmem:$0x850]  }
0x16a: {  	v62 =	vld [tilespmem:$0x860]  }
0x16b: {  	[tilespmem:$0x1190] =	vst v8;
	v8 =	vadd.s32 v54, v55;
	v55 =	vld [tilespmem:$0x710]  }
0x16c: {  	v54 =	vadd.s32 v34, v35;
	v34 =	vld [tilespmem:$0xC0]  }
0x16d: {  	[tilespmem:$0x14B0] =	vst v19;
	v19 =	vld [tilespmem:$0x8E0]  }
0x16e: {  	[tilespmem:$0x11A0] =	vst v8;
	v8 =	vadd.s32 v56, v57;
	v57 =	vld [tilespmem:$0x90]  }
0x16f: {  	v56 =	vadd.s32 v36, v37;
	v36 =	vld [tilespmem:$0x750]  }
0x170: {  	[tilespmem:$0x1300] =	vst v54;
	v54 =	vld [tilespmem:$0x40]  }
0x171: {  	[tilespmem:$0x11B0] =	vst v8;
	v8 =	vadd.s32 v58, v44;
	v44 =	vld [tilespmem:$0x670]  }
0x172: {  	v58 =	vadd.s32 v38, v39;
	v38 =	vld [tilespmem:$0x0]  }
0x173: {  	v28 =	vadd.s32 v46, v47;
	v46 =	vld [tilespmem:$0x20]  }
0x174: {  	[tilespmem:$0x1310] =	vst v56;
	v56 =	vld [tilespmem:$0x7A0]  }
0x175: {  	v47 =	vadd.s32 v9, v11;
	v9 =	vld [tilespmem:$0x8A0]  }
0x176: {  	v11 =	vld [tilespmem:$0x8B0]  }
0x177: {  	v37 =	vadd.s32 v22, v10;
	v10 =	vld [tilespmem:$0x90]  }
0x178: {  	v22 =	vld [tilespmem:$0x0]  }
0x179: {  	[tilespmem:$0x11C0] =	vst v8;
	v8 =	vld [tilespmem:$0x6A0]  }
0x17a: {  	[tilespmem:$0x12E0] =	vst v31;
	v31 =	vadd.s32 v48, v49;
	v48 =	vld [tilespmem:$0x780]  }
0x17b: {  	[tilespmem:$0x1320] =	vst v58;
	v58 =	vld [tilespmem:$0x50]  }
0x17c: {  	v49 =	vadd.s32 v12, v13;
	v13 =	vld [tilespmem:$0x7C0]  }
0x17d: {  	v12 =	vld [tilespmem:$0x7E0]  }
0x17e: {  	[tilespmem:$0x1350] =	vst v28;
	v28 =	vld [tilespmem:$0x800]  }
0x17f: {  	[tilespmem:$0x1390] =	vst v37;
	v37 =	vld [tilespmem:$0xC0]  }
0x180: {  	[tilespmem:$0x13E0] =	vst v47;
	v47 =	vld [tilespmem:$0x980]  }
0x181: {  	v35 =	vadd.s32 v50, v30;
	v50 =	vld [tilespmem:$0x30]  }
0x182: {  	[tilespmem:$0x1360] =	vst v31;
	v31 =	vld [tilespmem:$0x920]  }
0x183: {  	v30 =	vld [tilespmem:$0x30]  }
0x184: {  	[tilespmem:$0x13F0] =	vst v49;
	v49 =	vld [tilespmem:$0x9C0]  }
0x185: {  	v51 =	vadd.s32 v51, v53;
	[tilespmem:$0x1380] =	vst v35;
	v35 =	vld [tilespmem:$0x940]  }
0x186: {  	[tilespmem:$0x1400] =	vst v51;
	v51 =	vld [tilespmem:$0x0]  }
0x187: {  	v53 =	vadd.s32 v55, v57;
	v57 =	vadd.s32 v63, v29;
	v29 =	vld [tilespmem:$0xB0]  }
0x188: {  	v17 =	vadd.s32 v52, v54;
	v52 =	vld [tilespmem:$0x830]  }
0x189: {  	v55 =	vadd.s32 v59, v61;
	v59 =	vadd.s32 v32, v34;
	v32 =	vld [tilespmem:$0x40]  }
0x18a: {  	v34 =	vld [tilespmem:$0x50]  }
0x18b: {  	v63 =	vadd.s32 v40, v42;
	v40 =	vld [tilespmem:$0x70]  }
0x18c: {  	v42 =	vld [tilespmem:$0x80]  }
0x18d: {  	v54 =	vld [tilespmem:$0x9A0]  }
0x18e: {  	v33 =	vadd.s32 v44, v45;
	v44 =	vld [tilespmem:$0x770]  }
0x18f: {  	v61 =	vadd.s32 v36, v38;
	v36 =	vld [tilespmem:$0x810]  }
0x190: {  	[tilespmem:$0x1410] =	vst v53;
	v53 =	vld [tilespmem:$0x10]  }
0x191: {  	[tilespmem:$0x1440] =	vst v59;
	v59 =	vld [tilespmem:$0x20]  }
0x192: {  	[tilespmem:$0x1FDA0] =	vst v49;
	v49 =	vld [tilespmem:$0x9D0]  }
0x193: {  	[tilespmem:$0x1460] =	vst v63;
	v63 =	vld [tilespmem:$0x40]  }
0x194: {  	v45 =	vadd.s32 v6, v7;
	v7 =	vld [tilespmem:$0x890]  }
0x195: {  	v6 =	vld [tilespmem:$0x70]  }
0x196: {  	[tilespmem:$0x1490] =	vst v17;
	v17 =	vld [tilespmem:$0x8D0]  }
0x197: {  	[tilespmem:$0x1FDB0] =	vst v49;
	v49 =	vld [tilespmem:$0x10]  }
0x198: {  	v38 =	vld [tilespmem:$0x60]  }
0x199: {  	[tilespmem:$0x1430] =	vst v57;
	v57 =	vld [tilespmem:$0xB0]  }
0x19a: {  	v20 =	vadd.s32 v18, v20;
	[tilespmem:$0x1420] =	vst v55;
	v55 =	vld [tilespmem:$0xC0]  }
0x19b: {  	[tilespmem:$0x12A0] =	vst v20;
	v20 =	vadd.s32 v13, v15;
	v13 =	vld [tilespmem:$0x90]  }
0x19c: {  	[tilespmem:$0x1FDC0] =	vst v49;
	v49 =	vld [tilespmem:$0x9E0]  }
0x19d: {  	[tilespmem:$0x13D0] =	vst v45;
	v45 =	vld [tilespmem:$0x0]  }
0x19e: {  	v18 =	vadd.s32 v56, v58;
	v58 =	vld [tilespmem:$0x840]  }
0x19f: {  	[tilespmem:$0x1450] =	vst v61;
	v61 =	vld [tilespmem:$0x30]  }
0x1a0: {  	v39 =	vadd.s32 v8, v1;
	v1 =	vld [tilespmem:$0x870]  }
0x1a1: {  	[tilespmem:$0x1FDD0] =	vst v49;
	v49 =	vld [tilespmem:$0x20]  }
0x1a2: {  	v8 =	vld [tilespmem:$0x80]  }
0x1a3: {  	v15 =	vld [tilespmem:$0x8C0]  }
0x1a4: {  	[tilespmem:$0x1370] =	vst v33;
	v33 =	vld [tilespmem:$0x930]  }
0x1a5: {  	v56 =	vld [tilespmem:$0x990]  }
0x1a6: {  	[tilespmem:$0x1FDE0] =	vst v49;
	v49 =	vld [tilespmem:$0x9F0]  }
0x1a7: {  	[tilespmem:$0x14C0] =	vst v20;
	v20 =	vld [tilespmem:$0x7F0]  }
0x1a8: {  	[tilespmem:$0x14A0] =	vst v18;
	v18 =	vld [tilespmem:$0xC0]  }
0x1a9: {  	[tilespmem:$0x13A0] =	vst v39;
	v39 =	vld [tilespmem:$0x950]  }
0x1aa: {  	v16 =	vadd.s32 v48, v50;
	v48 =	vld [tilespmem:$0xA0]  }
0x1ab: {  	[tilespmem:$0x1FDF0] =	vst v49;
	v49 =	vld [tilespmem:$0x30]  }
0x1ac: {  	v50 =	vld [tilespmem:$0x9B0]  }
0x1ad: {  	[tilespmem:$0x1480] =	vst v16;
	v16 =	vld [tilespmem:$0xB0]  }
0x1ae: {  	v14 =	vadd.s32 v44, v46;
	v44 =	vld [tilespmem:$0x820]  }
0x1af: {  	v46 =	vld [tilespmem:$0x90];
	[tilespmem:$0x1470] =	vst v14  }
0x1b0: {  	v14 =	vld [tilespmem:$0xA0];
	[tilespmem:$0x1FE00] =	vst v49  }
0x1b1: {  	v49 =	vld [tilespmem:$0xA00];
	_ =	sdelay $0x4  }
0x1b2: {  	[tilespmem:$0x1FE10] =	vst v49;
	v49 =	vld [tilespmem:$0x40];
	_ =	sdelay $0x4  }
0x1b3: {  	[tilespmem:$0x1FE20] =	vst v49;
	v49 =	vld [tilespmem:$0xA10];
	_ =	sdelay $0x4  }
0x1b4: {  	[tilespmem:$0x1FE30] =	vst v49;
	v49 =	vld [tilespmem:$0x50];
	_ =	sdelay $0x4  }
0x1b5: {  	[tilespmem:$0x1FE40] =	vst v49;
	v49 =	vld [tilespmem:$0xA20];
	_ =	sdelay $0x4  }
0x1b6: {  	[tilespmem:$0x1FE50] =	vst v49;
	v49 =	vld [tilespmem:$0x60];
	_ =	sdelay $0x4  }
0x1b7: {  	[tilespmem:$0x1FE60] =	vst v49;
	v49 =	vld [tilespmem:$0xA30];
	_ =	sdelay $0x4  }
0x1b8: {  	[tilespmem:$0x1FE70] =	vst v49;
	v49 =	vld [tilespmem:$0x70];
	_ =	sdelay $0x4  }
0x1b9: {  	[tilespmem:$0x1FE80] =	vst v49;
	v49 =	vld [tilespmem:$0xA40];
	_ =	sdelay $0x4  }
0x1ba: {  	[tilespmem:$0x1FE90] =	vst v49;
	v49 =	vld [tilespmem:$0x80];
	_ =	sdelay $0x4  }
0x1bb: {  	[tilespmem:$0x1FEA0] =	vst v49;
	v49 =	vld [tilespmem:$0xA50];
	_ =	sdelay $0x4  }
0x1bc: {  	[tilespmem:$0x1FEB0] =	vst v49;
	v49 =	vld [tilespmem:$0x90];
	_ =	sdelay $0x4  }
0x1bd: {  	[tilespmem:$0x1FEC0] =	vst v49;
	v49 =	vld [tilespmem:$0xA60];
	_ =	sdelay $0x4  }
0x1be: {  	[tilespmem:$0x1FED0] =	vst v49;
	v49 =	vld [tilespmem:$0xA0];
	_ =	sdelay $0x4  }
0x1bf: {  	[tilespmem:$0x1FEE0] =	vst v49;
	v49 =	vld [tilespmem:$0xA70];
	_ =	sdelay $0x4  }
0x1c0: {  	[tilespmem:$0x1FEF0] =	vst v49;
	v49 =	vld [tilespmem:$0xB0]  }
0x1c1: {  	v5 =	vadd.s32 v4, v5;
	v4 =	vld [tilespmem:$0x60]  }
0x1c2: {  	v12 =	vadd.s32 v12, v13;
	[tilespmem:$0x14D0] =	vst v5;
	v5 =	vld [tilespmem:$0xB00]  }
0x1c3: {  	[tilespmem:$0x14E0] =	vst v12;
	v12 =	vld [tilespmem:$0x70]  }
0x1c4: {  	v13 =	vld [tilespmem:$0xB10]  }
0x1c5: {  	[tilespmem:$0x1FF00] =	vst v49;
	v49 =	vld [tilespmem:$0xA80]  }
0x1c6: {  	v21 =	vadd.s32 v20, v21;
	v20 =	vld [tilespmem:$0x80]  }
0x1c7: {  	[tilespmem:$0x14F0] =	vst v21;
	v21 =	vld [tilespmem:$0xB20]  }
0x1c8: {  	v29 =	vadd.s32 v28, v29;
	v28 =	vld [tilespmem:$0x90]  }
0x1c9: {  	[tilespmem:$0x1500] =	vst v29;
	v29 =	vld [tilespmem:$0xB30]  }
0x1ca: {  	[tilespmem:$0x1FF10] =	vst v49;
	v49 =	vld [tilespmem:$0xC0]  }
0x1cb: {  	v37 =	vadd.s32 v36, v37;
	v36 =	vld [tilespmem:$0xA0]  }
0x1cc: {  	[tilespmem:$0x1510] =	vst v37;
	v37 =	vld [tilespmem:$0xB40]  }
0x1cd: {  	v53 =	vadd.s32 v52, v53;
	v52 =	vld [tilespmem:$0xC0]  }
0x1ce: {  	[tilespmem:$0x1530] =	vst v53;
	v53 =	vld [tilespmem:$0xB60]  }
0x1cf: {  	[tilespmem:$0x1FF20] =	vst v49;
	v49 =	vld [tilespmem:$0xA90]  }
0x1d0: {  	v0 =	vadd.s32 v1, v0;
	v1 =	vld [tilespmem:$0x0]  }
0x1d1: {  	v62 =	vadd.s32 v62, v63;
	v63 =	vadd.s32 v3, v2;
	v2 =	vld [tilespmem:$0xB70]  }
0x1d2: {  	v3 =	vld [tilespmem:$0x10]  }
0x1d3: {  	v7 =	vadd.s32 v7, v6;
	v6 =	vld [tilespmem:$0xB80]  }
0x1d4: {  	[tilespmem:$0x1FF30] =	vst v49;
	v49 =	vld [tilespmem:$0x0]  }
0x1d5: {  	[tilespmem:$0x1590] =	vst v7;
	v7 =	vld [tilespmem:$0x20]  }
0x1d6: {  	v9 =	vadd.s32 v9, v8;
	v8 =	vld [tilespmem:$0xB90]  }
0x1d7: {  	[tilespmem:$0x15A0] =	vst v9;
	v9 =	vld [tilespmem:$0x30]  }
0x1d8: {  	v11 =	vadd.s32 v11, v10;
	v10 =	vld [tilespmem:$0xBA0]  }
0x1d9: {  	[tilespmem:$0x1FF40] =	vst v49;
	v49 =	vld [tilespmem:$0xAA0]  }
0x1da: {  	[tilespmem:$0x15B0] =	vst v11;
	v11 =	vld [tilespmem:$0x40]  }
0x1db: {  	v15 =	vadd.s32 v15, v14;
	v14 =	vld [tilespmem:$0xBB0]  }
0x1dc: {  	[tilespmem:$0x15C0] =	vst v15;
	v15 =	vld [tilespmem:$0x50]  }
0x1dd: {  	v17 =	vadd.s32 v17, v16;
	v16 =	vld [tilespmem:$0xBC0]  }
0x1de: {  	[tilespmem:$0x1FF50] =	vst v49;
	v49 =	vld [tilespmem:$0x10]  }
0x1df: {  	[tilespmem:$0x15D0] =	vst v17;
	v17 =	vld [tilespmem:$0x60]  }
0x1e0: {  	v19 =	vadd.s32 v19, v18;
	v18 =	vld [tilespmem:$0xBD0]  }
0x1e1: {  	[tilespmem:$0x15E0] =	vst v19;
	v19 =	vld [tilespmem:$0x70]  }
0x1e2: {  	v23 =	vadd.s32 v23, v22;
	v22 =	vld [tilespmem:$0xBE0]  }
0x1e3: {  	[tilespmem:$0x1FF60] =	vst v49;
	v49 =	vld [tilespmem:$0xAB0]  }
0x1e4: {  	[tilespmem:$0x15F0] =	vst v23;
	v23 =	vld [tilespmem:$0x80]  }
0x1e5: {  	v40 =	vadd.s32 v41, v40;
	v41 =	vadd.s32 v43, v42;
	v43 =	vadd.s32 v56, v48;
	v48 =	vld [tilespmem:$0x1FDA0]  }
0x1e6: {  	v25 =	vadd.s32 v25, v24;
	v24 =	vld [tilespmem:$0xBF0]  }
0x1e7: {  	v42 =	vadd.s32 v47, v46;
	v47 =	vadd.s32 v50, v55;
	v50 =	vld [tilespmem:$0x1FDC0]  }
0x1e8: {  	[tilespmem:$0x1FF70] =	vst v49;
	v49 =	vld [tilespmem:$0x20]  }
0x1e9: {  	[tilespmem:$0x1600] =	vst v25;
	v25 =	vld [tilespmem:$0x90]  }
0x1ea: {  	v46 =	vadd.s32 v54, v57;
	v54 =	vld [tilespmem:$0x1FDE0]  }
0x1eb: {  	v27 =	vadd.s32 v27, v26;
	v26 =	vld [tilespmem:$0xC00]  }
0x1ec: {  	v55 =	vld [tilespmem:$0x1FDF0]  }
0x1ed: {  	[tilespmem:$0x1FF80] =	vst v49;
	v49 =	vld [tilespmem:$0xAC0]  }
0x1ee: {  	v56 =	vld [tilespmem:$0x1FE00]  }
0x1ef: {  	[tilespmem:$0x1610] =	vst v27;
	v27 =	vld [tilespmem:$0xA0]  }
0x1f0: {  	v31 =	vadd.s32 v31, v30;
	v30 =	vld [tilespmem:$0xC10]  }
0x1f1: {  	[tilespmem:$0x1620] =	vst v31;
	v31 =	vld [tilespmem:$0xB0]  }
0x1f2: {  	[tilespmem:$0x1FF90] =	vst v49;
	v49 =	vld [tilespmem:$0x30]  }
0x1f3: {  	v33 =	vadd.s32 v33, v32;
	v32 =	vld [tilespmem:$0xC20]  }
0x1f4: {  	[tilespmem:$0x1630] =	vst v33;
	v33 =	vld [tilespmem:$0xC0]  }
0x1f5: {  	v35 =	vadd.s32 v35, v34;
	v34 =	vld [tilespmem:$0xC30]  }
0x1f6: {  	[tilespmem:$0x1640] =	vst v35;
	v35 =	vld [tilespmem:$0x0]  }
0x1f7: {  	[tilespmem:$0x1FFA0] =	vst v49;
	v49 =	vld [tilespmem:$0xAD0]  }
0x1f8: {  	[tilespmem:$0x1570] =	vst v0;
	v0 =	vadd.s32 v48, v51;
	v51 =	vld [tilespmem:$0x1FDD0]  }
0x1f9: {  	v7 =	vadd.s32 v6, v7;
	v6 =	vld [tilespmem:$0xA0]  }
0x1fa: {  	v9 =	vadd.s32 v8, v9;
	v8 =	vld [tilespmem:$0xB0]  }
0x1fb: {  	v11 =	vadd.s32 v10, v11;
	v10 =	vld [tilespmem:$0xC0]  }
0x1fc: {  	[tilespmem:$0x1FFB0] =	vst v49;
	v49 =	vld [tilespmem:$0x40]  }
0x1fd: {  	v57 =	vld [tilespmem:$0x1FE10]  }
0x1fe: {  	[tilespmem:$0x1880] =	vst v7;
	v7 =	vld [tilespmem:$0xCE0]  }
0x1ff: {  	[tilespmem:$0x1890] =	vst v9;
	v9 =	vld [tilespmem:$0xCF0]  }
0x200: {  	[tilespmem:$0x18A0] =	vst v11;
	v11 =	vld [tilespmem:$0xD00]  }
0x201: {  	[tilespmem:$0x1FFC0] =	vst v49;
	v49 =	vld [tilespmem:$0xAE0]  }
0x202: {  	v59 =	vadd.s32 v58, v59;
	v58 =	vld [tilespmem:$0x1FE20]  }
0x203: {  	[tilespmem:$0x1540] =	vst v59;
	v59 =	vld [tilespmem:$0x1FE30]  }
0x204: {  	v61 =	vadd.s32 v60, v61;
	v60 =	vld [tilespmem:$0x1FE40]  }
0x205: {  	[tilespmem:$0x1550] =	vst v61;
	v61 =	vld [tilespmem:$0x1FE50]  }
0x206: {  	[tilespmem:$0x1FFD0] =	vst v49;
	v49 =	vld [tilespmem:$0x50]  }
0x207: {  	[tilespmem:$0x1560] =	vst v62;
	v62 =	vld [tilespmem:$0x1FE60]  }
0x208: {  	v39 =	vadd.s32 v39, v38;
	[tilespmem:$0x1580] =	vst v63;
	v63 =	vld [tilespmem:$0x1FE70]  }
0x209: {  	[tilespmem:$0x1650] =	vst v39;
	v38 =	vld [tilespmem:$0x1FE80]  }
0x20a: {  	[tilespmem:$0x1660] =	vst v40;
	v39 =	vld [tilespmem:$0x1FE90]  }
0x20b: {  	[tilespmem:$0x1FFE0] =	vst v49;
	v49 =	vld [tilespmem:$0xAF0]  }
0x20c: {  	[tilespmem:$0x1670] =	vst v41;
	v40 =	vld [tilespmem:$0x1FEA0]  }
0x20d: {  	[tilespmem:$0x1680] =	vst v42;
	v41 =	vld [tilespmem:$0x1FEB0]  }
0x20e: {  	[tilespmem:$0x1690] =	vst v43;
	v42 =	vld [tilespmem:$0x1FEC0]  }
0x20f: {  	[tilespmem:$0x16A0] =	vst v46;
	v43 =	vld [tilespmem:$0x1FED0]  }
0x210: {  	v46 =	vld [tilespmem:$0x1FEE0];
	[tilespmem:$0x1FFF0] =	vst v49;
	v49 =	vadd.s32 v44, v45  }
0x211: {  	[tilespmem:$0x1520] =	vst v49;
	v49 =	vld [tilespmem:$0x1FDB0]  }
0x212: {  	[tilespmem:$0x16B0] =	vst v47;
	v47 =	vld [tilespmem:$0x1FEF0]  }
0x213: {  	v48 =	vld [tilespmem:$0x1FF00]  }
0x214: {  	v44 =	vld [tilespmem:$0xB0]  }
0x215: {  	v45 =	vld [tilespmem:$0xB50]  }
0x216: {  	[tilespmem:$0x16C0] =	vst v0;
	v0 =	vadd.s32 v49, v50;
	v49 =	vld [tilespmem:$0x1FF10]  }
0x217: {  	v50 =	vld [tilespmem:$0x1FF20]  }
0x218: {  	[tilespmem:$0x16D0] =	vst v0;
	v0 =	vadd.s32 v51, v54;
	v51 =	vld [tilespmem:$0x1FF30]  }
0x219: {  	v54 =	vld [tilespmem:$0x1FF40]  }
0x21a: {  	[tilespmem:$0x16E0] =	vst v0;
	v0 =	vadd.s32 v55, v56;
	v55 =	vld [tilespmem:$0x1FF50]  }
0x21b: {  	v56 =	vld [tilespmem:$0x1FF60]  }
0x21c: {  	v15 =	vadd.s32 v14, v15;
	[tilespmem:$0x16F0] =	vst v0;
	v0 =	vadd.s32 v57, v58;
	v57 =	vld [tilespmem:$0x1FF70]  }
0x21d: {  	[tilespmem:$0x18B0] =	vst v15;
	v58 =	vld [tilespmem:$0x1FF80]  }
0x21e: {  	v17 =	vadd.s32 v16, v17;
	[tilespmem:$0x1700] =	vst v0;
	v0 =	vadd.s32 v59, v60;
	v59 =	vld [tilespmem:$0x1FF90]  }
0x21f: {  	[tilespmem:$0x18C0] =	vst v17;
	v60 =	vld [tilespmem:$0x1FFA0]  }
0x220: {  	[tilespmem:$0x1710] =	vst v0;
	v0 =	vadd.s32 v61, v62;
	v61 =	vld [tilespmem:$0x1FFB0]  }
0x221: {  	v62 =	vld [tilespmem:$0x1FFC0];
	[tilespmem:$0x1720] =	vst v0;
	v0 =	vadd.s32 v63, v38  }
0x222: {  	v38 =	vld [tilespmem:$0xC40];
	[tilespmem:$0x1730] =	vst v0;
	v0 =	vadd.s32 v39, v40  }
0x223: {  	v63 =	vld [tilespmem:$0x1FFD0];
	[tilespmem:$0x1740] =	vst v0;
	v0 =	vadd.s32 v41, v42  }
0x224: {  	v39 =	vld [tilespmem:$0x10];
	[tilespmem:$0x1750] =	vst v0;
	v0 =	vadd.s32 v43, v46  }
0x225: {  	v40 =	vld [tilespmem:$0xC50];
	[tilespmem:$0x1760] =	vst v0;
	v0 =	vadd.s32 v47, v48  }
0x226: {  	v41 =	vld [tilespmem:$0x20];
	[tilespmem:$0x1770] =	vst v0;
	v0 =	vadd.s32 v49, v50  }
0x227: {  	v42 =	vld [tilespmem:$0xC60];
	v50 =	vadd.s32 v30, v31;
	[tilespmem:$0x1780] =	vst v0  }
0x228: {  	v43 =	vld [tilespmem:$0x30];
	v0 =	vadd.s32 v51, v54;
	[tilespmem:$0x1910] =	vst v50  }
0x229: {  	v46 =	vld [tilespmem:$0xC70];
	[tilespmem:$0x1790] =	vst v0;
	v0 =	vadd.s32 v55, v56  }
0x22a: {  	v47 =	vld [tilespmem:$0x40];
	v56 =	vadd.s32 v5, v12;
	[tilespmem:$0x17A0] =	vst v0  }
0x22b: {  	v48 =	vld [tilespmem:$0xC80];
	v0 =	vadd.s32 v57, v58;
	[tilespmem:$0x1800] =	vst v56  }
0x22c: {  	v49 =	vld [tilespmem:$0xD10];
	v57 =	vadd.s32 v13, v20;
	[tilespmem:$0x17B0] =	vst v0  }
0x22d: {  	v30 =	vld [tilespmem:$0x50];
	v58 =	vadd.s32 v21, v28;
	[tilespmem:$0x1810] =	vst v57  }
0x22e: {  	v54 =	vld [tilespmem:$0x1FFE0];
	v56 =	vadd.s32 v38, v39;
	[tilespmem:$0x1820] =	vst v58  }
0x22f: {  	v51 =	vld [tilespmem:$0x10];
	v39 =	vadd.s32 v7, v8;
	[tilespmem:$0x1940] =	vst v56  }
0x230: {  	v50 =	vld [tilespmem:$0xA0];
	v0 =	vadd.s32 v59, v60;
	[tilespmem:$0x19E0] =	vst v39  }
0x231: {  	v55 =	vld [tilespmem:$0x1FFF0];
	v59 =	vadd.s32 v29, v36;
	[tilespmem:$0x17C0] =	vst v0  }
0x232: {  	v5 =	vld [tilespmem:$0xC90];
	v60 =	vadd.s32 v37, v44;
	[tilespmem:$0x1830] =	vst v59  }
0x233: {  	v12 =	vld [tilespmem:$0x60];
	v29 =	vadd.s32 v18, v19;
	[tilespmem:$0x1840] =	vst v60  }
0x234: {  	v13 =	vld [tilespmem:$0xCA0];
	v36 =	vadd.s32 v22, v23;
	[tilespmem:$0x18D0] =	vst v29  }
0x235: {  	v20 =	vld [tilespmem:$0x70];
	v37 =	vadd.s32 v24, v25;
	[tilespmem:$0x18E0] =	vst v36  }
0x236: {  	v21 =	vld [tilespmem:$0xCB0];
	v58 =	vadd.s32 v40, v41;
	[tilespmem:$0x18F0] =	vst v37  }
0x237: {  	v28 =	vld [tilespmem:$0x80];
	v41 =	vadd.s32 v9, v10;
	[tilespmem:$0x1950] =	vst v58  }
0x238: {  	v38 =	vld [tilespmem:$0x70];
	v0 =	vadd.s32 v61, v62;
	[tilespmem:$0x19F0] =	vst v41  }
0x239: {  	v44 =	vld [tilespmem:$0x0];
	v61 =	vadd.s32 v45, v52;
	[tilespmem:$0x17D0] =	vst v0  }
0x23a: {  	v57 =	vld [tilespmem:$0xD30];
	v62 =	vadd.s32 v53, v1;
	[tilespmem:$0x1850] =	vst v61  }
0x23b: {  	v40 =	vld [tilespmem:$0xD80];
	v45 =	vadd.s32 v26, v27;
	[tilespmem:$0x1860] =	vst v62  }
0x23c: {  	v56 =	vld [tilespmem:$0xDC0];
	v52 =	vadd.s32 v32, v33;
	[tilespmem:$0x1900] =	vst v45  }
0x23d: {  	v1 =	vld [tilespmem:$0xCC0];
	v60 =	vadd.s32 v42, v43;
	[tilespmem:$0x1920] =	vst v52  }
0x23e: {  	v53 =	vld [tilespmem:$0xD20];
	v0 =	vadd.s32 v63, v54;
	[tilespmem:$0x1960] =	vst v60  }
0x23f: {  	v59 =	vld [tilespmem:$0x30];
	v63 =	vadd.s32 v2, v3;
	[tilespmem:$0x17E0] =	vst v0  }
0x240: {  	v27 =	vld [tilespmem:$0xD50];
	v54 =	vadd.s32 v34, v35;
	[tilespmem:$0x1870] =	vst v63  }
0x241: {  	v32 =	vld [tilespmem:$0xD60];
	v62 =	vadd.s32 v46, v47;
	[tilespmem:$0x1930] =	vst v54  }
0x242: {  	v36 =	vld [tilespmem:$0xD70];
	v45 =	vadd.s32 v49, v51;
	[tilespmem:$0x1970] =	vst v62  }
0x243: {  	v42 =	vld [tilespmem:$0x80];
	v0 =	vadd.s32 v55, v4;
	[tilespmem:$0x1A10] =	vst v45  }
0x244: {  	v58 =	vld [tilespmem:$0xC0];
	v29 =	vadd.s32 v5, v12;
	[tilespmem:$0x17F0] =	vst v0  }
0x245: {  	v2 =	vld [tilespmem:$0x90];
	[tilespmem:$0x1990] =	vst v29;
	v31 =	vadd.s32 v13, v20  }
0x246: {  	v3 =	vld [tilespmem:$0xCD0];
	v33 =	vadd.s32 v21, v28;
	[tilespmem:$0x19A0] =	vst v31  }
0x247: {  	v61 =	vld [tilespmem:$0xD40];
	[tilespmem:$0x19B0] =	vst v33;
	v43 =	vadd.s32 v11, v44  }
0x248: {  	v4 =	vld [tilespmem:$0x50];
	[tilespmem:$0x1A00] =	vst v43;
	v49 =	vadd.s32 v57, v59  }
0x249: {  	v55 =	vld [tilespmem:$0x20];
	v57 =	vadd.s32 v36, v38;
	[tilespmem:$0x1A30] =	vst v49  }
0x24a: {  	v63 =	vld [tilespmem:$0x40];
	v59 =	vadd.s32 v40, v42;
	[tilespmem:$0x1A70] =	vst v57  }
0x24b: {  	v34 =	vld [tilespmem:$0x60];
	v35 =	vadd.s32 v1, v2;
	[tilespmem:$0x1A80] =	vst v59  }
0x24c: {  	v52 =	vld [tilespmem:$0xDB0];
	v37 =	vadd.s32 v3, v6;
	[tilespmem:$0x19C0] =	vst v35  }
0x24d: {  	v54 =	vld [tilespmem:$0xB0];
	v26 =	vadd.s32 v48, v4;
	[tilespmem:$0x19D0] =	vst v37  }
0x24e: {  	v46 =	vld [tilespmem:$0x90];
	v47 =	vadd.s32 v53, v55;
	[tilespmem:$0x1980] =	vst v26  }
0x24f: {  	v44 =	vld [tilespmem:$0xD90];
	v51 =	vadd.s32 v61, v63;
	[tilespmem:$0x1A20] =	vst v47  }
0x250: {  	v48 =	vld [tilespmem:$0xDA0];
	v53 =	vadd.s32 v27, v30;
	[tilespmem:$0x1A40] =	vst v51  }
0x251: {  	v55 =	vadd.s32 v32, v34;
	[tilespmem:$0x1A50] =	vst v53  }
0x252: {  	v62 =	vadd.s32 v52, v54;
	[tilespmem:$0x1A60] =	vst v55  }
0x253: {  	v63 =	vadd.s32 v56, v58;
	[tilespmem:$0x1AB0] =	vst v62  }
0x254: {  	[tilespmem:$0x1AC0] =	vst v63;
	v60 =	vadd.s32 v44, v46  }
0x255: {  	[tilespmem:$0x1A90] =	vst v60;
	v61 =	vadd.s32 v48, v50  }
0x256: {  	s19 =	simm.s32 $0x1AD0;
	s26 =	simm.s32 $0xDD0;
	[tilespmem:$0x1AA0] =	vst v61  }
0x257: {  	[tilespmem:s19], [sflag:$0x1] =	stream.indirect.gather [hbm4b:s4+s9], $0x10, s26, s9, $0xb8;
	[tilespmem:$0xF7D0] =	vst v63  }
0x258: {  	s16 =	rddreg [dreg:$0x6];
	s19 =	simm.s32 $0xEAD0  }
0x259: {  	[tilespmem:s19], [sflag:$0x2] =	stream.indirect.gather [hbm4b:s5+s9], $0x1, s26, s9, $0xb8;
	[tilespmem:$0xF7D0] =	vst v63  }
0x25a: {  	s17 =	rddreg [dreg:$0x7];
	s26 =	simm.s32 $0xE50  }
0x25b: {  	[tilespmem:s16], [sflag:$0x1] =	stream.indirect.gather [hbm4b:s4+s9], $0x10, s26, s9, $0xb8;
	[tilespmem:$0xF7D0] =	vst v63  }
0x25c: {  	s16 =	rddreg [dreg:$0x8]  }
0x25d: {  	[tilespmem:s17], [sflag:$0x2] =	stream.indirect.gather [hbm4b:s5+s9], $0x1, s26, s9, $0xb8;
	[tilespmem:$0xF7D0] =	vst v63  }
0x25e: {  	s17 =	rddreg [dreg:$0x9];
	s26 =	simm.s32 $0xED0  }
0x25f: {  	[tilespmem:s16], [sflag:$0x1] =	stream.indirect.gather [hbm4b:s4+s9], $0x10, s26, s9, $0xb8;
	[tilespmem:$0xF7D0] =	vst v63  }
0x260: {  	s16 =	rddreg [dreg:$0xa]  }
0x261: {  	[tilespmem:s17], [sflag:$0x2] =	stream.indirect.gather [hbm4b:s5+s9], $0x1, s26, s9, $0xb8;
	[tilespmem:$0xF7D0] =	vst v63  }
0x262: {  	s17 =	rddreg [dreg:$0xb];
	s26 =	simm.s32 $0xF50  }
0x263: {  	[tilespmem:s16], [sflag:$0x1] =	stream.indirect.gather [hbm4b:s4+s9], $0x10, s26, s9, $0xb8;
	[tilespmem:$0xF7D0] =	vst v63  }
0x264: {  	s16 =	rddreg [dreg:$0xc]  }
0x265: {  	[tilespmem:s17], [sflag:$0x2] =	stream.indirect.gather [hbm4b:s5+s9], $0x1, s26, s9, $0xb8;
	[tilespmem:$0xF7D0] =	vst v63  }
0x266: {  	s17 =	rddreg [dreg:$0xd];
	s26 =	simm.s32 $0xFD0  }
0x267: {  	[tilespmem:s16], [sflag:$0x1] =	stream.indirect.gather [hbm4b:s4+s9], $0x10, s26, s9, $0xb8;
	[tilespmem:$0xF7D0] =	vst v63  }
0x268: {  	s16 =	rddreg [dreg:$0xe]  }
0x269: {  	[tilespmem:s17], [sflag:$0x2] =	stream.indirect.gather [hbm4b:s5+s9], $0x1, s26, s9, $0xb8;
	[tilespmem:$0xF7D0] =	vst v63  }
0x26a: {  	s17 =	rddreg [dreg:$0xf];
	s26 =	simm.s32 $0x1050  }
0x26b: {  	[tilespmem:s16], [sflag:$0x1] =	stream.indirect.gather [hbm4b:s4+s9], $0x10, s26, s9, $0xb8;
	[tilespmem:$0xF7D0] =	vst v63  }
0x26c: {  	s16 =	rddreg [dreg:$0x10]  }
0x26d: {  	[tilespmem:s17], [sflag:$0x2] =	stream.indirect.gather [hbm4b:s5+s9], $0x1, s26, s9, $0xb8;
	[tilespmem:$0xF7D0] =	vst v63  }
0x26e: {  	s17 =	rddreg [dreg:$0x11];
	s26 =	simm.s32 $0x10D0  }
0x26f: {  	[tilespmem:s16], [sflag:$0x1] =	stream.indirect.gather [hbm4b:s4+s9], $0x10, s26, s9, $0xb8;
	[tilespmem:$0xF7D0] =	vst v63  }
0x270: {  	s16 =	rddreg [dreg:$0x12]  }
0x271: {  	[tilespmem:s17], [sflag:$0x2] =	stream.indirect.gather [hbm4b:s5+s9], $0x1, s26, s9, $0xb8;
	[tilespmem:$0xF7D0] =	vst v63  }
0x272: {  	s17 =	rddreg [dreg:$0x13];
	s26 =	simm.s32 $0x1150  }
0x273: {  	[tilespmem:s16], [sflag:$0x1] =	stream.indirect.gather [hbm4b:s4+s9], $0x10, s26, s9, $0xb8;
	[tilespmem:$0xF7D0] =	vst v63  }
0x274: {  	s16 =	rddreg [dreg:$0x14]  }
0x275: {  	[tilespmem:s17], [sflag:$0x2] =	stream.indirect.gather [hbm4b:s5+s9], $0x1, s26, s9, $0xb8;
	[tilespmem:$0xF7D0] =	vst v63  }
0x276: {  	s26 =	rddreg [dreg:$0x15]  }
0x277: {  	[tilespmem:s16], [sflag:$0x1] =	stream.indirect.gather [hbm4b:s4+s9], $0x10, s28, s9, $0xb8;
	[tilespmem:$0xF7D0] =	vst v63  }
0x278: {  	s16 =	rddreg [dreg:$0x16]  }
0x279: {  	[tilespmem:s26], [sflag:$0x2] =	stream.indirect.gather [hbm4b:s5+s9], $0x1, s28, s9, $0xb8;
	[tilespmem:$0xF7D0] =	vst v63  }
0x27a: {  	s26 =	rddreg [dreg:$0x17]  }
0x27b: {  	[tilespmem:s16], [sflag:$0x1] =	stream.indirect.gather [hbm4b:s4+s9], $0x10, s29, s9, $0xb8;
	[tilespmem:$0xF7D0] =	vst v63  }
0x27c: {  	s16 =	rddreg [dreg:$0x18]  }
0x27d: {  	[tilespmem:s26], [sflag:$0x2] =	stream.indirect.gather [hbm4b:s5+s9], $0x1, s29, s9, $0xb8;
	[tilespmem:$0xF7D0] =	vst v63  }
0x27e: {  	s26 =	rddreg [dreg:$0x19]  }
0x27f: {  	[tilespmem:s16], [sflag:$0x1] =	stream.indirect.gather [hbm4b:s4+s9], $0x10, s30, s9, $0xb8;
	[tilespmem:$0xF7D0] =	vst v63  }
0x280: {  	s16 =	rddreg [dreg:$0x1a]  }
0x281: {  	[tilespmem:s26], [sflag:$0x2] =	stream.indirect.gather [hbm4b:s5+s9], $0x1, s30, s9, $0xb8;
	[tilespmem:$0xF7D0] =	vst v63  }
0x282: {  	s26 =	rddreg [dreg:$0x1b]  }
0x283: {  	[tilespmem:s16], [sflag:$0x1] =	stream.indirect.gather [hbm4b:s4+s9], $0x10, s31, s9, $0xb8;
	[tilespmem:$0xF7D0] =	vst v63  }
0x284: {  	s16 =	rddreg [dreg:$0x1c]  }
0x285: {  	[tilespmem:s26], [sflag:$0x2] =	stream.indirect.gather [hbm4b:s5+s9], $0x1, s31, s9, $0xb8;
	[tilespmem:$0xF7D0] =	vst v63  }
0x286: {  	s26 =	rddreg [dreg:$0x1d]  }
0x287: {  	[tilespmem:s16], [sflag:$0x1] =	stream.indirect.gather [hbm4b:s4+s9], $0x10, s1, s9, $0xb8;
	[tilespmem:$0xF7D0] =	vst v63  }
0x288: {  	s16 =	rddreg [dreg:$0x1e]  }
0x289: {  	[tilespmem:s26], [sflag:$0x2] =	stream.indirect.gather [hbm4b:s5+s9], $0x1, s1, s9, $0xb8;
	[tilespmem:$0xF7D0] =	vst v63  }
0x28a: {  	s26 =	rddreg [dreg:$0x1f]  }
0x28b: {  	[tilespmem:s16], [sflag:$0x1] =	stream.indirect.gather [hbm4b:s4+s9], $0x10, s0, s9, $0xb8;
	[tilespmem:$0xF7D0] =	vst v63  }
0x28c: {  	s16 =	sld [smem:$0x7E4]  }
0x28d: {  	[tilespmem:s26], [sflag:$0x2] =	stream.indirect.gather [hbm4b:s5+s9], $0x1, s0, s9, $0xb8;
	[tilespmem:$0xF7D0] =	vst v63  }
0x28e: {  	s26 =	sld [smem:$0x7E5]  }
0x28f: {  	[tilespmem:s16], [sflag:$0x1] =	stream.indirect.gather [hbm4b:s4+s9], $0x10, s2, s9, $0xb8;
	[tilespmem:$0xF7D0] =	vst v63  }
0x290: {  	s16 =	sld [smem:$0x7E6]  }
0x291: {  	[tilespmem:s26], [sflag:$0x2] =	stream.indirect.gather [hbm4b:s5+s9], $0x1, s2, s9, $0xb8;
	[tilespmem:$0xF7D0] =	vst v63  }
0x292: {  	s26 =	sld [smem:$0x7E7]  }
0x293: {  	[tilespmem:s16], [sflag:$0x1] =	stream.indirect.gather [hbm4b:s4+s9], $0x10, s6, s9, $0xb8;
	[tilespmem:$0xF7D0] =	vst v63  }
0x294: {  	s16 =	sld [smem:$0x7E9]  }
0x295: {  	[tilespmem:s26], [sflag:$0x2] =	stream.indirect.gather [hbm4b:s5+s9], $0x1, s6, s9, $0xb8;
	[tilespmem:$0xF7D0] =	vst v63  }
0x296: {  	s26 =	sld [smem:$0x7EA]  }
0x297: {  	[tilespmem:s16], [sflag:$0x1] =	stream.indirect.gather [hbm4b:s4+s9], $0x10, s7, s9, $0xb8;
	[tilespmem:$0xF7D0] =	vst v63  }
0x298: {  	s16 =	sld [smem:$0x7EC]  }
0x299: {  	[tilespmem:s26], [sflag:$0x2] =	stream.indirect.gather [hbm4b:s5+s9], $0x1, s7, s9, $0xb8;
	[tilespmem:$0xF7D0] =	vst v63  }
0x29a: {  	s26 =	sld [smem:$0x7ED]  }
0x29b: {  	[tilespmem:s16], [sflag:$0x1] =	stream.indirect.gather [hbm4b:s4+s9], $0x10, s10, s9, $0xb8;
	[tilespmem:$0xF7D0] =	vst v63  }
0x29c: {  	s16 =	sld [smem:$0x7EE]  }
0x29d: {  	[tilespmem:s26], [sflag:$0x2] =	stream.indirect.gather [hbm4b:s5+s9], $0x1, s10, s9, $0xb8;
	[tilespmem:$0xF7D0] =	vst v63  }
0x29e: {  	s26 =	sld [smem:$0x7EF]  }
0x29f: {  	[tilespmem:s16], [sflag:$0x1] =	stream.indirect.gather [hbm4b:s4+s9], $0x10, s11, s9, $0xb8;
	[tilespmem:$0xF7D0] =	vst v63  }
0x2a0: {  	s16 =	sld [smem:$0x7F0]  }
0x2a1: {  	[tilespmem:s26], [sflag:$0x2] =	stream.indirect.gather [hbm4b:s5+s9], $0x1, s11, s9, $0xb8;
	[tilespmem:$0xF7D0] =	vst v63  }
0x2a2: {  	s26 =	sld [smem:$0x7F1]  }
0x2a3: {  	[tilespmem:s16], [sflag:$0x1] =	stream.indirect.gather [hbm4b:s4+s9], $0x10, s18, s9, $0xb8;
	[tilespmem:$0xF7D0] =	vst v63  }
0x2a4: {  	s16 =	sld [smem:$0x7F2]  }
0x2a5: {  	[tilespmem:s26], [sflag:$0x2] =	stream.indirect.gather [hbm4b:s5+s9], $0x1, s18, s9, $0xb8;
	[tilespmem:$0xF7D0] =	vst v63  }
0x2a6: {  	s26 =	sld [smem:$0x7F3]  }
0x2a7: {  	[tilespmem:s16], [sflag:$0x1] =	stream.indirect.gather [hbm4b:s4+s9], $0x10, s20, s9, $0xb8;
	[tilespmem:$0xF7D0] =	vst v63  }
0x2a8: {  	s16 =	sld [smem:$0x7F4]  }
0x2a9: {  	[tilespmem:s26], [sflag:$0x2] =	stream.indirect.gather [hbm4b:s5+s9], $0x1, s20, s9, $0xb8;
	[tilespmem:$0xF7D0] =	vst v63  }
0x2aa: {  	s26 =	sld [smem:$0x7F5]  }
0x2ab: {  	[tilespmem:s16], [sflag:$0x1] =	stream.indirect.gather [hbm4b:s4+s9], $0x10, s21, s9, $0xb8;
	[tilespmem:$0xF7D0] =	vst v63  }
0x2ac: {  	s16 =	sld [smem:$0x7F6]  }
0x2ad: {  	[tilespmem:s26], [sflag:$0x2] =	stream.indirect.gather [hbm4b:s5+s9], $0x1, s21, s9, $0xb8;
	[tilespmem:$0xF7D0] =	vst v63  }
0x2ae: {  	s26 =	sld [smem:$0x7F7]  }
0x2af: {  	[tilespmem:s16], [sflag:$0x1] =	stream.indirect.gather [hbm4b:s4+s9], $0x10, s22, s9, $0xb8;
	[tilespmem:$0xF7D0] =	vst v63  }
0x2b0: {  	s16 =	sld [smem:$0x7F8]  }
0x2b1: {  	[tilespmem:s26], [sflag:$0x2] =	stream.indirect.gather [hbm4b:s5+s9], $0x1, s22, s9, $0xb8;
	[tilespmem:$0xF7D0] =	vst v63  }
0x2b2: {  	s26 =	sld [smem:$0x7F9]  }
0x2b3: {  	[tilespmem:s16], [sflag:$0x1] =	stream.indirect.gather [hbm4b:s4+s9], $0x10, s23, s9, $0xb8;
	[tilespmem:$0xF7D0] =	vst v63  }
0x2b4: {  	s16 =	sld [smem:$0x7FA]  }
0x2b5: {  	[tilespmem:s26], [sflag:$0x2] =	stream.indirect.gather [hbm4b:s5+s9], $0x1, s23, s9, $0xb8;
	[tilespmem:$0xF7D0] =	vst v63  }
0x2b6: {  	s26 =	sld [smem:$0x7FB]  }
0x2b7: {  	[tilespmem:s16], [sflag:$0x1] =	stream.indirect.gather [hbm4b:s4+s9], $0x10, s24, s9, $0xb8;
	[tilespmem:$0xF7D0] =	vst v63  }
0x2b8: {  	s16 =	sld [smem:$0x7FC]  }
0x2b9: {  	[tilespmem:s26], [sflag:$0x2] =	stream.indirect.gather [hbm4b:s5+s9], $0x1, s24, s9, $0xb8;
	[tilespmem:$0xF7D0] =	vst v63  }
0x2ba: {  	s26 =	sld [smem:$0x7FD]  }
0x2bb: {  	[tilespmem:s16], [sflag:$0x1] =	stream.indirect.gather [hbm4b:s4+s9], $0x10, s25, s9, $0xb8;
	[tilespmem:$0xF7D0] =	vst v63  }
0x2bc: {  	_ = 	snop  }
0x2bd: {  	[tilespmem:s26], [sflag:$0x2] =	stream.indirect.gather [hbm4b:s5+s9], $0x1, s25, s9, $0xb8;
	[tilespmem:$0xF7D0] =	vst v63  }
0x2be: {  	_ =	swait.ge [sflag:s12], $0x800  }
0x2bf: {  	[sflag:s12] =	ssyncset.done $0x0  }
0x2c0: {  	[sflag:s12] =	ssyncadd.s32 $0xFFFFF800  }
0x2c1: {  	_ =	swait.ge [sflag:s13], $0x80  }
0x2c2: {  	[sflag:s13] =	ssyncset.done $0x0  }
0x2c3: {  	[sflag:s13] =	ssyncadd.s32 $0xFFFFFF80  }
0x2c4: {  	_ =	swait.ge [sflag:s12], $0x800  }
0x2c5: {  	[sflag:s12] =	ssyncset.done $0x0  }
0x2c6: {  	[sflag:s12] =	ssyncadd.s32 $0xFFFFF800  }
0x2c7: {  	_ =	swait.ge [sflag:s13], $0x80  }
0x2c8: {  	[sflag:s13] =	ssyncset.done $0x0  }
0x2c9: {  	[sflag:s13] =	ssyncadd.s32 $0xFFFFFF80  }
0x2ca: {  	_ =	swait.ge [sflag:s12], $0x800  }
0x2cb: {  	[sflag:s12] =	ssyncset.done $0x0  }
0x2cc: {  	[sflag:s12] =	ssyncadd.s32 $0xFFFFF800  }
0x2cd: {  	_ =	swait.ge [sflag:s13], $0x80  }
0x2ce: {  	[sflag:s13] =	ssyncset.done $0x0  }
0x2cf: {  	[sflag:s13] =	ssyncadd.s32 $0xFFFFFF80  }
0x2d0: {  	_ =	swait.ge [sflag:s12], $0x800  }
0x2d1: {  	[sflag:s12] =	ssyncset.done $0x0  }
0x2d2: {  	[sflag:s12] =	ssyncadd.s32 $0xFFFFF800  }
0x2d3: {  	_ =	swait.ge [sflag:s13], $0x80  }
0x2d4: {  	[sflag:s13] =	ssyncset.done $0x0  }
0x2d5: {  	[sflag:s13] =	ssyncadd.s32 $0xFFFFFF80  }
0x2d6: {  	_ =	swait.ge [sflag:s12], $0x800  }
0x2d7: {  	[sflag:s12] =	ssyncset.done $0x0  }
0x2d8: {  	[sflag:s12] =	ssyncadd.s32 $0xFFFFF800  }
0x2d9: {  	_ =	swait.ge [sflag:s13], $0x80  }
0x2da: {  	[sflag:s13] =	ssyncset.done $0x0  }
0x2db: {  	[sflag:s13] =	ssyncadd.s32 $0xFFFFFF80  }
0x2dc: {  	_ =	swait.ge [sflag:s12], $0x800  }
0x2dd: {  	[sflag:s12] =	ssyncset.done $0x0  }
0x2de: {  	[sflag:s12] =	ssyncadd.s32 $0xFFFFF800  }
0x2df: {  	_ =	swait.ge [sflag:s13], $0x80  }
0x2e0: {  	[sflag:s13] =	ssyncset.done $0x0  }
0x2e1: {  	[sflag:s13] =	ssyncadd.s32 $0xFFFFFF80  }
0x2e2: {  	_ =	swait.ge [sflag:s12], $0x800  }
0x2e3: {  	[sflag:s12] =	ssyncset.done $0x0  }
0x2e4: {  	[sflag:s12] =	ssyncadd.s32 $0xFFFFF800  }
0x2e5: {  	_ =	swait.ge [sflag:s13], $0x80  }
0x2e6: {  	[sflag:s13] =	ssyncset.done $0x0  }
0x2e7: {  	[sflag:s13] =	ssyncadd.s32 $0xFFFFFF80  }
0x2e8: {  	_ =	swait.ge [sflag:s12], $0x800  }
0x2e9: {  	[sflag:s12] =	ssyncset.done $0x0  }
0x2ea: {  	[sflag:s12] =	ssyncadd.s32 $0xFFFFF800  }
0x2eb: {  	_ =	swait.ge [sflag:s13], $0x80  }
0x2ec: {  	[sflag:s13] =	ssyncset.done $0x0  }
0x2ed: {  	[sflag:s13] =	ssyncadd.s32 $0xFFFFFF80  }
0x2ee: {  	_ =	swait.ge [sflag:s12], $0x800  }
0x2ef: {  	[sflag:s12] =	ssyncset.done $0x0  }
0x2f0: {  	[sflag:s12] =	ssyncadd.s32 $0xFFFFF800  }
0x2f1: {  	_ =	swait.ge [sflag:s13], $0x80  }
0x2f2: {  	[sflag:s13] =	ssyncset.done $0x0  }
0x2f3: {  	[sflag:s13] =	ssyncadd.s32 $0xFFFFFF80  }
0x2f4: {  	_ =	swait.ge [sflag:s12], $0x800  }
0x2f5: {  	[sflag:s12] =	ssyncset.done $0x0  }
0x2f6: {  	[sflag:s12] =	ssyncadd.s32 $0xFFFFF800  }
0x2f7: {  	_ =	swait.ge [sflag:s13], $0x80  }
0x2f8: {  	[sflag:s13] =	ssyncset.done $0x0  }
0x2f9: {  	[sflag:s13] =	ssyncadd.s32 $0xFFFFFF80  }
0x2fa: {  	_ =	swait.ge [sflag:s12], $0x800  }
0x2fb: {  	[sflag:s12] =	ssyncset.done $0x0  }
0x2fc: {  	[sflag:s12] =	ssyncadd.s32 $0xFFFFF800  }
0x2fd: {  	_ =	swait.ge [sflag:s13], $0x80  }
0x2fe: {  	[sflag:s13] =	ssyncset.done $0x0  }
0x2ff: {  	[sflag:s13] =	ssyncadd.s32 $0xFFFFFF80  }
0x300: {  	_ =	swait.ge [sflag:s12], $0x800  }
0x301: {  	[sflag:s12] =	ssyncset.done $0x0  }
0x302: {  	[sflag:s12] =	ssyncadd.s32 $0xFFFFF800  }
0x303: {  	_ =	swait.ge [sflag:s13], $0x80  }
0x304: {  	[sflag:s13] =	ssyncset.done $0x0  }
0x305: {  	[sflag:s13] =	ssyncadd.s32 $0xFFFFFF80  }
0x306: {  	_ =	swait.ge [sflag:s12], $0x800  }
0x307: {  	[sflag:s12] =	ssyncset.done $0x0  }
0x308: {  	[sflag:s12] =	ssyncadd.s32 $0xFFFFF800  }
0x309: {  	_ =	swait.ge [sflag:s13], $0x80  }
0x30a: {  	[sflag:s13] =	ssyncset.done $0x0  }
0x30b: {  	[sflag:s13] =	ssyncadd.s32 $0xFFFFFF80  }
0x30c: {  	_ =	swait.ge [sflag:s12], $0x800  }
0x30d: {  	[sflag:s12] =	ssyncset.done $0x0  }
0x30e: {  	[sflag:s12] =	ssyncadd.s32 $0xFFFFF800  }
0x30f: {  	_ =	swait.ge [sflag:s13], $0x80  }
0x310: {  	[sflag:s13] =	ssyncset.done $0x0  }
0x311: {  	[sflag:s13] =	ssyncadd.s32 $0xFFFFFF80  }
0x312: {  	_ =	swait.ge [sflag:s12], $0x800  }
0x313: {  	[sflag:s12] =	ssyncset.done $0x0  }
0x314: {  	[sflag:s12] =	ssyncadd.s32 $0xFFFFF800  }
0x315: {  	_ =	swait.ge [sflag:s13], $0x80  }
0x316: {  	[sflag:s13] =	ssyncset.done $0x0  }
0x317: {  	[sflag:s13] =	ssyncadd.s32 $0xFFFFFF80  }
0x318: {  	_ =	swait.ge [sflag:s12], $0x800  }
0x319: {  	[sflag:s12] =	ssyncset.done $0x0  }
0x31a: {  	[sflag:s12] =	ssyncadd.s32 $0xFFFFF800  }
0x31b: {  	_ =	swait.ge [sflag:s13], $0x80  }
0x31c: {  	[sflag:s13] =	ssyncset.done $0x0  }
0x31d: {  	[sflag:s13] =	ssyncadd.s32 $0xFFFFFF80  }
0x31e: {  	_ =	swait.ge [sflag:s12], $0x800  }
0x31f: {  	[sflag:s12] =	ssyncset.done $0x0  }
0x320: {  	[sflag:s12] =	ssyncadd.s32 $0xFFFFF800  }
0x321: {  	_ =	swait.ge [sflag:s13], $0x80  }
0x322: {  	[sflag:s13] =	ssyncset.done $0x0  }
0x323: {  	[sflag:s13] =	ssyncadd.s32 $0xFFFFFF80  }
0x324: {  	_ =	swait.ge [sflag:s12], $0x800  }
0x325: {  	[sflag:s12] =	ssyncset.done $0x0  }
0x326: {  	[sflag:s12] =	ssyncadd.s32 $0xFFFFF800  }
0x327: {  	_ =	swait.ge [sflag:s13], $0x80  }
0x328: {  	[sflag:s13] =	ssyncset.done $0x0  }
0x329: {  	[sflag:s13] =	ssyncadd.s32 $0xFFFFFF80  }
0x32a: {  	_ =	swait.ge [sflag:s12], $0x800  }
0x32b: {  	[sflag:s12] =	ssyncset.done $0x0  }
0x32c: {  	[sflag:s12] =	ssyncadd.s32 $0xFFFFF800  }
0x32d: {  	_ =	swait.ge [sflag:s13], $0x80  }
0x32e: {  	[sflag:s13] =	ssyncset.done $0x0  }
0x32f: {  	[sflag:s13] =	ssyncadd.s32 $0xFFFFFF80  }
0x330: {  	_ =	swait.ge [sflag:s12], $0x800  }
0x331: {  	[sflag:s12] =	ssyncset.done $0x0  }
0x332: {  	[sflag:s12] =	ssyncadd.s32 $0xFFFFF800  }
0x333: {  	_ =	swait.ge [sflag:s13], $0x80  }
0x334: {  	[sflag:s13] =	ssyncset.done $0x0  }
0x335: {  	[sflag:s13] =	ssyncadd.s32 $0xFFFFFF80  }
0x336: {  	_ =	swait.ge [sflag:s12], $0x800  }
0x337: {  	[sflag:s12] =	ssyncset.done $0x0  }
0x338: {  	[sflag:s12] =	ssyncadd.s32 $0xFFFFF800  }
0x339: {  	_ =	swait.ge [sflag:s13], $0x80  }
0x33a: {  	[sflag:s13] =	ssyncset.done $0x0  }
0x33b: {  	[sflag:s13] =	ssyncadd.s32 $0xFFFFFF80  }
0x33c: {  	_ =	swait.ge [sflag:s12], $0x800  }
0x33d: {  	[sflag:s12] =	ssyncset.done $0x0  }
0x33e: {  	[sflag:s12] =	ssyncadd.s32 $0xFFFFF800  }
0x33f: {  	_ =	swait.ge [sflag:s13], $0x80  }
0x340: {  	[sflag:s13] =	ssyncset.done $0x0  }
0x341: {  	[sflag:s13] =	ssyncadd.s32 $0xFFFFFF80  }
0x342: {  	_ =	swait.ge [sflag:s12], $0x800  }
0x343: {  	[sflag:s12] =	ssyncset.done $0x0  }
0x344: {  	[sflag:s12] =	ssyncadd.s32 $0xFFFFF800  }
0x345: {  	_ =	swait.ge [sflag:s13], $0x80  }
0x346: {  	[sflag:s13] =	ssyncset.done $0x0  }
0x347: {  	[sflag:s13] =	ssyncadd.s32 $0xFFFFFF80  }
0x348: {  	_ =	swait.ge [sflag:s12], $0x800  }
0x349: {  	[sflag:s12] =	ssyncset.done $0x0  }
0x34a: {  	[sflag:s12] =	ssyncadd.s32 $0xFFFFF800  }
0x34b: {  	_ =	swait.ge [sflag:s13], $0x80  }
0x34c: {  	[sflag:s13] =	ssyncset.done $0x0  }
0x34d: {  	[sflag:s13] =	ssyncadd.s32 $0xFFFFFF80  }
0x34e: {  	_ =	swait.ge [sflag:s12], $0x800  }
0x34f: {  	[sflag:s12] =	ssyncset.done $0x0  }
0x350: {  	[sflag:s12] =	ssyncadd.s32 $0xFFFFF800  }
0x351: {  	_ =	swait.ge [sflag:s13], $0x80  }
0x352: {  	[sflag:s13] =	ssyncset.done $0x0  }
0x353: {  	[sflag:s13] =	ssyncadd.s32 $0xFFFFFF80  }
0x354: {  	_ =	swait.ge [sflag:s12], $0x800  }
0x355: {  	[sflag:s12] =	ssyncset.done $0x0  }
0x356: {  	[sflag:s12] =	ssyncadd.s32 $0xFFFFF800  }
0x357: {  	_ =	swait.ge [sflag:s13], $0x80  }
0x358: {  	[sflag:s13] =	ssyncset.done $0x0  }
0x359: {  	s17 =	simm.s32 $0x1AD0;
	[sflag:s13] =	ssyncadd.s32 $0xFFFFFF80  }
0x35a: {  	[hbm4b:s14+s3] =	stream.linear.scatter [tilespmem:s17], [sflag:$0x3], $0xD000, $0x38;
	[tilespmem:$0xF7D0] =	vst v63  }
0x35b: {  	_ =	swait.ge [sflag:s8], $0xD000  }
0x35c: {  	p0 =	sne.s32 s15, $0x4E0;
	s26 =	rddreg [dreg:$0x3];
	[sflag:s8] =	ssyncset.done $0x0  }
.Ltmp0:
0x35d: {  	[sflag:s8] =	ssyncadd.s32 $0xFFFF3000;
	s16 =	sadd.s32 s15, s26;
	(pc) =	sbr.rel @p0 .LBB2_2-.Ltmp0, $4  }
0x35e: {  	[hbm4b:s16+s3] =	stream.linear.scatter [tilespmem:s19], [sflag:$0x3], $0xD00, $0x38;
	[tilespmem:$0xF7D0] =	vst v63  }
0x35f: {  	_ =	swait.ge [sflag:s8], $0xD00  }
0x360: {  	[sflag:s8] =	ssyncset.done $0x0  }
0x361: {  	s14 =	sadd.s32 $0x1A00, s14;
	s15 =	sadd.s32 $0x1A0, s15;
	[sflag:s8] =	ssyncadd.s32 $0xFFFFF300  }
0x362: {  	s0 =	sld [smem:$0x7E3]  }
0x363: {  	s14 =	sld [smem:$0x7E8];
	_ =	sdelay $0x1  }
0x364: {  	s0 =	sadd.s32 $0x1, s0  }
0x365: {  	p0 =	sne.s32 s0, s14  }
.Ltmp1:
0x366: {  	_ = 	snop;
	(pc) =	sbr.rel @p0 .LBB2_1-.Ltmp1, $1  }
0x367: {  	_ =	sdelay $0x3  }
0x368: {  	_ =	sfence.sel $0x180000  }
0x369: {  	[bflag:$0x0] =	sbarrier.arrive $0xFFFF  }
0x36a: {  	_ =	strace $0x90000047  }
0x36b: {  	s0 =	stileid.u32;
	[bflag:$0x2] =	sbarrier.arrive $0xFFFF  }
0x36c: {  	p0 =	sne.s32 s0, $0x0;
	s0 =	rddreg [dreg:$0x2]  }
0x36d: {  	s0 =	sadd.s32 @!p0 $0x100000, s0  }
0x36e: {  	[sflag:s0] =	ssyncadd.tile.s32 @!p0 $0x1;
	_ =	shalt  }
.Lfunc_end2:
_tile_overlayer_lowered:
.L_overlay_start_2:
0x36f: {  	(tag) =	ssettag $0x2  }
0x370: {  	s0 =	rddreg [dreg:$0x0];
	s2 =	stileid.u32  }
0x371: {  	s1 =	rddreg [dreg:$0x1];
	p0 =	sne.s32 s2, $0x0  }
0x372: {  	s3 =	rddreg [dreg:$0x2];
	[bflag:$0x3] =	sbarrier.arrive $0xFFFF;
	s2 =	simm.s32 @!p0 $0x1C03  }
0x373: {  	[timem:s3], [sflag:s2] =	dma.local @!p0 [hbm:s0], s1  }
0x374: {  	s0 =	simm.s32 @!p0 $0x3  }
0x375: {  	_ =	swait.ge @!p0 [sflag:s0], s1  }
0x376: {  	s1 =	ssub.s32 @!p0 $0x0, s1;
	[sflag:s0] =	ssyncset.done @!p0 $0x0  }
0x377: {  	[sflag:s0] =	ssyncadd.s32 @!p0 s1  }
0x378: {  	[bflag:$0x3] =	sbarrier.arrive $0xFFFF  }
0x379: {  	_ =	shalt  }

</sc_bundles>
